<compile_context>
chip_gen: v7x
topology: tpu7x:2x2x1
jax: 0.10.2.dev20260603
libtpu: 0.0.44.dev20260713+nightly
codegen_flags: <defaults>
</compile_context>

<pallas_src>
import functools

import jax
import jax.numpy as jnp
from jax import lax
from jax.experimental import pallas as pl
from jax.experimental.pallas import tpu as pltpu
from jax.experimental.pallas import tpu_sc as plsc

N = 10000
NP = 10240
D = 128
E = 320000
EP2 = 320000
NC = 2
NS = 16
NW = NC * NS
CH = 128
NCH = 80
EPT = CH * NCH
EPAD = NW * EPT
RPT = NP // NS
ZR = 128

_mesh = plsc.VectorSubcoreMesh(core_axis_name="c", subcore_axis_name="s")
_sc_params = pltpu.CompilerParams(use_tc_tiling_on_sc=False)


def _sc_deg(dst3):

    @functools.partial(
        pl.kernel,
        out_type=jax.ShapeDtypeStruct((NC, NP, 16), jnp.float32),
        mesh=_mesh,
        scratch_types=[
            pltpu.VMEM((ZR, 16), jnp.float32),
            pltpu.VMEM((CH, 16), jnp.float32),
            pltpu.VMEM((NCH, CH), jnp.int32),
            pltpu.VMEM_SHARED((NP, 16), jnp.float32),
            pltpu.SemaphoreType.DMA,
        ],
        compiler_params=_sc_params,
    )
    def k(dst_hbm, out_hbm, zbuf, ones_v, didx, acc, sem):
        c = lax.axis_index("c")
        s = lax.axis_index("s")
        wid = c * NS + s
        zero16 = jnp.zeros((16,), jnp.float32)
        one16 = jnp.ones((16,), jnp.float32)

        @pl.loop(0, ZR)
        def _(i):
            zbuf[i, :] = zero16

        @pl.loop(0, CH)
        def _(i):
            ones_v[i, :] = one16

        pltpu.sync_copy(dst_hbm.at[wid], didx)
        for kk in range(RPT // ZR):
            pltpu.sync_copy(zbuf, acc.at[pl.ds(s * RPT + kk * ZR, ZR)])
        plsc.subcore_barrier()

        @pl.loop(0, NCH // 8)
        def _(t):
            for b in range(8):
                pltpu.async_copy(ones_v, acc.at[didx.at[t * 8 + b]], sem, add=True)
            for b in range(8):
                pltpu.make_async_copy(ones_v, acc.at[didx.at[t * 8 + b]], sem).wait()

        plsc.subcore_barrier()
        for kk in range(RPT // ZR):
            r0 = s * RPT + kk * ZR
            pltpu.sync_copy(acc.at[pl.ds(r0, ZR)], out_hbm.at[c].at[pl.ds(r0, ZR)])

    return k(dst3)


def _sc_conv(h, src3, dst3):

    @functools.partial(
        pl.kernel,
        out_type=jax.ShapeDtypeStruct((NC, NP, D), jnp.float32),
        mesh=_mesh,
        scratch_types=[
            pltpu.VMEM((64, D), jnp.float32),
            pltpu.VMEM((CH, D), jnp.float32),
            pltpu.VMEM((CH, D), jnp.float32),
            pltpu.VMEM((CH,), jnp.int32),
            pltpu.VMEM((CH,), jnp.int32),
            pltpu.VMEM((CH,), jnp.int32),
            pltpu.VMEM((CH,), jnp.int32),
            pltpu.VMEM_SHARED((NP, D), jnp.float32),
            pltpu.SemaphoreType.DMA,
            pltpu.SemaphoreType.DMA,
            pltpu.SemaphoreType.DMA,
            pltpu.SemaphoreType.DMA,
        ],
        compiler_params=_sc_params,
    )
    def k(h_hbm, src_hbm, dst_hbm, out_hbm, zbuf, rows0, rows1,
          is0, is1, id0, id1, acc, sg0, sg1, si0, si1):
        c = lax.axis_index("c")
        s = lax.axis_index("s")
        wid = c * NS + s
        zero16 = jnp.zeros((16,), jnp.float32)
        rows = (rows0, rows1)
        isb = (is0, is1)
        idb = (id0, id1)
        sg = (sg0, sg1)
        si = (si0, si1)

        @pl.loop(0, 64)
        def _(i):
            @pl.loop(0, D, step=16)
            def _(q):
                zbuf[i, pl.ds(q, 16)] = zero16

        for kk in range(RPT // 64):
            pltpu.sync_copy(zbuf, acc.at[pl.ds(s * RPT + kk * 64, 64)])
        plsc.subcore_barrier()

        def issue_idx(j, p):
            pltpu.async_copy(src_hbm.at[wid].at[j], isb[p], si[p])
            pltpu.async_copy(dst_hbm.at[wid].at[j], idb[p], si[p])

        def wait_idx(p):
            pltpu.make_async_copy(src_hbm.at[wid].at[0], isb[p], si[p]).wait()
            pltpu.make_async_copy(dst_hbm.at[wid].at[0], idb[p], si[p]).wait()

        def issue_gather(p):
            pltpu.async_copy(h_hbm.at[isb[p]], rows[p], sg[p])

        def wait_gather(p):
            pltpu.make_async_copy(h_hbm.at[isb[p]], rows[p], sg[p]).wait()

        issue_idx(0, 0)
        wait_idx(0)
        issue_gather(0)
        issue_idx(1, 1)

        def step(j, p, next_gather, idx_prefetch):
            q = 1 - p
            wait_gather(p)
            if next_gather:
                wait_idx(q)
                issue_gather(q)
            pltpu.sync_copy(rows[p], acc.at[idb[p]], add=True)
            if idx_prefetch:
                issue_idx(j + 2, p)

        @pl.loop(0, NCH // 2 - 1)
        def _(t):
            step(2 * t, 0, True, True)
            step(2 * t + 1, 1, True, True)

        step(NCH - 2, 0, True, False)
        step(NCH - 1, 1, False, False)

        plsc.subcore_barrier()
        for kk in range(RPT // 64):
            r0 = s * RPT + kk * 64
            pltpu.sync_copy(acc.at[pl.ds(r0, 64)], out_hbm.at[c].at[pl.ds(r0, 64)])

    return k(h, src3, dst3)


def _sc_decode(ta, tb, i03, i13):

    @functools.partial(
        pl.kernel,
        out_type=jax.ShapeDtypeStruct((EPAD // 8, 128), jnp.float32),
        mesh=_mesh,
        scratch_types=[
            pltpu.VMEM((CH, 16), jnp.float32),
            pltpu.VMEM((CH, 16), jnp.float32),
            pltpu.VMEM((CH, 16), jnp.float32),
            pltpu.VMEM((CH, 16), jnp.float32),
            pltpu.VMEM((CH // 8, 128), jnp.float32),
            pltpu.VMEM((CH // 8, 128), jnp.float32),
            pltpu.VMEM((NCH, CH), jnp.int32),
            pltpu.VMEM((NCH, CH), jnp.int32),
            pltpu.SemaphoreType.DMA,
            pltpu.SemaphoreType.DMA,
            pltpu.SemaphoreType.DMA,
            pltpu.SemaphoreType.DMA,
            pltpu.SemaphoreType.DMA,
            pltpu.SemaphoreType.DMA,
        ],
        compiler_params=_sc_params,
    )
    def k(ta_hbm, tb_hbm, i0_hbm, i1_hbm, out_hbm, va0, vb0, va1, vb1,
          ob0, ob1, idxa, idxb, sa0, sb0, sa1, sb1, sw0, sw1):
        c = lax.axis_index("c")
        s = lax.axis_index("s")
        wid = c * NS + s
        base = wid * EPT

        pltpu.sync_copy(i0_hbm.at[wid], idxa)
        pltpu.sync_copy(i1_hbm.at[wid], idxb)

        va = (va0, va1)
        vb = (vb0, vb1)
        ob = (ob0, ob1)
        sa = (sa0, sa1)
        sb = (sb0, sb1)
        sw = (sw0, sw1)

        def out_slice(j):
            return out_hbm.at[pl.ds((base + j * CH) // 8, CH // 8)]

        def step(j, p, issue_next, guard):
            q = 1 - p
            pltpu.make_async_copy(ta_hbm.at[idxa.at[j]], va[p], sa[p]).wait()
            pltpu.make_async_copy(tb_hbm.at[idxb.at[j]], vb[p], sb[p]).wait()
            if issue_next:
                pltpu.async_copy(ta_hbm.at[idxa.at[j + 1]], va[q], sa[q])
                pltpu.async_copy(tb_hbm.at[idxb.at[j + 1]], vb[q], sb[q])

            def _wait_prev_write():
                pltpu.make_async_copy(ob[p], out_slice(j), sw[p]).wait()

            if guard is None:
                _wait_prev_write()
            else:
                pl.when(guard)(_wait_prev_write)

            @pl.loop(0, CH // 8)
            def _(r):
                for u in range(8):
                    ob[p][r, pl.ds(16 * u, 16)] = va[p][8 * r + u, :] + vb[p][8 * r + u, :]

            pltpu.async_copy(ob[p], out_slice(j), sw[p])

        pltpu.async_copy(ta_hbm.at[idxa.at[0]], va0, sa0)
        pltpu.async_copy(tb_hbm.at[idxb.at[0]], vb0, sb0)

        @pl.loop(0, NCH // 2 - 1)
        def _(t):
            step(2 * t, 0, True, t > 0)
            step(2 * t + 1, 1, True, t > 0)

        step(NCH - 2, 0, True, None)
        step(NCH - 1, 1, False, None)
        pltpu.make_async_copy(ob0, out_slice(NCH - 2), sw0).wait()
        pltpu.make_async_copy(ob1, out_slice(NCH - 1), sw1).wait()

    return k(ta, tb, i03, i13)


_R = 1024


def _tc_prep(degpair, xp, W1):
    def body(dp_ref, x_ref, w_ref, h_ref, rb_ref):
        deg = dp_ref[0][:, 0:1] + dp_ref[1][:, 0:1]
        r = jnp.where(deg > 0, lax.rsqrt(jnp.maximum(deg, 1.0)), 0.0)
        rb = jnp.broadcast_to(r, (_R, D))
        h = jnp.dot(x_ref[...], w_ref[...], preferred_element_type=jnp.float32)
        h_ref[...] = h * rb
        rb_ref[...] = rb

    return pl.pallas_call(
        body,
        grid=(NP // _R,),
        in_specs=[
            pl.BlockSpec((NC, _R, 16), lambda i: (0, i, 0)),
            pl.BlockSpec((_R, D), lambda i: (i, 0)),
            pl.BlockSpec((D, D), lambda i: (0, 0)),
        ],
        out_specs=[
            pl.BlockSpec((_R, D), lambda i: (i, 0)),
            pl.BlockSpec((_R, D), lambda i: (i, 0)),
        ],
        out_shape=[
            jax.ShapeDtypeStruct((NP, D), jnp.float32),
            jax.ShapeDtypeStruct((NP, D), jnp.float32),
        ],
    )(degpair, xp, W1)


def _tc_mid(zpair, rb, W2):
    def body(zp_ref, rb_ref, w_ref, h_ref):
        rbv = rb_ref[...]
        z = jnp.maximum((zp_ref[0] + zp_ref[1]) * rbv, 0.0)
        h_ref[...] = jnp.dot(z, w_ref[...], preferred_element_type=jnp.float32) * rbv

    return pl.pallas_call(
        body,
        grid=(NP // _R,),
        in_specs=[
            pl.BlockSpec((NC, _R, D), lambda i: (0, i, 0)),
            pl.BlockSpec((_R, D), lambda i: (i, 0)),
            pl.BlockSpec((D, D), lambda i: (0, 0)),
        ],
        out_specs=pl.BlockSpec((_R, D), lambda i: (i, 0)),
        out_shape=jax.ShapeDtypeStruct((NP, D), jnp.float32),
    )(zpair, rb, W2)


def _tc_final(zpair, rb, WA, WB):
    def body(zp_ref, rb_ref, wa_ref, wb_ref, ta_ref, tb_ref):
        z = (zp_ref[0] + zp_ref[1]) * rb_ref[...]
        ta_ref[...] = jnp.dot(z, wa_ref[...], preferred_element_type=jnp.float32)
        tb_ref[...] = jnp.dot(z, wb_ref[...], preferred_element_type=jnp.float32)

    return pl.pallas_call(
        body,
        grid=(NP // _R,),
        in_specs=[
            pl.BlockSpec((NC, _R, D), lambda i: (0, i, 0)),
            pl.BlockSpec((_R, D), lambda i: (i, 0)),
            pl.BlockSpec((D, 16), lambda i: (0, 0)),
            pl.BlockSpec((D, 16), lambda i: (0, 0)),
        ],
        out_specs=[
            pl.BlockSpec((_R, 16), lambda i: (i, 0)),
            pl.BlockSpec((_R, 16), lambda i: (i, 0)),
        ],
        out_shape=[
            jax.ShapeDtypeStruct((NP, 16), jnp.float32),
            jax.ShapeDtypeStruct((NP, 16), jnp.float32),
        ],
    )(zpair, rb, WA, WB)


def _pad_edges(idx, fill):
    return jnp.concatenate([idx, fill]).reshape(NW, NCH, CH)


def kernel(x, edge_index, pos_edge_index, neg_edge_index, W1, W2, Wlin):
    pad_nodes = N + (jnp.arange(EPAD - E, dtype=jnp.int32) % (NP - N))
    src3 = _pad_edges(edge_index[0], pad_nodes)
    dst3 = _pad_edges(edge_index[1], pad_nodes)
    pad_rows = jnp.arange(EPAD - EP2, dtype=jnp.int32) % N
    i03 = jnp.concatenate(
        [pos_edge_index[0], neg_edge_index[0], pad_rows]).reshape(NW, NCH, CH)
    i13 = jnp.concatenate(
        [pos_edge_index[1], neg_edge_index[1], pad_rows]).reshape(NW, NCH, CH)
    xp = jnp.pad(x, ((0, NP - N), (0, 0)))
    WA = jnp.pad(Wlin[:, :D].T, ((0, 0), (0, 14)))
    WB = jnp.pad(Wlin[:, D:].T, ((0, 0), (0, 14)))

    degpair = _sc_deg(dst3)
    h1, rb = _tc_prep(degpair, xp, W1)
    z1p = _sc_conv(h1, src3, dst3)
    h2 = _tc_mid(z1p, rb, W2)
    z2p = _sc_conv(h2, src3, dst3)
    ta, tb = _tc_final(z2p, rb, WA, WB)
    outp = _sc_decode(ta, tb, i03, i13)
    return outp.reshape(EPAD // 8, 8, 16)[:, :, :2].reshape(EPAD, 2)[:EP2]

# --- scband reference (transcript-rebuilt; emitter-appended) ---
"""Pipeline reference for scband-net-link-train-2190433321518 (READ-ONLY COPY).

The authoritative reference and input builder live on the scoring server;
editing this copy changes nothing except your own understanding.
"""

import jax, jax.numpy as jnp
import numpy as np

N = 10000
D = 128
H = 128
E = 320000
EP = 160000


def setup_inputs(seed: int = 0):
    key = jax.random.key(seed)
    ks = jax.random.split(key, 8)
    x = jax.random.normal(ks[0], (N, D), dtype=jnp.float32)
    edge_index = jax.random.randint(ks[1], (2, E), 0, N, dtype=jnp.int32)
    pos_edge_index = jax.random.randint(ks[2], (2, EP), 0, N, dtype=jnp.int32)
    neg_edge_index = jax.random.randint(ks[3], (2, EP), 0, N, dtype=jnp.int32)
    W1 = jax.random.normal(ks[4], (D, H), dtype=jnp.float32) * (1.0 / np.sqrt(D))
    W2 = jax.random.normal(ks[5], (H, H), dtype=jnp.float32) * (1.0 / np.sqrt(H))
    Wlin = jax.random.normal(ks[6], (2, 2 * H), dtype=jnp.float32) * (1.0 / np.sqrt(2 * H))
    return {"x": x, "edge_index": edge_index, "pos_edge_index": pos_edge_index,
            "neg_edge_index": neg_edge_index, "W1": W1, "W2": W2, "Wlin": Wlin}


def _gcn_conv(x, W, edge_index):
    # GCNConv(add_self_loops=False, normalize=True, bias=False)
    src = edge_index[0]
    dst = edge_index[1]
    h = x @ W
    n = x.shape[0]
    deg = jnp.zeros((n,), dtype=h.dtype).at[dst].add(1.0)
    deg_inv_sqrt = jnp.where(deg > 0, 1.0 / jnp.sqrt(jnp.where(deg > 0, deg, 1.0)), 0.0)
    norm = deg_inv_sqrt[src] * deg_inv_sqrt[dst]
    msg = h[src] * norm[:, None]
    out = jnp.zeros_like(h).at[dst].add(msg)
    return out


def reference(x, edge_index, pos_edge_index, neg_edge_index, W1, W2, Wlin):
    # encode
    z = _gcn_conv(x, W1, edge_index)
    z = jax.nn.relu(z)
    z = _gcn_conv(z, W2, edge_index)
    # decode
    ei = jnp.concatenate([pos_edge_index, neg_edge_index], axis=-1)
    hcat = jnp.concatenate([z[ei[0]], z[ei[1]]], axis=1)
    logits = hcat @ Wlin.T
    return logits

if __name__ == "__main__":
    import jax
    _d = setup_inputs()
    print(jax.jit(kernel)(*tuple(_d.values())))

</pallas_src>

<mosaic_0001>
#map = affine_map<(d0, d1) -> (0, 0, 0)>
module attributes {stable_mosaic.version = 14 : i64} {
  func.func @k(%arg0: i32, %arg1: i32, %arg2: memref<32x80x128xi32, #tpu.memory_space<hbm>>, %arg3: memref<2x10240x16xf32, #tpu.memory_space<hbm>>, %arg4: memref<128x16xf32, #tpu.memory_space<vmem>>, %arg5: memref<128x16xf32, #tpu.memory_space<vmem>>, %arg6: memref<80x128xi32, #tpu.memory_space<vmem>>, %arg7: memref<10240x16xf32, #tpu.memory_space<vmem_shared>>, %arg8: memref<!tpu.dma_semaphore, #tpu.memory_space<semaphore_mem>>) attributes {dimension_semantics = [#tpu.dimension_semantics<core_parallel>, #tpu.dimension_semantics<subcore_parallel>], iteration_bounds = array<i64: 2, 16>, scalar_prefetch = 0 : i64, scratch_operands = 5 : i64, tpu.core_type = #tpu.core_type<sc_vector_subcore>, window_params = [{transform_indices = #map}, {transform_indices = #map}]} {
    %mul3A = arith.constant 16 : i32
    %mul3A_0 = arith.muli %arg0, %mul3A : i32
    %add3A = arith.addi %mul3A_0, %arg1 : i32
    %broadcast_in_dim3A = arith.constant 0.000000e+00 : f32
    %broadcast_in_dim3A_1 = vector.broadcast %broadcast_in_dim3A : f32 to vector<16xf32>
    %broadcast_in_dim3A_2 = arith.constant 1.000000e+00 : f32
    %broadcast_in_dim3A_3 = vector.broadcast %broadcast_in_dim3A_2 : f32 to vector<16xf32>
    %scan3A = arith.constant 0 : i32
    %scan3A_4 = arith.constant 128 : i32
    %scan3A_5 = arith.addi %scan3A, %scan3A_4 : i32
    %scan3A_6 = arith.constant 1 : i32
    scf.for %scan3A_59 = %scan3A to %scan3A_5 step %scan3A_6  : i32 {
      %mul3A_60 = arith.constant 1 : i32
      %mul3A_61 = arith.muli %scan3A_59, %mul3A_60 : i32
      %add3A_62 = arith.constant 0 : i32
      %add3A_63 = arith.addi %add3A_62, %mul3A_61 : i32
      %swap3A = arith.index_cast %add3A_63 : i32 to index
      %swap3A_64 = arith.constant 0 : index
      %swap3A_65 = tpu.vector_load %arg4[%swap3A, %swap3A_64] {strides = array<i32>} : memref<128x16xf32, #tpu.memory_space<vmem>>, vector<1x16xf32>,
      %swap3A_66 = vector.shape_cast %swap3A_65 : vector<1x16xf32> to vector<16xf32>
      %swap3A_67 = vector.shape_cast %broadcast_in_dim3A_1 : vector<16xf32> to vector<1x16xf32>
      tpu.vector_store %arg4[%swap3A, %swap3A_64], %swap3A_67 {strides = array<i32>} : memref<128x16xf32, #tpu.memory_space<vmem>>, vector<1x16xf32>,
    }
    %scan3A_7 = arith.constant 128 : i32
    %scan3A_8 = arith.constant 0 : i32
    %scan3A_9 = arith.constant 128 : i32
    %scan3A_10 = arith.addi %scan3A_8, %scan3A_9 : i32
    %scan3A_11 = arith.constant 1 : i32
    scf.for %scan3A_59 = %scan3A_8 to %scan3A_10 step %scan3A_11  : i32 {
      %mul3A_60 = arith.constant 1 : i32
      %mul3A_61 = arith.muli %scan3A_59, %mul3A_60 : i32
      %add3A_62 = arith.constant 0 : i32
      %add3A_63 = arith.addi %add3A_62, %mul3A_61 : i32
      %swap3A = arith.index_cast %add3A_63 : i32 to index
      %swap3A_64 = arith.constant 0 : index
      %swap3A_65 = tpu.vector_load %arg5[%swap3A, %swap3A_64] {strides = array<i32>} : memref<128x16xf32, #tpu.memory_space<vmem>>, vector<1x16xf32>,
      %swap3A_66 = vector.shape_cast %swap3A_65 : vector<1x16xf32> to vector<16xf32>
      %swap3A_67 = vector.shape_cast %broadcast_in_dim3A_3 : vector<16xf32> to vector<1x16xf32>
      tpu.vector_store %arg5[%swap3A, %swap3A_64], %swap3A_67 {strides = array<i32>} : memref<128x16xf32, #tpu.memory_space<vmem>>, vector<1x16xf32>,
    }
    %scan3A_12 = arith.constant 128 : i32
    "tpu.region"() ({
      %run_scoped3A = tpu.sem_alloc : memref<!tpu.dma_semaphore, #tpu.memory_space<semaphore_mem>>
      %dma_start3A = arith.constant 0 : i32
      %dma_start3A_59 = arith.constant 0 : i32
      %dma_start3A_60 = tpu.memref_slice %arg2[%add3A, %dma_start3A, %dma_start3A_59] : memref<32x80x128xi32, #tpu.memory_space<hbm>> -> memref<1x80x128xi32, #tpu.memory_space<hbm>>
      %dma_start3A_61 = tpu.memref_squeeze %dma_start3A_60 : memref<1x80x128xi32, #tpu.memory_space<hbm>> -> memref<80x128xi32, #tpu.memory_space<hbm>>
      %dma_start3A_62 = arith.constant 0 : i32
      %dma_start3A_63 = arith.constant 0 : i32
      %dma_start3A_64 = tpu.memref_slice %arg2[%add3A, %dma_start3A_62, %dma_start3A_63] : memref<32x80x128xi32, #tpu.memory_space<hbm>> -> memref<1x80x128xi32, #tpu.memory_space<hbm>>
      %dma_start3A_65 = tpu.memref_squeeze %dma_start3A_64 : memref<1x80x128xi32, #tpu.memory_space<hbm>> -> memref<80x128xi32, #tpu.memory_space<hbm>>
      tpu.enqueue_dma source(%dma_start3A_65 : memref<80x128xi32, #tpu.memory_space<hbm>>) target(%arg6 : memref<80x128xi32, #tpu.memory_space<vmem>>) target_semaphore(%run_scoped3A : memref<!tpu.dma_semaphore, #tpu.memory_space<semaphore_mem>>)
      %dma_wait3A = arith.constant 0 : i32
      %dma_wait3A_66 = arith.constant 0 : i32
      %dma_wait3A_67 = tpu.memref_slice %arg2[%add3A, %dma_wait3A, %dma_wait3A_66] : memref<32x80x128xi32, #tpu.memory_space<hbm>> -> memref<1x80x128xi32, #tpu.memory_space<hbm>>
      %dma_wait3A_68 = tpu.memref_squeeze %dma_wait3A_67 : memref<1x80x128xi32, #tpu.memory_space<hbm>> -> memref<80x128xi32, #tpu.memory_space<hbm>>
      %dma_wait3A_69 = arith.constant 0 : i32
      %dma_wait3A_70 = arith.constant 0 : i32
      %dma_wait3A_71 = tpu.memref_slice %arg2[%add3A, %dma_wait3A_69, %dma_wait3A_70] : memref<32x80x128xi32, #tpu.memory_space<hbm>> -> memref<1x80x128xi32, #tpu.memory_space<hbm>>
      %dma_wait3A_72 = tpu.memref_squeeze %dma_wait3A_71 : memref<1x80x128xi32, #tpu.memory_space<hbm>> -> memref<80x128xi32, #tpu.memory_space<hbm>>
      tpu.wait_dma2 semaphore(%run_scoped3A : memref<!tpu.dma_semaphore, #tpu.memory_space<semaphore_mem>>) src(%dma_wait3A_72 : memref<80x128xi32, #tpu.memory_space<hbm>>) dst(%arg6 : memref<80x128xi32, #tpu.memory_space<vmem>>)
      tpu.yield
    }) : () -> ()
    %mul3A_13 = arith.constant 640 : i32
    %mul3A_14 = arith.muli %arg1, %mul3A_13 : i32
    %add3A_15 = arith.constant 0 : i32
    %add3A_16 = arith.addi %mul3A_14, %add3A_15 : i32
    "tpu.region"() ({
      %run_scoped3A = tpu.sem_alloc : memref<!tpu.dma_semaphore, #tpu.memory_space<semaphore_mem>>
      %dma_start3A = arith.constant 0 : i32
      %dma_start3A_59 = tpu.memref_slice %arg7[%add3A_16, %dma_start3A] : memref<10240x16xf32, #tpu.memory_space<vmem_shared>> -> memref<128x16xf32, #tpu.memory_space<vmem_shared>>
      %dma_start3A_60 = arith.constant 0 : i32
      %dma_start3A_61 = tpu.memref_slice %arg7[%add3A_16, %dma_start3A_60] : memref<10240x16xf32, #tpu.memory_space<vmem_shared>> -> memref<128x16xf32, #tpu.memory_space<vmem_shared>>
      tpu.enqueue_dma source(%arg4 : memref<128x16xf32, #tpu.memory_space<vmem>>) target(%dma_start3A_61 : memref<128x16xf32, #tpu.memory_space<vmem_shared>>) target_semaphore(%run_scoped3A : memref<!tpu.dma_semaphore, #tpu.memory_space<semaphore_mem>>)
      %dma_wait3A = arith.constant 0 : i32
      %dma_wait3A_62 = tpu.memref_slice %arg7[%add3A_16, %dma_wait3A] : memref<10240x16xf32, #tpu.memory_space<vmem_shared>> -> memref<128x16xf32, #tpu.memory_space<vmem_shared>>
      %dma_wait3A_63 = arith.constant 0 : i32
      %dma_wait3A_64 = tpu.memref_slice %arg7[%add3A_16, %dma_wait3A_63] : memref<10240x16xf32, #tpu.memory_space<vmem_shared>> -> memref<128x16xf32, #tpu.memory_space<vmem_shared>>
      tpu.wait_dma2 semaphore(%run_scoped3A : memref<!tpu.dma_semaphore, #tpu.memory_space<semaphore_mem>>) src(%arg4 : memref<128x16xf32, #tpu.memory_space<vmem>>) dst(%dma_wait3A_64 : memref<128x16xf32, #tpu.memory_space<vmem_shared>>)
      tpu.yield
    }) : () -> ()
    %mul3A_17 = arith.constant 640 : i32
    %mul3A_18 = arith.muli %arg1, %mul3A_17 : i32
    %add3A_19 = arith.constant 128 : i32
    %add3A_20 = arith.addi %mul3A_18, %add3A_19 : i32
    "tpu.region"() ({
      %run_scoped3A = tpu.sem_alloc : memref<!tpu.dma_semaphore, #tpu.memory_space<semaphore_mem>>
      %dma_start3A = arith.constant 0 : i32
      %dma_start3A_59 = tpu.memref_slice %arg7[%add3A_20, %dma_start3A] : memref<10240x16xf32, #tpu.memory_space<vmem_shared>> -> memref<128x16xf32, #tpu.memory_space<vmem_shared>>
      %dma_start3A_60 = arith.constant 0 : i32
      %dma_start3A_61 = tpu.memref_slice %arg7[%add3A_20, %dma_start3A_60] : memref<10240x16xf32, #tpu.memory_space<vmem_shared>> -> memref<128x16xf32, #tpu.memory_space<vmem_shared>>
      tpu.enqueue_dma source(%arg4 : memref<128x16xf32, #tpu.memory_space<vmem>>) target(%dma_start3A_61 : memref<128x16xf32, #tpu.memory_space<vmem_shared>>) target_semaphore(%run_scoped3A : memref<!tpu.dma_semaphore, #tpu.memory_space<semaphore_mem>>)
      %dma_wait3A = arith.constant 0 : i32
      %dma_wait3A_62 = tpu.memref_slice %arg7[%add3A_20, %dma_wait3A] : memref<10240x16xf32, #tpu.memory_space<vmem_shared>> -> memref<128x16xf32, #tpu.memory_space<vmem_shared>>
      %dma_wait3A_63 = arith.constant 0 : i32
      %dma_wait3A_64 = tpu.memref_slice %arg7[%add3A_20, %dma_wait3A_63] : memref<10240x16xf32, #tpu.memory_space<vmem_shared>> -> memref<128x16xf32, #tpu.memory_space<vmem_shared>>
      tpu.wait_dma2 semaphore(%run_scoped3A : memref<!tpu.dma_semaphore, #tpu.memory_space<semaphore_mem>>) src(%arg4 : memref<128x16xf32, #tpu.memory_space<vmem>>) dst(%dma_wait3A_64 : memref<128x16xf32, #tpu.memory_space<vmem_shared>>)
      tpu.yield
    }) : () -> ()
    %mul3A_21 = arith.constant 640 : i32
    %mul3A_22 = arith.muli %arg1, %mul3A_21 : i32
    %add3A_23 = arith.constant 256 : i32
    %add3A_24 = arith.addi %mul3A_22, %add3A_23 : i32
    "tpu.region"() ({
      %run_scoped3A = tpu.sem_alloc : memref<!tpu.dma_semaphore, #tpu.memory_space<semaphore_mem>>
      %dma_start3A = arith.constant 0 : i32
      %dma_start3A_59 = tpu.memref_slice %arg7[%add3A_24, %dma_start3A] : memref<10240x16xf32, #tpu.memory_space<vmem_shared>> -> memref<128x16xf32, #tpu.memory_space<vmem_shared>>
      %dma_start3A_60 = arith.constant 0 : i32
      %dma_start3A_61 = tpu.memref_slice %arg7[%add3A_24, %dma_start3A_60] : memref<10240x16xf32, #tpu.memory_space<vmem_shared>> -> memref<128x16xf32, #tpu.memory_space<vmem_shared>>
      tpu.enqueue_dma source(%arg4 : memref<128x16xf32, #tpu.memory_space<vmem>>) target(%dma_start3A_61 : memref<128x16xf32, #tpu.memory_space<vmem_shared>>) target_semaphore(%run_scoped3A : memref<!tpu.dma_semaphore, #tpu.memory_space<semaphore_mem>>)
      %dma_wait3A = arith.constant 0 : i32
      %dma_wait3A_62 = tpu.memref_slice %arg7[%add3A_24, %dma_wait3A] : memref<10240x16xf32, #tpu.memory_space<vmem_shared>> -> memref<128x16xf32, #tpu.memory_space<vmem_shared>>
      %dma_wait3A_63 = arith.constant 0 : i32
      %dma_wait3A_64 = tpu.memref_slice %arg7[%add3A_24, %dma_wait3A_63] : memref<10240x16xf32, #tpu.memory_space<vmem_shared>> -> memref<128x16xf32, #tpu.memory_space<vmem_shared>>
      tpu.wait_dma2 semaphore(%run_scoped3A : memref<!tpu.dma_semaphore, #tpu.memory_space<semaphore_mem>>) src(%arg4 : memref<128x16xf32, #tpu.memory_space<vmem>>) dst(%dma_wait3A_64 : memref<128x16xf32, #tpu.memory_space<vmem_shared>>)
      tpu.yield
    }) : () -> ()
    %mul3A_25 = arith.constant 640 : i32
    %mul3A_26 = arith.muli %arg1, %mul3A_25 : i32
    %add3A_27 = arith.constant 384 : i32
    %add3A_28 = arith.addi %mul3A_26, %add3A_27 : i32
    "tpu.region"() ({
      %run_scoped3A = tpu.sem_alloc : memref<!tpu.dma_semaphore, #tpu.memory_space<semaphore_mem>>
      %dma_start3A = arith.constant 0 : i32
      %dma_start3A_59 = tpu.memref_slice %arg7[%add3A_28, %dma_start3A] : memref<10240x16xf32, #tpu.memory_space<vmem_shared>> -> memref<128x16xf32, #tpu.memory_space<vmem_shared>>
      %dma_start3A_60 = arith.constant 0 : i32
      %dma_start3A_61 = tpu.memref_slice %arg7[%add3A_28, %dma_start3A_60] : memref<10240x16xf32, #tpu.memory_space<vmem_shared>> -> memref<128x16xf32, #tpu.memory_space<vmem_shared>>
      tpu.enqueue_dma source(%arg4 : memref<128x16xf32, #tpu.memory_space<vmem>>) target(%dma_start3A_61 : memref<128x16xf32, #tpu.memory_space<vmem_shared>>) target_semaphore(%run_scoped3A : memref<!tpu.dma_semaphore, #tpu.memory_space<semaphore_mem>>)
      %dma_wait3A = arith.constant 0 : i32
      %dma_wait3A_62 = tpu.memref_slice %arg7[%add3A_28, %dma_wait3A] : memref<10240x16xf32, #tpu.memory_space<vmem_shared>> -> memref<128x16xf32, #tpu.memory_space<vmem_shared>>
      %dma_wait3A_63 = arith.constant 0 : i32
      %dma_wait3A_64 = tpu.memref_slice %arg7[%add3A_28, %dma_wait3A_63] : memref<10240x16xf32, #tpu.memory_space<vmem_shared>> -> memref<128x16xf32, #tpu.memory_space<vmem_shared>>
      tpu.wait_dma2 semaphore(%run_scoped3A : memref<!tpu.dma_semaphore, #tpu.memory_space<semaphore_mem>>) src(%arg4 : memref<128x16xf32, #tpu.memory_space<vmem>>) dst(%dma_wait3A_64 : memref<128x16xf32, #tpu.memory_space<vmem_shared>>)
      tpu.yield
    }) : () -> ()
    %mul3A_29 = arith.constant 640 : i32
    %mul3A_30 = arith.muli %arg1, %mul3A_29 : i32
    %add3A_31 = arith.constant 512 : i32
    %add3A_32 = arith.addi %mul3A_30, %add3A_31 : i32
    "tpu.region"() ({
      %run_scoped3A = tpu.sem_alloc : memref<!tpu.dma_semaphore, #tpu.memory_space<semaphore_mem>>
      %dma_start3A = arith.constant 0 : i32
      %dma_start3A_59 = tpu.memref_slice %arg7[%add3A_32, %dma_start3A] : memref<10240x16xf32, #tpu.memory_space<vmem_shared>> -> memref<128x16xf32, #tpu.memory_space<vmem_shared>>
      %dma_start3A_60 = arith.constant 0 : i32
      %dma_start3A_61 = tpu.memref_slice %arg7[%add3A_32, %dma_start3A_60] : memref<10240x16xf32, #tpu.memory_space<vmem_shared>> -> memref<128x16xf32, #tpu.memory_space<vmem_shared>>
      tpu.enqueue_dma source(%arg4 : memref<128x16xf32, #tpu.memory_space<vmem>>) target(%dma_start3A_61 : memref<128x16xf32, #tpu.memory_space<vmem_shared>>) target_semaphore(%run_scoped3A : memref<!tpu.dma_semaphore, #tpu.memory_space<semaphore_mem>>)
      %dma_wait3A = arith.constant 0 : i32
      %dma_wait3A_62 = tpu.memref_slice %arg7[%add3A_32, %dma_wait3A] : memref<10240x16xf32, #tpu.memory_space<vmem_shared>> -> memref<128x16xf32, #tpu.memory_space<vmem_shared>>
      %dma_wait3A_63 = arith.constant 0 : i32
      %dma_wait3A_64 = tpu.memref_slice %arg7[%add3A_32, %dma_wait3A_63] : memref<10240x16xf32, #tpu.memory_space<vmem_shared>> -> memref<128x16xf32, #tpu.memory_space<vmem_shared>>
      tpu.wait_dma2 semaphore(%run_scoped3A : memref<!tpu.dma_semaphore, #tpu.memory_space<semaphore_mem>>) src(%arg4 : memref<128x16xf32, #tpu.memory_space<vmem>>) dst(%dma_wait3A_64 : memref<128x16xf32, #tpu.memory_space<vmem_shared>>)
      tpu.yield
    }) : () -> ()
    %barrier3A = arith.constant 0 : index
    tpu.barrier barrier_id(%barrier3A)
    %scan3A_33 = arith.constant 0 : i32
    %scan3A_34 = arith.constant 10 : i32
    %scan3A_35 = arith.addi %scan3A_33, %scan3A_34 : i32
    %scan3A_36 = arith.constant 1 : i32
    scf.for %scan3A_59 = %scan3A_33 to %scan3A_35 step %scan3A_36  : i32 {
      %mul3A_60 = arith.constant 1 : i32
      %mul3A_61 = arith.muli %scan3A_59, %mul3A_60 : i32
      %add3A_62 = arith.constant 0 : i32
      %add3A_63 = arith.addi %add3A_62, %mul3A_61 : i32
      %mul3A_64 = arith.constant 8 : i32
      %mul3A_65 = arith.muli %add3A_63, %mul3A_64 : i32
      %add3A_66 = arith.constant 0 : i32
      %add3A_67 = arith.addi %mul3A_65, %add3A_66 : i32
      %dma_start3A = arith.constant 0 : i32
      %dma_start3A_68 = tpu.memref_slice %arg6[%add3A_67, %dma_start3A] : memref<80x128xi32, #tpu.memory_space<vmem>> -> memref<1x128xi32, #tpu.memory_space<vmem>>
      %dma_start3A_69 = tpu.memref_squeeze %dma_start3A_68 : memref<1x128xi32, #tpu.memory_space<vmem>> -> memref<128xi32, #tpu.memory_space<vmem>>
      %dma_start3A_70 = arith.constant 0 : i32
      %dma_start3A_71 = arith.constant 0 : i32
      %dma_start3A_72 = tpu.memref_slice %arg7[%dma_start3A_70, %dma_start3A_71] : memref<10240x16xf32, #tpu.memory_space<vmem_shared>> -> memref<10240x16xf32, #tpu.memory_space<vmem_shared>>
      tpu.enqueue_indirect_dma source(%arg5 : memref<128x16xf32, #tpu.memory_space<vmem>>) target(%dma_start3A_72 : memref<10240x16xf32, #tpu.memory_space<vmem_shared>>) offsets(%dma_start3A_69 : memref<128xi32, #tpu.memory_space<vmem>>) semaphore(%arg8 : memref<!tpu.dma_semaphore, #tpu.memory_space<semaphore_mem>>) {add = true}
      %mul3A_73 = arith.constant 8 : i32
      %mul3A_74 = arith.muli %add3A_63, %mul3A_73 : i32
      %add3A_75 = arith.constant 1 : i32
      %add3A_76 = arith.addi %mul3A_74, %add3A_75 : i32
      %dma_start3A_77 = arith.constant 0 : i32
      %dma_start3A_78 = tpu.memref_slice %arg6[%add3A_76, %dma_start3A_77] : memref<80x128xi32, #tpu.memory_space<vmem>> -> memref<1x128xi32, #tpu.memory_space<vmem>>
      %dma_start3A_79 = tpu.memref_squeeze %dma_start3A_78 : memref<1x128xi32, #tpu.memory_space<vmem>> -> memref<128xi32, #tpu.memory_space<vmem>>
      %dma_start3A_80 = arith.constant 0 : i32
      %dma_start3A_81 = arith.constant 0 : i32
      %dma_start3A_82 = tpu.memref_slice %arg7[%dma_start3A_80, %dma_start3A_81] : memref<10240x16xf32, #tpu.memory_space<vmem_shared>> -> memref<10240x16xf32, #tpu.memory_space<vmem_shared>>
      tpu.enqueue_indirect_dma source(%arg5 : memref<128x16xf32, #tpu.memory_space<vmem>>) target(%dma_start3A_82 : memref<10240x16xf32, #tpu.memory_space<vmem_shared>>) offsets(%dma_start3A_79 : memref<128xi32, #tpu.memory_space<vmem>>) semaphore(%arg8 : memref<!tpu.dma_semaphore, #tpu.memory_space<semaphore_mem>>) {add = true}
      %mul3A_83 = arith.constant 8 : i32
      %mul3A_84 = arith.muli %add3A_63, %mul3A_83 : i32
      %add3A_85 = arith.constant 2 : i32
      %add3A_86 = arith.addi %mul3A_84, %add3A_85 : i32
      %dma_start3A_87 = arith.constant 0 : i32
      %dma_start3A_88 = tpu.memref_slice %arg6[%add3A_86, %dma_start3A_87] : memref<80x128xi32, #tpu.memory_space<vmem>> -> memref<1x128xi32, #tpu.memory_space<vmem>>
      %dma_start3A_89 = tpu.memref_squeeze %dma_start3A_88 : memref<1x128xi32, #tpu.memory_space<vmem>> -> memref<128xi32, #tpu.memory_space<vmem>>
      %dma_start3A_90 = arith.constant 0 : i32
      %dma_start3A_91 = arith.constant 0 : i32
      %dma_start3A_92 = tpu.memref_slice %arg7[%dma_start3A_90, %dma_start3A_91] : memref<10240x16xf32, #tpu.memory_space<vmem_shared>> -> memref<10240x16xf32, #tpu.memory_space<vmem_shared>>
      tpu.enqueue_indirect_dma source(%arg5 : memref<128x16xf32, #tpu.memory_space<vmem>>) target(%dma_start3A_92 : memref<10240x16xf32, #tpu.memory_space<vmem_shared>>) offsets(%dma_start3A_89 : memref<128xi32, #tpu.memory_space<vmem>>) semaphore(%arg8 : memref<!tpu.dma_semaphore, #tpu.memory_space<semaphore_mem>>) {add = true}
      %mul3A_93 = arith.constant 8 : i32
      %mul3A_94 = arith.muli %add3A_63, %mul3A_93 : i32
      %add3A_95 = arith.constant 3 : i32
      %add3A_96 = arith.addi %mul3A_94, %add3A_95 : i32
      %dma_start3A_97 = arith.constant 0 : i32
      %dma_start3A_98 = tpu.memref_slice %arg6[%add3A_96, %dma_start3A_97] : memref<80x128xi32, #tpu.memory_space<vmem>> -> memref<1x128xi32, #tpu.memory_space<vmem>>
      %dma_start3A_99 = tpu.memref_squeeze %dma_start3A_98 : memref<1x128xi32, #tpu.memory_space<vmem>> -> memref<128xi32, #tpu.memory_space<vmem>>
      %dma_start3A_100 = arith.constant 0 : i32
      %dma_start3A_101 = arith.constant 0 : i32
      %dma_start3A_102 = tpu.memref_slice %arg7[%dma_start3A_100, %dma_start3A_101] : memref<10240x16xf32, #tpu.memory_space<vmem_shared>> -> memref<10240x16xf32, #tpu.memory_space<vmem_shared>>
      tpu.enqueue_indirect_dma source(%arg5 : memref<128x16xf32, #tpu.memory_space<vmem>>) target(%dma_start3A_102 : memref<10240x16xf32, #tpu.memory_space<vmem_shared>>) offsets(%dma_start3A_99 : memref<128xi32, #tpu.memory_space<vmem>>) semaphore(%arg8 : memref<!tpu.dma_semaphore, #tpu.memory_space<semaphore_mem>>) {add = true}
      %mul3A_103 = arith.constant 8 : i32
      %mul3A_104 = arith.muli %add3A_63, %mul3A_103 : i32
      %add3A_105 = arith.constant 4 : i32
      %add3A_106 = arith.addi %mul3A_104, %add3A_105 : i32
      %dma_start3A_107 = arith.constant 0 : i32
      %dma_start3A_108 = tpu.memref_slice %arg6[%add3A_106, %dma_start3A_107] : memref<80x128xi32, #tpu.memory_space<vmem>> -> memref<1x128xi32, #tpu.memory_space<vmem>>
      %dma_start3A_109 = tpu.memref_squeeze %dma_start3A_108 : memref<1x128xi32, #tpu.memory_space<vmem>> -> memref<128xi32, #tpu.memory_space<vmem>>
      %dma_start3A_110 = arith.constant 0 : i32
      %dma_start3A_111 = arith.constant 0 : i32
      %dma_start3A_112 = tpu.memref_slice %arg7[%dma_start3A_110, %dma_start3A_111] : memref<10240x16xf32, #tpu.memory_space<vmem_shared>> -> memref<10240x16xf32, #tpu.memory_space<vmem_shared>>
      tpu.enqueue_indirect_dma source(%arg5 : memref<128x16xf32, #tpu.memory_space<vmem>>) target(%dma_start3A_112 : memref<10240x16xf32, #tpu.memory_space<vmem_shared>>) offsets(%dma_start3A_109 : memref<128xi32, #tpu.memory_space<vmem>>) semaphore(%arg8 : memref<!tpu.dma_semaphore, #tpu.memory_space<semaphore_mem>>) {add = true}
      %mul3A_113 = arith.constant 8 : i32
      %mul3A_114 = arith.muli %add3A_63, %mul3A_113 : i32
      %add3A_115 = arith.constant 5 : i32
      %add3A_116 = arith.addi %mul3A_114, %add3A_115 : i32
      %dma_start3A_117 = arith.constant 0 : i32
      %dma_start3A_118 = tpu.memref_slice %arg6[%add3A_116, %dma_start3A_117] : memref<80x128xi32, #tpu.memory_space<vmem>> -> memref<1x128xi32, #tpu.memory_space<vmem>>
      %dma_start3A_119 = tpu.memref_squeeze %dma_start3A_118 : memref<1x128xi32, #tpu.memory_space<vmem>> -> memref<128xi32, #tpu.memory_space<vmem>>
      %dma_start3A_120 = arith.constant 0 : i32
      %dma_start3A_121 = arith.constant 0 : i32
      %dma_start3A_122 = tpu.memref_slice %arg7[%dma_start3A_120, %dma_start3A_121] : memref<10240x16xf32, #tpu.memory_space<vmem_shared>> -> memref<10240x16xf32, #tpu.memory_space<vmem_shared>>
      tpu.enqueue_indirect_dma source(%arg5 : memref<128x16xf32, #tpu.memory_space<vmem>>) target(%dma_start3A_122 : memref<10240x16xf32, #tpu.memory_space<vmem_shared>>) offsets(%dma_start3A_119 : memref<128xi32, #tpu.memory_space<vmem>>) semaphore(%arg8 : memref<!tpu.dma_semaphore, #tpu.memory_space<semaphore_mem>>) {add = true}
      %mul3A_123 = arith.constant 8 : i32
      %mul3A_124 = arith.muli %add3A_63, %mul3A_123 : i32
      %add3A_125 = arith.constant 6 : i32
      %add3A_126 = arith.addi %mul3A_124, %add3A_125 : i32
      %dma_start3A_127 = arith.constant 0 : i32
      %dma_start3A_128 = tpu.memref_slice %arg6[%add3A_126, %dma_start3A_127] : memref<80x128xi32, #tpu.memory_space<vmem>> -> memref<1x128xi32, #tpu.memory_space<vmem>>
      %dma_start3A_129 = tpu.memref_squeeze %dma_start3A_128 : memref<1x128xi32, #tpu.memory_space<vmem>> -> memref<128xi32, #tpu.memory_space<vmem>>
      %dma_start3A_130 = arith.constant 0 : i32
      %dma_start3A_131 = arith.constant 0 : i32
      %dma_start3A_132 = tpu.memref_slice %arg7[%dma_start3A_130, %dma_start3A_131] : memref<10240x16xf32, #tpu.memory_space<vmem_shared>> -> memref<10240x16xf32, #tpu.memory_space<vmem_shared>>
      tpu.enqueue_indirect_dma source(%arg5 : memref<128x16xf32, #tpu.memory_space<vmem>>) target(%dma_start3A_132 : memref<10240x16xf32, #tpu.memory_space<vmem_shared>>) offsets(%dma_start3A_129 : memref<128xi32, #tpu.memory_space<vmem>>) semaphore(%arg8 : memref<!tpu.dma_semaphore, #tpu.memory_space<semaphore_mem>>) {add = true}
      %mul3A_133 = arith.constant 8 : i32
      %mul3A_134 = arith.muli %add3A_63, %mul3A_133 : i32
      %add3A_135 = arith.constant 7 : i32
      %add3A_136 = arith.addi %mul3A_134, %add3A_135 : i32
      %dma_start3A_137 = arith.constant 0 : i32
      %dma_start3A_138 = tpu.memref_slice %arg6[%add3A_136, %dma_start3A_137] : memref<80x128xi32, #tpu.memory_space<vmem>> -> memref<1x128xi32, #tpu.memory_space<vmem>>
      %dma_start3A_139 = tpu.memref_squeeze %dma_start3A_138 : memref<1x128xi32, #tpu.memory_space<vmem>> -> memref<128xi32, #tpu.memory_space<vmem>>
      %dma_start3A_140 = arith.constant 0 : i32
      %dma_start3A_141 = arith.constant 0 : i32
      %dma_start3A_142 = tpu.memref_slice %arg7[%dma_start3A_140, %dma_start3A_141] : memref<10240x16xf32, #tpu.memory_space<vmem_shared>> -> memref<10240x16xf32, #tpu.memory_space<vmem_shared>>
      tpu.enqueue_indirect_dma source(%arg5 : memref<128x16xf32, #tpu.memory_space<vmem>>) target(%dma_start3A_142 : memref<10240x16xf32, #tpu.memory_space<vmem_shared>>) offsets(%dma_start3A_139 : memref<128xi32, #tpu.memory_space<vmem>>) semaphore(%arg8 : memref<!tpu.dma_semaphore, #tpu.memory_space<semaphore_mem>>) {add = true}
      %mul3A_143 = arith.constant 8 : i32
      %mul3A_144 = arith.muli %add3A_63, %mul3A_143 : i32
      %add3A_145 = arith.constant 0 : i32
      %add3A_146 = arith.addi %mul3A_144, %add3A_145 : i32
      %dma_wait3A = arith.constant 0 : i32
      %dma_wait3A_147 = tpu.memref_slice %arg6[%add3A_146, %dma_wait3A] : memref<80x128xi32, #tpu.memory_space<vmem>> -> memref<1x128xi32, #tpu.memory_space<vmem>>
      %dma_wait3A_148 = tpu.memref_squeeze %dma_wait3A_147 : memref<1x128xi32, #tpu.memory_space<vmem>> -> memref<128xi32, #tpu.memory_space<vmem>>
      %dma_wait3A_149 = arith.constant 0 : i32
      %dma_wait3A_150 = arith.constant 0 : i32
      %dma_wait3A_151 = tpu.memref_slice %arg7[%dma_wait3A_149, %dma_wait3A_150] : memref<10240x16xf32, #tpu.memory_space<vmem_shared>> -> memref<10240x16xf32, #tpu.memory_space<vmem_shared>>
      tpu.wait_indirect_dma semaphore(%arg8 : memref<!tpu.dma_semaphore, #tpu.memory_space<semaphore_mem>>) src(%arg5 : memref<128x16xf32, #tpu.memory_space<vmem>>) dst(%dma_wait3A_151 : memref<10240x16xf32, #tpu.memory_space<vmem_shared>>)
      %mul3A_152 = arith.constant 8 : i32
      %mul3A_153 = arith.muli %add3A_63, %mul3A_152 : i32
      %add3A_154 = arith.constant 1 : i32
      %add3A_155 = arith.addi %mul3A_153, %add3A_154 : i32
      %dma_wait3A_156 = arith.constant 0 : i32
      %dma_wait3A_157 = tpu.memref_slice %arg6[%add3A_155, %dma_wait3A_156] : memref<80x128xi32, #tpu.memory_space<vmem>> -> memref<1x128xi32, #tpu.memory_space<vmem>>
      %dma_wait3A_158 = tpu.memref_squeeze %dma_wait3A_157 : memref<1x128xi32, #tpu.memory_space<vmem>> -> memref<128xi32, #tpu.memory_space<vmem>>
      %dma_wait3A_159 = arith.constant 0 : i32
      %dma_wait3A_160 = arith.constant 0 : i32
      %dma_wait3A_161 = tpu.memref_slice %arg7[%dma_wait3A_159, %dma_wait3A_160] : memref<10240x16xf32, #tpu.memory_space<vmem_shared>> -> memref<10240x16xf32, #tpu.memory_space<vmem_shared>>
      tpu.wait_indirect_dma semaphore(%arg8 : memref<!tpu.dma_semaphore, #tpu.memory_space<semaphore_mem>>) src(%arg5 : memref<128x16xf32, #tpu.memory_space<vmem>>) dst(%dma_wait3A_161 : memref<10240x16xf32, #tpu.memory_space<vmem_shared>>)
      %mul3A_162 = arith.constant 8 : i32
      %mul3A_163 = arith.muli %add3A_63, %mul3A_162 : i32
      %add3A_164 = arith.constant 2 : i32
      %add3A_165 = arith.addi %mul3A_163, %add3A_164 : i32
      %dma_wait3A_166 = arith.constant 0 : i32
      %dma_wait3A_167 = tpu.memref_slice %arg6[%add3A_165, %dma_wait3A_166] : memref<80x128xi32, #tpu.memory_space<vmem>> -> memref<1x128xi32, #tpu.memory_space<vmem>>
      %dma_wait3A_168 = tpu.memref_squeeze %dma_wait3A_167 : memref<1x128xi32, #tpu.memory_space<vmem>> -> memref<128xi32, #tpu.memory_space<vmem>>
      %dma_wait3A_169 = arith.constant 0 : i32
      %dma_wait3A_170 = arith.constant 0 : i32
      %dma_wait3A_171 = tpu.memref_slice %arg7[%dma_wait3A_169, %dma_wait3A_170] : memref<10240x16xf32, #tpu.memory_space<vmem_shared>> -> memref<10240x16xf32, #tpu.memory_space<vmem_shared>>
      tpu.wait_indirect_dma semaphore(%arg8 : memref<!tpu.dma_semaphore, #tpu.memory_space<semaphore_mem>>) src(%arg5 : memref<128x16xf32, #tpu.memory_space<vmem>>) dst(%dma_wait3A_171 : memref<10240x16xf32, #tpu.memory_space<vmem_shared>>)
      %mul3A_172 = arith.constant 8 : i32
      %mul3A_173 = arith.muli %add3A_63, %mul3A_172 : i32
      %add3A_174 = arith.constant 3 : i32
      %add3A_175 = arith.addi %mul3A_173, %add3A_174 : i32
      %dma_wait3A_176 = arith.constant 0 : i32
      %dma_wait3A_177 = tpu.memref_slice %arg6[%add3A_175, %dma_wait3A_176] : memref<80x128xi32, #tpu.memory_space<vmem>> -> memref<1x128xi32, #tpu.memory_space<vmem>>
      %dma_wait3A_178 = tpu.memref_squeeze %dma_wait3A_177 : memref<1x128xi32, #tpu.memory_space<vmem>> -> memref<128xi32, #tpu.memory_space<vmem>>
      %dma_wait3A_179 = arith.constant 0 : i32
      %dma_wait3A_180 = arith.constant 0 : i32
      %dma_wait3A_181 = tpu.memref_slice %arg7[%dma_wait3A_179, %dma_wait3A_180] : memref<10240x16xf32, #tpu.memory_space<vmem_shared>> -> memref<10240x16xf32, #tpu.memory_space<vmem_shared>>
      tpu.wait_indirect_dma semaphore(%arg8 : memref<!tpu.dma_semaphore, #tpu.memory_space<semaphore_mem>>) src(%arg5 : memref<128x16xf32, #tpu.memory_space<vmem>>) dst(%dma_wait3A_181 : memref<10240x16xf32, #tpu.memory_space<vmem_shared>>)
      %mul3A_182 = arith.constant 8 : i32
      %mul3A_183 = arith.muli %add3A_63, %mul3A_182 : i32
      %add3A_184 = arith.constant 4 : i32
      %add3A_185 = arith.addi %mul3A_183, %add3A_184 : i32
      %dma_wait3A_186 = arith.constant 0 : i32
      %dma_wait3A_187 = tpu.memref_slice %arg6[%add3A_185, %dma_wait3A_186] : memref<80x128xi32, #tpu.memory_space<vmem>> -> memref<1x128xi32, #tpu.memory_space<vmem>>
      %dma_wait3A_188 = tpu.memref_squeeze %dma_wait3A_187 : memref<1x128xi32, #tpu.memory_space<vmem>> -> memref<128xi32, #tpu.memory_space<vmem>>
      %dma_wait3A_189 = arith.constant 0 : i32
      %dma_wait3A_190 = arith.constant 0 : i32
      %dma_wait3A_191 = tpu.memref_slice %arg7[%dma_wait3A_189, %dma_wait3A_190] : memref<10240x16xf32, #tpu.memory_space<vmem_shared>> -> memref<10240x16xf32, #tpu.memory_space<vmem_shared>>
      tpu.wait_indirect_dma semaphore(%arg8 : memref<!tpu.dma_semaphore, #tpu.memory_space<semaphore_mem>>) src(%arg5 : memref<128x16xf32, #tpu.memory_space<vmem>>) dst(%dma_wait3A_191 : memref<10240x16xf32, #tpu.memory_space<vmem_shared>>)
      %mul3A_192 = arith.constant 8 : i32
      %mul3A_193 = arith.muli %add3A_63, %mul3A_192 : i32
      %add3A_194 = arith.constant 5 : i32
      %add3A_195 = arith.addi %mul3A_193, %add3A_194 : i32
      %dma_wait3A_196 = arith.constant 0 : i32
      %dma_wait3A_197 = tpu.memref_slice %arg6[%add3A_195, %dma_wait3A_196] : memref<80x128xi32, #tpu.memory_space<vmem>> -> memref<1x128xi32, #tpu.memory_space<vmem>>
      %dma_wait3A_198 = tpu.memref_squeeze %dma_wait3A_197 : memref<1x128xi32, #tpu.memory_space<vmem>> -> memref<128xi32, #tpu.memory_space<vmem>>
      %dma_wait3A_199 = arith.constant 0 : i32
      %dma_wait3A_200 = arith.constant 0 : i32
      %dma_wait3A_201 = tpu.memref_slice %arg7[%dma_wait3A_199, %dma_wait3A_200] : memref<10240x16xf32, #tpu.memory_space<vmem_shared>> -> memref<10240x16xf32, #tpu.memory_space<vmem_shared>>
      tpu.wait_indirect_dma semaphore(%arg8 : memref<!tpu.dma_semaphore, #tpu.memory_space<semaphore_mem>>) src(%arg5 : memref<128x16xf32, #tpu.memory_space<vmem>>) dst(%dma_wait3A_201 : memref<10240x16xf32, #tpu.memory_space<vmem_shared>>)
      %mul3A_202 = arith.constant 8 : i32
      %mul3A_203 = arith.muli %add3A_63, %mul3A_202 : i32
      %add3A_204 = arith.constant 6 : i32
      %add3A_205 = arith.addi %mul3A_203, %add3A_204 : i32
      %dma_wait3A_206 = arith.constant 0 : i32
      %dma_wait3A_207 = tpu.memref_slice %arg6[%add3A_205, %dma_wait3A_206] : memref<80x128xi32, #tpu.memory_space<vmem>> -> memref<1x128xi32, #tpu.memory_space<vmem>>
      %dma_wait3A_208 = tpu.memref_squeeze %dma_wait3A_207 : memref<1x128xi32, #tpu.memory_space<vmem>> -> memref<128xi32, #tpu.memory_space<vmem>>
      %dma_wait3A_209 = arith.constant 0 : i32
      %dma_wait3A_210 = arith.constant 0 : i32
      %dma_wait3A_211 = tpu.memref_slice %arg7[%dma_wait3A_209, %dma_wait3A_210] : memref<10240x16xf32, #tpu.memory_space<vmem_shared>> -> memref<10240x16xf32, #tpu.memory_space<vmem_shared>>
      tpu.wait_indirect_dma semaphore(%arg8 : memref<!tpu.dma_semaphore, #tpu.memory_space<semaphore_mem>>) src(%arg5 : memref<128x16xf32, #tpu.memory_space<vmem>>) dst(%dma_wait3A_211 : memref<10240x16xf32, #tpu.memory_space<vmem_shared>>)
      %mul3A_212 = arith.constant 8 : i32
      %mul3A_213 = arith.muli %add3A_63, %mul3A_212 : i32
      %add3A_214 = arith.constant 7 : i32
      %add3A_215 = arith.addi %mul3A_213, %add3A_214 : i32
      %dma_wait3A_216 = arith.constant 0 : i32
      %dma_wait3A_217 = tpu.memref_slice %arg6[%add3A_215, %dma_wait3A_216] : memref<80x128xi32, #tpu.memory_space<vmem>> -> memref<1x128xi32, #tpu.memory_space<vmem>>
      %dma_wait3A_218 = tpu.memref_squeeze %dma_wait3A_217 : memref<1x128xi32, #tpu.memory_space<vmem>> -> memref<128xi32, #tpu.memory_space<vmem>>
      %dma_wait3A_219 = arith.constant 0 : i32
      %dma_wait3A_220 = arith.constant 0 : i32
      %dma_wait3A_221 = tpu.memref_slice %arg7[%dma_wait3A_219, %dma_wait3A_220] : memref<10240x16xf32, #tpu.memory_space<vmem_shared>> -> memref<10240x16xf32, #tpu.memory_space<vmem_shared>>
      tpu.wait_indirect_dma semaphore(%arg8 : memref<!tpu.dma_semaphore, #tpu.memory_space<semaphore_mem>>) src(%arg5 : memref<128x16xf32, #tpu.memory_space<vmem>>) dst(%dma_wait3A_221 : memref<10240x16xf32, #tpu.memory_space<vmem_shared>>)
    }
    %scan3A_37 = arith.constant 10 : i32
    %barrier3A_38 = arith.constant 0 : index
    tpu.barrier barrier_id(%barrier3A_38)
    %mul3A_39 = arith.constant 640 : i32
    %mul3A_40 = arith.muli %arg1, %mul3A_39 : i32
    %add3A_41 = arith.constant 0 : i32
    %add3A_42 = arith.addi %mul3A_40, %add3A_41 : i32
    "tpu.region"() ({
      %run_scoped3A = tpu.sem_alloc : memref<!tpu.dma_semaphore, #tpu.memory_space<semaphore_mem>>
      %dma_start3A = arith.constant 0 : i32
      %dma_start3A_59 = arith.constant 0 : i32
      %dma_start3A_60 = tpu.memref_slice %arg3[%arg0, %dma_start3A, %dma_start3A_59] : memref<2x10240x16xf32, #tpu.memory_space<hbm>> -> memref<1x10240x16xf32, #tpu.memory_space<hbm>>
      %dma_start3A_61 = tpu.memref_squeeze %dma_start3A_60 : memref<1x10240x16xf32, #tpu.memory_space<hbm>> -> memref<10240x16xf32, #tpu.memory_space<hbm>>
      %dma_start3A_62 = arith.constant 0 : i32
      %dma_start3A_63 = tpu.memref_slice %dma_start3A_61[%add3A_42, %dma_start3A_62] : memref<10240x16xf32, #tpu.memory_space<hbm>> -> memref<128x16xf32, #tpu.memory_space<hbm>>
      %dma_start3A_64 = arith.constant 0 : i32
      %dma_start3A_65 = tpu.memref_slice %arg7[%add3A_42, %dma_start3A_64] : memref<10240x16xf32, #tpu.memory_space<vmem_shared>> -> memref<128x16xf32, #tpu.memory_space<vmem_shared>>
      tpu.enqueue_dma source(%dma_start3A_65 : memref<128x16xf32, #tpu.memory_space<vmem_shared>>) target(%dma_start3A_63 : memref<128x16xf32, #tpu.memory_space<hbm>>) target_semaphore(%run_scoped3A : memref<!tpu.dma_semaphore, #tpu.memory_space<semaphore_mem>>)
      %dma_wait3A = arith.constant 0 : i32
      %dma_wait3A_66 = arith.constant 0 : i32
      %dma_wait3A_67 = tpu.memref_slice %arg3[%arg0, %dma_wait3A, %dma_wait3A_66] : memref<2x10240x16xf32, #tpu.memory_space<hbm>> -> memref<1x10240x16xf32, #tpu.memory_space<hbm>>
      %dma_wait3A_68 = tpu.memref_squeeze %dma_wait3A_67 : memref<1x10240x16xf32, #tpu.memory_space<hbm>> -> memref<10240x16xf32, #tpu.memory_space<hbm>>
      %dma_wait3A_69 = arith.constant 0 : i32
      %dma_wait3A_70 = tpu.memref_slice %dma_wait3A_68[%add3A_42, %dma_wait3A_69] : memref<10240x16xf32, #tpu.memory_space<hbm>> -> memref<128x16xf32, #tpu.memory_space<hbm>>
      %dma_wait3A_71 = arith.constant 0 : i32
      %dma_wait3A_72 = tpu.memref_slice %arg7[%add3A_42, %dma_wait3A_71] : memref<10240x16xf32, #tpu.memory_space<vmem_shared>> -> memref<128x16xf32, #tpu.memory_space<vmem_shared>>
      tpu.wait_dma2 semaphore(%run_scoped3A : memref<!tpu.dma_semaphore, #tpu.memory_space<semaphore_mem>>) src(%dma_wait3A_72 : memref<128x16xf32, #tpu.memory_space<vmem_shared>>) dst(%dma_wait3A_70 : memref<128x16xf32, #tpu.memory_space<hbm>>)
      tpu.yield
    }) : () -> ()
    %mul3A_43 = arith.constant 640 : i32
    %mul3A_44 = arith.muli %arg1, %mul3A_43 : i32
    %add3A_45 = arith.constant 128 : i32
    %add3A_46 = arith.addi %mul3A_44, %add3A_45 : i32
    "tpu.region"() ({
      %run_scoped3A = tpu.sem_alloc : memref<!tpu.dma_semaphore, #tpu.memory_space<semaphore_mem>>
      %dma_start3A = arith.constant 0 : i32
      %dma_start3A_59 = arith.constant 0 : i32
      %dma_start3A_60 = tpu.memref_slice %arg3[%arg0, %dma_start3A, %dma_start3A_59] : memref<2x10240x16xf32, #tpu.memory_space<hbm>> -> memref<1x10240x16xf32, #tpu.memory_space<hbm>>
      %dma_start3A_61 = tpu.memref_squeeze %dma_start3A_60 : memref<1x10240x16xf32, #tpu.memory_space<hbm>> -> memref<10240x16xf32, #tpu.memory_space<hbm>>
      %dma_start3A_62 = arith.constant 0 : i32
      %dma_start3A_63 = tpu.memref_slice %dma_start3A_61[%add3A_46, %dma_start3A_62] : memref<10240x16xf32, #tpu.memory_space<hbm>> -> memref<128x16xf32, #tpu.memory_space<hbm>>
      %dma_start3A_64 = arith.constant 0 : i32
      %dma_start3A_65 = tpu.memref_slice %arg7[%add3A_46, %dma_start3A_64] : memref<10240x16xf32, #tpu.memory_space<vmem_shared>> -> memref<128x16xf32, #tpu.memory_space<vmem_shared>>
      tpu.enqueue_dma source(%dma_start3A_65 : memref<128x16xf32, #tpu.memory_space<vmem_shared>>) target(%dma_start3A_63 : memref<128x16xf32, #tpu.memory_space<hbm>>) target_semaphore(%run_scoped3A : memref<!tpu.dma_semaphore, #tpu.memory_space<semaphore_mem>>)
      %dma_wait3A = arith.constant 0 : i32
      %dma_wait3A_66 = arith.constant 0 : i32
      %dma_wait3A_67 = tpu.memref_slice %arg3[%arg0, %dma_wait3A, %dma_wait3A_66] : memref<2x10240x16xf32, #tpu.memory_space<hbm>> -> memref<1x10240x16xf32, #tpu.memory_space<hbm>>
      %dma_wait3A_68 = tpu.memref_squeeze %dma_wait3A_67 : memref<1x10240x16xf32, #tpu.memory_space<hbm>> -> memref<10240x16xf32, #tpu.memory_space<hbm>>
      %dma_wait3A_69 = arith.constant 0 : i32
      %dma_wait3A_70 = tpu.memref_slice %dma_wait3A_68[%add3A_46, %dma_wait3A_69] : memref<10240x16xf32, #tpu.memory_space<hbm>> -> memref<128x16xf32, #tpu.memory_space<hbm>>
      %dma_wait3A_71 = arith.constant 0 : i32
      %dma_wait3A_72 = tpu.memref_slice %arg7[%add3A_46, %dma_wait3A_71] : memref<10240x16xf32, #tpu.memory_space<vmem_shared>> -> memref<128x16xf32, #tpu.memory_space<vmem_shared>>
      tpu.wait_dma2 semaphore(%run_scoped3A : memref<!tpu.dma_semaphore, #tpu.memory_space<semaphore_mem>>) src(%dma_wait3A_72 : memref<128x16xf32, #tpu.memory_space<vmem_shared>>) dst(%dma_wait3A_70 : memref<128x16xf32, #tpu.memory_space<hbm>>)
      tpu.yield
    }) : () -> ()
    %mul3A_47 = arith.constant 640 : i32
    %mul3A_48 = arith.muli %arg1, %mul3A_47 : i32
    %add3A_49 = arith.constant 256 : i32
    %add3A_50 = arith.addi %mul3A_48, %add3A_49 : i32
    "tpu.region"() ({
      %run_scoped3A = tpu.sem_alloc : memref<!tpu.dma_semaphore, #tpu.memory_space<semaphore_mem>>
      %dma_start3A = arith.constant 0 : i32
      %dma_start3A_59 = arith.constant 0 : i32
      %dma_start3A_60 = tpu.memref_slice %arg3[%arg0, %dma_start3A, %dma_start3A_59] : memref<2x10240x16xf32, #tpu.memory_space<hbm>> -> memref<1x10240x16xf32, #tpu.memory_space<hbm>>
      %dma_start3A_61 = tpu.memref_squeeze %dma_start3A_60 : memref<1x10240x16xf32, #tpu.memory_space<hbm>> -> memref<10240x16xf32, #tpu.memory_space<hbm>>
      %dma_start3A_62 = arith.constant 0 : i32
      %dma_start3A_63 = tpu.memref_slice %dma_start3A_61[%add3A_50, %dma_start3A_62] : memref<10240x16xf32, #tpu.memory_space<hbm>> -> memref<128x16xf32, #tpu.memory_space<hbm>>
      %dma_start3A_64 = arith.constant 0 : i32
      %dma_start3A_65 = tpu.memref_slice %arg7[%add3A_50, %dma_start3A_64] : memref<10240x16xf32, #tpu.memory_space<vmem_shared>> -> memref<128x16xf32, #tpu.memory_space<vmem_shared>>
      tpu.enqueue_dma source(%dma_start3A_65 : memref<128x16xf32, #tpu.memory_space<vmem_shared>>) target(%dma_start3A_63 : memref<128x16xf32, #tpu.memory_space<hbm>>) target_semaphore(%run_scoped3A : memref<!tpu.dma_semaphore, #tpu.memory_space<semaphore_mem>>)
      %dma_wait3A = arith.constant 0 : i32
      %dma_wait3A_66 = arith.constant 0 : i32
      %dma_wait3A_67 = tpu.memref_slice %arg3[%arg0, %dma_wait3A, %dma_wait3A_66] : memref<2x10240x16xf32, #tpu.memory_space<hbm>> -> memref<1x10240x16xf32, #tpu.memory_space<hbm>>
      %dma_wait3A_68 = tpu.memref_squeeze %dma_wait3A_67 : memref<1x10240x16xf32, #tpu.memory_space<hbm>> -> memref<10240x16xf32, #tpu.memory_space<hbm>>
      %dma_wait3A_69 = arith.constant 0 : i32
      %dma_wait3A_70 = tpu.memref_slice %dma_wait3A_68[%add3A_50, %dma_wait3A_69] : memref<10240x16xf32, #tpu.memory_space<hbm>> -> memref<128x16xf32, #tpu.memory_space<hbm>>
      %dma_wait3A_71 = arith.constant 0 : i32
      %dma_wait3A_72 = tpu.memref_slice %arg7[%add3A_50, %dma_wait3A_71] : memref<10240x16xf32, #tpu.memory_space<vmem_shared>> -> memref<128x16xf32, #tpu.memory_space<vmem_shared>>
      tpu.wait_dma2 semaphore(%run_scoped3A : memref<!tpu.dma_semaphore, #tpu.memory_space<semaphore_mem>>) src(%dma_wait3A_72 : memref<128x16xf32, #tpu.memory_space<vmem_shared>>) dst(%dma_wait3A_70 : memref<128x16xf32, #tpu.memory_space<hbm>>)
      tpu.yield
    }) : () -> ()
    %mul3A_51 = arith.constant 640 : i32
    %mul3A_52 = arith.muli %arg1, %mul3A_51 : i32
    %add3A_53 = arith.constant 384 : i32
    %add3A_54 = arith.addi %mul3A_52, %add3A_53 : i32
    "tpu.region"() ({
      %run_scoped3A = tpu.sem_alloc : memref<!tpu.dma_semaphore, #tpu.memory_space<semaphore_mem>>
      %dma_start3A = arith.constant 0 : i32
      %dma_start3A_59 = arith.constant 0 : i32
      %dma_start3A_60 = tpu.memref_slice %arg3[%arg0, %dma_start3A, %dma_start3A_59] : memref<2x10240x16xf32, #tpu.memory_space<hbm>> -> memref<1x10240x16xf32, #tpu.memory_space<hbm>>
      %dma_start3A_61 = tpu.memref_squeeze %dma_start3A_60 : memref<1x10240x16xf32, #tpu.memory_space<hbm>> -> memref<10240x16xf32, #tpu.memory_space<hbm>>
      %dma_start3A_62 = arith.constant 0 : i32
      %dma_start3A_63 = tpu.memref_slice %dma_start3A_61[%add3A_54, %dma_start3A_62] : memref<10240x16xf32, #tpu.memory_space<hbm>> -> memref<128x16xf32, #tpu.memory_space<hbm>>
      %dma_start3A_64 = arith.constant 0 : i32
      %dma_start3A_65 = tpu.memref_slice %arg7[%add3A_54, %dma_start3A_64] : memref<10240x16xf32, #tpu.memory_space<vmem_shared>> -> memref<128x16xf32, #tpu.memory_space<vmem_shared>>
      tpu.enqueue_dma source(%dma_start3A_65 : memref<128x16xf32, #tpu.memory_space<vmem_shared>>) target(%dma_start3A_63 : memref<128x16xf32, #tpu.memory_space<hbm>>) target_semaphore(%run_scoped3A : memref<!tpu.dma_semaphore, #tpu.memory_space<semaphore_mem>>)
      %dma_wait3A = arith.constant 0 : i32
      %dma_wait3A_66 = arith.constant 0 : i32
      %dma_wait3A_67 = tpu.memref_slice %arg3[%arg0, %dma_wait3A, %dma_wait3A_66] : memref<2x10240x16xf32, #tpu.memory_space<hbm>> -> memref<1x10240x16xf32, #tpu.memory_space<hbm>>
      %dma_wait3A_68 = tpu.memref_squeeze %dma_wait3A_67 : memref<1x10240x16xf32, #tpu.memory_space<hbm>> -> memref<10240x16xf32, #tpu.memory_space<hbm>>
      %dma_wait3A_69 = arith.constant 0 : i32
      %dma_wait3A_70 = tpu.memref_slice %dma_wait3A_68[%add3A_54, %dma_wait3A_69] : memref<10240x16xf32, #tpu.memory_space<hbm>> -> memref<128x16xf32, #tpu.memory_space<hbm>>
      %dma_wait3A_71 = arith.constant 0 : i32
      %dma_wait3A_72 = tpu.memref_slice %arg7[%add3A_54, %dma_wait3A_71] : memref<10240x16xf32, #tpu.memory_space<vmem_shared>> -> memref<128x16xf32, #tpu.memory_space<vmem_shared>>
      tpu.wait_dma2 semaphore(%run_scoped3A : memref<!tpu.dma_semaphore, #tpu.memory_space<semaphore_mem>>) src(%dma_wait3A_72 : memref<128x16xf32, #tpu.memory_space<vmem_shared>>) dst(%dma_wait3A_70 : memref<128x16xf32, #tpu.memory_space<hbm>>)
      tpu.yield
    }) : () -> ()
    %mul3A_55 = arith.constant 640 : i32
    %mul3A_56 = arith.muli %arg1, %mul3A_55 : i32
    %add3A_57 = arith.constant 512 : i32
    %add3A_58 = arith.addi %mul3A_56, %add3A_57 : i32
    "tpu.region"() ({
      %run_scoped3A = tpu.sem_alloc : memref<!tpu.dma_semaphore, #tpu.memory_space<semaphore_mem>>
      %dma_start3A = arith.constant 0 : i32
      %dma_start3A_59 = arith.constant 0 : i32
      %dma_start3A_60 = tpu.memref_slice %arg3[%arg0, %dma_start3A, %dma_start3A_59] : memref<2x10240x16xf32, #tpu.memory_space<hbm>> -> memref<1x10240x16xf32, #tpu.memory_space<hbm>>
      %dma_start3A_61 = tpu.memref_squeeze %dma_start3A_60 : memref<1x10240x16xf32, #tpu.memory_space<hbm>> -> memref<10240x16xf32, #tpu.memory_space<hbm>>
      %dma_start3A_62 = arith.constant 0 : i32
      %dma_start3A_63 = tpu.memref_slice %dma_start3A_61[%add3A_58, %dma_start3A_62] : memref<10240x16xf32, #tpu.memory_space<hbm>> -> memref<128x16xf32, #tpu.memory_space<hbm>>
      %dma_start3A_64 = arith.constant 0 : i32
      %dma_start3A_65 = tpu.memref_slice %arg7[%add3A_58, %dma_start3A_64] : memref<10240x16xf32, #tpu.memory_space<vmem_shared>> -> memref<128x16xf32, #tpu.memory_space<vmem_shared>>
      tpu.enqueue_dma source(%dma_start3A_65 : memref<128x16xf32, #tpu.memory_space<vmem_shared>>) target(%dma_start3A_63 : memref<128x16xf32, #tpu.memory_space<hbm>>) target_semaphore(%run_scoped3A : memref<!tpu.dma_semaphore, #tpu.memory_space<semaphore_mem>>)
      %dma_wait3A = arith.constant 0 : i32
      %dma_wait3A_66 = arith.constant 0 : i32
      %dma_wait3A_67 = tpu.memref_slice %arg3[%arg0, %dma_wait3A, %dma_wait3A_66] : memref<2x10240x16xf32, #tpu.memory_space<hbm>> -> memref<1x10240x16xf32, #tpu.memory_space<hbm>>
      %dma_wait3A_68 = tpu.memref_squeeze %dma_wait3A_67 : memref<1x10240x16xf32, #tpu.memory_space<hbm>> -> memref<10240x16xf32, #tpu.memory_space<hbm>>
      %dma_wait3A_69 = arith.constant 0 : i32
      %dma_wait3A_70 = tpu.memref_slice %dma_wait3A_68[%add3A_58, %dma_wait3A_69] : memref<10240x16xf32, #tpu.memory_space<hbm>> -> memref<128x16xf32, #tpu.memory_space<hbm>>
      %dma_wait3A_71 = arith.constant 0 : i32
      %dma_wait3A_72 = tpu.memref_slice %arg7[%add3A_58, %dma_wait3A_71] : memref<10240x16xf32, #tpu.memory_space<vmem_shared>> -> memref<128x16xf32, #tpu.memory_space<vmem_shared>>
      tpu.wait_dma2 semaphore(%run_scoped3A : memref<!tpu.dma_semaphore, #tpu.memory_space<semaphore_mem>>) src(%dma_wait3A_72 : memref<128x16xf32, #tpu.memory_space<vmem_shared>>) dst(%dma_wait3A_70 : memref<128x16xf32, #tpu.memory_space<hbm>>)
      tpu.yield
    }) : () -> ()
    return
  }
}

#map = affine_map<(d0, d1) -> (0, 0)>
#map1 = affine_map<(d0, d1) -> (0, 0, 0)>
module attributes {stable_mosaic.version = 14 : i64} {
  func.func @k(%arg0: i32, %arg1: i32, %arg2: memref<10240x16xf32, #tpu.memory_space<hbm>>, %arg3: memref<10240x16xf32, #tpu.memory_space<hbm>>, %arg4: memref<32x80x128xi32, #tpu.memory_space<hbm>>, %arg5: memref<32x80x128xi32, #tpu.memory_space<hbm>>, %arg6: memref<40960x128xf32, #tpu.memory_space<hbm>>, %arg7: memref<128x16xf32, #tpu.memory_space<vmem>>, %arg8: memref<128x16xf32, #tpu.memory_space<vmem>>, %arg9: memref<128x16xf32, #tpu.memory_space<vmem>>, %arg10: memref<128x16xf32, #tpu.memory_space<vmem>>, %arg11: memref<16x128xf32, #tpu.memory_space<vmem>>, %arg12: memref<16x128xf32, #tpu.memory_space<vmem>>, %arg13: memref<80x128xi32, #tpu.memory_space<vmem>>, %arg14: memref<80x128xi32, #tpu.memory_space<vmem>>, %arg15: memref<!tpu.dma_semaphore, #tpu.memory_space<semaphore_mem>>, %arg16: memref<!tpu.dma_semaphore, #tpu.memory_space<semaphore_mem>>, %arg17: memref<!tpu.dma_semaphore, #tpu.memory_space<semaphore_mem>>, %arg18: memref<!tpu.dma_semaphore, #tpu.memory_space<semaphore_mem>>, %arg19: memref<!tpu.dma_semaphore, #tpu.memory_space<semaphore_mem>>, %arg20: memref<!tpu.dma_semaphore, #tpu.memory_space<semaphore_mem>>) attributes {dimension_semantics = [#tpu.dimension_semantics<core_parallel>, #tpu.dimension_semantics<subcore_parallel>], iteration_bounds = array<i64: 2, 16>, scalar_prefetch = 0 : i64, scratch_operands = 14 : i64, tpu.core_type = #tpu.core_type<sc_vector_subcore>, window_params = [{transform_indices = #map}, {transform_indices = #map}, {transform_indices = #map1}, {transform_indices = #map1}, {transform_indices = #map}]} {
    %mul3A = arith.constant 16 : i32
    %mul3A_0 = arith.muli %arg0, %mul3A : i32
    %add3A = arith.addi %mul3A_0, %arg1 : i32
    %mul3A_1 = arith.constant 10240 : i32
    %mul3A_2 = arith.muli %add3A, %mul3A_1 : i32
    "tpu.region"() ({
      %run_scoped3A = tpu.sem_alloc : memref<!tpu.dma_semaphore, #tpu.memory_space<semaphore_mem>>
      %dma_start3A_243 = arith.constant 0 : i32
      %dma_start3A_244 = arith.constant 0 : i32
      %dma_start3A_245 = tpu.memref_slice %arg4[%add3A, %dma_start3A_243, %dma_start3A_244] : memref<32x80x128xi32, #tpu.memory_space<hbm>> -> memref<1x80x128xi32, #tpu.memory_space<hbm>>
      %dma_start3A_246 = tpu.memref_squeeze %dma_start3A_245 : memref<1x80x128xi32, #tpu.memory_space<hbm>> -> memref<80x128xi32, #tpu.memory_space<hbm>>
      %dma_start3A_247 = arith.constant 0 : i32
      %dma_start3A_248 = arith.constant 0 : i32
      %dma_start3A_249 = tpu.memref_slice %arg4[%add3A, %dma_start3A_247, %dma_start3A_248] : memref<32x80x128xi32, #tpu.memory_space<hbm>> -> memref<1x80x128xi32, #tpu.memory_space<hbm>>
      %dma_start3A_250 = tpu.memref_squeeze %dma_start3A_249 : memref<1x80x128xi32, #tpu.memory_space<hbm>> -> memref<80x128xi32, #tpu.memory_space<hbm>>
      tpu.enqueue_dma source(%dma_start3A_250 : memref<80x128xi32, #tpu.memory_space<hbm>>) target(%arg13 : memref<80x128xi32, #tpu.memory_space<vmem>>) target_semaphore(%run_scoped3A : memref<!tpu.dma_semaphore, #tpu.memory_space<semaphore_mem>>)
      %dma_wait3A_251 = arith.constant 0 : i32
      %dma_wait3A_252 = arith.constant 0 : i32
      %dma_wait3A_253 = tpu.memref_slice %arg4[%add3A, %dma_wait3A_251, %dma_wait3A_252] : memref<32x80x128xi32, #tpu.memory_space<hbm>> -> memref<1x80x128xi32, #tpu.memory_space<hbm>>
      %dma_wait3A_254 = tpu.memref_squeeze %dma_wait3A_253 : memref<1x80x128xi32, #tpu.memory_space<hbm>> -> memref<80x128xi32, #tpu.memory_space<hbm>>
      %dma_wait3A_255 = arith.constant 0 : i32
      %dma_wait3A_256 = arith.constant 0 : i32
      %dma_wait3A_257 = tpu.memref_slice %arg4[%add3A, %dma_wait3A_255, %dma_wait3A_256] : memref<32x80x128xi32, #tpu.memory_space<hbm>> -> memref<1x80x128xi32, #tpu.memory_space<hbm>>
      %dma_wait3A_258 = tpu.memref_squeeze %dma_wait3A_257 : memref<1x80x128xi32, #tpu.memory_space<hbm>> -> memref<80x128xi32, #tpu.memory_space<hbm>>
      tpu.wait_dma2 semaphore(%run_scoped3A : memref<!tpu.dma_semaphore, #tpu.memory_space<semaphore_mem>>) src(%dma_wait3A_258 : memref<80x128xi32, #tpu.memory_space<hbm>>) dst(%arg13 : memref<80x128xi32, #tpu.memory_space<vmem>>)
      tpu.yield
    }) : () -> ()
    "tpu.region"() ({
      %run_scoped3A = tpu.sem_alloc : memref<!tpu.dma_semaphore, #tpu.memory_space<semaphore_mem>>
      %dma_start3A_243 = arith.constant 0 : i32
      %dma_start3A_244 = arith.constant 0 : i32
      %dma_start3A_245 = tpu.memref_slice %arg5[%add3A, %dma_start3A_243, %dma_start3A_244] : memref<32x80x128xi32, #tpu.memory_space<hbm>> -> memref<1x80x128xi32, #tpu.memory_space<hbm>>
      %dma_start3A_246 = tpu.memref_squeeze %dma_start3A_245 : memref<1x80x128xi32, #tpu.memory_space<hbm>> -> memref<80x128xi32, #tpu.memory_space<hbm>>
      %dma_start3A_247 = arith.constant 0 : i32
      %dma_start3A_248 = arith.constant 0 : i32
      %dma_start3A_249 = tpu.memref_slice %arg5[%add3A, %dma_start3A_247, %dma_start3A_248] : memref<32x80x128xi32, #tpu.memory_space<hbm>> -> memref<1x80x128xi32, #tpu.memory_space<hbm>>
      %dma_start3A_250 = tpu.memref_squeeze %dma_start3A_249 : memref<1x80x128xi32, #tpu.memory_space<hbm>> -> memref<80x128xi32, #tpu.memory_space<hbm>>
      tpu.enqueue_dma source(%dma_start3A_250 : memref<80x128xi32, #tpu.memory_space<hbm>>) target(%arg14 : memref<80x128xi32, #tpu.memory_space<vmem>>) target_semaphore(%run_scoped3A : memref<!tpu.dma_semaphore, #tpu.memory_space<semaphore_mem>>)
      %dma_wait3A_251 = arith.constant 0 : i32
      %dma_wait3A_252 = arith.constant 0 : i32
      %dma_wait3A_253 = tpu.memref_slice %arg5[%add3A, %dma_wait3A_251, %dma_wait3A_252] : memref<32x80x128xi32, #tpu.memory_space<hbm>> -> memref<1x80x128xi32, #tpu.memory_space<hbm>>
      %dma_wait3A_254 = tpu.memref_squeeze %dma_wait3A_253 : memref<1x80x128xi32, #tpu.memory_space<hbm>> -> memref<80x128xi32, #tpu.memory_space<hbm>>
      %dma_wait3A_255 = arith.constant 0 : i32
      %dma_wait3A_256 = arith.constant 0 : i32
      %dma_wait3A_257 = tpu.memref_slice %arg5[%add3A, %dma_wait3A_255, %dma_wait3A_256] : memref<32x80x128xi32, #tpu.memory_space<hbm>> -> memref<1x80x128xi32, #tpu.memory_space<hbm>>
      %dma_wait3A_258 = tpu.memref_squeeze %dma_wait3A_257 : memref<1x80x128xi32, #tpu.memory_space<hbm>> -> memref<80x128xi32, #tpu.memory_space<hbm>>
      tpu.wait_dma2 semaphore(%run_scoped3A : memref<!tpu.dma_semaphore, #tpu.memory_space<semaphore_mem>>) src(%dma_wait3A_258 : memref<80x128xi32, #tpu.memory_space<hbm>>) dst(%arg14 : memref<80x128xi32, #tpu.memory_space<vmem>>)
      tpu.yield
    }) : () -> ()
    %dma_start3A = arith.constant 0 : i32
    %dma_start3A_3 = arith.constant 0 : i32
    %dma_start3A_4 = tpu.memref_slice %arg13[%dma_start3A, %dma_start3A_3] : memref<80x128xi32, #tpu.memory_space<vmem>> -> memref<1x128xi32, #tpu.memory_space<vmem>>
    %dma_start3A_5 = tpu.memref_squeeze %dma_start3A_4 : memref<1x128xi32, #tpu.memory_space<vmem>> -> memref<128xi32, #tpu.memory_space<vmem>>
    %dma_start3A_6 = arith.constant 0 : i32
    %dma_start3A_7 = arith.constant 0 : i32
    %dma_start3A_8 = tpu.memref_slice %arg2[%dma_start3A_6, %dma_start3A_7] : memref<10240x16xf32, #tpu.memory_space<hbm>> -> memref<10240x16xf32, #tpu.memory_space<hbm>>
    tpu.enqueue_indirect_dma source(%dma_start3A_8 : memref<10240x16xf32, #tpu.memory_space<hbm>>) target(%arg7 : memref<128x16xf32, #tpu.memory_space<vmem>>) offsets(%dma_start3A_5 : memref<128xi32, #tpu.memory_space<vmem>>) semaphore(%arg15 : memref<!tpu.dma_semaphore, #tpu.memory_space<semaphore_mem>>)
    %dma_start3A_9 = arith.constant 0 : i32
    %dma_start3A_10 = arith.constant 0 : i32
    %dma_start3A_11 = tpu.memref_slice %arg14[%dma_start3A_9, %dma_start3A_10] : memref<80x128xi32, #tpu.memory_space<vmem>> -> memref<1x128xi32, #tpu.memory_space<vmem>>
    %dma_start3A_12 = tpu.memref_squeeze %dma_start3A_11 : memref<1x128xi32, #tpu.memory_space<vmem>> -> memref<128xi32, #tpu.memory_space<vmem>>
    %dma_start3A_13 = arith.constant 0 : i32
    %dma_start3A_14 = arith.constant 0 : i32
    %dma_start3A_15 = tpu.memref_slice %arg3[%dma_start3A_13, %dma_start3A_14] : memref<10240x16xf32, #tpu.memory_space<hbm>> -> memref<10240x16xf32, #tpu.memory_space<hbm>>
    tpu.enqueue_indirect_dma source(%dma_start3A_15 : memref<10240x16xf32, #tpu.memory_space<hbm>>) target(%arg8 : memref<128x16xf32, #tpu.memory_space<vmem>>) offsets(%dma_start3A_12 : memref<128xi32, #tpu.memory_space<vmem>>) semaphore(%arg16 : memref<!tpu.dma_semaphore, #tpu.memory_space<semaphore_mem>>)
    %scan3A = arith.constant 0 : i32
    %scan3A_16 = arith.constant 39 : i32
    %scan3A_17 = arith.addi %scan3A, %scan3A_16 : i32
    %scan3A_18 = arith.constant 1 : i32
    scf.for %scan3A_243 = %scan3A to %scan3A_17 step %scan3A_18  : i32 {
      %mul3A_244 = arith.constant 1 : i32
      %mul3A_245 = arith.muli %scan3A_243, %mul3A_244 : i32
      %add3A_246 = arith.constant 0 : i32
      %add3A_247 = arith.addi %add3A_246, %mul3A_245 : i32
      %mul3A_248 = arith.constant 2 : i32
      %mul3A_249 = arith.muli %mul3A_248, %add3A_247 : i32
      %gt3A = arith.constant 0 : i32
      %gt3A_250 = arith.cmpi sgt, %add3A_247, %gt3A : i32
      %dma_wait3A_251 = arith.constant 0 : i32
      %dma_wait3A_252 = tpu.memref_slice %arg13[%mul3A_249, %dma_wait3A_251] : memref<80x128xi32, #tpu.memory_space<vmem>> -> memref<1x128xi32, #tpu.memory_space<vmem>>
      %dma_wait3A_253 = tpu.memref_squeeze %dma_wait3A_252 : memref<1x128xi32, #tpu.memory_space<vmem>> -> memref<128xi32, #tpu.memory_space<vmem>>
      %dma_wait3A_254 = arith.constant 0 : i32
      %dma_wait3A_255 = arith.constant 0 : i32
      %dma_wait3A_256 = tpu.memref_slice %arg2[%dma_wait3A_254, %dma_wait3A_255] : memref<10240x16xf32, #tpu.memory_space<hbm>> -> memref<10240x16xf32, #tpu.memory_space<hbm>>
      tpu.wait_indirect_dma semaphore(%arg15 : memref<!tpu.dma_semaphore, #tpu.memory_space<semaphore_mem>>) src(%dma_wait3A_256 : memref<10240x16xf32, #tpu.memory_space<hbm>>) dst(%arg7 : memref<128x16xf32, #tpu.memory_space<vmem>>)
      %dma_wait3A_257 = arith.constant 0 : i32
      %dma_wait3A_258 = tpu.memref_slice %arg14[%mul3A_249, %dma_wait3A_257] : memref<80x128xi32, #tpu.memory_space<vmem>> -> memref<1x128xi32, #tpu.memory_space<vmem>>
      %dma_wait3A_259 = tpu.memref_squeeze %dma_wait3A_258 : memref<1x128xi32, #tpu.memory_space<vmem>> -> memref<128xi32, #tpu.memory_space<vmem>>
      %dma_wait3A_260 = arith.constant 0 : i32
      %dma_wait3A_261 = arith.constant 0 : i32
      %dma_wait3A_262 = tpu.memref_slice %arg3[%dma_wait3A_260, %dma_wait3A_261] : memref<10240x16xf32, #tpu.memory_space<hbm>> -> memref<10240x16xf32, #tpu.memory_space<hbm>>
      tpu.wait_indirect_dma semaphore(%arg16 : memref<!tpu.dma_semaphore, #tpu.memory_space<semaphore_mem>>) src(%dma_wait3A_262 : memref<10240x16xf32, #tpu.memory_space<hbm>>) dst(%arg8 : memref<128x16xf32, #tpu.memory_space<vmem>>)
      %add3A_263 = arith.constant 1 : i32
      %add3A_264 = arith.addi %mul3A_249, %add3A_263 : i32
      %dma_start3A_265 = arith.constant 0 : i32
      %dma_start3A_266 = tpu.memref_slice %arg13[%add3A_264, %dma_start3A_265] : memref<80x128xi32, #tpu.memory_space<vmem>> -> memref<1x128xi32, #tpu.memory_space<vmem>>
      %dma_start3A_267 = tpu.memref_squeeze %dma_start3A_266 : memref<1x128xi32, #tpu.memory_space<vmem>> -> memref<128xi32, #tpu.memory_space<vmem>>
      %dma_start3A_268 = arith.constant 0 : i32
      %dma_start3A_269 = arith.constant 0 : i32
      %dma_start3A_270 = tpu.memref_slice %arg2[%dma_start3A_268, %dma_start3A_269] : memref<10240x16xf32, #tpu.memory_space<hbm>> -> memref<10240x16xf32, #tpu.memory_space<hbm>>
      tpu.enqueue_indirect_dma source(%dma_start3A_270 : memref<10240x16xf32, #tpu.memory_space<hbm>>) target(%arg9 : memref<128x16xf32, #tpu.memory_space<vmem>>) offsets(%dma_start3A_267 : memref<128xi32, #tpu.memory_space<vmem>>) semaphore(%arg17 : memref<!tpu.dma_semaphore, #tpu.memory_space<semaphore_mem>>)
      %add3A_271 = arith.constant 1 : i32
      %add3A_272 = arith.addi %mul3A_249, %add3A_271 : i32
      %dma_start3A_273 = arith.constant 0 : i32
      %dma_start3A_274 = tpu.memref_slice %arg14[%add3A_272, %dma_start3A_273] : memref<80x128xi32, #tpu.memory_space<vmem>> -> memref<1x128xi32, #tpu.memory_space<vmem>>
      %dma_start3A_275 = tpu.memref_squeeze %dma_start3A_274 : memref<1x128xi32, #tpu.memory_space<vmem>> -> memref<128xi32, #tpu.memory_space<vmem>>
      %dma_start3A_276 = arith.constant 0 : i32
      %dma_start3A_277 = arith.constant 0 : i32
      %dma_start3A_278 = tpu.memref_slice %arg3[%dma_start3A_276, %dma_start3A_277] : memref<10240x16xf32, #tpu.memory_space<hbm>> -> memref<10240x16xf32, #tpu.memory_space<hbm>>
      tpu.enqueue_indirect_dma source(%dma_start3A_278 : memref<10240x16xf32, #tpu.memory_space<hbm>>) target(%arg10 : memref<128x16xf32, #tpu.memory_space<vmem>>) offsets(%dma_start3A_275 : memref<128xi32, #tpu.memory_space<vmem>>) semaphore(%arg18 : memref<!tpu.dma_semaphore, #tpu.memory_space<semaphore_mem>>)
      %convert_element_type3A = arith.extui %gt3A_250 : i1 to i32
      %cond3A = arith.constant 0 : i32
      %cond3A_279 = arith.cmpi ne, %convert_element_type3A, %cond3A : i32
      scf.if %cond3A_279 {
        %mul3A_389 = arith.constant 128 : i32
        %mul3A_390 = arith.muli %mul3A_249, %mul3A_389 : i32
        %add3A_391 = arith.addi %mul3A_2, %mul3A_390 : i32
        %jit3A_392 = arith.constant 8 : i32
        %div3A_393 = arith.divsi %add3A_391, %jit3A_392 : i32
        %sign3A_394 = arith.constant 0 : i32
        %sign3A_395 = arith.cmpi sgt, %add3A_391, %sign3A_394 : i32
        %sign3A_396 = arith.extui %sign3A_395 : i1 to i32
        %sign3A_397 = arith.constant 0 : i32
        %sign3A_398 = arith.cmpi slt, %add3A_391, %sign3A_397 : i32
        %sign3A_399 = arith.extui %sign3A_398 : i1 to i32
        %sign3A_400 = arith.subi %sign3A_396, %sign3A_399 : i32
        %sign3A_401 = arith.constant 0 : i32
        %sign3A_402 = arith.cmpi sgt, %jit3A_392, %sign3A_401 : i32
        %sign3A_403 = arith.extui %sign3A_402 : i1 to i32
        %sign3A_404 = arith.constant 0 : i32
        %sign3A_405 = arith.cmpi slt, %jit3A_392, %sign3A_404 : i32
        %sign3A_406 = arith.extui %sign3A_405 : i1 to i32
        %sign3A_407 = arith.subi %sign3A_403, %sign3A_406 : i32
        %ne3A_408 = arith.cmpi ne, %sign3A_400, %sign3A_407 : i32
        %rem3A_409 = arith.remsi %add3A_391, %jit3A_392 : i32
        %ne3A_410 = arith.constant 0 : i32
        %ne3A_411 = arith.cmpi ne, %rem3A_409, %ne3A_410 : i32
        %and3A_412 = arith.andi %ne3A_408, %ne3A_411 : i1
        %sub3A_413 = arith.constant 1 : i32
        %sub3A_414 = arith.subi %div3A_393, %sub3A_413 : i32
        %select_n3A_415 = arith.select %and3A_412, %sub3A_414, %div3A_393 : i32
        %dma_wait3A_416 = arith.constant 0 : i32
        %dma_wait3A_417 = tpu.memref_slice %arg6[%select_n3A_415, %dma_wait3A_416] : memref<40960x128xf32, #tpu.memory_space<hbm>> -> memref<16x128xf32, #tpu.memory_space<hbm>>
        %dma_wait3A_418 = arith.constant 0 : i32
        %dma_wait3A_419 = tpu.memref_slice %arg6[%select_n3A_415, %dma_wait3A_418] : memref<40960x128xf32, #tpu.memory_space<hbm>> -> memref<16x128xf32, #tpu.memory_space<hbm>>
        tpu.wait_dma2 semaphore(%arg19 : memref<!tpu.dma_semaphore, #tpu.memory_space<semaphore_mem>>) src(%arg11 : memref<16x128xf32, #tpu.memory_space<vmem>>) dst(%dma_wait3A_419 : memref<16x128xf32, #tpu.memory_space<hbm>>)
      } else {
      }
      %scan3A_280 = arith.constant 0 : i32
      %scan3A_281 = arith.constant 16 : i32
      %scan3A_282 = arith.addi %scan3A_280, %scan3A_281 : i32
      %scan3A_283 = arith.constant 1 : i32
      scf.for %scan3A_389 = %scan3A_280 to %scan3A_282 step %scan3A_283  : i32 {
        %mul3A_390 = arith.constant 1 : i32
        %mul3A_391 = arith.muli %scan3A_389, %mul3A_390 : i32
        %add3A_392 = arith.constant 0 : i32
        %add3A_393 = arith.addi %add3A_392, %mul3A_391 : i32
        %mul3A_394 = arith.constant 8 : i32
        %mul3A_395 = arith.muli %mul3A_394, %add3A_393 : i32
        %add3A_396 = arith.constant 0 : i32
        %add3A_397 = arith.addi %mul3A_395, %add3A_396 : i32
        %get3A = arith.index_cast %add3A_397 : i32 to index
        %get3A_398 = arith.constant 0 : index
        %get3A_399 = tpu.vector_load %arg7[%get3A, %get3A_398] {strides = array<i32>} : memref<128x16xf32, #tpu.memory_space<vmem>>, vector<1x16xf32>,
        %get3A_400 = vector.shape_cast %get3A_399 : vector<1x16xf32> to vector<16xf32>
        %mul3A_401 = arith.constant 8 : i32
        %mul3A_402 = arith.muli %mul3A_401, %add3A_393 : i32
        %add3A_403 = arith.constant 0 : i32
        %add3A_404 = arith.addi %mul3A_402, %add3A_403 : i32
        %get3A_405 = arith.index_cast %add3A_404 : i32 to index
        %get3A_406 = arith.constant 0 : index
        %get3A_407 = tpu.vector_load %arg8[%get3A_405, %get3A_406] {strides = array<i32>} : memref<128x16xf32, #tpu.memory_space<vmem>>, vector<1x16xf32>,
        %get3A_408 = vector.shape_cast %get3A_407 : vector<1x16xf32> to vector<16xf32>
        %add3A_409 = arith.addf %get3A_400, %get3A_408 : vector<16xf32>
        %swap3A = arith.index_cast %add3A_393 : i32 to index
        %swap3A_410 = arith.constant 0 : index
        %swap3A_411 = tpu.vector_load %arg11[%swap3A, %swap3A_410] {strides = array<i32>} : memref<16x128xf32, #tpu.memory_space<vmem>>, vector<1x16xf32>,
        %swap3A_412 = vector.shape_cast %swap3A_411 : vector<1x16xf32> to vector<16xf32>
        %swap3A_413 = vector.shape_cast %add3A_409 : vector<16xf32> to vector<1x16xf32>
        tpu.vector_store %arg11[%swap3A, %swap3A_410], %swap3A_413 {strides = array<i32>} : memref<16x128xf32, #tpu.memory_space<vmem>>, vector<1x16xf32>,
        %mul3A_414 = arith.constant 8 : i32
        %mul3A_415 = arith.muli %mul3A_414, %add3A_393 : i32
        %add3A_416 = arith.constant 1 : i32
        %add3A_417 = arith.addi %mul3A_415, %add3A_416 : i32
        %get3A_418 = arith.index_cast %add3A_417 : i32 to index
        %get3A_419 = arith.constant 0 : index
        %get3A_420 = tpu.vector_load %arg7[%get3A_418, %get3A_419] {strides = array<i32>} : memref<128x16xf32, #tpu.memory_space<vmem>>, vector<1x16xf32>,
        %get3A_421 = vector.shape_cast %get3A_420 : vector<1x16xf32> to vector<16xf32>
        %mul3A_422 = arith.constant 8 : i32
        %mul3A_423 = arith.muli %mul3A_422, %add3A_393 : i32
        %add3A_424 = arith.constant 1 : i32
        %add3A_425 = arith.addi %mul3A_423, %add3A_424 : i32
        %get3A_426 = arith.index_cast %add3A_425 : i32 to index
        %get3A_427 = arith.constant 0 : index
        %get3A_428 = tpu.vector_load %arg8[%get3A_426, %get3A_427] {strides = array<i32>} : memref<128x16xf32, #tpu.memory_space<vmem>>, vector<1x16xf32>,
        %get3A_429 = vector.shape_cast %get3A_428 : vector<1x16xf32> to vector<16xf32>
        %add3A_430 = arith.addf %get3A_421, %get3A_429 : vector<16xf32>
        %swap3A_431 = arith.index_cast %add3A_393 : i32 to index
        %swap3A_432 = arith.constant 16 : index
        %swap3A_433 = tpu.vector_load %arg11[%swap3A_431, %swap3A_432] {strides = array<i32>} : memref<16x128xf32, #tpu.memory_space<vmem>>, vector<1x16xf32>,
        %swap3A_434 = vector.shape_cast %swap3A_433 : vector<1x16xf32> to vector<16xf32>
        %swap3A_435 = vector.shape_cast %add3A_430 : vector<16xf32> to vector<1x16xf32>
        tpu.vector_store %arg11[%swap3A_431, %swap3A_432], %swap3A_435 {strides = array<i32>} : memref<16x128xf32, #tpu.memory_space<vmem>>, vector<1x16xf32>,
        %mul3A_436 = arith.constant 8 : i32
        %mul3A_437 = arith.muli %mul3A_436, %add3A_393 : i32
        %add3A_438 = arith.constant 2 : i32
        %add3A_439 = arith.addi %mul3A_437, %add3A_438 : i32
        %get3A_440 = arith.index_cast %add3A_439 : i32 to index
        %get3A_441 = arith.constant 0 : index
        %get3A_442 = tpu.vector_load %arg7[%get3A_440, %get3A_441] {strides = array<i32>} : memref<128x16xf32, #tpu.memory_space<vmem>>, vector<1x16xf32>,
        %get3A_443 = vector.shape_cast %get3A_442 : vector<1x16xf32> to vector<16xf32>
        %mul3A_444 = arith.constant 8 : i32
        %mul3A_445 = arith.muli %mul3A_444, %add3A_393 : i32
        %add3A_446 = arith.constant 2 : i32
        %add3A_447 = arith.addi %mul3A_445, %add3A_446 : i32
        %get3A_448 = arith.index_cast %add3A_447 : i32 to index
        %get3A_449 = arith.constant 0 : index
        %get3A_450 = tpu.vector_load %arg8[%get3A_448, %get3A_449] {strides = array<i32>} : memref<128x16xf32, #tpu.memory_space<vmem>>, vector<1x16xf32>,
        %get3A_451 = vector.shape_cast %get3A_450 : vector<1x16xf32> to vector<16xf32>
        %add3A_452 = arith.addf %get3A_443, %get3A_451 : vector<16xf32>
        %swap3A_453 = arith.index_cast %add3A_393 : i32 to index
        %swap3A_454 = arith.constant 32 : index
        %swap3A_455 = tpu.vector_load %arg11[%swap3A_453, %swap3A_454] {strides = array<i32>} : memref<16x128xf32, #tpu.memory_space<vmem>>, vector<1x16xf32>,
        %swap3A_456 = vector.shape_cast %swap3A_455 : vector<1x16xf32> to vector<16xf32>
        %swap3A_457 = vector.shape_cast %add3A_452 : vector<16xf32> to vector<1x16xf32>
        tpu.vector_store %arg11[%swap3A_453, %swap3A_454], %swap3A_457 {strides = array<i32>} : memref<16x128xf32, #tpu.memory_space<vmem>>, vector<1x16xf32>,
        %mul3A_458 = arith.constant 8 : i32
        %mul3A_459 = arith.muli %mul3A_458, %add3A_393 : i32
        %add3A_460 = arith.constant 3 : i32
        %add3A_461 = arith.addi %mul3A_459, %add3A_460 : i32
        %get3A_462 = arith.index_cast %add3A_461 : i32 to index
        %get3A_463 = arith.constant 0 : index
        %get3A_464 = tpu.vector_load %arg7[%get3A_462, %get3A_463] {strides = array<i32>} : memref<128x16xf32, #tpu.memory_space<vmem>>, vector<1x16xf32>,
        %get3A_465 = vector.shape_cast %get3A_464 : vector<1x16xf32> to vector<16xf32>
        %mul3A_466 = arith.constant 8 : i32
        %mul3A_467 = arith.muli %mul3A_466, %add3A_393 : i32
        %add3A_468 = arith.constant 3 : i32
        %add3A_469 = arith.addi %mul3A_467, %add3A_468 : i32
        %get3A_470 = arith.index_cast %add3A_469 : i32 to index
        %get3A_471 = arith.constant 0 : index
        %get3A_472 = tpu.vector_load %arg8[%get3A_470, %get3A_471] {strides = array<i32>} : memref<128x16xf32, #tpu.memory_space<vmem>>, vector<1x16xf32>,
        %get3A_473 = vector.shape_cast %get3A_472 : vector<1x16xf32> to vector<16xf32>
        %add3A_474 = arith.addf %get3A_465, %get3A_473 : vector<16xf32>
        %swap3A_475 = arith.index_cast %add3A_393 : i32 to index
        %swap3A_476 = arith.constant 48 : index
        %swap3A_477 = tpu.vector_load %arg11[%swap3A_475, %swap3A_476] {strides = array<i32>} : memref<16x128xf32, #tpu.memory_space<vmem>>, vector<1x16xf32>,
        %swap3A_478 = vector.shape_cast %swap3A_477 : vector<1x16xf32> to vector<16xf32>
        %swap3A_479 = vector.shape_cast %add3A_474 : vector<16xf32> to vector<1x16xf32>
        tpu.vector_store %arg11[%swap3A_475, %swap3A_476], %swap3A_479 {strides = array<i32>} : memref<16x128xf32, #tpu.memory_space<vmem>>, vector<1x16xf32>,
        %mul3A_480 = arith.constant 8 : i32
        %mul3A_481 = arith.muli %mul3A_480, %add3A_393 : i32
        %add3A_482 = arith.constant 4 : i32
        %add3A_483 = arith.addi %mul3A_481, %add3A_482 : i32
        %get3A_484 = arith.index_cast %add3A_483 : i32 to index
        %get3A_485 = arith.constant 0 : index
        %get3A_486 = tpu.vector_load %arg7[%get3A_484, %get3A_485] {strides = array<i32>} : memref<128x16xf32, #tpu.memory_space<vmem>>, vector<1x16xf32>,
        %get3A_487 = vector.shape_cast %get3A_486 : vector<1x16xf32> to vector<16xf32>
        %mul3A_488 = arith.constant 8 : i32
        %mul3A_489 = arith.muli %mul3A_488, %add3A_393 : i32
        %add3A_490 = arith.constant 4 : i32
        %add3A_491 = arith.addi %mul3A_489, %add3A_490 : i32
        %get3A_492 = arith.index_cast %add3A_491 : i32 to index
        %get3A_493 = arith.constant 0 : index
        %get3A_494 = tpu.vector_load %arg8[%get3A_492, %get3A_493] {strides = array<i32>} : memref<128x16xf32, #tpu.memory_space<vmem>>, vector<1x16xf32>,
        %get3A_495 = vector.shape_cast %get3A_494 : vector<1x16xf32> to vector<16xf32>
        %add3A_496 = arith.addf %get3A_487, %get3A_495 : vector<16xf32>
        %swap3A_497 = arith.index_cast %add3A_393 : i32 to index
        %swap3A_498 = arith.constant 64 : index
        %swap3A_499 = tpu.vector_load %arg11[%swap3A_497, %swap3A_498] {strides = array<i32>} : memref<16x128xf32, #tpu.memory_space<vmem>>, vector<1x16xf32>,
        %swap3A_500 = vector.shape_cast %swap3A_499 : vector<1x16xf32> to vector<16xf32>
        %swap3A_501 = vector.shape_cast %add3A_496 : vector<16xf32> to vector<1x16xf32>
        tpu.vector_store %arg11[%swap3A_497, %swap3A_498], %swap3A_501 {strides = array<i32>} : memref<16x128xf32, #tpu.memory_space<vmem>>, vector<1x16xf32>,
        %mul3A_502 = arith.constant 8 : i32
        %mul3A_503 = arith.muli %mul3A_502, %add3A_393 : i32
        %add3A_504 = arith.constant 5 : i32
        %add3A_505 = arith.addi %mul3A_503, %add3A_504 : i32
        %get3A_506 = arith.index_cast %add3A_505 : i32 to index
        %get3A_507 = arith.constant 0 : index
        %get3A_508 = tpu.vector_load %arg7[%get3A_506, %get3A_507] {strides = array<i32>} : memref<128x16xf32, #tpu.memory_space<vmem>>, vector<1x16xf32>,
        %get3A_509 = vector.shape_cast %get3A_508 : vector<1x16xf32> to vector<16xf32>
        %mul3A_510 = arith.constant 8 : i32
        %mul3A_511 = arith.muli %mul3A_510, %add3A_393 : i32
        %add3A_512 = arith.constant 5 : i32
        %add3A_513 = arith.addi %mul3A_511, %add3A_512 : i32
        %get3A_514 = arith.index_cast %add3A_513 : i32 to index
        %get3A_515 = arith.constant 0 : index
        %get3A_516 = tpu.vector_load %arg8[%get3A_514, %get3A_515] {strides = array<i32>} : memref<128x16xf32, #tpu.memory_space<vmem>>, vector<1x16xf32>,
        %get3A_517 = vector.shape_cast %get3A_516 : vector<1x16xf32> to vector<16xf32>
        %add3A_518 = arith.addf %get3A_509, %get3A_517 : vector<16xf32>
        %swap3A_519 = arith.index_cast %add3A_393 : i32 to index
        %swap3A_520 = arith.constant 80 : index
        %swap3A_521 = tpu.vector_load %arg11[%swap3A_519, %swap3A_520] {strides = array<i32>} : memref<16x128xf32, #tpu.memory_space<vmem>>, vector<1x16xf32>,
        %swap3A_522 = vector.shape_cast %swap3A_521 : vector<1x16xf32> to vector<16xf32>
        %swap3A_523 = vector.shape_cast %add3A_518 : vector<16xf32> to vector<1x16xf32>
        tpu.vector_store %arg11[%swap3A_519, %swap3A_520], %swap3A_523 {strides = array<i32>} : memref<16x128xf32, #tpu.memory_space<vmem>>, vector<1x16xf32>,
        %mul3A_524 = arith.constant 8 : i32
        %mul3A_525 = arith.muli %mul3A_524, %add3A_393 : i32
        %add3A_526 = arith.constant 6 : i32
        %add3A_527 = arith.addi %mul3A_525, %add3A_526 : i32
        %get3A_528 = arith.index_cast %add3A_527 : i32 to index
        %get3A_529 = arith.constant 0 : index
        %get3A_530 = tpu.vector_load %arg7[%get3A_528, %get3A_529] {strides = array<i32>} : memref<128x16xf32, #tpu.memory_space<vmem>>, vector<1x16xf32>,
        %get3A_531 = vector.shape_cast %get3A_530 : vector<1x16xf32> to vector<16xf32>
        %mul3A_532 = arith.constant 8 : i32
        %mul3A_533 = arith.muli %mul3A_532, %add3A_393 : i32
        %add3A_534 = arith.constant 6 : i32
        %add3A_535 = arith.addi %mul3A_533, %add3A_534 : i32
        %get3A_536 = arith.index_cast %add3A_535 : i32 to index
        %get3A_537 = arith.constant 0 : index
        %get3A_538 = tpu.vector_load %arg8[%get3A_536, %get3A_537] {strides = array<i32>} : memref<128x16xf32, #tpu.memory_space<vmem>>, vector<1x16xf32>,
        %get3A_539 = vector.shape_cast %get3A_538 : vector<1x16xf32> to vector<16xf32>
        %add3A_540 = arith.addf %get3A_531, %get3A_539 : vector<16xf32>
        %swap3A_541 = arith.index_cast %add3A_393 : i32 to index
        %swap3A_542 = arith.constant 96 : index
        %swap3A_543 = tpu.vector_load %arg11[%swap3A_541, %swap3A_542] {strides = array<i32>} : memref<16x128xf32, #tpu.memory_space<vmem>>, vector<1x16xf32>,
        %swap3A_544 = vector.shape_cast %swap3A_543 : vector<1x16xf32> to vector<16xf32>
        %swap3A_545 = vector.shape_cast %add3A_540 : vector<16xf32> to vector<1x16xf32>
        tpu.vector_store %arg11[%swap3A_541, %swap3A_542], %swap3A_545 {strides = array<i32>} : memref<16x128xf32, #tpu.memory_space<vmem>>, vector<1x16xf32>,
        %mul3A_546 = arith.constant 8 : i32
        %mul3A_547 = arith.muli %mul3A_546, %add3A_393 : i32
        %add3A_548 = arith.constant 7 : i32
        %add3A_549 = arith.addi %mul3A_547, %add3A_548 : i32
        %get3A_550 = arith.index_cast %add3A_549 : i32 to index
        %get3A_551 = arith.constant 0 : index
        %get3A_552 = tpu.vector_load %arg7[%get3A_550, %get3A_551] {strides = array<i32>} : memref<128x16xf32, #tpu.memory_space<vmem>>, vector<1x16xf32>,
        %get3A_553 = vector.shape_cast %get3A_552 : vector<1x16xf32> to vector<16xf32>
        %mul3A_554 = arith.constant 8 : i32
        %mul3A_555 = arith.muli %mul3A_554, %add3A_393 : i32
        %add3A_556 = arith.constant 7 : i32
        %add3A_557 = arith.addi %mul3A_555, %add3A_556 : i32
        %get3A_558 = arith.index_cast %add3A_557 : i32 to index
        %get3A_559 = arith.constant 0 : index
        %get3A_560 = tpu.vector_load %arg8[%get3A_558, %get3A_559] {strides = array<i32>} : memref<128x16xf32, #tpu.memory_space<vmem>>, vector<1x16xf32>,
        %get3A_561 = vector.shape_cast %get3A_560 : vector<1x16xf32> to vector<16xf32>
        %add3A_562 = arith.addf %get3A_553, %get3A_561 : vector<16xf32>
        %swap3A_563 = arith.index_cast %add3A_393 : i32 to index
        %swap3A_564 = arith.constant 112 : index
        %swap3A_565 = tpu.vector_load %arg11[%swap3A_563, %swap3A_564] {strides = array<i32>} : memref<16x128xf32, #tpu.memory_space<vmem>>, vector<1x16xf32>,
        %swap3A_566 = vector.shape_cast %swap3A_565 : vector<1x16xf32> to vector<16xf32>
        %swap3A_567 = vector.shape_cast %add3A_562 : vector<16xf32> to vector<1x16xf32>
        tpu.vector_store %arg11[%swap3A_563, %swap3A_564], %swap3A_567 {strides = array<i32>} : memref<16x128xf32, #tpu.memory_space<vmem>>, vector<1x16xf32>,
      }
      %scan3A_284 = arith.constant 16 : i32
      %mul3A_285 = arith.constant 128 : i32
      %mul3A_286 = arith.muli %mul3A_249, %mul3A_285 : i32
      %add3A_287 = arith.addi %mul3A_2, %mul3A_286 : i32
      %jit3A_288 = arith.constant 8 : i32
      %div3A_289 = arith.divsi %add3A_287, %jit3A_288 : i32
      %sign3A_290 = arith.constant 0 : i32
      %sign3A_291 = arith.cmpi sgt, %add3A_287, %sign3A_290 : i32
      %sign3A_292 = arith.extui %sign3A_291 : i1 to i32
      %sign3A_293 = arith.constant 0 : i32
      %sign3A_294 = arith.cmpi slt, %add3A_287, %sign3A_293 : i32
      %sign3A_295 = arith.extui %sign3A_294 : i1 to i32
      %sign3A_296 = arith.subi %sign3A_292, %sign3A_295 : i32
      %sign3A_297 = arith.constant 0 : i32
      %sign3A_298 = arith.cmpi sgt, %jit3A_288, %sign3A_297 : i32
      %sign3A_299 = arith.extui %sign3A_298 : i1 to i32
      %sign3A_300 = arith.constant 0 : i32
      %sign3A_301 = arith.cmpi slt, %jit3A_288, %sign3A_300 : i32
      %sign3A_302 = arith.extui %sign3A_301 : i1 to i32
      %sign3A_303 = arith.subi %sign3A_299, %sign3A_302 : i32
      %ne3A_304 = arith.cmpi ne, %sign3A_296, %sign3A_303 : i32
      %rem3A_305 = arith.remsi %add3A_287, %jit3A_288 : i32
      %ne3A_306 = arith.constant 0 : i32
      %ne3A_307 = arith.cmpi ne, %rem3A_305, %ne3A_306 : i32
      %and3A_308 = arith.andi %ne3A_304, %ne3A_307 : i1
      %sub3A_309 = arith.constant 1 : i32
      %sub3A_310 = arith.subi %div3A_289, %sub3A_309 : i32
      %select_n3A_311 = arith.select %and3A_308, %sub3A_310, %div3A_289 : i32
      %dma_start3A_312 = arith.constant 0 : i32
      %dma_start3A_313 = tpu.memref_slice %arg6[%select_n3A_311, %dma_start3A_312] : memref<40960x128xf32, #tpu.memory_space<hbm>> -> memref<16x128xf32, #tpu.memory_space<hbm>>
      %dma_start3A_314 = arith.constant 0 : i32
      %dma_start3A_315 = tpu.memref_slice %arg6[%select_n3A_311, %dma_start3A_314] : memref<40960x128xf32, #tpu.memory_space<hbm>> -> memref<16x128xf32, #tpu.memory_space<hbm>>
      tpu.enqueue_dma source(%arg11 : memref<16x128xf32, #tpu.memory_space<vmem>>) target(%dma_start3A_315 : memref<16x128xf32, #tpu.memory_space<hbm>>) target_semaphore(%arg19 : memref<!tpu.dma_semaphore, #tpu.memory_space<semaphore_mem>>)
      %mul3A_316 = arith.constant 2 : i32
      %mul3A_317 = arith.muli %mul3A_316, %add3A_247 : i32
      %add3A_318 = arith.constant 1 : i32
      %add3A_319 = arith.addi %mul3A_317, %add3A_318 : i32
      %gt3A_320 = arith.constant 0 : i32
      %gt3A_321 = arith.cmpi sgt, %add3A_247, %gt3A_320 : i32
      %dma_wait3A_322 = arith.constant 0 : i32
      %dma_wait3A_323 = tpu.memref_slice %arg13[%add3A_319, %dma_wait3A_322] : memref<80x128xi32, #tpu.memory_space<vmem>> -> memref<1x128xi32, #tpu.memory_space<vmem>>
      %dma_wait3A_324 = tpu.memref_squeeze %dma_wait3A_323 : memref<1x128xi32, #tpu.memory_space<vmem>> -> memref<128xi32, #tpu.memory_space<vmem>>
      %dma_wait3A_325 = arith.constant 0 : i32
      %dma_wait3A_326 = arith.constant 0 : i32
      %dma_wait3A_327 = tpu.memref_slice %arg2[%dma_wait3A_325, %dma_wait3A_326] : memref<10240x16xf32, #tpu.memory_space<hbm>> -> memref<10240x16xf32, #tpu.memory_space<hbm>>
      tpu.wait_indirect_dma semaphore(%arg17 : memref<!tpu.dma_semaphore, #tpu.memory_space<semaphore_mem>>) src(%dma_wait3A_327 : memref<10240x16xf32, #tpu.memory_space<hbm>>) dst(%arg9 : memref<128x16xf32, #tpu.memory_space<vmem>>)
      %dma_wait3A_328 = arith.constant 0 : i32
      %dma_wait3A_329 = tpu.memref_slice %arg14[%add3A_319, %dma_wait3A_328] : memref<80x128xi32, #tpu.memory_space<vmem>> -> memref<1x128xi32, #tpu.memory_space<vmem>>
      %dma_wait3A_330 = tpu.memref_squeeze %dma_wait3A_329 : memref<1x128xi32, #tpu.memory_space<vmem>> -> memref<128xi32, #tpu.memory_space<vmem>>
      %dma_wait3A_331 = arith.constant 0 : i32
      %dma_wait3A_332 = arith.constant 0 : i32
      %dma_wait3A_333 = tpu.memref_slice %arg3[%dma_wait3A_331, %dma_wait3A_332] : memref<10240x16xf32, #tpu.memory_space<hbm>> -> memref<10240x16xf32, #tpu.memory_space<hbm>>
      tpu.wait_indirect_dma semaphore(%arg18 : memref<!tpu.dma_semaphore, #tpu.memory_space<semaphore_mem>>) src(%dma_wait3A_333 : memref<10240x16xf32, #tpu.memory_space<hbm>>) dst(%arg10 : memref<128x16xf32, #tpu.memory_space<vmem>>)
      %add3A_334 = arith.constant 1 : i32
      %add3A_335 = arith.addi %add3A_319, %add3A_334 : i32
      %dma_start3A_336 = arith.constant 0 : i32
      %dma_start3A_337 = tpu.memref_slice %arg13[%add3A_335, %dma_start3A_336] : memref<80x128xi32, #tpu.memory_space<vmem>> -> memref<1x128xi32, #tpu.memory_space<vmem>>
      %dma_start3A_338 = tpu.memref_squeeze %dma_start3A_337 : memref<1x128xi32, #tpu.memory_space<vmem>> -> memref<128xi32, #tpu.memory_space<vmem>>
      %dma_start3A_339 = arith.constant 0 : i32
      %dma_start3A_340 = arith.constant 0 : i32
      %dma_start3A_341 = tpu.memref_slice %arg2[%dma_start3A_339, %dma_start3A_340] : memref<10240x16xf32, #tpu.memory_space<hbm>> -> memref<10240x16xf32, #tpu.memory_space<hbm>>
      tpu.enqueue_indirect_dma source(%dma_start3A_341 : memref<10240x16xf32, #tpu.memory_space<hbm>>) target(%arg7 : memref<128x16xf32, #tpu.memory_space<vmem>>) offsets(%dma_start3A_338 : memref<128xi32, #tpu.memory_space<vmem>>) semaphore(%arg15 : memref<!tpu.dma_semaphore, #tpu.memory_space<semaphore_mem>>)
      %add3A_342 = arith.constant 1 : i32
      %add3A_343 = arith.addi %add3A_319, %add3A_342 : i32
      %dma_start3A_344 = arith.constant 0 : i32
      %dma_start3A_345 = tpu.memref_slice %arg14[%add3A_343, %dma_start3A_344] : memref<80x128xi32, #tpu.memory_space<vmem>> -> memref<1x128xi32, #tpu.memory_space<vmem>>
      %dma_start3A_346 = tpu.memref_squeeze %dma_start3A_345 : memref<1x128xi32, #tpu.memory_space<vmem>> -> memref<128xi32, #tpu.memory_space<vmem>>
      %dma_start3A_347 = arith.constant 0 : i32
      %dma_start3A_348 = arith.constant 0 : i32
      %dma_start3A_349 = tpu.memref_slice %arg3[%dma_start3A_347, %dma_start3A_348] : memref<10240x16xf32, #tpu.memory_space<hbm>> -> memref<10240x16xf32, #tpu.memory_space<hbm>>
      tpu.enqueue_indirect_dma source(%dma_start3A_349 : memref<10240x16xf32, #tpu.memory_space<hbm>>) target(%arg8 : memref<128x16xf32, #tpu.memory_space<vmem>>) offsets(%dma_start3A_346 : memref<128xi32, #tpu.memory_space<vmem>>) semaphore(%arg16 : memref<!tpu.dma_semaphore, #tpu.memory_space<semaphore_mem>>)
      %convert_element_type3A_350 = arith.extui %gt3A_321 : i1 to i32
      %cond3A_351 = arith.constant 0 : i32
      %cond3A_352 = arith.cmpi ne, %convert_element_type3A_350, %cond3A_351 : i32
      scf.if %cond3A_352 {
        %mul3A_389 = arith.constant 128 : i32
        %mul3A_390 = arith.muli %add3A_319, %mul3A_389 : i32
        %add3A_391 = arith.addi %mul3A_2, %mul3A_390 : i32
        %jit3A_392 = arith.constant 8 : i32
        %div3A_393 = arith.divsi %add3A_391, %jit3A_392 : i32
        %sign3A_394 = arith.constant 0 : i32
        %sign3A_395 = arith.cmpi sgt, %add3A_391, %sign3A_394 : i32
        %sign3A_396 = arith.extui %sign3A_395 : i1 to i32
        %sign3A_397 = arith.constant 0 : i32
        %sign3A_398 = arith.cmpi slt, %add3A_391, %sign3A_397 : i32
        %sign3A_399 = arith.extui %sign3A_398 : i1 to i32
        %sign3A_400 = arith.subi %sign3A_396, %sign3A_399 : i32
        %sign3A_401 = arith.constant 0 : i32
        %sign3A_402 = arith.cmpi sgt, %jit3A_392, %sign3A_401 : i32
        %sign3A_403 = arith.extui %sign3A_402 : i1 to i32
        %sign3A_404 = arith.constant 0 : i32
        %sign3A_405 = arith.cmpi slt, %jit3A_392, %sign3A_404 : i32
        %sign3A_406 = arith.extui %sign3A_405 : i1 to i32
        %sign3A_407 = arith.subi %sign3A_403, %sign3A_406 : i32
        %ne3A_408 = arith.cmpi ne, %sign3A_400, %sign3A_407 : i32
        %rem3A_409 = arith.remsi %add3A_391, %jit3A_392 : i32
        %ne3A_410 = arith.constant 0 : i32
        %ne3A_411 = arith.cmpi ne, %rem3A_409, %ne3A_410 : i32
        %and3A_412 = arith.andi %ne3A_408, %ne3A_411 : i1
        %sub3A_413 = arith.constant 1 : i32
        %sub3A_414 = arith.subi %div3A_393, %sub3A_413 : i32
        %select_n3A_415 = arith.select %and3A_412, %sub3A_414, %div3A_393 : i32
        %dma_wait3A_416 = arith.constant 0 : i32
        %dma_wait3A_417 = tpu.memref_slice %arg6[%select_n3A_415, %dma_wait3A_416] : memref<40960x128xf32, #tpu.memory_space<hbm>> -> memref<16x128xf32, #tpu.memory_space<hbm>>
        %dma_wait3A_418 = arith.constant 0 : i32
        %dma_wait3A_419 = tpu.memref_slice %arg6[%select_n3A_415, %dma_wait3A_418] : memref<40960x128xf32, #tpu.memory_space<hbm>> -> memref<16x128xf32, #tpu.memory_space<hbm>>
        tpu.wait_dma2 semaphore(%arg20 : memref<!tpu.dma_semaphore, #tpu.memory_space<semaphore_mem>>) src(%arg12 : memref<16x128xf32, #tpu.memory_space<vmem>>) dst(%dma_wait3A_419 : memref<16x128xf32, #tpu.memory_space<hbm>>)
      } else {
      }
      %scan3A_353 = arith.constant 0 : i32
      %scan3A_354 = arith.constant 16 : i32
      %scan3A_355 = arith.addi %scan3A_353, %scan3A_354 : i32
      %scan3A_356 = arith.constant 1 : i32
      scf.for %scan3A_389 = %scan3A_353 to %scan3A_355 step %scan3A_356  : i32 {
        %mul3A_390 = arith.constant 1 : i32
        %mul3A_391 = arith.muli %scan3A_389, %mul3A_390 : i32
        %add3A_392 = arith.constant 0 : i32
        %add3A_393 = arith.addi %add3A_392, %mul3A_391 : i32
        %mul3A_394 = arith.constant 8 : i32
        %mul3A_395 = arith.muli %mul3A_394, %add3A_393 : i32
        %add3A_396 = arith.constant 0 : i32
        %add3A_397 = arith.addi %mul3A_395, %add3A_396 : i32
        %get3A = arith.index_cast %add3A_397 : i32 to index
        %get3A_398 = arith.constant 0 : index
        %get3A_399 = tpu.vector_load %arg9[%get3A, %get3A_398] {strides = array<i32>} : memref<128x16xf32, #tpu.memory_space<vmem>>, vector<1x16xf32>,
        %get3A_400 = vector.shape_cast %get3A_399 : vector<1x16xf32> to vector<16xf32>
        %mul3A_401 = arith.constant 8 : i32
        %mul3A_402 = arith.muli %mul3A_401, %add3A_393 : i32
        %add3A_403 = arith.constant 0 : i32
        %add3A_404 = arith.addi %mul3A_402, %add3A_403 : i32
        %get3A_405 = arith.index_cast %add3A_404 : i32 to index
        %get3A_406 = arith.constant 0 : index
        %get3A_407 = tpu.vector_load %arg10[%get3A_405, %get3A_406] {strides = array<i32>} : memref<128x16xf32, #tpu.memory_space<vmem>>, vector<1x16xf32>,
        %get3A_408 = vector.shape_cast %get3A_407 : vector<1x16xf32> to vector<16xf32>
        %add3A_409 = arith.addf %get3A_400, %get3A_408 : vector<16xf32>
        %swap3A = arith.index_cast %add3A_393 : i32 to index
        %swap3A_410 = arith.constant 0 : index
        %swap3A_411 = tpu.vector_load %arg12[%swap3A, %swap3A_410] {strides = array<i32>} : memref<16x128xf32, #tpu.memory_space<vmem>>, vector<1x16xf32>,
        %swap3A_412 = vector.shape_cast %swap3A_411 : vector<1x16xf32> to vector<16xf32>
        %swap3A_413 = vector.shape_cast %add3A_409 : vector<16xf32> to vector<1x16xf32>
        tpu.vector_store %arg12[%swap3A, %swap3A_410], %swap3A_413 {strides = array<i32>} : memref<16x128xf32, #tpu.memory_space<vmem>>, vector<1x16xf32>,
        %mul3A_414 = arith.constant 8 : i32
        %mul3A_415 = arith.muli %mul3A_414, %add3A_393 : i32
        %add3A_416 = arith.constant 1 : i32
        %add3A_417 = arith.addi %mul3A_415, %add3A_416 : i32
        %get3A_418 = arith.index_cast %add3A_417 : i32 to index
        %get3A_419 = arith.constant 0 : index
        %get3A_420 = tpu.vector_load %arg9[%get3A_418, %get3A_419] {strides = array<i32>} : memref<128x16xf32, #tpu.memory_space<vmem>>, vector<1x16xf32>,
        %get3A_421 = vector.shape_cast %get3A_420 : vector<1x16xf32> to vector<16xf32>
        %mul3A_422 = arith.constant 8 : i32
        %mul3A_423 = arith.muli %mul3A_422, %add3A_393 : i32
        %add3A_424 = arith.constant 1 : i32
        %add3A_425 = arith.addi %mul3A_423, %add3A_424 : i32
        %get3A_426 = arith.index_cast %add3A_425 : i32 to index
        %get3A_427 = arith.constant 0 : index
        %get3A_428 = tpu.vector_load %arg10[%get3A_426, %get3A_427] {strides = array<i32>} : memref<128x16xf32, #tpu.memory_space<vmem>>, vector<1x16xf32>,
        %get3A_429 = vector.shape_cast %get3A_428 : vector<1x16xf32> to vector<16xf32>
        %add3A_430 = arith.addf %get3A_421, %get3A_429 : vector<16xf32>
        %swap3A_431 = arith.index_cast %add3A_393 : i32 to index
        %swap3A_432 = arith.constant 16 : index
        %swap3A_433 = tpu.vector_load %arg12[%swap3A_431, %swap3A_432] {strides = array<i32>} : memref<16x128xf32, #tpu.memory_space<vmem>>, vector<1x16xf32>,
        %swap3A_434 = vector.shape_cast %swap3A_433 : vector<1x16xf32> to vector<16xf32>
        %swap3A_435 = vector.shape_cast %add3A_430 : vector<16xf32> to vector<1x16xf32>
        tpu.vector_store %arg12[%swap3A_431, %swap3A_432], %swap3A_435 {strides = array<i32>} : memref<16x128xf32, #tpu.memory_space<vmem>>, vector<1x16xf32>,
        %mul3A_436 = arith.constant 8 : i32
        %mul3A_437 = arith.muli %mul3A_436, %add3A_393 : i32
        %add3A_438 = arith.constant 2 : i32
        %add3A_439 = arith.addi %mul3A_437, %add3A_438 : i32
        %get3A_440 = arith.index_cast %add3A_439 : i32 to index
        %get3A_441 = arith.constant 0 : index
        %get3A_442 = tpu.vector_load %arg9[%get3A_440, %get3A_441] {strides = array<i32>} : memref<128x16xf32, #tpu.memory_space<vmem>>, vector<1x16xf32>,
        %get3A_443 = vector.shape_cast %get3A_442 : vector<1x16xf32> to vector<16xf32>
        %mul3A_444 = arith.constant 8 : i32
        %mul3A_445 = arith.muli %mul3A_444, %add3A_393 : i32
        %add3A_446 = arith.constant 2 : i32
        %add3A_447 = arith.addi %mul3A_445, %add3A_446 : i32
        %get3A_448 = arith.index_cast %add3A_447 : i32 to index
        %get3A_449 = arith.constant 0 : index
        %get3A_450 = tpu.vector_load %arg10[%get3A_448, %get3A_449] {strides = array<i32>} : memref<128x16xf32, #tpu.memory_space<vmem>>, vector<1x16xf32>,
        %get3A_451 = vector.shape_cast %get3A_450 : vector<1x16xf32> to vector<16xf32>
        %add3A_452 = arith.addf %get3A_443, %get3A_451 : vector<16xf32>
        %swap3A_453 = arith.index_cast %add3A_393 : i32 to index
        %swap3A_454 = arith.constant 32 : index
        %swap3A_455 = tpu.vector_load %arg12[%swap3A_453, %swap3A_454] {strides = array<i32>} : memref<16x128xf32, #tpu.memory_space<vmem>>, vector<1x16xf32>,
        %swap3A_456 = vector.shape_cast %swap3A_455 : vector<1x16xf32> to vector<16xf32>
        %swap3A_457 = vector.shape_cast %add3A_452 : vector<16xf32> to vector<1x16xf32>
        tpu.vector_store %arg12[%swap3A_453, %swap3A_454], %swap3A_457 {strides = array<i32>} : memref<16x128xf32, #tpu.memory_space<vmem>>, vector<1x16xf32>,
        %mul3A_458 = arith.constant 8 : i32
        %mul3A_459 = arith.muli %mul3A_458, %add3A_393 : i32
        %add3A_460 = arith.constant 3 : i32
        %add3A_461 = arith.addi %mul3A_459, %add3A_460 : i32
        %get3A_462 = arith.index_cast %add3A_461 : i32 to index
        %get3A_463 = arith.constant 0 : index
        %get3A_464 = tpu.vector_load %arg9[%get3A_462, %get3A_463] {strides = array<i32>} : memref<128x16xf32, #tpu.memory_space<vmem>>, vector<1x16xf32>,
        %get3A_465 = vector.shape_cast %get3A_464 : vector<1x16xf32> to vector<16xf32>
        %mul3A_466 = arith.constant 8 : i32
        %mul3A_467 = arith.muli %mul3A_466, %add3A_393 : i32
        %add3A_468 = arith.constant 3 : i32
        %add3A_469 = arith.addi %mul3A_467, %add3A_468 : i32
        %get3A_470 = arith.index_cast %add3A_469 : i32 to index
        %get3A_471 = arith.constant 0 : index
        %get3A_472 = tpu.vector_load %arg10[%get3A_470, %get3A_471] {strides = array<i32>} : memref<128x16xf32, #tpu.memory_space<vmem>>, vector<1x16xf32>,
        %get3A_473 = vector.shape_cast %get3A_472 : vector<1x16xf32> to vector<16xf32>
        %add3A_474 = arith.addf %get3A_465, %get3A_473 : vector<16xf32>
        %swap3A_475 = arith.index_cast %add3A_393 : i32 to index
        %swap3A_476 = arith.constant 48 : index
        %swap3A_477 = tpu.vector_load %arg12[%swap3A_475, %swap3A_476] {strides = array<i32>} : memref<16x128xf32, #tpu.memory_space<vmem>>, vector<1x16xf32>,
        %swap3A_478 = vector.shape_cast %swap3A_477 : vector<1x16xf32> to vector<16xf32>
        %swap3A_479 = vector.shape_cast %add3A_474 : vector<16xf32> to vector<1x16xf32>
        tpu.vector_store %arg12[%swap3A_475, %swap3A_476], %swap3A_479 {strides = array<i32>} : memref<16x128xf32, #tpu.memory_space<vmem>>, vector<1x16xf32>,
        %mul3A_480 = arith.constant 8 : i32
        %mul3A_481 = arith.muli %mul3A_480, %add3A_393 : i32
        %add3A_482 = arith.constant 4 : i32
        %add3A_483 = arith.addi %mul3A_481, %add3A_482 : i32
        %get3A_484 = arith.index_cast %add3A_483 : i32 to index
        %get3A_485 = arith.constant 0 : index
        %get3A_486 = tpu.vector_load %arg9[%get3A_484, %get3A_485] {strides = array<i32>} : memref<128x16xf32, #tpu.memory_space<vmem>>, vector<1x16xf32>,
        %get3A_487 = vector.shape_cast %get3A_486 : vector<1x16xf32> to vector<16xf32>
        %mul3A_488 = arith.constant 8 : i32
        %mul3A_489 = arith.muli %mul3A_488, %add3A_393 : i32
        %add3A_490 = arith.constant 4 : i32
        %add3A_491 = arith.addi %mul3A_489, %add3A_490 : i32
        %get3A_492 = arith.index_cast %add3A_491 : i32 to index
        %get3A_493 = arith.constant 0 : index
        %get3A_494 = tpu.vector_load %arg10[%get3A_492, %get3A_493] {strides = array<i32>} : memref<128x16xf32, #tpu.memory_space<vmem>>, vector<1x16xf32>,
        %get3A_495 = vector.shape_cast %get3A_494 : vector<1x16xf32> to vector<16xf32>
        %add3A_496 = arith.addf %get3A_487, %get3A_495 : vector<16xf32>
        %swap3A_497 = arith.index_cast %add3A_393 : i32 to index
        %swap3A_498 = arith.constant 64 : index
        %swap3A_499 = tpu.vector_load %arg12[%swap3A_497, %swap3A_498] {strides = array<i32>} : memref<16x128xf32, #tpu.memory_space<vmem>>, vector<1x16xf32>,
        %swap3A_500 = vector.shape_cast %swap3A_499 : vector<1x16xf32> to vector<16xf32>
        %swap3A_501 = vector.shape_cast %add3A_496 : vector<16xf32> to vector<1x16xf32>
        tpu.vector_store %arg12[%swap3A_497, %swap3A_498], %swap3A_501 {strides = array<i32>} : memref<16x128xf32, #tpu.memory_space<vmem>>, vector<1x16xf32>,
        %mul3A_502 = arith.constant 8 : i32
        %mul3A_503 = arith.muli %mul3A_502, %add3A_393 : i32
        %add3A_504 = arith.constant 5 : i32
        %add3A_505 = arith.addi %mul3A_503, %add3A_504 : i32
        %get3A_506 = arith.index_cast %add3A_505 : i32 to index
        %get3A_507 = arith.constant 0 : index
        %get3A_508 = tpu.vector_load %arg9[%get3A_506, %get3A_507] {strides = array<i32>} : memref<128x16xf32, #tpu.memory_space<vmem>>, vector<1x16xf32>,
        %get3A_509 = vector.shape_cast %get3A_508 : vector<1x16xf32> to vector<16xf32>
        %mul3A_510 = arith.constant 8 : i32
        %mul3A_511 = arith.muli %mul3A_510, %add3A_393 : i32
        %add3A_512 = arith.constant 5 : i32
        %add3A_513 = arith.addi %mul3A_511, %add3A_512 : i32
        %get3A_514 = arith.index_cast %add3A_513 : i32 to index
        %get3A_515 = arith.constant 0 : index
        %get3A_516 = tpu.vector_load %arg10[%get3A_514, %get3A_515] {strides = array<i32>} : memref<128x16xf32, #tpu.memory_space<vmem>>, vector<1x16xf32>,
        %get3A_517 = vector.shape_cast %get3A_516 : vector<1x16xf32> to vector<16xf32>
        %add3A_518 = arith.addf %get3A_509, %get3A_517 : vector<16xf32>
        %swap3A_519 = arith.index_cast %add3A_393 : i32 to index
        %swap3A_520 = arith.constant 80 : index
        %swap3A_521 = tpu.vector_load %arg12[%swap3A_519, %swap3A_520] {strides = array<i32>} : memref<16x128xf32, #tpu.memory_space<vmem>>, vector<1x16xf32>,
        %swap3A_522 = vector.shape_cast %swap3A_521 : vector<1x16xf32> to vector<16xf32>
        %swap3A_523 = vector.shape_cast %add3A_518 : vector<16xf32> to vector<1x16xf32>
        tpu.vector_store %arg12[%swap3A_519, %swap3A_520], %swap3A_523 {strides = array<i32>} : memref<16x128xf32, #tpu.memory_space<vmem>>, vector<1x16xf32>,
        %mul3A_524 = arith.constant 8 : i32
        %mul3A_525 = arith.muli %mul3A_524, %add3A_393 : i32
        %add3A_526 = arith.constant 6 : i32
        %add3A_527 = arith.addi %mul3A_525, %add3A_526 : i32
        %get3A_528 = arith.index_cast %add3A_527 : i32 to index
        %get3A_529 = arith.constant 0 : index
        %get3A_530 = tpu.vector_load %arg9[%get3A_528, %get3A_529] {strides = array<i32>} : memref<128x16xf32, #tpu.memory_space<vmem>>, vector<1x16xf32>,
        %get3A_531 = vector.shape_cast %get3A_530 : vector<1x16xf32> to vector<16xf32>
        %mul3A_532 = arith.constant 8 : i32
        %mul3A_533 = arith.muli %mul3A_532, %add3A_393 : i32
        %add3A_534 = arith.constant 6 : i32
        %add3A_535 = arith.addi %mul3A_533, %add3A_534 : i32
        %get3A_536 = arith.index_cast %add3A_535 : i32 to index
        %get3A_537 = arith.constant 0 : index
        %get3A_538 = tpu.vector_load %arg10[%get3A_536, %get3A_537] {strides = array<i32>} : memref<128x16xf32, #tpu.memory_space<vmem>>, vector<1x16xf32>,
        %get3A_539 = vector.shape_cast %get3A_538 : vector<1x16xf32> to vector<16xf32>
        %add3A_540 = arith.addf %get3A_531, %get3A_539 : vector<16xf32>
        %swap3A_541 = arith.index_cast %add3A_393 : i32 to index
        %swap3A_542 = arith.constant 96 : index
        %swap3A_543 = tpu.vector_load %arg12[%swap3A_541, %swap3A_542] {strides = array<i32>} : memref<16x128xf32, #tpu.memory_space<vmem>>, vector<1x16xf32>,
        %swap3A_544 = vector.shape_cast %swap3A_543 : vector<1x16xf32> to vector<16xf32>
        %swap3A_545 = vector.shape_cast %add3A_540 : vector<16xf32> to vector<1x16xf32>
        tpu.vector_store %arg12[%swap3A_541, %swap3A_542], %swap3A_545 {strides = array<i32>} : memref<16x128xf32, #tpu.memory_space<vmem>>, vector<1x16xf32>,
        %mul3A_546 = arith.constant 8 : i32
        %mul3A_547 = arith.muli %mul3A_546, %add3A_393 : i32
        %add3A_548 = arith.constant 7 : i32
        %add3A_549 = arith.addi %mul3A_547, %add3A_548 : i32
        %get3A_550 = arith.index_cast %add3A_549 : i32 to index
        %get3A_551 = arith.constant 0 : index
        %get3A_552 = tpu.vector_load %arg9[%get3A_550, %get3A_551] {strides = array<i32>} : memref<128x16xf32, #tpu.memory_space<vmem>>, vector<1x16xf32>,
        %get3A_553 = vector.shape_cast %get3A_552 : vector<1x16xf32> to vector<16xf32>
        %mul3A_554 = arith.constant 8 : i32
        %mul3A_555 = arith.muli %mul3A_554, %add3A_393 : i32
        %add3A_556 = arith.constant 7 : i32
        %add3A_557 = arith.addi %mul3A_555, %add3A_556 : i32
        %get3A_558 = arith.index_cast %add3A_557 : i32 to index
        %get3A_559 = arith.constant 0 : index
        %get3A_560 = tpu.vector_load %arg10[%get3A_558, %get3A_559] {strides = array<i32>} : memref<128x16xf32, #tpu.memory_space<vmem>>, vector<1x16xf32>,
        %get3A_561 = vector.shape_cast %get3A_560 : vector<1x16xf32> to vector<16xf32>
        %add3A_562 = arith.addf %get3A_553, %get3A_561 : vector<16xf32>
        %swap3A_563 = arith.index_cast %add3A_393 : i32 to index
        %swap3A_564 = arith.constant 112 : index
        %swap3A_565 = tpu.vector_load %arg12[%swap3A_563, %swap3A_564] {strides = array<i32>} : memref<16x128xf32, #tpu.memory_space<vmem>>, vector<1x16xf32>,
        %swap3A_566 = vector.shape_cast %swap3A_565 : vector<1x16xf32> to vector<16xf32>
        %swap3A_567 = vector.shape_cast %add3A_562 : vector<16xf32> to vector<1x16xf32>
        tpu.vector_store %arg12[%swap3A_563, %swap3A_564], %swap3A_567 {strides = array<i32>} : memref<16x128xf32, #tpu.memory_space<vmem>>, vector<1x16xf32>,
      }
      %scan3A_357 = arith.constant 16 : i32
      %mul3A_358 = arith.constant 128 : i32
      %mul3A_359 = arith.muli %add3A_319, %mul3A_358 : i32
      %add3A_360 = arith.addi %mul3A_2, %mul3A_359 : i32
      %jit3A_361 = arith.constant 8 : i32
      %div3A_362 = arith.divsi %add3A_360, %jit3A_361 : i32
      %sign3A_363 = arith.constant 0 : i32
      %sign3A_364 = arith.cmpi sgt, %add3A_360, %sign3A_363 : i32
      %sign3A_365 = arith.extui %sign3A_364 : i1 to i32
      %sign3A_366 = arith.constant 0 : i32
      %sign3A_367 = arith.cmpi slt, %add3A_360, %sign3A_366 : i32
      %sign3A_368 = arith.extui %sign3A_367 : i1 to i32
      %sign3A_369 = arith.subi %sign3A_365, %sign3A_368 : i32
      %sign3A_370 = arith.constant 0 : i32
      %sign3A_371 = arith.cmpi sgt, %jit3A_361, %sign3A_370 : i32
      %sign3A_372 = arith.extui %sign3A_371 : i1 to i32
      %sign3A_373 = arith.constant 0 : i32
      %sign3A_374 = arith.cmpi slt, %jit3A_361, %sign3A_373 : i32
      %sign3A_375 = arith.extui %sign3A_374 : i1 to i32
      %sign3A_376 = arith.subi %sign3A_372, %sign3A_375 : i32
      %ne3A_377 = arith.cmpi ne, %sign3A_369, %sign3A_376 : i32
      %rem3A_378 = arith.remsi %add3A_360, %jit3A_361 : i32
      %ne3A_379 = arith.constant 0 : i32
      %ne3A_380 = arith.cmpi ne, %rem3A_378, %ne3A_379 : i32
      %and3A_381 = arith.andi %ne3A_377, %ne3A_380 : i1
      %sub3A_382 = arith.constant 1 : i32
      %sub3A_383 = arith.subi %div3A_362, %sub3A_382 : i32
      %select_n3A_384 = arith.select %and3A_381, %sub3A_383, %div3A_362 : i32
      %dma_start3A_385 = arith.constant 0 : i32
      %dma_start3A_386 = tpu.memref_slice %arg6[%select_n3A_384, %dma_start3A_385] : memref<40960x128xf32, #tpu.memory_space<hbm>> -> memref<16x128xf32, #tpu.memory_space<hbm>>
      %dma_start3A_387 = arith.constant 0 : i32
      %dma_start3A_388 = tpu.memref_slice %arg6[%select_n3A_384, %dma_start3A_387] : memref<40960x128xf32, #tpu.memory_space<hbm>> -> memref<16x128xf32, #tpu.memory_space<hbm>>
      tpu.enqueue_dma source(%arg12 : memref<16x128xf32, #tpu.memory_space<vmem>>) target(%dma_start3A_388 : memref<16x128xf32, #tpu.memory_space<hbm>>) target_semaphore(%arg20 : memref<!tpu.dma_semaphore, #tpu.memory_space<semaphore_mem>>)
    }
    %scan3A_19 = arith.constant 39 : i32
    %dma_wait3A = arith.constant 78 : i32
    %dma_wait3A_20 = arith.constant 0 : i32
    %dma_wait3A_21 = tpu.memref_slice %arg13[%dma_wait3A, %dma_wait3A_20] : memref<80x128xi32, #tpu.memory_space<vmem>> -> memref<1x128xi32, #tpu.memory_space<vmem>>
    %dma_wait3A_22 = tpu.memref_squeeze %dma_wait3A_21 : memref<1x128xi32, #tpu.memory_space<vmem>> -> memref<128xi32, #tpu.memory_space<vmem>>
    %dma_wait3A_23 = arith.constant 0 : i32
    %dma_wait3A_24 = arith.constant 0 : i32
    %dma_wait3A_25 = tpu.memref_slice %arg2[%dma_wait3A_23, %dma_wait3A_24] : memref<10240x16xf32, #tpu.memory_space<hbm>> -> memref<10240x16xf32, #tpu.memory_space<hbm>>
    tpu.wait_indirect_dma semaphore(%arg15 : memref<!tpu.dma_semaphore, #tpu.memory_space<semaphore_mem>>) src(%dma_wait3A_25 : memref<10240x16xf32, #tpu.memory_space<hbm>>) dst(%arg7 : memref<128x16xf32, #tpu.memory_space<vmem>>)
    %dma_wait3A_26 = arith.constant 78 : i32
    %dma_wait3A_27 = arith.constant 0 : i32
    %dma_wait3A_28 = tpu.memref_slice %arg14[%dma_wait3A_26, %dma_wait3A_27] : memref<80x128xi32, #tpu.memory_space<vmem>> -> memref<1x128xi32, #tpu.memory_space<vmem>>
    %dma_wait3A_29 = tpu.memref_squeeze %dma_wait3A_28 : memref<1x128xi32, #tpu.memory_space<vmem>> -> memref<128xi32, #tpu.memory_space<vmem>>
    %dma_wait3A_30 = arith.constant 0 : i32
    %dma_wait3A_31 = arith.constant 0 : i32
    %dma_wait3A_32 = tpu.memref_slice %arg3[%dma_wait3A_30, %dma_wait3A_31] : memref<10240x16xf32, #tpu.memory_space<hbm>> -> memref<10240x16xf32, #tpu.memory_space<hbm>>
    tpu.wait_indirect_dma semaphore(%arg16 : memref<!tpu.dma_semaphore, #tpu.memory_space<semaphore_mem>>) src(%dma_wait3A_32 : memref<10240x16xf32, #tpu.memory_space<hbm>>) dst(%arg8 : memref<128x16xf32, #tpu.memory_space<vmem>>)
    %dma_start3A_33 = arith.constant 79 : i32
    %dma_start3A_34 = arith.constant 0 : i32
    %dma_start3A_35 = tpu.memref_slice %arg13[%dma_start3A_33, %dma_start3A_34] : memref<80x128xi32, #tpu.memory_space<vmem>> -> memref<1x128xi32, #tpu.memory_space<vmem>>
    %dma_start3A_36 = tpu.memref_squeeze %dma_start3A_35 : memref<1x128xi32, #tpu.memory_space<vmem>> -> memref<128xi32, #tpu.memory_space<vmem>>
    %dma_start3A_37 = arith.constant 0 : i32
    %dma_start3A_38 = arith.constant 0 : i32
    %dma_start3A_39 = tpu.memref_slice %arg2[%dma_start3A_37, %dma_start3A_38] : memref<10240x16xf32, #tpu.memory_space<hbm>> -> memref<10240x16xf32, #tpu.memory_space<hbm>>
    tpu.enqueue_indirect_dma source(%dma_start3A_39 : memref<10240x16xf32, #tpu.memory_space<hbm>>) target(%arg9 : memref<128x16xf32, #tpu.memory_space<vmem>>) offsets(%dma_start3A_36 : memref<128xi32, #tpu.memory_space<vmem>>) semaphore(%arg17 : memref<!tpu.dma_semaphore, #tpu.memory_space<semaphore_mem>>)
    %dma_start3A_40 = arith.constant 79 : i32
    %dma_start3A_41 = arith.constant 0 : i32
    %dma_start3A_42 = tpu.memref_slice %arg14[%dma_start3A_40, %dma_start3A_41] : memref<80x128xi32, #tpu.memory_space<vmem>> -> memref<1x128xi32, #tpu.memory_space<vmem>>
    %dma_start3A_43 = tpu.memref_squeeze %dma_start3A_42 : memref<1x128xi32, #tpu.memory_space<vmem>> -> memref<128xi32, #tpu.memory_space<vmem>>
    %dma_start3A_44 = arith.constant 0 : i32
    %dma_start3A_45 = arith.constant 0 : i32
    %dma_start3A_46 = tpu.memref_slice %arg3[%dma_start3A_44, %dma_start3A_45] : memref<10240x16xf32, #tpu.memory_space<hbm>> -> memref<10240x16xf32, #tpu.memory_space<hbm>>
    tpu.enqueue_indirect_dma source(%dma_start3A_46 : memref<10240x16xf32, #tpu.memory_space<hbm>>) target(%arg10 : memref<128x16xf32, #tpu.memory_space<vmem>>) offsets(%dma_start3A_43 : memref<128xi32, #tpu.memory_space<vmem>>) semaphore(%arg18 : memref<!tpu.dma_semaphore, #tpu.memory_space<semaphore_mem>>)
    %add3A_47 = arith.constant 9984 : i32
    %add3A_48 = arith.addi %mul3A_2, %add3A_47 : i32
    %jit3A = arith.constant 8 : i32
    %div3A = arith.divsi %add3A_48, %jit3A : i32
    %sign3A = arith.constant 0 : i32
    %sign3A_49 = arith.cmpi sgt, %add3A_48, %sign3A : i32
    %sign3A_50 = arith.extui %sign3A_49 : i1 to i32
    %sign3A_51 = arith.constant 0 : i32
    %sign3A_52 = arith.cmpi slt, %add3A_48, %sign3A_51 : i32
    %sign3A_53 = arith.extui %sign3A_52 : i1 to i32
    %sign3A_54 = arith.subi %sign3A_50, %sign3A_53 : i32
    %sign3A_55 = arith.constant 0 : i32
    %sign3A_56 = arith.cmpi sgt, %jit3A, %sign3A_55 : i32
    %sign3A_57 = arith.extui %sign3A_56 : i1 to i32
    %sign3A_58 = arith.constant 0 : i32
    %sign3A_59 = arith.cmpi slt, %jit3A, %sign3A_58 : i32
    %sign3A_60 = arith.extui %sign3A_59 : i1 to i32
    %sign3A_61 = arith.subi %sign3A_57, %sign3A_60 : i32
    %ne3A = arith.cmpi ne, %sign3A_54, %sign3A_61 : i32
    %rem3A = arith.remsi %add3A_48, %jit3A : i32
    %ne3A_62 = arith.constant 0 : i32
    %ne3A_63 = arith.cmpi ne, %rem3A, %ne3A_62 : i32
    %and3A = arith.andi %ne3A, %ne3A_63 : i1
    %sub3A = arith.constant 1 : i32
    %sub3A_64 = arith.subi %div3A, %sub3A : i32
    %select_n3A = arith.select %and3A, %sub3A_64, %div3A : i32
    %dma_wait3A_65 = arith.constant 0 : i32
    %dma_wait3A_66 = tpu.memref_slice %arg6[%select_n3A, %dma_wait3A_65] : memref<40960x128xf32, #tpu.memory_space<hbm>> -> memref<16x128xf32, #tpu.memory_space<hbm>>
    %dma_wait3A_67 = arith.constant 0 : i32
    %dma_wait3A_68 = tpu.memref_slice %arg6[%select_n3A, %dma_wait3A_67] : memref<40960x128xf32, #tpu.memory_space<hbm>> -> memref<16x128xf32, #tpu.memory_space<hbm>>
    tpu.wait_dma2 semaphore(%arg19 : memref<!tpu.dma_semaphore, #tpu.memory_space<semaphore_mem>>) src(%arg11 : memref<16x128xf32, #tpu.memory_space<vmem>>) dst(%dma_wait3A_68 : memref<16x128xf32, #tpu.memory_space<hbm>>)
    %scan3A_69 = arith.constant 0 : i32
    %scan3A_70 = arith.constant 16 : i32
    %scan3A_71 = arith.addi %scan3A_69, %scan3A_70 : i32
    %scan3A_72 = arith.constant 1 : i32
    scf.for %scan3A_243 = %scan3A_69 to %scan3A_71 step %scan3A_72  : i32 {
      %mul3A_244 = arith.constant 1 : i32
      %mul3A_245 = arith.muli %scan3A_243, %mul3A_244 : i32
      %add3A_246 = arith.constant 0 : i32
      %add3A_247 = arith.addi %add3A_246, %mul3A_245 : i32
      %mul3A_248 = arith.constant 8 : i32
      %mul3A_249 = arith.muli %mul3A_248, %add3A_247 : i32
      %add3A_250 = arith.constant 0 : i32
      %add3A_251 = arith.addi %mul3A_249, %add3A_250 : i32
      %get3A = arith.index_cast %add3A_251 : i32 to index
      %get3A_252 = arith.constant 0 : index
      %get3A_253 = tpu.vector_load %arg7[%get3A, %get3A_252] {strides = array<i32>} : memref<128x16xf32, #tpu.memory_space<vmem>>, vector<1x16xf32>,
      %get3A_254 = vector.shape_cast %get3A_253 : vector<1x16xf32> to vector<16xf32>
      %mul3A_255 = arith.constant 8 : i32
      %mul3A_256 = arith.muli %mul3A_255, %add3A_247 : i32
      %add3A_257 = arith.constant 0 : i32
      %add3A_258 = arith.addi %mul3A_256, %add3A_257 : i32
      %get3A_259 = arith.index_cast %add3A_258 : i32 to index
      %get3A_260 = arith.constant 0 : index
      %get3A_261 = tpu.vector_load %arg8[%get3A_259, %get3A_260] {strides = array<i32>} : memref<128x16xf32, #tpu.memory_space<vmem>>, vector<1x16xf32>,
      %get3A_262 = vector.shape_cast %get3A_261 : vector<1x16xf32> to vector<16xf32>
      %add3A_263 = arith.addf %get3A_254, %get3A_262 : vector<16xf32>
      %swap3A = arith.index_cast %add3A_247 : i32 to index
      %swap3A_264 = arith.constant 0 : index
      %swap3A_265 = tpu.vector_load %arg11[%swap3A, %swap3A_264] {strides = array<i32>} : memref<16x128xf32, #tpu.memory_space<vmem>>, vector<1x16xf32>,
      %swap3A_266 = vector.shape_cast %swap3A_265 : vector<1x16xf32> to vector<16xf32>
      %swap3A_267 = vector.shape_cast %add3A_263 : vector<16xf32> to vector<1x16xf32>
      tpu.vector_store %arg11[%swap3A, %swap3A_264], %swap3A_267 {strides = array<i32>} : memref<16x128xf32, #tpu.memory_space<vmem>>, vector<1x16xf32>,
      %mul3A_268 = arith.constant 8 : i32
      %mul3A_269 = arith.muli %mul3A_268, %add3A_247 : i32
      %add3A_270 = arith.constant 1 : i32
      %add3A_271 = arith.addi %mul3A_269, %add3A_270 : i32
      %get3A_272 = arith.index_cast %add3A_271 : i32 to index
      %get3A_273 = arith.constant 0 : index
      %get3A_274 = tpu.vector_load %arg7[%get3A_272, %get3A_273] {strides = array<i32>} : memref<128x16xf32, #tpu.memory_space<vmem>>, vector<1x16xf32>,
      %get3A_275 = vector.shape_cast %get3A_274 : vector<1x16xf32> to vector<16xf32>
      %mul3A_276 = arith.constant 8 : i32
      %mul3A_277 = arith.muli %mul3A_276, %add3A_247 : i32
      %add3A_278 = arith.constant 1 : i32
      %add3A_279 = arith.addi %mul3A_277, %add3A_278 : i32
      %get3A_280 = arith.index_cast %add3A_279 : i32 to index
      %get3A_281 = arith.constant 0 : index
      %get3A_282 = tpu.vector_load %arg8[%get3A_280, %get3A_281] {strides = array<i32>} : memref<128x16xf32, #tpu.memory_space<vmem>>, vector<1x16xf32>,
      %get3A_283 = vector.shape_cast %get3A_282 : vector<1x16xf32> to vector<16xf32>
      %add3A_284 = arith.addf %get3A_275, %get3A_283 : vector<16xf32>
      %swap3A_285 = arith.index_cast %add3A_247 : i32 to index
      %swap3A_286 = arith.constant 16 : index
      %swap3A_287 = tpu.vector_load %arg11[%swap3A_285, %swap3A_286] {strides = array<i32>} : memref<16x128xf32, #tpu.memory_space<vmem>>, vector<1x16xf32>,
      %swap3A_288 = vector.shape_cast %swap3A_287 : vector<1x16xf32> to vector<16xf32>
      %swap3A_289 = vector.shape_cast %add3A_284 : vector<16xf32> to vector<1x16xf32>
      tpu.vector_store %arg11[%swap3A_285, %swap3A_286], %swap3A_289 {strides = array<i32>} : memref<16x128xf32, #tpu.memory_space<vmem>>, vector<1x16xf32>,
      %mul3A_290 = arith.constant 8 : i32
      %mul3A_291 = arith.muli %mul3A_290, %add3A_247 : i32
      %add3A_292 = arith.constant 2 : i32
      %add3A_293 = arith.addi %mul3A_291, %add3A_292 : i32
      %get3A_294 = arith.index_cast %add3A_293 : i32 to index
      %get3A_295 = arith.constant 0 : index
      %get3A_296 = tpu.vector_load %arg7[%get3A_294, %get3A_295] {strides = array<i32>} : memref<128x16xf32, #tpu.memory_space<vmem>>, vector<1x16xf32>,
      %get3A_297 = vector.shape_cast %get3A_296 : vector<1x16xf32> to vector<16xf32>
      %mul3A_298 = arith.constant 8 : i32
      %mul3A_299 = arith.muli %mul3A_298, %add3A_247 : i32
      %add3A_300 = arith.constant 2 : i32
      %add3A_301 = arith.addi %mul3A_299, %add3A_300 : i32
      %get3A_302 = arith.index_cast %add3A_301 : i32 to index
      %get3A_303 = arith.constant 0 : index
      %get3A_304 = tpu.vector_load %arg8[%get3A_302, %get3A_303] {strides = array<i32>} : memref<128x16xf32, #tpu.memory_space<vmem>>, vector<1x16xf32>,
      %get3A_305 = vector.shape_cast %get3A_304 : vector<1x16xf32> to vector<16xf32>
      %add3A_306 = arith.addf %get3A_297, %get3A_305 : vector<16xf32>
      %swap3A_307 = arith.index_cast %add3A_247 : i32 to index
      %swap3A_308 = arith.constant 32 : index
      %swap3A_309 = tpu.vector_load %arg11[%swap3A_307, %swap3A_308] {strides = array<i32>} : memref<16x128xf32, #tpu.memory_space<vmem>>, vector<1x16xf32>,
      %swap3A_310 = vector.shape_cast %swap3A_309 : vector<1x16xf32> to vector<16xf32>
      %swap3A_311 = vector.shape_cast %add3A_306 : vector<16xf32> to vector<1x16xf32>
      tpu.vector_store %arg11[%swap3A_307, %swap3A_308], %swap3A_311 {strides = array<i32>} : memref<16x128xf32, #tpu.memory_space<vmem>>, vector<1x16xf32>,
      %mul3A_312 = arith.constant 8 : i32
      %mul3A_313 = arith.muli %mul3A_312, %add3A_247 : i32
      %add3A_314 = arith.constant 3 : i32
      %add3A_315 = arith.addi %mul3A_313, %add3A_314 : i32
      %get3A_316 = arith.index_cast %add3A_315 : i32 to index
      %get3A_317 = arith.constant 0 : index
      %get3A_318 = tpu.vector_load %arg7[%get3A_316, %get3A_317] {strides = array<i32>} : memref<128x16xf32, #tpu.memory_space<vmem>>, vector<1x16xf32>,
      %get3A_319 = vector.shape_cast %get3A_318 : vector<1x16xf32> to vector<16xf32>
      %mul3A_320 = arith.constant 8 : i32
      %mul3A_321 = arith.muli %mul3A_320, %add3A_247 : i32
      %add3A_322 = arith.constant 3 : i32
      %add3A_323 = arith.addi %mul3A_321, %add3A_322 : i32
      %get3A_324 = arith.index_cast %add3A_323 : i32 to index
      %get3A_325 = arith.constant 0 : index
      %get3A_326 = tpu.vector_load %arg8[%get3A_324, %get3A_325] {strides = array<i32>} : memref<128x16xf32, #tpu.memory_space<vmem>>, vector<1x16xf32>,
      %get3A_327 = vector.shape_cast %get3A_326 : vector<1x16xf32> to vector<16xf32>
      %add3A_328 = arith.addf %get3A_319, %get3A_327 : vector<16xf32>
      %swap3A_329 = arith.index_cast %add3A_247 : i32 to index
      %swap3A_330 = arith.constant 48 : index
      %swap3A_331 = tpu.vector_load %arg11[%swap3A_329, %swap3A_330] {strides = array<i32>} : memref<16x128xf32, #tpu.memory_space<vmem>>, vector<1x16xf32>,
      %swap3A_332 = vector.shape_cast %swap3A_331 : vector<1x16xf32> to vector<16xf32>
      %swap3A_333 = vector.shape_cast %add3A_328 : vector<16xf32> to vector<1x16xf32>
      tpu.vector_store %arg11[%swap3A_329, %swap3A_330], %swap3A_333 {strides = array<i32>} : memref<16x128xf32, #tpu.memory_space<vmem>>, vector<1x16xf32>,
      %mul3A_334 = arith.constant 8 : i32
      %mul3A_335 = arith.muli %mul3A_334, %add3A_247 : i32
      %add3A_336 = arith.constant 4 : i32
      %add3A_337 = arith.addi %mul3A_335, %add3A_336 : i32
      %get3A_338 = arith.index_cast %add3A_337 : i32 to index
      %get3A_339 = arith.constant 0 : index
      %get3A_340 = tpu.vector_load %arg7[%get3A_338, %get3A_339] {strides = array<i32>} : memref<128x16xf32, #tpu.memory_space<vmem>>, vector<1x16xf32>,
      %get3A_341 = vector.shape_cast %get3A_340 : vector<1x16xf32> to vector<16xf32>
      %mul3A_342 = arith.constant 8 : i32
      %mul3A_343 = arith.muli %mul3A_342, %add3A_247 : i32
      %add3A_344 = arith.constant 4 : i32
      %add3A_345 = arith.addi %mul3A_343, %add3A_344 : i32
      %get3A_346 = arith.index_cast %add3A_345 : i32 to index
      %get3A_347 = arith.constant 0 : index
      %get3A_348 = tpu.vector_load %arg8[%get3A_346, %get3A_347] {strides = array<i32>} : memref<128x16xf32, #tpu.memory_space<vmem>>, vector<1x16xf32>,
      %get3A_349 = vector.shape_cast %get3A_348 : vector<1x16xf32> to vector<16xf32>
      %add3A_350 = arith.addf %get3A_341, %get3A_349 : vector<16xf32>
      %swap3A_351 = arith.index_cast %add3A_247 : i32 to index
      %swap3A_352 = arith.constant 64 : index
      %swap3A_353 = tpu.vector_load %arg11[%swap3A_351, %swap3A_352] {strides = array<i32>} : memref<16x128xf32, #tpu.memory_space<vmem>>, vector<1x16xf32>,
      %swap3A_354 = vector.shape_cast %swap3A_353 : vector<1x16xf32> to vector<16xf32>
      %swap3A_355 = vector.shape_cast %add3A_350 : vector<16xf32> to vector<1x16xf32>
      tpu.vector_store %arg11[%swap3A_351, %swap3A_352], %swap3A_355 {strides = array<i32>} : memref<16x128xf32, #tpu.memory_space<vmem>>, vector<1x16xf32>,
      %mul3A_356 = arith.constant 8 : i32
      %mul3A_357 = arith.muli %mul3A_356, %add3A_247 : i32
      %add3A_358 = arith.constant 5 : i32
      %add3A_359 = arith.addi %mul3A_357, %add3A_358 : i32
      %get3A_360 = arith.index_cast %add3A_359 : i32 to index
      %get3A_361 = arith.constant 0 : index
      %get3A_362 = tpu.vector_load %arg7[%get3A_360, %get3A_361] {strides = array<i32>} : memref<128x16xf32, #tpu.memory_space<vmem>>, vector<1x16xf32>,
      %get3A_363 = vector.shape_cast %get3A_362 : vector<1x16xf32> to vector<16xf32>
      %mul3A_364 = arith.constant 8 : i32
      %mul3A_365 = arith.muli %mul3A_364, %add3A_247 : i32
      %add3A_366 = arith.constant 5 : i32
      %add3A_367 = arith.addi %mul3A_365, %add3A_366 : i32
      %get3A_368 = arith.index_cast %add3A_367 : i32 to index
      %get3A_369 = arith.constant 0 : index
      %get3A_370 = tpu.vector_load %arg8[%get3A_368, %get3A_369] {strides = array<i32>} : memref<128x16xf32, #tpu.memory_space<vmem>>, vector<1x16xf32>,
      %get3A_371 = vector.shape_cast %get3A_370 : vector<1x16xf32> to vector<16xf32>
      %add3A_372 = arith.addf %get3A_363, %get3A_371 : vector<16xf32>
      %swap3A_373 = arith.index_cast %add3A_247 : i32 to index
      %swap3A_374 = arith.constant 80 : index
      %swap3A_375 = tpu.vector_load %arg11[%swap3A_373, %swap3A_374] {strides = array<i32>} : memref<16x128xf32, #tpu.memory_space<vmem>>, vector<1x16xf32>,
      %swap3A_376 = vector.shape_cast %swap3A_375 : vector<1x16xf32> to vector<16xf32>
      %swap3A_377 = vector.shape_cast %add3A_372 : vector<16xf32> to vector<1x16xf32>
      tpu.vector_store %arg11[%swap3A_373, %swap3A_374], %swap3A_377 {strides = array<i32>} : memref<16x128xf32, #tpu.memory_space<vmem>>, vector<1x16xf32>,
      %mul3A_378 = arith.constant 8 : i32
      %mul3A_379 = arith.muli %mul3A_378, %add3A_247 : i32
      %add3A_380 = arith.constant 6 : i32
      %add3A_381 = arith.addi %mul3A_379, %add3A_380 : i32
      %get3A_382 = arith.index_cast %add3A_381 : i32 to index
      %get3A_383 = arith.constant 0 : index
      %get3A_384 = tpu.vector_load %arg7[%get3A_382, %get3A_383] {strides = array<i32>} : memref<128x16xf32, #tpu.memory_space<vmem>>, vector<1x16xf32>,
      %get3A_385 = vector.shape_cast %get3A_384 : vector<1x16xf32> to vector<16xf32>
      %mul3A_386 = arith.constant 8 : i32
      %mul3A_387 = arith.muli %mul3A_386, %add3A_247 : i32
      %add3A_388 = arith.constant 6 : i32
      %add3A_389 = arith.addi %mul3A_387, %add3A_388 : i32
      %get3A_390 = arith.index_cast %add3A_389 : i32 to index
      %get3A_391 = arith.constant 0 : index
      %get3A_392 = tpu.vector_load %arg8[%get3A_390, %get3A_391] {strides = array<i32>} : memref<128x16xf32, #tpu.memory_space<vmem>>, vector<1x16xf32>,
      %get3A_393 = vector.shape_cast %get3A_392 : vector<1x16xf32> to vector<16xf32>
      %add3A_394 = arith.addf %get3A_385, %get3A_393 : vector<16xf32>
      %swap3A_395 = arith.index_cast %add3A_247 : i32 to index
      %swap3A_396 = arith.constant 96 : index
      %swap3A_397 = tpu.vector_load %arg11[%swap3A_395, %swap3A_396] {strides = array<i32>} : memref<16x128xf32, #tpu.memory_space<vmem>>, vector<1x16xf32>,
      %swap3A_398 = vector.shape_cast %swap3A_397 : vector<1x16xf32> to vector<16xf32>
      %swap3A_399 = vector.shape_cast %add3A_394 : vector<16xf32> to vector<1x16xf32>
      tpu.vector_store %arg11[%swap3A_395, %swap3A_396], %swap3A_399 {strides = array<i32>} : memref<16x128xf32, #tpu.memory_space<vmem>>, vector<1x16xf32>,
      %mul3A_400 = arith.constant 8 : i32
      %mul3A_401 = arith.muli %mul3A_400, %add3A_247 : i32
      %add3A_402 = arith.constant 7 : i32
      %add3A_403 = arith.addi %mul3A_401, %add3A_402 : i32
      %get3A_404 = arith.index_cast %add3A_403 : i32 to index
      %get3A_405 = arith.constant 0 : index
      %get3A_406 = tpu.vector_load %arg7[%get3A_404, %get3A_405] {strides = array<i32>} : memref<128x16xf32, #tpu.memory_space<vmem>>, vector<1x16xf32>,
      %get3A_407 = vector.shape_cast %get3A_406 : vector<1x16xf32> to vector<16xf32>
      %mul3A_408 = arith.constant 8 : i32
      %mul3A_409 = arith.muli %mul3A_408, %add3A_247 : i32
      %add3A_410 = arith.constant 7 : i32
      %add3A_411 = arith.addi %mul3A_409, %add3A_410 : i32
      %get3A_412 = arith.index_cast %add3A_411 : i32 to index
      %get3A_413 = arith.constant 0 : index
      %get3A_414 = tpu.vector_load %arg8[%get3A_412, %get3A_413] {strides = array<i32>} : memref<128x16xf32, #tpu.memory_space<vmem>>, vector<1x16xf32>,
      %get3A_415 = vector.shape_cast %get3A_414 : vector<1x16xf32> to vector<16xf32>
      %add3A_416 = arith.addf %get3A_407, %get3A_415 : vector<16xf32>
      %swap3A_417 = arith.index_cast %add3A_247 : i32 to index
      %swap3A_418 = arith.constant 112 : index
      %swap3A_419 = tpu.vector_load %arg11[%swap3A_417, %swap3A_418] {strides = array<i32>} : memref<16x128xf32, #tpu.memory_space<vmem>>, vector<1x16xf32>,
      %swap3A_420 = vector.shape_cast %swap3A_419 : vector<1x16xf32> to vector<16xf32>
      %swap3A_421 = vector.shape_cast %add3A_416 : vector<16xf32> to vector<1x16xf32>
      tpu.vector_store %arg11[%swap3A_417, %swap3A_418], %swap3A_421 {strides = array<i32>} : memref<16x128xf32, #tpu.memory_space<vmem>>, vector<1x16xf32>,
    }
    %scan3A_73 = arith.constant 16 : i32
    %add3A_74 = arith.constant 9984 : i32
    %add3A_75 = arith.addi %mul3A_2, %add3A_74 : i32
    %jit3A_76 = arith.constant 8 : i32
    %div3A_77 = arith.divsi %add3A_75, %jit3A_76 : i32
    %sign3A_78 = arith.constant 0 : i32
    %sign3A_79 = arith.cmpi sgt, %add3A_75, %sign3A_78 : i32
    %sign3A_80 = arith.extui %sign3A_79 : i1 to i32
    %sign3A_81 = arith.constant 0 : i32
    %sign3A_82 = arith.cmpi slt, %add3A_75, %sign3A_81 : i32
    %sign3A_83 = arith.extui %sign3A_82 : i1 to i32
    %sign3A_84 = arith.subi %sign3A_80, %sign3A_83 : i32
    %sign3A_85 = arith.constant 0 : i32
    %sign3A_86 = arith.cmpi sgt, %jit3A_76, %sign3A_85 : i32
    %sign3A_87 = arith.extui %sign3A_86 : i1 to i32
    %sign3A_88 = arith.constant 0 : i32
    %sign3A_89 = arith.cmpi slt, %jit3A_76, %sign3A_88 : i32
    %sign3A_90 = arith.extui %sign3A_89 : i1 to i32
    %sign3A_91 = arith.subi %sign3A_87, %sign3A_90 : i32
    %ne3A_92 = arith.cmpi ne, %sign3A_84, %sign3A_91 : i32
    %rem3A_93 = arith.remsi %add3A_75, %jit3A_76 : i32
    %ne3A_94 = arith.constant 0 : i32
    %ne3A_95 = arith.cmpi ne, %rem3A_93, %ne3A_94 : i32
    %and3A_96 = arith.andi %ne3A_92, %ne3A_95 : i1
    %sub3A_97 = arith.constant 1 : i32
    %sub3A_98 = arith.subi %div3A_77, %sub3A_97 : i32
    %select_n3A_99 = arith.select %and3A_96, %sub3A_98, %div3A_77 : i32
    %dma_start3A_100 = arith.constant 0 : i32
    %dma_start3A_101 = tpu.memref_slice %arg6[%select_n3A_99, %dma_start3A_100] : memref<40960x128xf32, #tpu.memory_space<hbm>> -> memref<16x128xf32, #tpu.memory_space<hbm>>
    %dma_start3A_102 = arith.constant 0 : i32
    %dma_start3A_103 = tpu.memref_slice %arg6[%select_n3A_99, %dma_start3A_102] : memref<40960x128xf32, #tpu.memory_space<hbm>> -> memref<16x128xf32, #tpu.memory_space<hbm>>
    tpu.enqueue_dma source(%arg11 : memref<16x128xf32, #tpu.memory_space<vmem>>) target(%dma_start3A_103 : memref<16x128xf32, #tpu.memory_space<hbm>>) target_semaphore(%arg19 : memref<!tpu.dma_semaphore, #tpu.memory_space<semaphore_mem>>)
    %dma_wait3A_104 = arith.constant 79 : i32
    %dma_wait3A_105 = arith.constant 0 : i32
    %dma_wait3A_106 = tpu.memref_slice %arg13[%dma_wait3A_104, %dma_wait3A_105] : memref<80x128xi32, #tpu.memory_space<vmem>> -> memref<1x128xi32, #tpu.memory_space<vmem>>
    %dma_wait3A_107 = tpu.memref_squeeze %dma_wait3A_106 : memref<1x128xi32, #tpu.memory_space<vmem>> -> memref<128xi32, #tpu.memory_space<vmem>>
    %dma_wait3A_108 = arith.constant 0 : i32
    %dma_wait3A_109 = arith.constant 0 : i32
    %dma_wait3A_110 = tpu.memref_slice %arg2[%dma_wait3A_108, %dma_wait3A_109] : memref<10240x16xf32, #tpu.memory_space<hbm>> -> memref<10240x16xf32, #tpu.memory_space<hbm>>
    tpu.wait_indirect_dma semaphore(%arg17 : memref<!tpu.dma_semaphore, #tpu.memory_space<semaphore_mem>>) src(%dma_wait3A_110 : memref<10240x16xf32, #tpu.memory_space<hbm>>) dst(%arg9 : memref<128x16xf32, #tpu.memory_space<vmem>>)
    %dma_wait3A_111 = arith.constant 79 : i32
    %dma_wait3A_112 = arith.constant 0 : i32
    %dma_wait3A_113 = tpu.memref_slice %arg14[%dma_wait3A_111, %dma_wait3A_112] : memref<80x128xi32, #tpu.memory_space<vmem>> -> memref<1x128xi32, #tpu.memory_space<vmem>>
    %dma_wait3A_114 = tpu.memref_squeeze %dma_wait3A_113 : memref<1x128xi32, #tpu.memory_space<vmem>> -> memref<128xi32, #tpu.memory_space<vmem>>
    %dma_wait3A_115 = arith.constant 0 : i32
    %dma_wait3A_116 = arith.constant 0 : i32
    %dma_wait3A_117 = tpu.memref_slice %arg3[%dma_wait3A_115, %dma_wait3A_116] : memref<10240x16xf32, #tpu.memory_space<hbm>> -> memref<10240x16xf32, #tpu.memory_space<hbm>>
    tpu.wait_indirect_dma semaphore(%arg18 : memref<!tpu.dma_semaphore, #tpu.memory_space<semaphore_mem>>) src(%dma_wait3A_117 : memref<10240x16xf32, #tpu.memory_space<hbm>>) dst(%arg10 : memref<128x16xf32, #tpu.memory_space<vmem>>)
    %add3A_118 = arith.constant 10112 : i32
    %add3A_119 = arith.addi %mul3A_2, %add3A_118 : i32
    %jit3A_120 = arith.constant 8 : i32
    %div3A_121 = arith.divsi %add3A_119, %jit3A_120 : i32
    %sign3A_122 = arith.constant 0 : i32
    %sign3A_123 = arith.cmpi sgt, %add3A_119, %sign3A_122 : i32
    %sign3A_124 = arith.extui %sign3A_123 : i1 to i32
    %sign3A_125 = arith.constant 0 : i32
    %sign3A_126 = arith.cmpi slt, %add3A_119, %sign3A_125 : i32
    %sign3A_127 = arith.extui %sign3A_126 : i1 to i32
    %sign3A_128 = arith.subi %sign3A_124, %sign3A_127 : i32
    %sign3A_129 = arith.constant 0 : i32
    %sign3A_130 = arith.cmpi sgt, %jit3A_120, %sign3A_129 : i32
    %sign3A_131 = arith.extui %sign3A_130 : i1 to i32
    %sign3A_132 = arith.constant 0 : i32
    %sign3A_133 = arith.cmpi slt, %jit3A_120, %sign3A_132 : i32
    %sign3A_134 = arith.extui %sign3A_133 : i1 to i32
    %sign3A_135 = arith.subi %sign3A_131, %sign3A_134 : i32
    %ne3A_136 = arith.cmpi ne, %sign3A_128, %sign3A_135 : i32
    %rem3A_137 = arith.remsi %add3A_119, %jit3A_120 : i32
    %ne3A_138 = arith.constant 0 : i32
    %ne3A_139 = arith.cmpi ne, %rem3A_137, %ne3A_138 : i32
    %and3A_140 = arith.andi %ne3A_136, %ne3A_139 : i1
    %sub3A_141 = arith.constant 1 : i32
    %sub3A_142 = arith.subi %div3A_121, %sub3A_141 : i32
    %select_n3A_143 = arith.select %and3A_140, %sub3A_142, %div3A_121 : i32
    %dma_wait3A_144 = arith.constant 0 : i32
    %dma_wait3A_145 = tpu.memref_slice %arg6[%select_n3A_143, %dma_wait3A_144] : memref<40960x128xf32, #tpu.memory_space<hbm>> -> memref<16x128xf32, #tpu.memory_space<hbm>>
    %dma_wait3A_146 = arith.constant 0 : i32
    %dma_wait3A_147 = tpu.memref_slice %arg6[%select_n3A_143, %dma_wait3A_146] : memref<40960x128xf32, #tpu.memory_space<hbm>> -> memref<16x128xf32, #tpu.memory_space<hbm>>
    tpu.wait_dma2 semaphore(%arg20 : memref<!tpu.dma_semaphore, #tpu.memory_space<semaphore_mem>>) src(%arg12 : memref<16x128xf32, #tpu.memory_space<vmem>>) dst(%dma_wait3A_147 : memref<16x128xf32, #tpu.memory_space<hbm>>)
    %scan3A_148 = arith.constant 0 : i32
    %scan3A_149 = arith.constant 16 : i32
    %scan3A_150 = arith.addi %scan3A_148, %scan3A_149 : i32
    %scan3A_151 = arith.constant 1 : i32
    scf.for %scan3A_243 = %scan3A_148 to %scan3A_150 step %scan3A_151  : i32 {
      %mul3A_244 = arith.constant 1 : i32
      %mul3A_245 = arith.muli %scan3A_243, %mul3A_244 : i32
      %add3A_246 = arith.constant 0 : i32
      %add3A_247 = arith.addi %add3A_246, %mul3A_245 : i32
      %mul3A_248 = arith.constant 8 : i32
      %mul3A_249 = arith.muli %mul3A_248, %add3A_247 : i32
      %add3A_250 = arith.constant 0 : i32
      %add3A_251 = arith.addi %mul3A_249, %add3A_250 : i32
      %get3A = arith.index_cast %add3A_251 : i32 to index
      %get3A_252 = arith.constant 0 : index
      %get3A_253 = tpu.vector_load %arg9[%get3A, %get3A_252] {strides = array<i32>} : memref<128x16xf32, #tpu.memory_space<vmem>>, vector<1x16xf32>,
      %get3A_254 = vector.shape_cast %get3A_253 : vector<1x16xf32> to vector<16xf32>
      %mul3A_255 = arith.constant 8 : i32
      %mul3A_256 = arith.muli %mul3A_255, %add3A_247 : i32
      %add3A_257 = arith.constant 0 : i32
      %add3A_258 = arith.addi %mul3A_256, %add3A_257 : i32
      %get3A_259 = arith.index_cast %add3A_258 : i32 to index
      %get3A_260 = arith.constant 0 : index
      %get3A_261 = tpu.vector_load %arg10[%get3A_259, %get3A_260] {strides = array<i32>} : memref<128x16xf32, #tpu.memory_space<vmem>>, vector<1x16xf32>,
      %get3A_262 = vector.shape_cast %get3A_261 : vector<1x16xf32> to vector<16xf32>
      %add3A_263 = arith.addf %get3A_254, %get3A_262 : vector<16xf32>
      %swap3A = arith.index_cast %add3A_247 : i32 to index
      %swap3A_264 = arith.constant 0 : index
      %swap3A_265 = tpu.vector_load %arg12[%swap3A, %swap3A_264] {strides = array<i32>} : memref<16x128xf32, #tpu.memory_space<vmem>>, vector<1x16xf32>,
      %swap3A_266 = vector.shape_cast %swap3A_265 : vector<1x16xf32> to vector<16xf32>
      %swap3A_267 = vector.shape_cast %add3A_263 : vector<16xf32> to vector<1x16xf32>
      tpu.vector_store %arg12[%swap3A, %swap3A_264], %swap3A_267 {strides = array<i32>} : memref<16x128xf32, #tpu.memory_space<vmem>>, vector<1x16xf32>,
      %mul3A_268 = arith.constant 8 : i32
      %mul3A_269 = arith.muli %mul3A_268, %add3A_247 : i32
      %add3A_270 = arith.constant 1 : i32
      %add3A_271 = arith.addi %mul3A_269, %add3A_270 : i32
      %get3A_272 = arith.index_cast %add3A_271 : i32 to index
      %get3A_273 = arith.constant 0 : index
      %get3A_274 = tpu.vector_load %arg9[%get3A_272, %get3A_273] {strides = array<i32>} : memref<128x16xf32, #tpu.memory_space<vmem>>, vector<1x16xf32>,
      %get3A_275 = vector.shape_cast %get3A_274 : vector<1x16xf32> to vector<16xf32>
      %mul3A_276 = arith.constant 8 : i32
      %mul3A_277 = arith.muli %mul3A_276, %add3A_247 : i32
      %add3A_278 = arith.constant 1 : i32
      %add3A_279 = arith.addi %mul3A_277, %add3A_278 : i32
      %get3A_280 = arith.index_cast %add3A_279 : i32 to index
      %get3A_281 = arith.constant 0 : index
      %get3A_282 = tpu.vector_load %arg10[%get3A_280, %get3A_281] {strides = array<i32>} : memref<128x16xf32, #tpu.memory_space<vmem>>, vector<1x16xf32>,
      %get3A_283 = vector.shape_cast %get3A_282 : vector<1x16xf32> to vector<16xf32>
      %add3A_284 = arith.addf %get3A_275, %get3A_283 : vector<16xf32>
      %swap3A_285 = arith.index_cast %add3A_247 : i32 to index
      %swap3A_286 = arith.constant 16 : index
      %swap3A_287 = tpu.vector_load %arg12[%swap3A_285, %swap3A_286] {strides = array<i32>} : memref<16x128xf32, #tpu.memory_space<vmem>>, vector<1x16xf32>,
      %swap3A_288 = vector.shape_cast %swap3A_287 : vector<1x16xf32> to vector<16xf32>
      %swap3A_289 = vector.shape_cast %add3A_284 : vector<16xf32> to vector<1x16xf32>
      tpu.vector_store %arg12[%swap3A_285, %swap3A_286], %swap3A_289 {strides = array<i32>} : memref<16x128xf32, #tpu.memory_space<vmem>>, vector<1x16xf32>,
      %mul3A_290 = arith.constant 8 : i32
      %mul3A_291 = arith.muli %mul3A_290, %add3A_247 : i32
      %add3A_292 = arith.constant 2 : i32
      %add3A_293 = arith.addi %mul3A_291, %add3A_292 : i32
      %get3A_294 = arith.index_cast %add3A_293 : i32 to index
      %get3A_295 = arith.constant 0 : index
      %get3A_296 = tpu.vector_load %arg9[%get3A_294, %get3A_295] {strides = array<i32>} : memref<128x16xf32, #tpu.memory_space<vmem>>, vector<1x16xf32>,
      %get3A_297 = vector.shape_cast %get3A_296 : vector<1x16xf32> to vector<16xf32>
      %mul3A_298 = arith.constant 8 : i32
      %mul3A_299 = arith.muli %mul3A_298, %add3A_247 : i32
      %add3A_300 = arith.constant 2 : i32
      %add3A_301 = arith.addi %mul3A_299, %add3A_300 : i32
      %get3A_302 = arith.index_cast %add3A_301 : i32 to index
      %get3A_303 = arith.constant 0 : index
      %get3A_304 = tpu.vector_load %arg10[%get3A_302, %get3A_303] {strides = array<i32>} : memref<128x16xf32, #tpu.memory_space<vmem>>, vector<1x16xf32>,
      %get3A_305 = vector.shape_cast %get3A_304 : vector<1x16xf32> to vector<16xf32>
      %add3A_306 = arith.addf %get3A_297, %get3A_305 : vector<16xf32>
      %swap3A_307 = arith.index_cast %add3A_247 : i32 to index
      %swap3A_308 = arith.constant 32 : index
      %swap3A_309 = tpu.vector_load %arg12[%swap3A_307, %swap3A_308] {strides = array<i32>} : memref<16x128xf32, #tpu.memory_space<vmem>>, vector<1x16xf32>,
      %swap3A_310 = vector.shape_cast %swap3A_309 : vector<1x16xf32> to vector<16xf32>
      %swap3A_311 = vector.shape_cast %add3A_306 : vector<16xf32> to vector<1x16xf32>
      tpu.vector_store %arg12[%swap3A_307, %swap3A_308], %swap3A_311 {strides = array<i32>} : memref<16x128xf32, #tpu.memory_space<vmem>>, vector<1x16xf32>,
      %mul3A_312 = arith.constant 8 : i32
      %mul3A_313 = arith.muli %mul3A_312, %add3A_247 : i32
      %add3A_314 = arith.constant 3 : i32
      %add3A_315 = arith.addi %mul3A_313, %add3A_314 : i32
      %get3A_316 = arith.index_cast %add3A_315 : i32 to index
      %get3A_317 = arith.constant 0 : index
      %get3A_318 = tpu.vector_load %arg9[%get3A_316, %get3A_317] {strides = array<i32>} : memref<128x16xf32, #tpu.memory_space<vmem>>, vector<1x16xf32>,
      %get3A_319 = vector.shape_cast %get3A_318 : vector<1x16xf32> to vector<16xf32>
      %mul3A_320 = arith.constant 8 : i32
      %mul3A_321 = arith.muli %mul3A_320, %add3A_247 : i32
      %add3A_322 = arith.constant 3 : i32
      %add3A_323 = arith.addi %mul3A_321, %add3A_322 : i32
      %get3A_324 = arith.index_cast %add3A_323 : i32 to index
      %get3A_325 = arith.constant 0 : index
      %get3A_326 = tpu.vector_load %arg10[%get3A_324, %get3A_325] {strides = array<i32>} : memref<128x16xf32, #tpu.memory_space<vmem>>, vector<1x16xf32>,
      %get3A_327 = vector.shape_cast %get3A_326 : vector<1x16xf32> to vector<16xf32>
      %add3A_328 = arith.addf %get3A_319, %get3A_327 : vector<16xf32>
      %swap3A_329 = arith.index_cast %add3A_247 : i32 to index
      %swap3A_330 = arith.constant 48 : index
      %swap3A_331 = tpu.vector_load %arg12[%swap3A_329, %swap3A_330] {strides = array<i32>} : memref<16x128xf32, #tpu.memory_space<vmem>>, vector<1x16xf32>,
      %swap3A_332 = vector.shape_cast %swap3A_331 : vector<1x16xf32> to vector<16xf32>
      %swap3A_333 = vector.shape_cast %add3A_328 : vector<16xf32> to vector<1x16xf32>
      tpu.vector_store %arg12[%swap3A_329, %swap3A_330], %swap3A_333 {strides = array<i32>} : memref<16x128xf32, #tpu.memory_space<vmem>>, vector<1x16xf32>,
      %mul3A_334 = arith.constant 8 : i32
      %mul3A_335 = arith.muli %mul3A_334, %add3A_247 : i32
      %add3A_336 = arith.constant 4 : i32
      %add3A_337 = arith.addi %mul3A_335, %add3A_336 : i32
      %get3A_338 = arith.index_cast %add3A_337 : i32 to index
      %get3A_339 = arith.constant 0 : index
      %get3A_340 = tpu.vector_load %arg9[%get3A_338, %get3A_339] {strides = array<i32>} : memref<128x16xf32, #tpu.memory_space<vmem>>, vector<1x16xf32>,
      %get3A_341 = vector.shape_cast %get3A_340 : vector<1x16xf32> to vector<16xf32>
      %mul3A_342 = arith.constant 8 : i32
      %mul3A_343 = arith.muli %mul3A_342, %add3A_247 : i32
      %add3A_344 = arith.constant 4 : i32
      %add3A_345 = arith.addi %mul3A_343, %add3A_344 : i32
      %get3A_346 = arith.index_cast %add3A_345 : i32 to index
      %get3A_347 = arith.constant 0 : index
      %get3A_348 = tpu.vector_load %arg10[%get3A_346, %get3A_347] {strides = array<i32>} : memref<128x16xf32, #tpu.memory_space<vmem>>, vector<1x16xf32>,
      %get3A_349 = vector.shape_cast %get3A_348 : vector<1x16xf32> to vector<16xf32>
      %add3A_350 = arith.addf %get3A_341, %get3A_349 : vector<16xf32>
      %swap3A_351 = arith.index_cast %add3A_247 : i32 to index
      %swap3A_352 = arith.constant 64 : index
      %swap3A_353 = tpu.vector_load %arg12[%swap3A_351, %swap3A_352] {strides = array<i32>} : memref<16x128xf32, #tpu.memory_space<vmem>>, vector<1x16xf32>,
      %swap3A_354 = vector.shape_cast %swap3A_353 : vector<1x16xf32> to vector<16xf32>
      %swap3A_355 = vector.shape_cast %add3A_350 : vector<16xf32> to vector<1x16xf32>
      tpu.vector_store %arg12[%swap3A_351, %swap3A_352], %swap3A_355 {strides = array<i32>} : memref<16x128xf32, #tpu.memory_space<vmem>>, vector<1x16xf32>,
      %mul3A_356 = arith.constant 8 : i32
      %mul3A_357 = arith.muli %mul3A_356, %add3A_247 : i32
      %add3A_358 = arith.constant 5 : i32
      %add3A_359 = arith.addi %mul3A_357, %add3A_358 : i32
      %get3A_360 = arith.index_cast %add3A_359 : i32 to index
      %get3A_361 = arith.constant 0 : index
      %get3A_362 = tpu.vector_load %arg9[%get3A_360, %get3A_361] {strides = array<i32>} : memref<128x16xf32, #tpu.memory_space<vmem>>, vector<1x16xf32>,
      %get3A_363 = vector.shape_cast %get3A_362 : vector<1x16xf32> to vector<16xf32>
      %mul3A_364 = arith.constant 8 : i32
      %mul3A_365 = arith.muli %mul3A_364, %add3A_247 : i32
      %add3A_366 = arith.constant 5 : i32
      %add3A_367 = arith.addi %mul3A_365, %add3A_366 : i32
      %get3A_368 = arith.index_cast %add3A_367 : i32 to index
      %get3A_369 = arith.constant 0 : index
      %get3A_370 = tpu.vector_load %arg10[%get3A_368, %get3A_369] {strides = array<i32>} : memref<128x16xf32, #tpu.memory_space<vmem>>, vector<1x16xf32>,
      %get3A_371 = vector.shape_cast %get3A_370 : vector<1x16xf32> to vector<16xf32>
      %add3A_372 = arith.addf %get3A_363, %get3A_371 : vector<16xf32>
      %swap3A_373 = arith.index_cast %add3A_247 : i32 to index
      %swap3A_374 = arith.constant 80 : index
      %swap3A_375 = tpu.vector_load %arg12[%swap3A_373, %swap3A_374] {strides = array<i32>} : memref<16x128xf32, #tpu.memory_space<vmem>>, vector<1x16xf32>,
      %swap3A_376 = vector.shape_cast %swap3A_375 : vector<1x16xf32> to vector<16xf32>
      %swap3A_377 = vector.shape_cast %add3A_372 : vector<16xf32> to vector<1x16xf32>
      tpu.vector_store %arg12[%swap3A_373, %swap3A_374], %swap3A_377 {strides = array<i32>} : memref<16x128xf32, #tpu.memory_space<vmem>>, vector<1x16xf32>,
      %mul3A_378 = arith.constant 8 : i32
      %mul3A_379 = arith.muli %mul3A_378, %add3A_247 : i32
      %add3A_380 = arith.constant 6 : i32
      %add3A_381 = arith.addi %mul3A_379, %add3A_380 : i32
      %get3A_382 = arith.index_cast %add3A_381 : i32 to index
      %get3A_383 = arith.constant 0 : index
      %get3A_384 = tpu.vector_load %arg9[%get3A_382, %get3A_383] {strides = array<i32>} : memref<128x16xf32, #tpu.memory_space<vmem>>, vector<1x16xf32>,
      %get3A_385 = vector.shape_cast %get3A_384 : vector<1x16xf32> to vector<16xf32>
      %mul3A_386 = arith.constant 8 : i32
      %mul3A_387 = arith.muli %mul3A_386, %add3A_247 : i32
      %add3A_388 = arith.constant 6 : i32
      %add3A_389 = arith.addi %mul3A_387, %add3A_388 : i32
      %get3A_390 = arith.index_cast %add3A_389 : i32 to index
      %get3A_391 = arith.constant 0 : index
      %get3A_392 = tpu.vector_load %arg10[%get3A_390, %get3A_391] {strides = array<i32>} : memref<128x16xf32, #tpu.memory_space<vmem>>, vector<1x16xf32>,
      %get3A_393 = vector.shape_cast %get3A_392 : vector<1x16xf32> to vector<16xf32>
      %add3A_394 = arith.addf %get3A_385, %get3A_393 : vector<16xf32>
      %swap3A_395 = arith.index_cast %add3A_247 : i32 to index
      %swap3A_396 = arith.constant 96 : index
      %swap3A_397 = tpu.vector_load %arg12[%swap3A_395, %swap3A_396] {strides = array<i32>} : memref<16x128xf32, #tpu.memory_space<vmem>>, vector<1x16xf32>,
      %swap3A_398 = vector.shape_cast %swap3A_397 : vector<1x16xf32> to vector<16xf32>
      %swap3A_399 = vector.shape_cast %add3A_394 : vector<16xf32> to vector<1x16xf32>
      tpu.vector_store %arg12[%swap3A_395, %swap3A_396], %swap3A_399 {strides = array<i32>} : memref<16x128xf32, #tpu.memory_space<vmem>>, vector<1x16xf32>,
      %mul3A_400 = arith.constant 8 : i32
      %mul3A_401 = arith.muli %mul3A_400, %add3A_247 : i32
      %add3A_402 = arith.constant 7 : i32
      %add3A_403 = arith.addi %mul3A_401, %add3A_402 : i32
      %get3A_404 = arith.index_cast %add3A_403 : i32 to index
      %get3A_405 = arith.constant 0 : index
      %get3A_406 = tpu.vector_load %arg9[%get3A_404, %get3A_405] {strides = array<i32>} : memref<128x16xf32, #tpu.memory_space<vmem>>, vector<1x16xf32>,
      %get3A_407 = vector.shape_cast %get3A_406 : vector<1x16xf32> to vector<16xf32>
      %mul3A_408 = arith.constant 8 : i32
      %mul3A_409 = arith.muli %mul3A_408, %add3A_247 : i32
      %add3A_410 = arith.constant 7 : i32
      %add3A_411 = arith.addi %mul3A_409, %add3A_410 : i32
      %get3A_412 = arith.index_cast %add3A_411 : i32 to index
      %get3A_413 = arith.constant 0 : index
      %get3A_414 = tpu.vector_load %arg10[%get3A_412, %get3A_413] {strides = array<i32>} : memref<128x16xf32, #tpu.memory_space<vmem>>, vector<1x16xf32>,
      %get3A_415 = vector.shape_cast %get3A_414 : vector<1x16xf32> to vector<16xf32>
      %add3A_416 = arith.addf %get3A_407, %get3A_415 : vector<16xf32>
      %swap3A_417 = arith.index_cast %add3A_247 : i32 to index
      %swap3A_418 = arith.constant 112 : index
      %swap3A_419 = tpu.vector_load %arg12[%swap3A_417, %swap3A_418] {strides = array<i32>} : memref<16x128xf32, #tpu.memory_space<vmem>>, vector<1x16xf32>,
      %swap3A_420 = vector.shape_cast %swap3A_419 : vector<1x16xf32> to vector<16xf32>
      %swap3A_421 = vector.shape_cast %add3A_416 : vector<16xf32> to vector<1x16xf32>
      tpu.vector_store %arg12[%swap3A_417, %swap3A_418], %swap3A_421 {strides = array<i32>} : memref<16x128xf32, #tpu.memory_space<vmem>>, vector<1x16xf32>,
    }
    %scan3A_152 = arith.constant 16 : i32
    %add3A_153 = arith.constant 10112 : i32
    %add3A_154 = arith.addi %mul3A_2, %add3A_153 : i32
    %jit3A_155 = arith.constant 8 : i32
    %div3A_156 = arith.divsi %add3A_154, %jit3A_155 : i32
    %sign3A_157 = arith.constant 0 : i32
    %sign3A_158 = arith.cmpi sgt, %add3A_154, %sign3A_157 : i32
    %sign3A_159 = arith.extui %sign3A_158 : i1 to i32
    %sign3A_160 = arith.constant 0 : i32
    %sign3A_161 = arith.cmpi slt, %add3A_154, %sign3A_160 : i32
    %sign3A_162 = arith.extui %sign3A_161 : i1 to i32
    %sign3A_163 = arith.subi %sign3A_159, %sign3A_162 : i32
    %sign3A_164 = arith.constant 0 : i32
    %sign3A_165 = arith.cmpi sgt, %jit3A_155, %sign3A_164 : i32
    %sign3A_166 = arith.extui %sign3A_165 : i1 to i32
    %sign3A_167 = arith.constant 0 : i32
    %sign3A_168 = arith.cmpi slt, %jit3A_155, %sign3A_167 : i32
    %sign3A_169 = arith.extui %sign3A_168 : i1 to i32
    %sign3A_170 = arith.subi %sign3A_166, %sign3A_169 : i32
    %ne3A_171 = arith.cmpi ne, %sign3A_163, %sign3A_170 : i32
    %rem3A_172 = arith.remsi %add3A_154, %jit3A_155 : i32
    %ne3A_173 = arith.constant 0 : i32
    %ne3A_174 = arith.cmpi ne, %rem3A_172, %ne3A_173 : i32
    %and3A_175 = arith.andi %ne3A_171, %ne3A_174 : i1
    %sub3A_176 = arith.constant 1 : i32
    %sub3A_177 = arith.subi %div3A_156, %sub3A_176 : i32
    %select_n3A_178 = arith.select %and3A_175, %sub3A_177, %div3A_156 : i32
    %dma_start3A_179 = arith.constant 0 : i32
    %dma_start3A_180 = tpu.memref_slice %arg6[%select_n3A_178, %dma_start3A_179] : memref<40960x128xf32, #tpu.memory_space<hbm>> -> memref<16x128xf32, #tpu.memory_space<hbm>>
    %dma_start3A_181 = arith.constant 0 : i32
    %dma_start3A_182 = tpu.memref_slice %arg6[%select_n3A_178, %dma_start3A_181] : memref<40960x128xf32, #tpu.memory_space<hbm>> -> memref<16x128xf32, #tpu.memory_space<hbm>>
    tpu.enqueue_dma source(%arg12 : memref<16x128xf32, #tpu.memory_space<vmem>>) target(%dma_start3A_182 : memref<16x128xf32, #tpu.memory_space<hbm>>) target_semaphore(%arg20 : memref<!tpu.dma_semaphore, #tpu.memory_space<semaphore_mem>>)
    %add3A_183 = arith.constant 9984 : i32
    %add3A_184 = arith.addi %mul3A_2, %add3A_183 : i32
    %jit3A_185 = arith.constant 8 : i32
    %div3A_186 = arith.divsi %add3A_184, %jit3A_185 : i32
    %sign3A_187 = arith.constant 0 : i32
    %sign3A_188 = arith.cmpi sgt, %add3A_184, %sign3A_187 : i32
    %sign3A_189 = arith.extui %sign3A_188 : i1 to i32
    %sign3A_190 = arith.constant 0 : i32
    %sign3A_191 = arith.cmpi slt, %add3A_184, %sign3A_190 : i32
    %sign3A_192 = arith.extui %sign3A_191 : i1 to i32
    %sign3A_193 = arith.subi %sign3A_189, %sign3A_192 : i32
    %sign3A_194 = arith.constant 0 : i32
    %sign3A_195 = arith.cmpi sgt, %jit3A_185, %sign3A_194 : i32
    %sign3A_196 = arith.extui %sign3A_195 : i1 to i32
    %sign3A_197 = arith.constant 0 : i32
    %sign3A_198 = arith.cmpi slt, %jit3A_185, %sign3A_197 : i32
    %sign3A_199 = arith.extui %sign3A_198 : i1 to i32
    %sign3A_200 = arith.subi %sign3A_196, %sign3A_199 : i32
    %ne3A_201 = arith.cmpi ne, %sign3A_193, %sign3A_200 : i32
    %rem3A_202 = arith.remsi %add3A_184, %jit3A_185 : i32
    %ne3A_203 = arith.constant 0 : i32
    %ne3A_204 = arith.cmpi ne, %rem3A_202, %ne3A_203 : i32
    %and3A_205 = arith.andi %ne3A_201, %ne3A_204 : i1
    %sub3A_206 = arith.constant 1 : i32
    %sub3A_207 = arith.subi %div3A_186, %sub3A_206 : i32
    %select_n3A_208 = arith.select %and3A_205, %sub3A_207, %div3A_186 : i32
    %dma_wait3A_209 = arith.constant 0 : i32
    %dma_wait3A_210 = tpu.memref_slice %arg6[%select_n3A_208, %dma_wait3A_209] : memref<40960x128xf32, #tpu.memory_space<hbm>> -> memref<16x128xf32, #tpu.memory_space<hbm>>
    %dma_wait3A_211 = arith.constant 0 : i32
    %dma_wait3A_212 = tpu.memref_slice %arg6[%select_n3A_208, %dma_wait3A_211] : memref<40960x128xf32, #tpu.memory_space<hbm>> -> memref<16x128xf32, #tpu.memory_space<hbm>>
    tpu.wait_dma2 semaphore(%arg19 : memref<!tpu.dma_semaphore, #tpu.memory_space<semaphore_mem>>) src(%arg11 : memref<16x128xf32, #tpu.memory_space<vmem>>) dst(%dma_wait3A_212 : memref<16x128xf32, #tpu.memory_space<hbm>>)
    %add3A_213 = arith.constant 10112 : i32
    %add3A_214 = arith.addi %mul3A_2, %add3A_213 : i32
    %jit3A_215 = arith.constant 8 : i32
    %div3A_216 = arith.divsi %add3A_214, %jit3A_215 : i32
    %sign3A_217 = arith.constant 0 : i32
    %sign3A_218 = arith.cmpi sgt, %add3A_214, %sign3A_217 : i32
    %sign3A_219 = arith.extui %sign3A_218 : i1 to i32
    %sign3A_220 = arith.constant 0 : i32
    %sign3A_221 = arith.cmpi slt, %add3A_214, %sign3A_220 : i32
    %sign3A_222 = arith.extui %sign3A_221 : i1 to i32
    %sign3A_223 = arith.subi %sign3A_219, %sign3A_222 : i32
    %sign3A_224 = arith.constant 0 : i32
    %sign3A_225 = arith.cmpi sgt, %jit3A_215, %sign3A_224 : i32
    %sign3A_226 = arith.extui %sign3A_225 : i1 to i32
    %sign3A_227 = arith.constant 0 : i32
    %sign3A_228 = arith.cmpi slt, %jit3A_215, %sign3A_227 : i32
    %sign3A_229 = arith.extui %sign3A_228 : i1 to i32
    %sign3A_230 = arith.subi %sign3A_226, %sign3A_229 : i32
    %ne3A_231 = arith.cmpi ne, %sign3A_223, %sign3A_230 : i32
    %rem3A_232 = arith.remsi %add3A_214, %jit3A_215 : i32
    %ne3A_233 = arith.constant 0 : i32
    %ne3A_234 = arith.cmpi ne, %rem3A_232, %ne3A_233 : i32
    %and3A_235 = arith.andi %ne3A_231, %ne3A_234 : i1
    %sub3A_236 = arith.constant 1 : i32
    %sub3A_237 = arith.subi %div3A_216, %sub3A_236 : i32
    %select_n3A_238 = arith.select %and3A_235, %sub3A_237, %div3A_216 : i32
    %dma_wait3A_239 = arith.constant 0 : i32
    %dma_wait3A_240 = tpu.memref_slice %arg6[%select_n3A_238, %dma_wait3A_239] : memref<40960x128xf32, #tpu.memory_space<hbm>> -> memref<16x128xf32, #tpu.memory_space<hbm>>
    %dma_wait3A_241 = arith.constant 0 : i32
    %dma_wait3A_242 = tpu.memref_slice %arg6[%select_n3A_238, %dma_wait3A_241] : memref<40960x128xf32, #tpu.memory_space<hbm>> -> memref<16x128xf32, #tpu.memory_space<hbm>>
    tpu.wait_dma2 semaphore(%arg20 : memref<!tpu.dma_semaphore, #tpu.memory_space<semaphore_mem>>) src(%arg12 : memref<16x128xf32, #tpu.memory_space<vmem>>) dst(%dma_wait3A_242 : memref<16x128xf32, #tpu.memory_space<hbm>>)
    return
  }
}

#map = affine_map<(d0, d1) -> (0, 0)>
#map1 = affine_map<(d0, d1) -> (0, 0, 0)>
module attributes {stable_mosaic.version = 14 : i64} {
  func.func @k(%arg0: i32, %arg1: i32, %arg2: memref<10240x128xf32, #tpu.memory_space<hbm>>, %arg3: memref<32x80x128xi32, #tpu.memory_space<hbm>>, %arg4: memref<32x80x128xi32, #tpu.memory_space<hbm>>, %arg5: memref<2x10240x128xf32, #tpu.memory_space<hbm>>, %arg6: memref<64x128xf32, #tpu.memory_space<vmem>>, %arg7: memref<128x128xf32, #tpu.memory_space<vmem>>, %arg8: memref<128x128xf32, #tpu.memory_space<vmem>>, %arg9: memref<128xi32, #tpu.memory_space<vmem>>, %arg10: memref<128xi32, #tpu.memory_space<vmem>>, %arg11: memref<128xi32, #tpu.memory_space<vmem>>, %arg12: memref<128xi32, #tpu.memory_space<vmem>>, %arg13: memref<10240x128xf32, #tpu.memory_space<vmem_shared>>, %arg14: memref<!tpu.dma_semaphore, #tpu.memory_space<semaphore_mem>>, %arg15: memref<!tpu.dma_semaphore, #tpu.memory_space<semaphore_mem>>, %arg16: memref<!tpu.dma_semaphore, #tpu.memory_space<semaphore_mem>>, %arg17: memref<!tpu.dma_semaphore, #tpu.memory_space<semaphore_mem>>) attributes {dimension_semantics = [#tpu.dimension_semantics<core_parallel>, #tpu.dimension_semantics<subcore_parallel>], iteration_bounds = array<i64: 2, 16>, scalar_prefetch = 0 : i64, scratch_operands = 12 : i64, tpu.core_type = #tpu.core_type<sc_vector_subcore>, window_params = [{transform_indices = #map}, {transform_indices = #map1}, {transform_indices = #map1}, {transform_indices = #map1}]} {
    %mul3A = arith.constant 16 : i32
    %mul3A_0 = arith.muli %arg0, %mul3A : i32
    %add3A = arith.addi %mul3A_0, %arg1 : i32
    %broadcast_in_dim3A = arith.constant 0.000000e+00 : f32
    %broadcast_in_dim3A_1 = vector.broadcast %broadcast_in_dim3A : f32 to vector<16xf32>
    %scan3A = arith.constant 0 : i32
    %scan3A_2 = arith.constant 64 : i32
    %scan3A_3 = arith.addi %scan3A, %scan3A_2 : i32
    %scan3A_4 = arith.constant 1 : i32
    scf.for %scan3A_222 = %scan3A to %scan3A_3 step %scan3A_4  : i32 {
      %mul3A_223 = arith.constant 1 : i32
      %mul3A_224 = arith.muli %scan3A_222, %mul3A_223 : i32
      %add3A_225 = arith.constant 0 : i32
      %add3A_226 = arith.addi %add3A_225, %mul3A_224 : i32
      %scan3A_227 = arith.constant 0 : i32
      %scan3A_228 = arith.constant 8 : i32
      %scan3A_229 = arith.addi %scan3A_227, %scan3A_228 : i32
      %scan3A_230 = arith.constant 1 : i32
      scf.for %scan3A_232 = %scan3A_227 to %scan3A_229 step %scan3A_230  : i32 {
        %mul3A_233 = arith.constant 16 : i32
        %mul3A_234 = arith.muli %scan3A_232, %mul3A_233 : i32
        %add3A_235 = arith.constant 0 : i32
        %add3A_236 = arith.addi %add3A_235, %mul3A_234 : i32
        %swap3A = arith.index_cast %add3A_226 : i32 to index
        %swap3A_237 = arith.index_cast %add3A_236 : i32 to index
        %swap3A_238 = tpu.vector_load %arg6[%swap3A, %swap3A_237] {strides = array<i32>} : memref<64x128xf32, #tpu.memory_space<vmem>>, vector<1x16xf32>,
        %swap3A_239 = vector.shape_cast %swap3A_238 : vector<1x16xf32> to vector<16xf32>
        %swap3A_240 = vector.shape_cast %broadcast_in_dim3A_1 : vector<16xf32> to vector<1x16xf32>
        tpu.vector_store %arg6[%swap3A, %swap3A_237], %swap3A_240 {strides = array<i32>} : memref<64x128xf32, #tpu.memory_space<vmem>>, vector<1x16xf32>,
      }
      %scan3A_231 = arith.constant 8 : i32
    }
    %scan3A_5 = arith.constant 64 : i32
    %mul3A_6 = arith.constant 640 : i32
    %mul3A_7 = arith.muli %arg1, %mul3A_6 : i32
    %add3A_8 = arith.constant 0 : i32
    %add3A_9 = arith.addi %mul3A_7, %add3A_8 : i32
    "tpu.region"() ({
      %run_scoped3A = tpu.sem_alloc : memref<!tpu.dma_semaphore, #tpu.memory_space<semaphore_mem>>
      %dma_start3A_222 = arith.constant 0 : i32
      %dma_start3A_223 = tpu.memref_slice %arg13[%add3A_9, %dma_start3A_222] : memref<10240x128xf32, #tpu.memory_space<vmem_shared>> -> memref<64x128xf32, #tpu.memory_space<vmem_shared>>
      %dma_start3A_224 = arith.constant 0 : i32
      %dma_start3A_225 = tpu.memref_slice %arg13[%add3A_9, %dma_start3A_224] : memref<10240x128xf32, #tpu.memory_space<vmem_shared>> -> memref<64x128xf32, #tpu.memory_space<vmem_shared>>
      tpu.enqueue_dma source(%arg6 : memref<64x128xf32, #tpu.memory_space<vmem>>) target(%dma_start3A_225 : memref<64x128xf32, #tpu.memory_space<vmem_shared>>) target_semaphore(%run_scoped3A : memref<!tpu.dma_semaphore, #tpu.memory_space<semaphore_mem>>)
      %dma_wait3A_226 = arith.constant 0 : i32
      %dma_wait3A_227 = tpu.memref_slice %arg13[%add3A_9, %dma_wait3A_226] : memref<10240x128xf32, #tpu.memory_space<vmem_shared>> -> memref<64x128xf32, #tpu.memory_space<vmem_shared>>
      %dma_wait3A_228 = arith.constant 0 : i32
      %dma_wait3A_229 = tpu.memref_slice %arg13[%add3A_9, %dma_wait3A_228] : memref<10240x128xf32, #tpu.memory_space<vmem_shared>> -> memref<64x128xf32, #tpu.memory_space<vmem_shared>>
      tpu.wait_dma2 semaphore(%run_scoped3A : memref<!tpu.dma_semaphore, #tpu.memory_space<semaphore_mem>>) src(%arg6 : memref<64x128xf32, #tpu.memory_space<vmem>>) dst(%dma_wait3A_229 : memref<64x128xf32, #tpu.memory_space<vmem_shared>>)
      tpu.yield
    }) : () -> ()
    %mul3A_10 = arith.constant 640 : i32
    %mul3A_11 = arith.muli %arg1, %mul3A_10 : i32
    %add3A_12 = arith.constant 64 : i32
    %add3A_13 = arith.addi %mul3A_11, %add3A_12 : i32
    "tpu.region"() ({
      %run_scoped3A = tpu.sem_alloc : memref<!tpu.dma_semaphore, #tpu.memory_space<semaphore_mem>>
      %dma_start3A_222 = arith.constant 0 : i32
      %dma_start3A_223 = tpu.memref_slice %arg13[%add3A_13, %dma_start3A_222] : memref<10240x128xf32, #tpu.memory_space<vmem_shared>> -> memref<64x128xf32, #tpu.memory_space<vmem_shared>>
      %dma_start3A_224 = arith.constant 0 : i32
      %dma_start3A_225 = tpu.memref_slice %arg13[%add3A_13, %dma_start3A_224] : memref<10240x128xf32, #tpu.memory_space<vmem_shared>> -> memref<64x128xf32, #tpu.memory_space<vmem_shared>>
      tpu.enqueue_dma source(%arg6 : memref<64x128xf32, #tpu.memory_space<vmem>>) target(%dma_start3A_225 : memref<64x128xf32, #tpu.memory_space<vmem_shared>>) target_semaphore(%run_scoped3A : memref<!tpu.dma_semaphore, #tpu.memory_space<semaphore_mem>>)
      %dma_wait3A_226 = arith.constant 0 : i32
      %dma_wait3A_227 = tpu.memref_slice %arg13[%add3A_13, %dma_wait3A_226] : memref<10240x128xf32, #tpu.memory_space<vmem_shared>> -> memref<64x128xf32, #tpu.memory_space<vmem_shared>>
      %dma_wait3A_228 = arith.constant 0 : i32
      %dma_wait3A_229 = tpu.memref_slice %arg13[%add3A_13, %dma_wait3A_228] : memref<10240x128xf32, #tpu.memory_space<vmem_shared>> -> memref<64x128xf32, #tpu.memory_space<vmem_shared>>
      tpu.wait_dma2 semaphore(%run_scoped3A : memref<!tpu.dma_semaphore, #tpu.memory_space<semaphore_mem>>) src(%arg6 : memref<64x128xf32, #tpu.memory_space<vmem>>) dst(%dma_wait3A_229 : memref<64x128xf32, #tpu.memory_space<vmem_shared>>)
      tpu.yield
    }) : () -> ()
    %mul3A_14 = arith.constant 640 : i32
    %mul3A_15 = arith.muli %arg1, %mul3A_14 : i32
    %add3A_16 = arith.constant 128 : i32
    %add3A_17 = arith.addi %mul3A_15, %add3A_16 : i32
    "tpu.region"() ({
      %run_scoped3A = tpu.sem_alloc : memref<!tpu.dma_semaphore, #tpu.memory_space<semaphore_mem>>
      %dma_start3A_222 = arith.constant 0 : i32
      %dma_start3A_223 = tpu.memref_slice %arg13[%add3A_17, %dma_start3A_222] : memref<10240x128xf32, #tpu.memory_space<vmem_shared>> -> memref<64x128xf32, #tpu.memory_space<vmem_shared>>
      %dma_start3A_224 = arith.constant 0 : i32
      %dma_start3A_225 = tpu.memref_slice %arg13[%add3A_17, %dma_start3A_224] : memref<10240x128xf32, #tpu.memory_space<vmem_shared>> -> memref<64x128xf32, #tpu.memory_space<vmem_shared>>
      tpu.enqueue_dma source(%arg6 : memref<64x128xf32, #tpu.memory_space<vmem>>) target(%dma_start3A_225 : memref<64x128xf32, #tpu.memory_space<vmem_shared>>) target_semaphore(%run_scoped3A : memref<!tpu.dma_semaphore, #tpu.memory_space<semaphore_mem>>)
      %dma_wait3A_226 = arith.constant 0 : i32
      %dma_wait3A_227 = tpu.memref_slice %arg13[%add3A_17, %dma_wait3A_226] : memref<10240x128xf32, #tpu.memory_space<vmem_shared>> -> memref<64x128xf32, #tpu.memory_space<vmem_shared>>
      %dma_wait3A_228 = arith.constant 0 : i32
      %dma_wait3A_229 = tpu.memref_slice %arg13[%add3A_17, %dma_wait3A_228] : memref<10240x128xf32, #tpu.memory_space<vmem_shared>> -> memref<64x128xf32, #tpu.memory_space<vmem_shared>>
      tpu.wait_dma2 semaphore(%run_scoped3A : memref<!tpu.dma_semaphore, #tpu.memory_space<semaphore_mem>>) src(%arg6 : memref<64x128xf32, #tpu.memory_space<vmem>>) dst(%dma_wait3A_229 : memref<64x128xf32, #tpu.memory_space<vmem_shared>>)
      tpu.yield
    }) : () -> ()
    %mul3A_18 = arith.constant 640 : i32
    %mul3A_19 = arith.muli %arg1, %mul3A_18 : i32
    %add3A_20 = arith.constant 192 : i32
    %add3A_21 = arith.addi %mul3A_19, %add3A_20 : i32
    "tpu.region"() ({
      %run_scoped3A = tpu.sem_alloc : memref<!tpu.dma_semaphore, #tpu.memory_space<semaphore_mem>>
      %dma_start3A_222 = arith.constant 0 : i32
      %dma_start3A_223 = tpu.memref_slice %arg13[%add3A_21, %dma_start3A_222] : memref<10240x128xf32, #tpu.memory_space<vmem_shared>> -> memref<64x128xf32, #tpu.memory_space<vmem_shared>>
      %dma_start3A_224 = arith.constant 0 : i32
      %dma_start3A_225 = tpu.memref_slice %arg13[%add3A_21, %dma_start3A_224] : memref<10240x128xf32, #tpu.memory_space<vmem_shared>> -> memref<64x128xf32, #tpu.memory_space<vmem_shared>>
      tpu.enqueue_dma source(%arg6 : memref<64x128xf32, #tpu.memory_space<vmem>>) target(%dma_start3A_225 : memref<64x128xf32, #tpu.memory_space<vmem_shared>>) target_semaphore(%run_scoped3A : memref<!tpu.dma_semaphore, #tpu.memory_space<semaphore_mem>>)
      %dma_wait3A_226 = arith.constant 0 : i32
      %dma_wait3A_227 = tpu.memref_slice %arg13[%add3A_21, %dma_wait3A_226] : memref<10240x128xf32, #tpu.memory_space<vmem_shared>> -> memref<64x128xf32, #tpu.memory_space<vmem_shared>>
      %dma_wait3A_228 = arith.constant 0 : i32
      %dma_wait3A_229 = tpu.memref_slice %arg13[%add3A_21, %dma_wait3A_228] : memref<10240x128xf32, #tpu.memory_space<vmem_shared>> -> memref<64x128xf32, #tpu.memory_space<vmem_shared>>
      tpu.wait_dma2 semaphore(%run_scoped3A : memref<!tpu.dma_semaphore, #tpu.memory_space<semaphore_mem>>) src(%arg6 : memref<64x128xf32, #tpu.memory_space<vmem>>) dst(%dma_wait3A_229 : memref<64x128xf32, #tpu.memory_space<vmem_shared>>)
      tpu.yield
    }) : () -> ()
    %mul3A_22 = arith.constant 640 : i32
    %mul3A_23 = arith.muli %arg1, %mul3A_22 : i32
    %add3A_24 = arith.constant 256 : i32
    %add3A_25 = arith.addi %mul3A_23, %add3A_24 : i32
    "tpu.region"() ({
      %run_scoped3A = tpu.sem_alloc : memref<!tpu.dma_semaphore, #tpu.memory_space<semaphore_mem>>
      %dma_start3A_222 = arith.constant 0 : i32
      %dma_start3A_223 = tpu.memref_slice %arg13[%add3A_25, %dma_start3A_222] : memref<10240x128xf32, #tpu.memory_space<vmem_shared>> -> memref<64x128xf32, #tpu.memory_space<vmem_shared>>
      %dma_start3A_224 = arith.constant 0 : i32
      %dma_start3A_225 = tpu.memref_slice %arg13[%add3A_25, %dma_start3A_224] : memref<10240x128xf32, #tpu.memory_space<vmem_shared>> -> memref<64x128xf32, #tpu.memory_space<vmem_shared>>
      tpu.enqueue_dma source(%arg6 : memref<64x128xf32, #tpu.memory_space<vmem>>) target(%dma_start3A_225 : memref<64x128xf32, #tpu.memory_space<vmem_shared>>) target_semaphore(%run_scoped3A : memref<!tpu.dma_semaphore, #tpu.memory_space<semaphore_mem>>)
      %dma_wait3A_226 = arith.constant 0 : i32
      %dma_wait3A_227 = tpu.memref_slice %arg13[%add3A_25, %dma_wait3A_226] : memref<10240x128xf32, #tpu.memory_space<vmem_shared>> -> memref<64x128xf32, #tpu.memory_space<vmem_shared>>
      %dma_wait3A_228 = arith.constant 0 : i32
      %dma_wait3A_229 = tpu.memref_slice %arg13[%add3A_25, %dma_wait3A_228] : memref<10240x128xf32, #tpu.memory_space<vmem_shared>> -> memref<64x128xf32, #tpu.memory_space<vmem_shared>>
      tpu.wait_dma2 semaphore(%run_scoped3A : memref<!tpu.dma_semaphore, #tpu.memory_space<semaphore_mem>>) src(%arg6 : memref<64x128xf32, #tpu.memory_space<vmem>>) dst(%dma_wait3A_229 : memref<64x128xf32, #tpu.memory_space<vmem_shared>>)
      tpu.yield
    }) : () -> ()
    %mul3A_26 = arith.constant 640 : i32
    %mul3A_27 = arith.muli %arg1, %mul3A_26 : i32
    %add3A_28 = arith.constant 320 : i32
    %add3A_29 = arith.addi %mul3A_27, %add3A_28 : i32
    "tpu.region"() ({
      %run_scoped3A = tpu.sem_alloc : memref<!tpu.dma_semaphore, #tpu.memory_space<semaphore_mem>>
      %dma_start3A_222 = arith.constant 0 : i32
      %dma_start3A_223 = tpu.memref_slice %arg13[%add3A_29, %dma_start3A_222] : memref<10240x128xf32, #tpu.memory_space<vmem_shared>> -> memref<64x128xf32, #tpu.memory_space<vmem_shared>>
      %dma_start3A_224 = arith.constant 0 : i32
      %dma_start3A_225 = tpu.memref_slice %arg13[%add3A_29, %dma_start3A_224] : memref<10240x128xf32, #tpu.memory_space<vmem_shared>> -> memref<64x128xf32, #tpu.memory_space<vmem_shared>>
      tpu.enqueue_dma source(%arg6 : memref<64x128xf32, #tpu.memory_space<vmem>>) target(%dma_start3A_225 : memref<64x128xf32, #tpu.memory_space<vmem_shared>>) target_semaphore(%run_scoped3A : memref<!tpu.dma_semaphore, #tpu.memory_space<semaphore_mem>>)
      %dma_wait3A_226 = arith.constant 0 : i32
      %dma_wait3A_227 = tpu.memref_slice %arg13[%add3A_29, %dma_wait3A_226] : memref<10240x128xf32, #tpu.memory_space<vmem_shared>> -> memref<64x128xf32, #tpu.memory_space<vmem_shared>>
      %dma_wait3A_228 = arith.constant 0 : i32
      %dma_wait3A_229 = tpu.memref_slice %arg13[%add3A_29, %dma_wait3A_228] : memref<10240x128xf32, #tpu.memory_space<vmem_shared>> -> memref<64x128xf32, #tpu.memory_space<vmem_shared>>
      tpu.wait_dma2 semaphore(%run_scoped3A : memref<!tpu.dma_semaphore, #tpu.memory_space<semaphore_mem>>) src(%arg6 : memref<64x128xf32, #tpu.memory_space<vmem>>) dst(%dma_wait3A_229 : memref<64x128xf32, #tpu.memory_space<vmem_shared>>)
      tpu.yield
    }) : () -> ()
    %mul3A_30 = arith.constant 640 : i32
    %mul3A_31 = arith.muli %arg1, %mul3A_30 : i32
    %add3A_32 = arith.constant 384 : i32
    %add3A_33 = arith.addi %mul3A_31, %add3A_32 : i32
    "tpu.region"() ({
      %run_scoped3A = tpu.sem_alloc : memref<!tpu.dma_semaphore, #tpu.memory_space<semaphore_mem>>
      %dma_start3A_222 = arith.constant 0 : i32
      %dma_start3A_223 = tpu.memref_slice %arg13[%add3A_33, %dma_start3A_222] : memref<10240x128xf32, #tpu.memory_space<vmem_shared>> -> memref<64x128xf32, #tpu.memory_space<vmem_shared>>
      %dma_start3A_224 = arith.constant 0 : i32
      %dma_start3A_225 = tpu.memref_slice %arg13[%add3A_33, %dma_start3A_224] : memref<10240x128xf32, #tpu.memory_space<vmem_shared>> -> memref<64x128xf32, #tpu.memory_space<vmem_shared>>
      tpu.enqueue_dma source(%arg6 : memref<64x128xf32, #tpu.memory_space<vmem>>) target(%dma_start3A_225 : memref<64x128xf32, #tpu.memory_space<vmem_shared>>) target_semaphore(%run_scoped3A : memref<!tpu.dma_semaphore, #tpu.memory_space<semaphore_mem>>)
      %dma_wait3A_226 = arith.constant 0 : i32
      %dma_wait3A_227 = tpu.memref_slice %arg13[%add3A_33, %dma_wait3A_226] : memref<10240x128xf32, #tpu.memory_space<vmem_shared>> -> memref<64x128xf32, #tpu.memory_space<vmem_shared>>
      %dma_wait3A_228 = arith.constant 0 : i32
      %dma_wait3A_229 = tpu.memref_slice %arg13[%add3A_33, %dma_wait3A_228] : memref<10240x128xf32, #tpu.memory_space<vmem_shared>> -> memref<64x128xf32, #tpu.memory_space<vmem_shared>>
      tpu.wait_dma2 semaphore(%run_scoped3A : memref<!tpu.dma_semaphore, #tpu.memory_space<semaphore_mem>>) src(%arg6 : memref<64x128xf32, #tpu.memory_space<vmem>>) dst(%dma_wait3A_229 : memref<64x128xf32, #tpu.memory_space<vmem_shared>>)
      tpu.yield
    }) : () -> ()
    %mul3A_34 = arith.constant 640 : i32
    %mul3A_35 = arith.muli %arg1, %mul3A_34 : i32
    %add3A_36 = arith.constant 448 : i32
    %add3A_37 = arith.addi %mul3A_35, %add3A_36 : i32
    "tpu.region"() ({
      %run_scoped3A = tpu.sem_alloc : memref<!tpu.dma_semaphore, #tpu.memory_space<semaphore_mem>>
      %dma_start3A_222 = arith.constant 0 : i32
      %dma_start3A_223 = tpu.memref_slice %arg13[%add3A_37, %dma_start3A_222] : memref<10240x128xf32, #tpu.memory_space<vmem_shared>> -> memref<64x128xf32, #tpu.memory_space<vmem_shared>>
      %dma_start3A_224 = arith.constant 0 : i32
      %dma_start3A_225 = tpu.memref_slice %arg13[%add3A_37, %dma_start3A_224] : memref<10240x128xf32, #tpu.memory_space<vmem_shared>> -> memref<64x128xf32, #tpu.memory_space<vmem_shared>>
      tpu.enqueue_dma source(%arg6 : memref<64x128xf32, #tpu.memory_space<vmem>>) target(%dma_start3A_225 : memref<64x128xf32, #tpu.memory_space<vmem_shared>>) target_semaphore(%run_scoped3A : memref<!tpu.dma_semaphore, #tpu.memory_space<semaphore_mem>>)
      %dma_wait3A_226 = arith.constant 0 : i32
      %dma_wait3A_227 = tpu.memref_slice %arg13[%add3A_37, %dma_wait3A_226] : memref<10240x128xf32, #tpu.memory_space<vmem_shared>> -> memref<64x128xf32, #tpu.memory_space<vmem_shared>>
      %dma_wait3A_228 = arith.constant 0 : i32
      %dma_wait3A_229 = tpu.memref_slice %arg13[%add3A_37, %dma_wait3A_228] : memref<10240x128xf32, #tpu.memory_space<vmem_shared>> -> memref<64x128xf32, #tpu.memory_space<vmem_shared>>
      tpu.wait_dma2 semaphore(%run_scoped3A : memref<!tpu.dma_semaphore, #tpu.memory_space<semaphore_mem>>) src(%arg6 : memref<64x128xf32, #tpu.memory_space<vmem>>) dst(%dma_wait3A_229 : memref<64x128xf32, #tpu.memory_space<vmem_shared>>)
      tpu.yield
    }) : () -> ()
    %mul3A_38 = arith.constant 640 : i32
    %mul3A_39 = arith.muli %arg1, %mul3A_38 : i32
    %add3A_40 = arith.constant 512 : i32
    %add3A_41 = arith.addi %mul3A_39, %add3A_40 : i32
    "tpu.region"() ({
      %run_scoped3A = tpu.sem_alloc : memref<!tpu.dma_semaphore, #tpu.memory_space<semaphore_mem>>
      %dma_start3A_222 = arith.constant 0 : i32
      %dma_start3A_223 = tpu.memref_slice %arg13[%add3A_41, %dma_start3A_222] : memref<10240x128xf32, #tpu.memory_space<vmem_shared>> -> memref<64x128xf32, #tpu.memory_space<vmem_shared>>
      %dma_start3A_224 = arith.constant 0 : i32
      %dma_start3A_225 = tpu.memref_slice %arg13[%add3A_41, %dma_start3A_224] : memref<10240x128xf32, #tpu.memory_space<vmem_shared>> -> memref<64x128xf32, #tpu.memory_space<vmem_shared>>
      tpu.enqueue_dma source(%arg6 : memref<64x128xf32, #tpu.memory_space<vmem>>) target(%dma_start3A_225 : memref<64x128xf32, #tpu.memory_space<vmem_shared>>) target_semaphore(%run_scoped3A : memref<!tpu.dma_semaphore, #tpu.memory_space<semaphore_mem>>)
      %dma_wait3A_226 = arith.constant 0 : i32
      %dma_wait3A_227 = tpu.memref_slice %arg13[%add3A_41, %dma_wait3A_226] : memref<10240x128xf32, #tpu.memory_space<vmem_shared>> -> memref<64x128xf32, #tpu.memory_space<vmem_shared>>
      %dma_wait3A_228 = arith.constant 0 : i32
      %dma_wait3A_229 = tpu.memref_slice %arg13[%add3A_41, %dma_wait3A_228] : memref<10240x128xf32, #tpu.memory_space<vmem_shared>> -> memref<64x128xf32, #tpu.memory_space<vmem_shared>>
      tpu.wait_dma2 semaphore(%run_scoped3A : memref<!tpu.dma_semaphore, #tpu.memory_space<semaphore_mem>>) src(%arg6 : memref<64x128xf32, #tpu.memory_space<vmem>>) dst(%dma_wait3A_229 : memref<64x128xf32, #tpu.memory_space<vmem_shared>>)
      tpu.yield
    }) : () -> ()
    %mul3A_42 = arith.constant 640 : i32
    %mul3A_43 = arith.muli %arg1, %mul3A_42 : i32
    %add3A_44 = arith.constant 576 : i32
    %add3A_45 = arith.addi %mul3A_43, %add3A_44 : i32
    "tpu.region"() ({
      %run_scoped3A = tpu.sem_alloc : memref<!tpu.dma_semaphore, #tpu.memory_space<semaphore_mem>>
      %dma_start3A_222 = arith.constant 0 : i32
      %dma_start3A_223 = tpu.memref_slice %arg13[%add3A_45, %dma_start3A_222] : memref<10240x128xf32, #tpu.memory_space<vmem_shared>> -> memref<64x128xf32, #tpu.memory_space<vmem_shared>>
      %dma_start3A_224 = arith.constant 0 : i32
      %dma_start3A_225 = tpu.memref_slice %arg13[%add3A_45, %dma_start3A_224] : memref<10240x128xf32, #tpu.memory_space<vmem_shared>> -> memref<64x128xf32, #tpu.memory_space<vmem_shared>>
      tpu.enqueue_dma source(%arg6 : memref<64x128xf32, #tpu.memory_space<vmem>>) target(%dma_start3A_225 : memref<64x128xf32, #tpu.memory_space<vmem_shared>>) target_semaphore(%run_scoped3A : memref<!tpu.dma_semaphore, #tpu.memory_space<semaphore_mem>>)
      %dma_wait3A_226 = arith.constant 0 : i32
      %dma_wait3A_227 = tpu.memref_slice %arg13[%add3A_45, %dma_wait3A_226] : memref<10240x128xf32, #tpu.memory_space<vmem_shared>> -> memref<64x128xf32, #tpu.memory_space<vmem_shared>>
      %dma_wait3A_228 = arith.constant 0 : i32
      %dma_wait3A_229 = tpu.memref_slice %arg13[%add3A_45, %dma_wait3A_228] : memref<10240x128xf32, #tpu.memory_space<vmem_shared>> -> memref<64x128xf32, #tpu.memory_space<vmem_shared>>
      tpu.wait_dma2 semaphore(%run_scoped3A : memref<!tpu.dma_semaphore, #tpu.memory_space<semaphore_mem>>) src(%arg6 : memref<64x128xf32, #tpu.memory_space<vmem>>) dst(%dma_wait3A_229 : memref<64x128xf32, #tpu.memory_space<vmem_shared>>)
      tpu.yield
    }) : () -> ()
    %barrier3A = arith.constant 0 : index
    tpu.barrier barrier_id(%barrier3A)
    %dma_start3A = arith.constant 0 : i32
    %dma_start3A_46 = arith.constant 0 : i32
    %dma_start3A_47 = arith.constant 0 : i32
    %dma_start3A_48 = tpu.memref_slice %arg3[%add3A, %dma_start3A_46, %dma_start3A_47] : memref<32x80x128xi32, #tpu.memory_space<hbm>> -> memref<1x80x128xi32, #tpu.memory_space<hbm>>
    %dma_start3A_49 = tpu.memref_squeeze %dma_start3A_48 : memref<1x80x128xi32, #tpu.memory_space<hbm>> -> memref<80x128xi32, #tpu.memory_space<hbm>>
    %dma_start3A_50 = arith.constant 0 : i32
    %dma_start3A_51 = tpu.memref_slice %dma_start3A_49[%dma_start3A, %dma_start3A_50] : memref<80x128xi32, #tpu.memory_space<hbm>> -> memref<1x128xi32, #tpu.memory_space<hbm>>
    %dma_start3A_52 = tpu.memref_squeeze %dma_start3A_51 : memref<1x128xi32, #tpu.memory_space<hbm>> -> memref<128xi32, #tpu.memory_space<hbm>>
    %dma_start3A_53 = arith.constant 0 : i32
    %dma_start3A_54 = arith.constant 0 : i32
    %dma_start3A_55 = tpu.memref_slice %arg3[%add3A, %dma_start3A_53, %dma_start3A_54] : memref<32x80x128xi32, #tpu.memory_space<hbm>> -> memref<1x80x128xi32, #tpu.memory_space<hbm>>
    %dma_start3A_56 = tpu.memref_squeeze %dma_start3A_55 : memref<1x80x128xi32, #tpu.memory_space<hbm>> -> memref<80x128xi32, #tpu.memory_space<hbm>>
    %dma_start3A_57 = arith.constant 0 : i32
    %dma_start3A_58 = tpu.memref_slice %dma_start3A_56[%dma_start3A, %dma_start3A_57] : memref<80x128xi32, #tpu.memory_space<hbm>> -> memref<1x128xi32, #tpu.memory_space<hbm>>
    %dma_start3A_59 = tpu.memref_squeeze %dma_start3A_58 : memref<1x128xi32, #tpu.memory_space<hbm>> -> memref<128xi32, #tpu.memory_space<hbm>>
    tpu.enqueue_dma source(%dma_start3A_59 : memref<128xi32, #tpu.memory_space<hbm>>) target(%arg9 : memref<128xi32, #tpu.memory_space<vmem>>) target_semaphore(%arg16 : memref<!tpu.dma_semaphore, #tpu.memory_space<semaphore_mem>>)
    %dma_start3A_60 = arith.constant 0 : i32
    %dma_start3A_61 = arith.constant 0 : i32
    %dma_start3A_62 = arith.constant 0 : i32
    %dma_start3A_63 = tpu.memref_slice %arg4[%add3A, %dma_start3A_61, %dma_start3A_62] : memref<32x80x128xi32, #tpu.memory_space<hbm>> -> memref<1x80x128xi32, #tpu.memory_space<hbm>>
    %dma_start3A_64 = tpu.memref_squeeze %dma_start3A_63 : memref<1x80x128xi32, #tpu.memory_space<hbm>> -> memref<80x128xi32, #tpu.memory_space<hbm>>
    %dma_start3A_65 = arith.constant 0 : i32
    %dma_start3A_66 = tpu.memref_slice %dma_start3A_64[%dma_start3A_60, %dma_start3A_65] : memref<80x128xi32, #tpu.memory_space<hbm>> -> memref<1x128xi32, #tpu.memory_space<hbm>>
    %dma_start3A_67 = tpu.memref_squeeze %dma_start3A_66 : memref<1x128xi32, #tpu.memory_space<hbm>> -> memref<128xi32, #tpu.memory_space<hbm>>
    %dma_start3A_68 = arith.constant 0 : i32
    %dma_start3A_69 = arith.constant 0 : i32
    %dma_start3A_70 = tpu.memref_slice %arg4[%add3A, %dma_start3A_68, %dma_start3A_69] : memref<32x80x128xi32, #tpu.memory_space<hbm>> -> memref<1x80x128xi32, #tpu.memory_space<hbm>>
    %dma_start3A_71 = tpu.memref_squeeze %dma_start3A_70 : memref<1x80x128xi32, #tpu.memory_space<hbm>> -> memref<80x128xi32, #tpu.memory_space<hbm>>
    %dma_start3A_72 = arith.constant 0 : i32
    %dma_start3A_73 = tpu.memref_slice %dma_start3A_71[%dma_start3A_60, %dma_start3A_72] : memref<80x128xi32, #tpu.memory_space<hbm>> -> memref<1x128xi32, #tpu.memory_space<hbm>>
    %dma_start3A_74 = tpu.memref_squeeze %dma_start3A_73 : memref<1x128xi32, #tpu.memory_space<hbm>> -> memref<128xi32, #tpu.memory_space<hbm>>
    tpu.enqueue_dma source(%dma_start3A_74 : memref<128xi32, #tpu.memory_space<hbm>>) target(%arg11 : memref<128xi32, #tpu.memory_space<vmem>>) target_semaphore(%arg16 : memref<!tpu.dma_semaphore, #tpu.memory_space<semaphore_mem>>)
    %dma_wait3A = arith.constant 0 : i32
    %dma_wait3A_75 = arith.constant 0 : i32
    %dma_wait3A_76 = arith.constant 0 : i32
    %dma_wait3A_77 = tpu.memref_slice %arg3[%add3A, %dma_wait3A_75, %dma_wait3A_76] : memref<32x80x128xi32, #tpu.memory_space<hbm>> -> memref<1x80x128xi32, #tpu.memory_space<hbm>>
    %dma_wait3A_78 = tpu.memref_squeeze %dma_wait3A_77 : memref<1x80x128xi32, #tpu.memory_space<hbm>> -> memref<80x128xi32, #tpu.memory_space<hbm>>
    %dma_wait3A_79 = arith.constant 0 : i32
    %dma_wait3A_80 = tpu.memref_slice %dma_wait3A_78[%dma_wait3A, %dma_wait3A_79] : memref<80x128xi32, #tpu.memory_space<hbm>> -> memref<1x128xi32, #tpu.memory_space<hbm>>
    %dma_wait3A_81 = tpu.memref_squeeze %dma_wait3A_80 : memref<1x128xi32, #tpu.memory_space<hbm>> -> memref<128xi32, #tpu.memory_space<hbm>>
    %dma_wait3A_82 = arith.constant 0 : i32
    %dma_wait3A_83 = arith.constant 0 : i32
    %dma_wait3A_84 = tpu.memref_slice %arg3[%add3A, %dma_wait3A_82, %dma_wait3A_83] : memref<32x80x128xi32, #tpu.memory_space<hbm>> -> memref<1x80x128xi32, #tpu.memory_space<hbm>>
    %dma_wait3A_85 = tpu.memref_squeeze %dma_wait3A_84 : memref<1x80x128xi32, #tpu.memory_space<hbm>> -> memref<80x128xi32, #tpu.memory_space<hbm>>
    %dma_wait3A_86 = arith.constant 0 : i32
    %dma_wait3A_87 = tpu.memref_slice %dma_wait3A_85[%dma_wait3A, %dma_wait3A_86] : memref<80x128xi32, #tpu.memory_space<hbm>> -> memref<1x128xi32, #tpu.memory_space<hbm>>
    %dma_wait3A_88 = tpu.memref_squeeze %dma_wait3A_87 : memref<1x128xi32, #tpu.memory_space<hbm>> -> memref<128xi32, #tpu.memory_space<hbm>>
    tpu.wait_dma2 semaphore(%arg16 : memref<!tpu.dma_semaphore, #tpu.memory_space<semaphore_mem>>) src(%dma_wait3A_88 : memref<128xi32, #tpu.memory_space<hbm>>) dst(%arg9 : memref<128xi32, #tpu.memory_space<vmem>>)
    %dma_wait3A_89 = arith.constant 0 : i32
    %dma_wait3A_90 = arith.constant 0 : i32
    %dma_wait3A_91 = arith.constant 0 : i32
    %dma_wait3A_92 = tpu.memref_slice %arg4[%add3A, %dma_wait3A_90, %dma_wait3A_91] : memref<32x80x128xi32, #tpu.memory_space<hbm>> -> memref<1x80x128xi32, #tpu.memory_space<hbm>>
    %dma_wait3A_93 = tpu.memref_squeeze %dma_wait3A_92 : memref<1x80x128xi32, #tpu.memory_space<hbm>> -> memref<80x128xi32, #tpu.memory_space<hbm>>
    %dma_wait3A_94 = arith.constant 0 : i32
    %dma_wait3A_95 = tpu.memref_slice %dma_wait3A_93[%dma_wait3A_89, %dma_wait3A_94] : memref<80x128xi32, #tpu.memory_space<hbm>> -> memref<1x128xi32, #tpu.memory_space<hbm>>
    %dma_wait3A_96 = tpu.memref_squeeze %dma_wait3A_95 : memref<1x128xi32, #tpu.memory_space<hbm>> -> memref<128xi32, #tpu.memory_space<hbm>>
    %dma_wait3A_97 = arith.constant 0 : i32
    %dma_wait3A_98 = arith.constant 0 : i32
    %dma_wait3A_99 = tpu.memref_slice %arg4[%add3A, %dma_wait3A_97, %dma_wait3A_98] : memref<32x80x128xi32, #tpu.memory_space<hbm>> -> memref<1x80x128xi32, #tpu.memory_space<hbm>>
    %dma_wait3A_100 = tpu.memref_squeeze %dma_wait3A_99 : memref<1x80x128xi32, #tpu.memory_space<hbm>> -> memref<80x128xi32, #tpu.memory_space<hbm>>
    %dma_wait3A_101 = arith.constant 0 : i32
    %dma_wait3A_102 = tpu.memref_slice %dma_wait3A_100[%dma_wait3A_89, %dma_wait3A_101] : memref<80x128xi32, #tpu.memory_space<hbm>> -> memref<1x128xi32, #tpu.memory_space<hbm>>
    %dma_wait3A_103 = tpu.memref_squeeze %dma_wait3A_102 : memref<1x128xi32, #tpu.memory_space<hbm>> -> memref<128xi32, #tpu.memory_space<hbm>>
    tpu.wait_dma2 semaphore(%arg16 : memref<!tpu.dma_semaphore, #tpu.memory_space<semaphore_mem>>) src(%dma_wait3A_103 : memref<128xi32, #tpu.memory_space<hbm>>) dst(%arg11 : memref<128xi32, #tpu.memory_space<vmem>>)
    %dma_start3A_104 = arith.constant 0 : i32
    %dma_start3A_105 = arith.constant 0 : i32
    %dma_start3A_106 = tpu.memref_slice %arg2[%dma_start3A_104, %dma_start3A_105] : memref<10240x128xf32, #tpu.memory_space<hbm>> -> memref<10240x128xf32, #tpu.memory_space<hbm>>
    tpu.enqueue_indirect_dma source(%dma_start3A_106 : memref<10240x128xf32, #tpu.memory_space<hbm>>) target(%arg7 : memref<128x128xf32, #tpu.memory_space<vmem>>) offsets(%arg9 : memref<128xi32, #tpu.memory_space<vmem>>) semaphore(%arg14 : memref<!tpu.dma_semaphore, #tpu.memory_space<semaphore_mem>>)
    %dma_start3A_107 = arith.constant 1 : i32
    %dma_start3A_108 = arith.constant 0 : i32
    %dma_start3A_109 = arith.constant 0 : i32
    %dma_start3A_110 = tpu.memref_slice %arg3[%add3A, %dma_start3A_108, %dma_start3A_109] : memref<32x80x128xi32, #tpu.memory_space<hbm>> -> memref<1x80x128xi32, #tpu.memory_space<hbm>>
    %dma_start3A_111 = tpu.memref_squeeze %dma_start3A_110 : memref<1x80x128xi32, #tpu.memory_space<hbm>> -> memref<80x128xi32, #tpu.memory_space<hbm>>
    %dma_start3A_112 = arith.constant 0 : i32
    %dma_start3A_113 = tpu.memref_slice %dma_start3A_111[%dma_start3A_107, %dma_start3A_112] : memref<80x128xi32, #tpu.memory_space<hbm>> -> memref<1x128xi32, #tpu.memory_space<hbm>>
    %dma_start3A_114 = tpu.memref_squeeze %dma_start3A_113 : memref<1x128xi32, #tpu.memory_space<hbm>> -> memref<128xi32, #tpu.memory_space<hbm>>
    %dma_start3A_115 = arith.constant 0 : i32
    %dma_start3A_116 = arith.constant 0 : i32
    %dma_start3A_117 = tpu.memref_slice %arg3[%add3A, %dma_start3A_115, %dma_start3A_116] : memref<32x80x128xi32, #tpu.memory_space<hbm>> -> memref<1x80x128xi32, #tpu.memory_space<hbm>>
    %dma_start3A_118 = tpu.memref_squeeze %dma_start3A_117 : memref<1x80x128xi32, #tpu.memory_space<hbm>> -> memref<80x128xi32, #tpu.memory_space<hbm>>
    %dma_start3A_119 = arith.constant 0 : i32
    %dma_start3A_120 = tpu.memref_slice %dma_start3A_118[%dma_start3A_107, %dma_start3A_119] : memref<80x128xi32, #tpu.memory_space<hbm>> -> memref<1x128xi32, #tpu.memory_space<hbm>>
    %dma_start3A_121 = tpu.memref_squeeze %dma_start3A_120 : memref<1x128xi32, #tpu.memory_space<hbm>> -> memref<128xi32, #tpu.memory_space<hbm>>
    tpu.enqueue_dma source(%dma_start3A_121 : memref<128xi32, #tpu.memory_space<hbm>>) target(%arg10 : memref<128xi32, #tpu.memory_space<vmem>>) target_semaphore(%arg17 : memref<!tpu.dma_semaphore, #tpu.memory_space<semaphore_mem>>)
    %dma_start3A_122 = arith.constant 1 : i32
    %dma_start3A_123 = arith.constant 0 : i32
    %dma_start3A_124 = arith.constant 0 : i32
    %dma_start3A_125 = tpu.memref_slice %arg4[%add3A, %dma_start3A_123, %dma_start3A_124] : memref<32x80x128xi32, #tpu.memory_space<hbm>> -> memref<1x80x128xi32, #tpu.memory_space<hbm>>
    %dma_start3A_126 = tpu.memref_squeeze %dma_start3A_125 : memref<1x80x128xi32, #tpu.memory_space<hbm>> -> memref<80x128xi32, #tpu.memory_space<hbm>>
    %dma_start3A_127 = arith.constant 0 : i32
    %dma_start3A_128 = tpu.memref_slice %dma_start3A_126[%dma_start3A_122, %dma_start3A_127] : memref<80x128xi32, #tpu.memory_space<hbm>> -> memref<1x128xi32, #tpu.memory_space<hbm>>
    %dma_start3A_129 = tpu.memref_squeeze %dma_start3A_128 : memref<1x128xi32, #tpu.memory_space<hbm>> -> memref<128xi32, #tpu.memory_space<hbm>>
    %dma_start3A_130 = arith.constant 0 : i32
    %dma_start3A_131 = arith.constant 0 : i32
    %dma_start3A_132 = tpu.memref_slice %arg4[%add3A, %dma_start3A_130, %dma_start3A_131] : memref<32x80x128xi32, #tpu.memory_space<hbm>> -> memref<1x80x128xi32, #tpu.memory_space<hbm>>
    %dma_start3A_133 = tpu.memref_squeeze %dma_start3A_132 : memref<1x80x128xi32, #tpu.memory_space<hbm>> -> memref<80x128xi32, #tpu.memory_space<hbm>>
    %dma_start3A_134 = arith.constant 0 : i32
    %dma_start3A_135 = tpu.memref_slice %dma_start3A_133[%dma_start3A_122, %dma_start3A_134] : memref<80x128xi32, #tpu.memory_space<hbm>> -> memref<1x128xi32, #tpu.memory_space<hbm>>
    %dma_start3A_136 = tpu.memref_squeeze %dma_start3A_135 : memref<1x128xi32, #tpu.memory_space<hbm>> -> memref<128xi32, #tpu.memory_space<hbm>>
    tpu.enqueue_dma source(%dma_start3A_136 : memref<128xi32, #tpu.memory_space<hbm>>) target(%arg12 : memref<128xi32, #tpu.memory_space<vmem>>) target_semaphore(%arg17 : memref<!tpu.dma_semaphore, #tpu.memory_space<semaphore_mem>>)
    %scan3A_137 = arith.constant 0 : i32
    %scan3A_138 = arith.constant 39 : i32
    %scan3A_139 = arith.addi %scan3A_137, %scan3A_138 : i32
    %scan3A_140 = arith.constant 1 : i32
    scf.for %scan3A_222 = %scan3A_137 to %scan3A_139 step %scan3A_140  : i32 {
      %mul3A_223 = arith.constant 1 : i32
      %mul3A_224 = arith.muli %scan3A_222, %mul3A_223 : i32
      %add3A_225 = arith.constant 0 : i32
      %add3A_226 = arith.addi %add3A_225, %mul3A_224 : i32
      %mul3A_227 = arith.constant 2 : i32
      %mul3A_228 = arith.muli %mul3A_227, %add3A_226 : i32
      %dma_wait3A_229 = arith.constant 0 : i32
      %dma_wait3A_230 = arith.constant 0 : i32
      %dma_wait3A_231 = tpu.memref_slice %arg2[%dma_wait3A_229, %dma_wait3A_230] : memref<10240x128xf32, #tpu.memory_space<hbm>> -> memref<10240x128xf32, #tpu.memory_space<hbm>>
      tpu.wait_indirect_dma semaphore(%arg14 : memref<!tpu.dma_semaphore, #tpu.memory_space<semaphore_mem>>) src(%dma_wait3A_231 : memref<10240x128xf32, #tpu.memory_space<hbm>>) dst(%arg7 : memref<128x128xf32, #tpu.memory_space<vmem>>)
      %dma_wait3A_232 = arith.constant 0 : i32
      %dma_wait3A_233 = arith.constant 0 : i32
      %dma_wait3A_234 = arith.constant 0 : i32
      %dma_wait3A_235 = tpu.memref_slice %arg3[%add3A, %dma_wait3A_233, %dma_wait3A_234] : memref<32x80x128xi32, #tpu.memory_space<hbm>> -> memref<1x80x128xi32, #tpu.memory_space<hbm>>
      %dma_wait3A_236 = tpu.memref_squeeze %dma_wait3A_235 : memref<1x80x128xi32, #tpu.memory_space<hbm>> -> memref<80x128xi32, #tpu.memory_space<hbm>>
      %dma_wait3A_237 = arith.constant 0 : i32
      %dma_wait3A_238 = tpu.memref_slice %dma_wait3A_236[%dma_wait3A_232, %dma_wait3A_237] : memref<80x128xi32, #tpu.memory_space<hbm>> -> memref<1x128xi32, #tpu.memory_space<hbm>>
      %dma_wait3A_239 = tpu.memref_squeeze %dma_wait3A_238 : memref<1x128xi32, #tpu.memory_space<hbm>> -> memref<128xi32, #tpu.memory_space<hbm>>
      %dma_wait3A_240 = arith.constant 0 : i32
      %dma_wait3A_241 = arith.constant 0 : i32
      %dma_wait3A_242 = tpu.memref_slice %arg3[%add3A, %dma_wait3A_240, %dma_wait3A_241] : memref<32x80x128xi32, #tpu.memory_space<hbm>> -> memref<1x80x128xi32, #tpu.memory_space<hbm>>
      %dma_wait3A_243 = tpu.memref_squeeze %dma_wait3A_242 : memref<1x80x128xi32, #tpu.memory_space<hbm>> -> memref<80x128xi32, #tpu.memory_space<hbm>>
      %dma_wait3A_244 = arith.constant 0 : i32
      %dma_wait3A_245 = tpu.memref_slice %dma_wait3A_243[%dma_wait3A_232, %dma_wait3A_244] : memref<80x128xi32, #tpu.memory_space<hbm>> -> memref<1x128xi32, #tpu.memory_space<hbm>>
      %dma_wait3A_246 = tpu.memref_squeeze %dma_wait3A_245 : memref<1x128xi32, #tpu.memory_space<hbm>> -> memref<128xi32, #tpu.memory_space<hbm>>
      tpu.wait_dma2 semaphore(%arg17 : memref<!tpu.dma_semaphore, #tpu.memory_space<semaphore_mem>>) src(%dma_wait3A_246 : memref<128xi32, #tpu.memory_space<hbm>>) dst(%arg10 : memref<128xi32, #tpu.memory_space<vmem>>)
      %dma_wait3A_247 = arith.constant 0 : i32
      %dma_wait3A_248 = arith.constant 0 : i32
      %dma_wait3A_249 = arith.constant 0 : i32
      %dma_wait3A_250 = tpu.memref_slice %arg4[%add3A, %dma_wait3A_248, %dma_wait3A_249] : memref<32x80x128xi32, #tpu.memory_space<hbm>> -> memref<1x80x128xi32, #tpu.memory_space<hbm>>
      %dma_wait3A_251 = tpu.memref_squeeze %dma_wait3A_250 : memref<1x80x128xi32, #tpu.memory_space<hbm>> -> memref<80x128xi32, #tpu.memory_space<hbm>>
      %dma_wait3A_252 = arith.constant 0 : i32
      %dma_wait3A_253 = tpu.memref_slice %dma_wait3A_251[%dma_wait3A_247, %dma_wait3A_252] : memref<80x128xi32, #tpu.memory_space<hbm>> -> memref<1x128xi32, #tpu.memory_space<hbm>>
      %dma_wait3A_254 = tpu.memref_squeeze %dma_wait3A_253 : memref<1x128xi32, #tpu.memory_space<hbm>> -> memref<128xi32, #tpu.memory_space<hbm>>
      %dma_wait3A_255 = arith.constant 0 : i32
      %dma_wait3A_256 = arith.constant 0 : i32
      %dma_wait3A_257 = tpu.memref_slice %arg4[%add3A, %dma_wait3A_255, %dma_wait3A_256] : memref<32x80x128xi32, #tpu.memory_space<hbm>> -> memref<1x80x128xi32, #tpu.memory_space<hbm>>
      %dma_wait3A_258 = tpu.memref_squeeze %dma_wait3A_257 : memref<1x80x128xi32, #tpu.memory_space<hbm>> -> memref<80x128xi32, #tpu.memory_space<hbm>>
      %dma_wait3A_259 = arith.constant 0 : i32
      %dma_wait3A_260 = tpu.memref_slice %dma_wait3A_258[%dma_wait3A_247, %dma_wait3A_259] : memref<80x128xi32, #tpu.memory_space<hbm>> -> memref<1x128xi32, #tpu.memory_space<hbm>>
      %dma_wait3A_261 = tpu.memref_squeeze %dma_wait3A_260 : memref<1x128xi32, #tpu.memory_space<hbm>> -> memref<128xi32, #tpu.memory_space<hbm>>
      tpu.wait_dma2 semaphore(%arg17 : memref<!tpu.dma_semaphore, #tpu.memory_space<semaphore_mem>>) src(%dma_wait3A_261 : memref<128xi32, #tpu.memory_space<hbm>>) dst(%arg12 : memref<128xi32, #tpu.memory_space<vmem>>)
      %dma_start3A_262 = arith.constant 0 : i32
      %dma_start3A_263 = arith.constant 0 : i32
      %dma_start3A_264 = tpu.memref_slice %arg2[%dma_start3A_262, %dma_start3A_263] : memref<10240x128xf32, #tpu.memory_space<hbm>> -> memref<10240x128xf32, #tpu.memory_space<hbm>>
      tpu.enqueue_indirect_dma source(%dma_start3A_264 : memref<10240x128xf32, #tpu.memory_space<hbm>>) target(%arg8 : memref<128x128xf32, #tpu.memory_space<vmem>>) offsets(%arg10 : memref<128xi32, #tpu.memory_space<vmem>>) semaphore(%arg15 : memref<!tpu.dma_semaphore, #tpu.memory_space<semaphore_mem>>)
      "tpu.region"() ({
        %run_scoped3A = tpu.sem_alloc : memref<!tpu.dma_semaphore, #tpu.memory_space<semaphore_mem>>
        %dma_start3A_365 = arith.constant 0 : i32
        %dma_start3A_366 = arith.constant 0 : i32
        %dma_start3A_367 = tpu.memref_slice %arg13[%dma_start3A_365, %dma_start3A_366] : memref<10240x128xf32, #tpu.memory_space<vmem_shared>> -> memref<10240x128xf32, #tpu.memory_space<vmem_shared>>
        tpu.enqueue_indirect_dma source(%arg7 : memref<128x128xf32, #tpu.memory_space<vmem>>) target(%dma_start3A_367 : memref<10240x128xf32, #tpu.memory_space<vmem_shared>>) offsets(%arg11 : memref<128xi32, #tpu.memory_space<vmem>>) semaphore(%run_scoped3A : memref<!tpu.dma_semaphore, #tpu.memory_space<semaphore_mem>>) {add = true}
        %dma_wait3A_368 = arith.constant 0 : i32
        %dma_wait3A_369 = arith.constant 0 : i32
        %dma_wait3A_370 = tpu.memref_slice %arg13[%dma_wait3A_368, %dma_wait3A_369] : memref<10240x128xf32, #tpu.memory_space<vmem_shared>> -> memref<10240x128xf32, #tpu.memory_space<vmem_shared>>
        tpu.wait_indirect_dma semaphore(%run_scoped3A : memref<!tpu.dma_semaphore, #tpu.memory_space<semaphore_mem>>) src(%arg7 : memref<128x128xf32, #tpu.memory_space<vmem>>) dst(%dma_wait3A_370 : memref<10240x128xf32, #tpu.memory_space<vmem_shared>>)
        tpu.yield
      }) : () -> ()
      %add3A_265 = arith.constant 2 : i32
      %add3A_266 = arith.addi %mul3A_228, %add3A_265 : i32
      %dma_start3A_267 = arith.constant 0 : i32
      %dma_start3A_268 = arith.constant 0 : i32
      %dma_start3A_269 = tpu.memref_slice %arg3[%add3A, %dma_start3A_267, %dma_start3A_268] : memref<32x80x128xi32, #tpu.memory_space<hbm>> -> memref<1x80x128xi32, #tpu.memory_space<hbm>>
      %dma_start3A_270 = tpu.memref_squeeze %dma_start3A_269 : memref<1x80x128xi32, #tpu.memory_space<hbm>> -> memref<80x128xi32, #tpu.memory_space<hbm>>
      %dma_start3A_271 = arith.constant 0 : i32
      %dma_start3A_272 = tpu.memref_slice %dma_start3A_270[%add3A_266, %dma_start3A_271] : memref<80x128xi32, #tpu.memory_space<hbm>> -> memref<1x128xi32, #tpu.memory_space<hbm>>
      %dma_start3A_273 = tpu.memref_squeeze %dma_start3A_272 : memref<1x128xi32, #tpu.memory_space<hbm>> -> memref<128xi32, #tpu.memory_space<hbm>>
      %dma_start3A_274 = arith.constant 0 : i32
      %dma_start3A_275 = arith.constant 0 : i32
      %dma_start3A_276 = tpu.memref_slice %arg3[%add3A, %dma_start3A_274, %dma_start3A_275] : memref<32x80x128xi32, #tpu.memory_space<hbm>> -> memref<1x80x128xi32, #tpu.memory_space<hbm>>
      %dma_start3A_277 = tpu.memref_squeeze %dma_start3A_276 : memref<1x80x128xi32, #tpu.memory_space<hbm>> -> memref<80x128xi32, #tpu.memory_space<hbm>>
      %dma_start3A_278 = arith.constant 0 : i32
      %dma_start3A_279 = tpu.memref_slice %dma_start3A_277[%add3A_266, %dma_start3A_278] : memref<80x128xi32, #tpu.memory_space<hbm>> -> memref<1x128xi32, #tpu.memory_space<hbm>>
      %dma_start3A_280 = tpu.memref_squeeze %dma_start3A_279 : memref<1x128xi32, #tpu.memory_space<hbm>> -> memref<128xi32, #tpu.memory_space<hbm>>
      tpu.enqueue_dma source(%dma_start3A_280 : memref<128xi32, #tpu.memory_space<hbm>>) target(%arg9 : memref<128xi32, #tpu.memory_space<vmem>>) target_semaphore(%arg16 : memref<!tpu.dma_semaphore, #tpu.memory_space<semaphore_mem>>)
      %dma_start3A_281 = arith.constant 0 : i32
      %dma_start3A_282 = arith.constant 0 : i32
      %dma_start3A_283 = tpu.memref_slice %arg4[%add3A, %dma_start3A_281, %dma_start3A_282] : memref<32x80x128xi32, #tpu.memory_space<hbm>> -> memref<1x80x128xi32, #tpu.memory_space<hbm>>
      %dma_start3A_284 = tpu.memref_squeeze %dma_start3A_283 : memref<1x80x128xi32, #tpu.memory_space<hbm>> -> memref<80x128xi32, #tpu.memory_space<hbm>>
      %dma_start3A_285 = arith.constant 0 : i32
      %dma_start3A_286 = tpu.memref_slice %dma_start3A_284[%add3A_266, %dma_start3A_285] : memref<80x128xi32, #tpu.memory_space<hbm>> -> memref<1x128xi32, #tpu.memory_space<hbm>>
      %dma_start3A_287 = tpu.memref_squeeze %dma_start3A_286 : memref<1x128xi32, #tpu.memory_space<hbm>> -> memref<128xi32, #tpu.memory_space<hbm>>
      %dma_start3A_288 = arith.constant 0 : i32
      %dma_start3A_289 = arith.constant 0 : i32
      %dma_start3A_290 = tpu.memref_slice %arg4[%add3A, %dma_start3A_288, %dma_start3A_289] : memref<32x80x128xi32, #tpu.memory_space<hbm>> -> memref<1x80x128xi32, #tpu.memory_space<hbm>>
      %dma_start3A_291 = tpu.memref_squeeze %dma_start3A_290 : memref<1x80x128xi32, #tpu.memory_space<hbm>> -> memref<80x128xi32, #tpu.memory_space<hbm>>
      %dma_start3A_292 = arith.constant 0 : i32
      %dma_start3A_293 = tpu.memref_slice %dma_start3A_291[%add3A_266, %dma_start3A_292] : memref<80x128xi32, #tpu.memory_space<hbm>> -> memref<1x128xi32, #tpu.memory_space<hbm>>
      %dma_start3A_294 = tpu.memref_squeeze %dma_start3A_293 : memref<1x128xi32, #tpu.memory_space<hbm>> -> memref<128xi32, #tpu.memory_space<hbm>>
      tpu.enqueue_dma source(%dma_start3A_294 : memref<128xi32, #tpu.memory_space<hbm>>) target(%arg11 : memref<128xi32, #tpu.memory_space<vmem>>) target_semaphore(%arg16 : memref<!tpu.dma_semaphore, #tpu.memory_space<semaphore_mem>>)
      %mul3A_295 = arith.constant 2 : i32
      %mul3A_296 = arith.muli %mul3A_295, %add3A_226 : i32
      %add3A_297 = arith.constant 1 : i32
      %add3A_298 = arith.addi %mul3A_296, %add3A_297 : i32
      %dma_wait3A_299 = arith.constant 0 : i32
      %dma_wait3A_300 = arith.constant 0 : i32
      %dma_wait3A_301 = tpu.memref_slice %arg2[%dma_wait3A_299, %dma_wait3A_300] : memref<10240x128xf32, #tpu.memory_space<hbm>> -> memref<10240x128xf32, #tpu.memory_space<hbm>>
      tpu.wait_indirect_dma semaphore(%arg15 : memref<!tpu.dma_semaphore, #tpu.memory_space<semaphore_mem>>) src(%dma_wait3A_301 : memref<10240x128xf32, #tpu.memory_space<hbm>>) dst(%arg8 : memref<128x128xf32, #tpu.memory_space<vmem>>)
      %dma_wait3A_302 = arith.constant 0 : i32
      %dma_wait3A_303 = arith.constant 0 : i32
      %dma_wait3A_304 = arith.constant 0 : i32
      %dma_wait3A_305 = tpu.memref_slice %arg3[%add3A, %dma_wait3A_303, %dma_wait3A_304] : memref<32x80x128xi32, #tpu.memory_space<hbm>> -> memref<1x80x128xi32, #tpu.memory_space<hbm>>
      %dma_wait3A_306 = tpu.memref_squeeze %dma_wait3A_305 : memref<1x80x128xi32, #tpu.memory_space<hbm>> -> memref<80x128xi32, #tpu.memory_space<hbm>>
      %dma_wait3A_307 = arith.constant 0 : i32
      %dma_wait3A_308 = tpu.memref_slice %dma_wait3A_306[%dma_wait3A_302, %dma_wait3A_307] : memref<80x128xi32, #tpu.memory_space<hbm>> -> memref<1x128xi32, #tpu.memory_space<hbm>>
      %dma_wait3A_309 = tpu.memref_squeeze %dma_wait3A_308 : memref<1x128xi32, #tpu.memory_space<hbm>> -> memref<128xi32, #tpu.memory_space<hbm>>
      %dma_wait3A_310 = arith.constant 0 : i32
      %dma_wait3A_311 = arith.constant 0 : i32
      %dma_wait3A_312 = tpu.memref_slice %arg3[%add3A, %dma_wait3A_310, %dma_wait3A_311] : memref<32x80x128xi32, #tpu.memory_space<hbm>> -> memref<1x80x128xi32, #tpu.memory_space<hbm>>
      %dma_wait3A_313 = tpu.memref_squeeze %dma_wait3A_312 : memref<1x80x128xi32, #tpu.memory_space<hbm>> -> memref<80x128xi32, #tpu.memory_space<hbm>>
      %dma_wait3A_314 = arith.constant 0 : i32
      %dma_wait3A_315 = tpu.memref_slice %dma_wait3A_313[%dma_wait3A_302, %dma_wait3A_314] : memref<80x128xi32, #tpu.memory_space<hbm>> -> memref<1x128xi32, #tpu.memory_space<hbm>>
      %dma_wait3A_316 = tpu.memref_squeeze %dma_wait3A_315 : memref<1x128xi32, #tpu.memory_space<hbm>> -> memref<128xi32, #tpu.memory_space<hbm>>
      tpu.wait_dma2 semaphore(%arg16 : memref<!tpu.dma_semaphore, #tpu.memory_space<semaphore_mem>>) src(%dma_wait3A_316 : memref<128xi32, #tpu.memory_space<hbm>>) dst(%arg9 : memref<128xi32, #tpu.memory_space<vmem>>)
      %dma_wait3A_317 = arith.constant 0 : i32
      %dma_wait3A_318 = arith.constant 0 : i32
      %dma_wait3A_319 = arith.constant 0 : i32
      %dma_wait3A_320 = tpu.memref_slice %arg4[%add3A, %dma_wait3A_318, %dma_wait3A_319] : memref<32x80x128xi32, #tpu.memory_space<hbm>> -> memref<1x80x128xi32, #tpu.memory_space<hbm>>
      %dma_wait3A_321 = tpu.memref_squeeze %dma_wait3A_320 : memref<1x80x128xi32, #tpu.memory_space<hbm>> -> memref<80x128xi32, #tpu.memory_space<hbm>>
      %dma_wait3A_322 = arith.constant 0 : i32
      %dma_wait3A_323 = tpu.memref_slice %dma_wait3A_321[%dma_wait3A_317, %dma_wait3A_322] : memref<80x128xi32, #tpu.memory_space<hbm>> -> memref<1x128xi32, #tpu.memory_space<hbm>>
      %dma_wait3A_324 = tpu.memref_squeeze %dma_wait3A_323 : memref<1x128xi32, #tpu.memory_space<hbm>> -> memref<128xi32, #tpu.memory_space<hbm>>
      %dma_wait3A_325 = arith.constant 0 : i32
      %dma_wait3A_326 = arith.constant 0 : i32
      %dma_wait3A_327 = tpu.memref_slice %arg4[%add3A, %dma_wait3A_325, %dma_wait3A_326] : memref<32x80x128xi32, #tpu.memory_space<hbm>> -> memref<1x80x128xi32, #tpu.memory_space<hbm>>
      %dma_wait3A_328 = tpu.memref_squeeze %dma_wait3A_327 : memref<1x80x128xi32, #tpu.memory_space<hbm>> -> memref<80x128xi32, #tpu.memory_space<hbm>>
      %dma_wait3A_329 = arith.constant 0 : i32
      %dma_wait3A_330 = tpu.memref_slice %dma_wait3A_328[%dma_wait3A_317, %dma_wait3A_329] : memref<80x128xi32, #tpu.memory_space<hbm>> -> memref<1x128xi32, #tpu.memory_space<hbm>>
      %dma_wait3A_331 = tpu.memref_squeeze %dma_wait3A_330 : memref<1x128xi32, #tpu.memory_space<hbm>> -> memref<128xi32, #tpu.memory_space<hbm>>
      tpu.wait_dma2 semaphore(%arg16 : memref<!tpu.dma_semaphore, #tpu.memory_space<semaphore_mem>>) src(%dma_wait3A_331 : memref<128xi32, #tpu.memory_space<hbm>>) dst(%arg11 : memref<128xi32, #tpu.memory_space<vmem>>)
      %dma_start3A_332 = arith.constant 0 : i32
      %dma_start3A_333 = arith.constant 0 : i32
      %dma_start3A_334 = tpu.memref_slice %arg2[%dma_start3A_332, %dma_start3A_333] : memref<10240x128xf32, #tpu.memory_space<hbm>> -> memref<10240x128xf32, #tpu.memory_space<hbm>>
      tpu.enqueue_indirect_dma source(%dma_start3A_334 : memref<10240x128xf32, #tpu.memory_space<hbm>>) target(%arg7 : memref<128x128xf32, #tpu.memory_space<vmem>>) offsets(%arg9 : memref<128xi32, #tpu.memory_space<vmem>>) semaphore(%arg14 : memref<!tpu.dma_semaphore, #tpu.memory_space<semaphore_mem>>)
      "tpu.region"() ({
        %run_scoped3A = tpu.sem_alloc : memref<!tpu.dma_semaphore, #tpu.memory_space<semaphore_mem>>
        %dma_start3A_365 = arith.constant 0 : i32
        %dma_start3A_366 = arith.constant 0 : i32
        %dma_start3A_367 = tpu.memref_slice %arg13[%dma_start3A_365, %dma_start3A_366] : memref<10240x128xf32, #tpu.memory_space<vmem_shared>> -> memref<10240x128xf32, #tpu.memory_space<vmem_shared>>
        tpu.enqueue_indirect_dma source(%arg8 : memref<128x128xf32, #tpu.memory_space<vmem>>) target(%dma_start3A_367 : memref<10240x128xf32, #tpu.memory_space<vmem_shared>>) offsets(%arg12 : memref<128xi32, #tpu.memory_space<vmem>>) semaphore(%run_scoped3A : memref<!tpu.dma_semaphore, #tpu.memory_space<semaphore_mem>>) {add = true}
        %dma_wait3A_368 = arith.constant 0 : i32
        %dma_wait3A_369 = arith.constant 0 : i32
        %dma_wait3A_370 = tpu.memref_slice %arg13[%dma_wait3A_368, %dma_wait3A_369] : memref<10240x128xf32, #tpu.memory_space<vmem_shared>> -> memref<10240x128xf32, #tpu.memory_space<vmem_shared>>
        tpu.wait_indirect_dma semaphore(%run_scoped3A : memref<!tpu.dma_semaphore, #tpu.memory_space<semaphore_mem>>) src(%arg8 : memref<128x128xf32, #tpu.memory_space<vmem>>) dst(%dma_wait3A_370 : memref<10240x128xf32, #tpu.memory_space<vmem_shared>>)
        tpu.yield
      }) : () -> ()
      %add3A_335 = arith.constant 2 : i32
      %add3A_336 = arith.addi %add3A_298, %add3A_335 : i32
      %dma_start3A_337 = arith.constant 0 : i32
      %dma_start3A_338 = arith.constant 0 : i32
      %dma_start3A_339 = tpu.memref_slice %arg3[%add3A, %dma_start3A_337, %dma_start3A_338] : memref<32x80x128xi32, #tpu.memory_space<hbm>> -> memref<1x80x128xi32, #tpu.memory_space<hbm>>
      %dma_start3A_340 = tpu.memref_squeeze %dma_start3A_339 : memref<1x80x128xi32, #tpu.memory_space<hbm>> -> memref<80x128xi32, #tpu.memory_space<hbm>>
      %dma_start3A_341 = arith.constant 0 : i32
      %dma_start3A_342 = tpu.memref_slice %dma_start3A_340[%add3A_336, %dma_start3A_341] : memref<80x128xi32, #tpu.memory_space<hbm>> -> memref<1x128xi32, #tpu.memory_space<hbm>>
      %dma_start3A_343 = tpu.memref_squeeze %dma_start3A_342 : memref<1x128xi32, #tpu.memory_space<hbm>> -> memref<128xi32, #tpu.memory_space<hbm>>
      %dma_start3A_344 = arith.constant 0 : i32
      %dma_start3A_345 = arith.constant 0 : i32
      %dma_start3A_346 = tpu.memref_slice %arg3[%add3A, %dma_start3A_344, %dma_start3A_345] : memref<32x80x128xi32, #tpu.memory_space<hbm>> -> memref<1x80x128xi32, #tpu.memory_space<hbm>>
      %dma_start3A_347 = tpu.memref_squeeze %dma_start3A_346 : memref<1x80x128xi32, #tpu.memory_space<hbm>> -> memref<80x128xi32, #tpu.memory_space<hbm>>
      %dma_start3A_348 = arith.constant 0 : i32
      %dma_start3A_349 = tpu.memref_slice %dma_start3A_347[%add3A_336, %dma_start3A_348] : memref<80x128xi32, #tpu.memory_space<hbm>> -> memref<1x128xi32, #tpu.memory_space<hbm>>
      %dma_start3A_350 = tpu.memref_squeeze %dma_start3A_349 : memref<1x128xi32, #tpu.memory_space<hbm>> -> memref<128xi32, #tpu.memory_space<hbm>>
      tpu.enqueue_dma source(%dma_start3A_350 : memref<128xi32, #tpu.memory_space<hbm>>) target(%arg10 : memref<128xi32, #tpu.memory_space<vmem>>) target_semaphore(%arg17 : memref<!tpu.dma_semaphore, #tpu.memory_space<semaphore_mem>>)
      %dma_start3A_351 = arith.constant 0 : i32
      %dma_start3A_352 = arith.constant 0 : i32
      %dma_start3A_353 = tpu.memref_slice %arg4[%add3A, %dma_start3A_351, %dma_start3A_352] : memref<32x80x128xi32, #tpu.memory_space<hbm>> -> memref<1x80x128xi32, #tpu.memory_space<hbm>>
      %dma_start3A_354 = tpu.memref_squeeze %dma_start3A_353 : memref<1x80x128xi32, #tpu.memory_space<hbm>> -> memref<80x128xi32, #tpu.memory_space<hbm>>
      %dma_start3A_355 = arith.constant 0 : i32
      %dma_start3A_356 = tpu.memref_slice %dma_start3A_354[%add3A_336, %dma_start3A_355] : memref<80x128xi32, #tpu.memory_space<hbm>> -> memref<1x128xi32, #tpu.memory_space<hbm>>
      %dma_start3A_357 = tpu.memref_squeeze %dma_start3A_356 : memref<1x128xi32, #tpu.memory_space<hbm>> -> memref<128xi32, #tpu.memory_space<hbm>>
      %dma_start3A_358 = arith.constant 0 : i32
      %dma_start3A_359 = arith.constant 0 : i32
      %dma_start3A_360 = tpu.memref_slice %arg4[%add3A, %dma_start3A_358, %dma_start3A_359] : memref<32x80x128xi32, #tpu.memory_space<hbm>> -> memref<1x80x128xi32, #tpu.memory_space<hbm>>
      %dma_start3A_361 = tpu.memref_squeeze %dma_start3A_360 : memref<1x80x128xi32, #tpu.memory_space<hbm>> -> memref<80x128xi32, #tpu.memory_space<hbm>>
      %dma_start3A_362 = arith.constant 0 : i32
      %dma_start3A_363 = tpu.memref_slice %dma_start3A_361[%add3A_336, %dma_start3A_362] : memref<80x128xi32, #tpu.memory_space<hbm>> -> memref<1x128xi32, #tpu.memory_space<hbm>>
      %dma_start3A_364 = tpu.memref_squeeze %dma_start3A_363 : memref<1x128xi32, #tpu.memory_space<hbm>> -> memref<128xi32, #tpu.memory_space<hbm>>
      tpu.enqueue_dma source(%dma_start3A_364 : memref<128xi32, #tpu.memory_space<hbm>>) target(%arg12 : memref<128xi32, #tpu.memory_space<vmem>>) target_semaphore(%arg17 : memref<!tpu.dma_semaphore, #tpu.memory_space<semaphore_mem>>)
    }
    %scan3A_141 = arith.constant 39 : i32
    %dma_wait3A_142 = arith.constant 0 : i32
    %dma_wait3A_143 = arith.constant 0 : i32
    %dma_wait3A_144 = tpu.memref_slice %arg2[%dma_wait3A_142, %dma_wait3A_143] : memref<10240x128xf32, #tpu.memory_space<hbm>> -> memref<10240x128xf32, #tpu.memory_space<hbm>>
    tpu.wait_indirect_dma semaphore(%arg14 : memref<!tpu.dma_semaphore, #tpu.memory_space<semaphore_mem>>) src(%dma_wait3A_144 : memref<10240x128xf32, #tpu.memory_space<hbm>>) dst(%arg7 : memref<128x128xf32, #tpu.memory_space<vmem>>)
    %dma_wait3A_145 = arith.constant 0 : i32
    %dma_wait3A_146 = arith.constant 0 : i32
    %dma_wait3A_147 = arith.constant 0 : i32
    %dma_wait3A_148 = tpu.memref_slice %arg3[%add3A, %dma_wait3A_146, %dma_wait3A_147] : memref<32x80x128xi32, #tpu.memory_space<hbm>> -> memref<1x80x128xi32, #tpu.memory_space<hbm>>
    %dma_wait3A_149 = tpu.memref_squeeze %dma_wait3A_148 : memref<1x80x128xi32, #tpu.memory_space<hbm>> -> memref<80x128xi32, #tpu.memory_space<hbm>>
    %dma_wait3A_150 = arith.constant 0 : i32
    %dma_wait3A_151 = tpu.memref_slice %dma_wait3A_149[%dma_wait3A_145, %dma_wait3A_150] : memref<80x128xi32, #tpu.memory_space<hbm>> -> memref<1x128xi32, #tpu.memory_space<hbm>>
    %dma_wait3A_152 = tpu.memref_squeeze %dma_wait3A_151 : memref<1x128xi32, #tpu.memory_space<hbm>> -> memref<128xi32, #tpu.memory_space<hbm>>
    %dma_wait3A_153 = arith.constant 0 : i32
    %dma_wait3A_154 = arith.constant 0 : i32
    %dma_wait3A_155 = tpu.memref_slice %arg3[%add3A, %dma_wait3A_153, %dma_wait3A_154] : memref<32x80x128xi32, #tpu.memory_space<hbm>> -> memref<1x80x128xi32, #tpu.memory_space<hbm>>
    %dma_wait3A_156 = tpu.memref_squeeze %dma_wait3A_155 : memref<1x80x128xi32, #tpu.memory_space<hbm>> -> memref<80x128xi32, #tpu.memory_space<hbm>>
    %dma_wait3A_157 = arith.constant 0 : i32
    %dma_wait3A_158 = tpu.memref_slice %dma_wait3A_156[%dma_wait3A_145, %dma_wait3A_157] : memref<80x128xi32, #tpu.memory_space<hbm>> -> memref<1x128xi32, #tpu.memory_space<hbm>>
    %dma_wait3A_159 = tpu.memref_squeeze %dma_wait3A_158 : memref<1x128xi32, #tpu.memory_space<hbm>> -> memref<128xi32, #tpu.memory_space<hbm>>
    tpu.wait_dma2 semaphore(%arg17 : memref<!tpu.dma_semaphore, #tpu.memory_space<semaphore_mem>>) src(%dma_wait3A_159 : memref<128xi32, #tpu.memory_space<hbm>>) dst(%arg10 : memref<128xi32, #tpu.memory_space<vmem>>)
    %dma_wait3A_160 = arith.constant 0 : i32
    %dma_wait3A_161 = arith.constant 0 : i32
    %dma_wait3A_162 = arith.constant 0 : i32
    %dma_wait3A_163 = tpu.memref_slice %arg4[%add3A, %dma_wait3A_161, %dma_wait3A_162] : memref<32x80x128xi32, #tpu.memory_space<hbm>> -> memref<1x80x128xi32, #tpu.memory_space<hbm>>
    %dma_wait3A_164 = tpu.memref_squeeze %dma_wait3A_163 : memref<1x80x128xi32, #tpu.memory_space<hbm>> -> memref<80x128xi32, #tpu.memory_space<hbm>>
    %dma_wait3A_165 = arith.constant 0 : i32
    %dma_wait3A_166 = tpu.memref_slice %dma_wait3A_164[%dma_wait3A_160, %dma_wait3A_165] : memref<80x128xi32, #tpu.memory_space<hbm>> -> memref<1x128xi32, #tpu.memory_space<hbm>>
    %dma_wait3A_167 = tpu.memref_squeeze %dma_wait3A_166 : memref<1x128xi32, #tpu.memory_space<hbm>> -> memref<128xi32, #tpu.memory_space<hbm>>
    %dma_wait3A_168 = arith.constant 0 : i32
    %dma_wait3A_169 = arith.constant 0 : i32
    %dma_wait3A_170 = tpu.memref_slice %arg4[%add3A, %dma_wait3A_168, %dma_wait3A_169] : memref<32x80x128xi32, #tpu.memory_space<hbm>> -> memref<1x80x128xi32, #tpu.memory_space<hbm>>
    %dma_wait3A_171 = tpu.memref_squeeze %dma_wait3A_170 : memref<1x80x128xi32, #tpu.memory_space<hbm>> -> memref<80x128xi32, #tpu.memory_space<hbm>>
    %dma_wait3A_172 = arith.constant 0 : i32
    %dma_wait3A_173 = tpu.memref_slice %dma_wait3A_171[%dma_wait3A_160, %dma_wait3A_172] : memref<80x128xi32, #tpu.memory_space<hbm>> -> memref<1x128xi32, #tpu.memory_space<hbm>>
    %dma_wait3A_174 = tpu.memref_squeeze %dma_wait3A_173 : memref<1x128xi32, #tpu.memory_space<hbm>> -> memref<128xi32, #tpu.memory_space<hbm>>
    tpu.wait_dma2 semaphore(%arg17 : memref<!tpu.dma_semaphore, #tpu.memory_space<semaphore_mem>>) src(%dma_wait3A_174 : memref<128xi32, #tpu.memory_space<hbm>>) dst(%arg12 : memref<128xi32, #tpu.memory_space<vmem>>)
    %dma_start3A_175 = arith.constant 0 : i32
    %dma_start3A_176 = arith.constant 0 : i32
    %dma_start3A_177 = tpu.memref_slice %arg2[%dma_start3A_175, %dma_start3A_176] : memref<10240x128xf32, #tpu.memory_space<hbm>> -> memref<10240x128xf32, #tpu.memory_space<hbm>>
    tpu.enqueue_indirect_dma source(%dma_start3A_177 : memref<10240x128xf32, #tpu.memory_space<hbm>>) target(%arg8 : memref<128x128xf32, #tpu.memory_space<vmem>>) offsets(%arg10 : memref<128xi32, #tpu.memory_space<vmem>>) semaphore(%arg15 : memref<!tpu.dma_semaphore, #tpu.memory_space<semaphore_mem>>)
    "tpu.region"() ({
      %run_scoped3A = tpu.sem_alloc : memref<!tpu.dma_semaphore, #tpu.memory_space<semaphore_mem>>
      %dma_start3A_222 = arith.constant 0 : i32
      %dma_start3A_223 = arith.constant 0 : i32
      %dma_start3A_224 = tpu.memref_slice %arg13[%dma_start3A_222, %dma_start3A_223] : memref<10240x128xf32, #tpu.memory_space<vmem_shared>> -> memref<10240x128xf32, #tpu.memory_space<vmem_shared>>
      tpu.enqueue_indirect_dma source(%arg7 : memref<128x128xf32, #tpu.memory_space<vmem>>) target(%dma_start3A_224 : memref<10240x128xf32, #tpu.memory_space<vmem_shared>>) offsets(%arg11 : memref<128xi32, #tpu.memory_space<vmem>>) semaphore(%run_scoped3A : memref<!tpu.dma_semaphore, #tpu.memory_space<semaphore_mem>>) {add = true}
      %dma_wait3A_225 = arith.constant 0 : i32
      %dma_wait3A_226 = arith.constant 0 : i32
      %dma_wait3A_227 = tpu.memref_slice %arg13[%dma_wait3A_225, %dma_wait3A_226] : memref<10240x128xf32, #tpu.memory_space<vmem_shared>> -> memref<10240x128xf32, #tpu.memory_space<vmem_shared>>
      tpu.wait_indirect_dma semaphore(%run_scoped3A : memref<!tpu.dma_semaphore, #tpu.memory_space<semaphore_mem>>) src(%arg7 : memref<128x128xf32, #tpu.memory_space<vmem>>) dst(%dma_wait3A_227 : memref<10240x128xf32, #tpu.memory_space<vmem_shared>>)
      tpu.yield
    }) : () -> ()
    %dma_wait3A_178 = arith.constant 0 : i32
    %dma_wait3A_179 = arith.constant 0 : i32
    %dma_wait3A_180 = tpu.memref_slice %arg2[%dma_wait3A_178, %dma_wait3A_179] : memref<10240x128xf32, #tpu.memory_space<hbm>> -> memref<10240x128xf32, #tpu.memory_space<hbm>>
    tpu.wait_indirect_dma semaphore(%arg15 : memref<!tpu.dma_semaphore, #tpu.memory_space<semaphore_mem>>) src(%dma_wait3A_180 : memref<10240x128xf32, #tpu.memory_space<hbm>>) dst(%arg8 : memref<128x128xf32, #tpu.memory_space<vmem>>)
    "tpu.region"() ({
      %run_scoped3A = tpu.sem_alloc : memref<!tpu.dma_semaphore, #tpu.memory_space<semaphore_mem>>
      %dma_start3A_222 = arith.constant 0 : i32
      %dma_start3A_223 = arith.constant 0 : i32
      %dma_start3A_224 = tpu.memref_slice %arg13[%dma_start3A_222, %dma_start3A_223] : memref<10240x128xf32, #tpu.memory_space<vmem_shared>> -> memref<10240x128xf32, #tpu.memory_space<vmem_shared>>
      tpu.enqueue_indirect_dma source(%arg8 : memref<128x128xf32, #tpu.memory_space<vmem>>) target(%dma_start3A_224 : memref<10240x128xf32, #tpu.memory_space<vmem_shared>>) offsets(%arg12 : memref<128xi32, #tpu.memory_space<vmem>>) semaphore(%run_scoped3A : memref<!tpu.dma_semaphore, #tpu.memory_space<semaphore_mem>>) {add = true}
      %dma_wait3A_225 = arith.constant 0 : i32
      %dma_wait3A_226 = arith.constant 0 : i32
      %dma_wait3A_227 = tpu.memref_slice %arg13[%dma_wait3A_225, %dma_wait3A_226] : memref<10240x128xf32, #tpu.memory_space<vmem_shared>> -> memref<10240x128xf32, #tpu.memory_space<vmem_shared>>
      tpu.wait_indirect_dma semaphore(%run_scoped3A : memref<!tpu.dma_semaphore, #tpu.memory_space<semaphore_mem>>) src(%arg8 : memref<128x128xf32, #tpu.memory_space<vmem>>) dst(%dma_wait3A_227 : memref<10240x128xf32, #tpu.memory_space<vmem_shared>>)
      tpu.yield
    }) : () -> ()
    %barrier3A_181 = arith.constant 0 : index
    tpu.barrier barrier_id(%barrier3A_181)
    %mul3A_182 = arith.constant 640 : i32
    %mul3A_183 = arith.muli %arg1, %mul3A_182 : i32
    %add3A_184 = arith.constant 0 : i32
    %add3A_185 = arith.addi %mul3A_183, %add3A_184 : i32
    "tpu.region"() ({
      %run_scoped3A = tpu.sem_alloc : memref<!tpu.dma_semaphore, #tpu.memory_space<semaphore_mem>>
      %dma_start3A_222 = arith.constant 0 : i32
      %dma_start3A_223 = arith.constant 0 : i32
      %dma_start3A_224 = tpu.memref_slice %arg5[%arg0, %dma_start3A_222, %dma_start3A_223] : memref<2x10240x128xf32, #tpu.memory_space<hbm>> -> memref<1x10240x128xf32, #tpu.memory_space<hbm>>
      %dma_start3A_225 = tpu.memref_squeeze %dma_start3A_224 : memref<1x10240x128xf32, #tpu.memory_space<hbm>> -> memref<10240x128xf32, #tpu.memory_space<hbm>>
      %dma_start3A_226 = arith.constant 0 : i32
      %dma_start3A_227 = tpu.memref_slice %dma_start3A_225[%add3A_185, %dma_start3A_226] : memref<10240x128xf32, #tpu.memory_space<hbm>> -> memref<64x128xf32, #tpu.memory_space<hbm>>
      %dma_start3A_228 = arith.constant 0 : i32
      %dma_start3A_229 = tpu.memref_slice %arg13[%add3A_185, %dma_start3A_228] : memref<10240x128xf32, #tpu.memory_space<vmem_shared>> -> memref<64x128xf32, #tpu.memory_space<vmem_shared>>
      tpu.enqueue_dma source(%dma_start3A_229 : memref<64x128xf32, #tpu.memory_space<vmem_shared>>) target(%dma_start3A_227 : memref<64x128xf32, #tpu.memory_space<hbm>>) target_semaphore(%run_scoped3A : memref<!tpu.dma_semaphore, #tpu.memory_space<semaphore_mem>>)
      %dma_wait3A_230 = arith.constant 0 : i32
      %dma_wait3A_231 = arith.constant 0 : i32
      %dma_wait3A_232 = tpu.memref_slice %arg5[%arg0, %dma_wait3A_230, %dma_wait3A_231] : memref<2x10240x128xf32, #tpu.memory_space<hbm>> -> memref<1x10240x128xf32, #tpu.memory_space<hbm>>
      %dma_wait3A_233 = tpu.memref_squeeze %dma_wait3A_232 : memref<1x10240x128xf32, #tpu.memory_space<hbm>> -> memref<10240x128xf32, #tpu.memory_space<hbm>>
      %dma_wait3A_234 = arith.constant 0 : i32
      %dma_wait3A_235 = tpu.memref_slice %dma_wait3A_233[%add3A_185, %dma_wait3A_234] : memref<10240x128xf32, #tpu.memory_space<hbm>> -> memref<64x128xf32, #tpu.memory_space<hbm>>
      %dma_wait3A_236 = arith.constant 0 : i32
      %dma_wait3A_237 = tpu.memref_slice %arg13[%add3A_185, %dma_wait3A_236] : memref<10240x128xf32, #tpu.memory_space<vmem_shared>> -> memref<64x128xf32, #tpu.memory_space<vmem_shared>>
      tpu.wait_dma2 semaphore(%run_scoped3A : memref<!tpu.dma_semaphore, #tpu.memory_space<semaphore_mem>>) src(%dma_wait3A_237 : memref<64x128xf32, #tpu.memory_space<vmem_shared>>) dst(%dma_wait3A_235 : memref<64x128xf32, #tpu.memory_space<hbm>>)
      tpu.yield
    }) : () -> ()
    %mul3A_186 = arith.constant 640 : i32
    %mul3A_187 = arith.muli %arg1, %mul3A_186 : i32
    %add3A_188 = arith.constant 64 : i32
    %add3A_189 = arith.addi %mul3A_187, %add3A_188 : i32
    "tpu.region"() ({
      %run_scoped3A = tpu.sem_alloc : memref<!tpu.dma_semaphore, #tpu.memory_space<semaphore_mem>>
      %dma_start3A_222 = arith.constant 0 : i32
      %dma_start3A_223 = arith.constant 0 : i32
      %dma_start3A_224 = tpu.memref_slice %arg5[%arg0, %dma_start3A_222, %dma_start3A_223] : memref<2x10240x128xf32, #tpu.memory_space<hbm>> -> memref<1x10240x128xf32, #tpu.memory_space<hbm>>
      %dma_start3A_225 = tpu.memref_squeeze %dma_start3A_224 : memref<1x10240x128xf32, #tpu.memory_space<hbm>> -> memref<10240x128xf32, #tpu.memory_space<hbm>>
      %dma_start3A_226 = arith.constant 0 : i32
      %dma_start3A_227 = tpu.memref_slice %dma_start3A_225[%add3A_189, %dma_start3A_226] : memref<10240x128xf32, #tpu.memory_space<hbm>> -> memref<64x128xf32, #tpu.memory_space<hbm>>
      %dma_start3A_228 = arith.constant 0 : i32
      %dma_start3A_229 = tpu.memref_slice %arg13[%add3A_189, %dma_start3A_228] : memref<10240x128xf32, #tpu.memory_space<vmem_shared>> -> memref<64x128xf32, #tpu.memory_space<vmem_shared>>
      tpu.enqueue_dma source(%dma_start3A_229 : memref<64x128xf32, #tpu.memory_space<vmem_shared>>) target(%dma_start3A_227 : memref<64x128xf32, #tpu.memory_space<hbm>>) target_semaphore(%run_scoped3A : memref<!tpu.dma_semaphore, #tpu.memory_space<semaphore_mem>>)
      %dma_wait3A_230 = arith.constant 0 : i32
      %dma_wait3A_231 = arith.constant 0 : i32
      %dma_wait3A_232 = tpu.memref_slice %arg5[%arg0, %dma_wait3A_230, %dma_wait3A_231] : memref<2x10240x128xf32, #tpu.memory_space<hbm>> -> memref<1x10240x128xf32, #tpu.memory_space<hbm>>
      %dma_wait3A_233 = tpu.memref_squeeze %dma_wait3A_232 : memref<1x10240x128xf32, #tpu.memory_space<hbm>> -> memref<10240x128xf32, #tpu.memory_space<hbm>>
      %dma_wait3A_234 = arith.constant 0 : i32
      %dma_wait3A_235 = tpu.memref_slice %dma_wait3A_233[%add3A_189, %dma_wait3A_234] : memref<10240x128xf32, #tpu.memory_space<hbm>> -> memref<64x128xf32, #tpu.memory_space<hbm>>
      %dma_wait3A_236 = arith.constant 0 : i32
      %dma_wait3A_237 = tpu.memref_slice %arg13[%add3A_189, %dma_wait3A_236] : memref<10240x128xf32, #tpu.memory_space<vmem_shared>> -> memref<64x128xf32, #tpu.memory_space<vmem_shared>>
      tpu.wait_dma2 semaphore(%run_scoped3A : memref<!tpu.dma_semaphore, #tpu.memory_space<semaphore_mem>>) src(%dma_wait3A_237 : memref<64x128xf32, #tpu.memory_space<vmem_shared>>) dst(%dma_wait3A_235 : memref<64x128xf32, #tpu.memory_space<hbm>>)
      tpu.yield
    }) : () -> ()
    %mul3A_190 = arith.constant 640 : i32
    %mul3A_191 = arith.muli %arg1, %mul3A_190 : i32
    %add3A_192 = arith.constant 128 : i32
    %add3A_193 = arith.addi %mul3A_191, %add3A_192 : i32
    "tpu.region"() ({
      %run_scoped3A = tpu.sem_alloc : memref<!tpu.dma_semaphore, #tpu.memory_space<semaphore_mem>>
      %dma_start3A_222 = arith.constant 0 : i32
      %dma_start3A_223 = arith.constant 0 : i32
      %dma_start3A_224 = tpu.memref_slice %arg5[%arg0, %dma_start3A_222, %dma_start3A_223] : memref<2x10240x128xf32, #tpu.memory_space<hbm>> -> memref<1x10240x128xf32, #tpu.memory_space<hbm>>
      %dma_start3A_225 = tpu.memref_squeeze %dma_start3A_224 : memref<1x10240x128xf32, #tpu.memory_space<hbm>> -> memref<10240x128xf32, #tpu.memory_space<hbm>>
      %dma_start3A_226 = arith.constant 0 : i32
      %dma_start3A_227 = tpu.memref_slice %dma_start3A_225[%add3A_193, %dma_start3A_226] : memref<10240x128xf32, #tpu.memory_space<hbm>> -> memref<64x128xf32, #tpu.memory_space<hbm>>
      %dma_start3A_228 = arith.constant 0 : i32
      %dma_start3A_229 = tpu.memref_slice %arg13[%add3A_193, %dma_start3A_228] : memref<10240x128xf32, #tpu.memory_space<vmem_shared>> -> memref<64x128xf32, #tpu.memory_space<vmem_shared>>
      tpu.enqueue_dma source(%dma_start3A_229 : memref<64x128xf32, #tpu.memory_space<vmem_shared>>) target(%dma_start3A_227 : memref<64x128xf32, #tpu.memory_space<hbm>>) target_semaphore(%run_scoped3A : memref<!tpu.dma_semaphore, #tpu.memory_space<semaphore_mem>>)
      %dma_wait3A_230 = arith.constant 0 : i32
      %dma_wait3A_231 = arith.constant 0 : i32
      %dma_wait3A_232 = tpu.memref_slice %arg5[%arg0, %dma_wait3A_230, %dma_wait3A_231] : memref<2x10240x128xf32, #tpu.memory_space<hbm>> -> memref<1x10240x128xf32, #tpu.memory_space<hbm>>
      %dma_wait3A_233 = tpu.memref_squeeze %dma_wait3A_232 : memref<1x10240x128xf32, #tpu.memory_space<hbm>> -> memref<10240x128xf32, #tpu.memory_space<hbm>>
      %dma_wait3A_234 = arith.constant 0 : i32
      %dma_wait3A_235 = tpu.memref_slice %dma_wait3A_233[%add3A_193, %dma_wait3A_234] : memref<10240x128xf32, #tpu.memory_space<hbm>> -> memref<64x128xf32, #tpu.memory_space<hbm>>
      %dma_wait3A_236 = arith.constant 0 : i32
      %dma_wait3A_237 = tpu.memref_slice %arg13[%add3A_193, %dma_wait3A_236] : memref<10240x128xf32, #tpu.memory_space<vmem_shared>> -> memref<64x128xf32, #tpu.memory_space<vmem_shared>>
      tpu.wait_dma2 semaphore(%run_scoped3A : memref<!tpu.dma_semaphore, #tpu.memory_space<semaphore_mem>>) src(%dma_wait3A_237 : memref<64x128xf32, #tpu.memory_space<vmem_shared>>) dst(%dma_wait3A_235 : memref<64x128xf32, #tpu.memory_space<hbm>>)
      tpu.yield
    }) : () -> ()
    %mul3A_194 = arith.constant 640 : i32
    %mul3A_195 = arith.muli %arg1, %mul3A_194 : i32
    %add3A_196 = arith.constant 192 : i32
    %add3A_197 = arith.addi %mul3A_195, %add3A_196 : i32
    "tpu.region"() ({
      %run_scoped3A = tpu.sem_alloc : memref<!tpu.dma_semaphore, #tpu.memory_space<semaphore_mem>>
      %dma_start3A_222 = arith.constant 0 : i32
      %dma_start3A_223 = arith.constant 0 : i32
      %dma_start3A_224 = tpu.memref_slice %arg5[%arg0, %dma_start3A_222, %dma_start3A_223] : memref<2x10240x128xf32, #tpu.memory_space<hbm>> -> memref<1x10240x128xf32, #tpu.memory_space<hbm>>
      %dma_start3A_225 = tpu.memref_squeeze %dma_start3A_224 : memref<1x10240x128xf32, #tpu.memory_space<hbm>> -> memref<10240x128xf32, #tpu.memory_space<hbm>>
      %dma_start3A_226 = arith.constant 0 : i32
      %dma_start3A_227 = tpu.memref_slice %dma_start3A_225[%add3A_197, %dma_start3A_226] : memref<10240x128xf32, #tpu.memory_space<hbm>> -> memref<64x128xf32, #tpu.memory_space<hbm>>
      %dma_start3A_228 = arith.constant 0 : i32
      %dma_start3A_229 = tpu.memref_slice %arg13[%add3A_197, %dma_start3A_228] : memref<10240x128xf32, #tpu.memory_space<vmem_shared>> -> memref<64x128xf32, #tpu.memory_space<vmem_shared>>
      tpu.enqueue_dma source(%dma_start3A_229 : memref<64x128xf32, #tpu.memory_space<vmem_shared>>) target(%dma_start3A_227 : memref<64x128xf32, #tpu.memory_space<hbm>>) target_semaphore(%run_scoped3A : memref<!tpu.dma_semaphore, #tpu.memory_space<semaphore_mem>>)
      %dma_wait3A_230 = arith.constant 0 : i32
      %dma_wait3A_231 = arith.constant 0 : i32
      %dma_wait3A_232 = tpu.memref_slice %arg5[%arg0, %dma_wait3A_230, %dma_wait3A_231] : memref<2x10240x128xf32, #tpu.memory_space<hbm>> -> memref<1x10240x128xf32, #tpu.memory_space<hbm>>
      %dma_wait3A_233 = tpu.memref_squeeze %dma_wait3A_232 : memref<1x10240x128xf32, #tpu.memory_space<hbm>> -> memref<10240x128xf32, #tpu.memory_space<hbm>>
      %dma_wait3A_234 = arith.constant 0 : i32
      %dma_wait3A_235 = tpu.memref_slice %dma_wait3A_233[%add3A_197, %dma_wait3A_234] : memref<10240x128xf32, #tpu.memory_space<hbm>> -> memref<64x128xf32, #tpu.memory_space<hbm>>
      %dma_wait3A_236 = arith.constant 0 : i32
      %dma_wait3A_237 = tpu.memref_slice %arg13[%add3A_197, %dma_wait3A_236] : memref<10240x128xf32, #tpu.memory_space<vmem_shared>> -> memref<64x128xf32, #tpu.memory_space<vmem_shared>>
      tpu.wait_dma2 semaphore(%run_scoped3A : memref<!tpu.dma_semaphore, #tpu.memory_space<semaphore_mem>>) src(%dma_wait3A_237 : memref<64x128xf32, #tpu.memory_space<vmem_shared>>) dst(%dma_wait3A_235 : memref<64x128xf32, #tpu.memory_space<hbm>>)
      tpu.yield
    }) : () -> ()
    %mul3A_198 = arith.constant 640 : i32
    %mul3A_199 = arith.muli %arg1, %mul3A_198 : i32
    %add3A_200 = arith.constant 256 : i32
    %add3A_201 = arith.addi %mul3A_199, %add3A_200 : i32
    "tpu.region"() ({
      %run_scoped3A = tpu.sem_alloc : memref<!tpu.dma_semaphore, #tpu.memory_space<semaphore_mem>>
      %dma_start3A_222 = arith.constant 0 : i32
      %dma_start3A_223 = arith.constant 0 : i32
      %dma_start3A_224 = tpu.memref_slice %arg5[%arg0, %dma_start3A_222, %dma_start3A_223] : memref<2x10240x128xf32, #tpu.memory_space<hbm>> -> memref<1x10240x128xf32, #tpu.memory_space<hbm>>
      %dma_start3A_225 = tpu.memref_squeeze %dma_start3A_224 : memref<1x10240x128xf32, #tpu.memory_space<hbm>> -> memref<10240x128xf32, #tpu.memory_space<hbm>>
      %dma_start3A_226 = arith.constant 0 : i32
      %dma_start3A_227 = tpu.memref_slice %dma_start3A_225[%add3A_201, %dma_start3A_226] : memref<10240x128xf32, #tpu.memory_space<hbm>> -> memref<64x128xf32, #tpu.memory_space<hbm>>
      %dma_start3A_228 = arith.constant 0 : i32
      %dma_start3A_229 = tpu.memref_slice %arg13[%add3A_201, %dma_start3A_228] : memref<10240x128xf32, #tpu.memory_space<vmem_shared>> -> memref<64x128xf32, #tpu.memory_space<vmem_shared>>
      tpu.enqueue_dma source(%dma_start3A_229 : memref<64x128xf32, #tpu.memory_space<vmem_shared>>) target(%dma_start3A_227 : memref<64x128xf32, #tpu.memory_space<hbm>>) target_semaphore(%run_scoped3A : memref<!tpu.dma_semaphore, #tpu.memory_space<semaphore_mem>>)
      %dma_wait3A_230 = arith.constant 0 : i32
      %dma_wait3A_231 = arith.constant 0 : i32
      %dma_wait3A_232 = tpu.memref_slice %arg5[%arg0, %dma_wait3A_230, %dma_wait3A_231] : memref<2x10240x128xf32, #tpu.memory_space<hbm>> -> memref<1x10240x128xf32, #tpu.memory_space<hbm>>
      %dma_wait3A_233 = tpu.memref_squeeze %dma_wait3A_232 : memref<1x10240x128xf32, #tpu.memory_space<hbm>> -> memref<10240x128xf32, #tpu.memory_space<hbm>>
      %dma_wait3A_234 = arith.constant 0 : i32
      %dma_wait3A_235 = tpu.memref_slice %dma_wait3A_233[%add3A_201, %dma_wait3A_234] : memref<10240x128xf32, #tpu.memory_space<hbm>> -> memref<64x128xf32, #tpu.memory_space<hbm>>
      %dma_wait3A_236 = arith.constant 0 : i32
      %dma_wait3A_237 = tpu.memref_slice %arg13[%add3A_201, %dma_wait3A_236] : memref<10240x128xf32, #tpu.memory_space<vmem_shared>> -> memref<64x128xf32, #tpu.memory_space<vmem_shared>>
      tpu.wait_dma2 semaphore(%run_scoped3A : memref<!tpu.dma_semaphore, #tpu.memory_space<semaphore_mem>>) src(%dma_wait3A_237 : memref<64x128xf32, #tpu.memory_space<vmem_shared>>) dst(%dma_wait3A_235 : memref<64x128xf32, #tpu.memory_space<hbm>>)
      tpu.yield
    }) : () -> ()
    %mul3A_202 = arith.constant 640 : i32
    %mul3A_203 = arith.muli %arg1, %mul3A_202 : i32
    %add3A_204 = arith.constant 320 : i32
    %add3A_205 = arith.addi %mul3A_203, %add3A_204 : i32
    "tpu.region"() ({
      %run_scoped3A = tpu.sem_alloc : memref<!tpu.dma_semaphore, #tpu.memory_space<semaphore_mem>>
      %dma_start3A_222 = arith.constant 0 : i32
      %dma_start3A_223 = arith.constant 0 : i32
      %dma_start3A_224 = tpu.memref_slice %arg5[%arg0, %dma_start3A_222, %dma_start3A_223] : memref<2x10240x128xf32, #tpu.memory_space<hbm>> -> memref<1x10240x128xf32, #tpu.memory_space<hbm>>
      %dma_start3A_225 = tpu.memref_squeeze %dma_start3A_224 : memref<1x10240x128xf32, #tpu.memory_space<hbm>> -> memref<10240x128xf32, #tpu.memory_space<hbm>>
      %dma_start3A_226 = arith.constant 0 : i32
      %dma_start3A_227 = tpu.memref_slice %dma_start3A_225[%add3A_205, %dma_start3A_226] : memref<10240x128xf32, #tpu.memory_space<hbm>> -> memref<64x128xf32, #tpu.memory_space<hbm>>
      %dma_start3A_228 = arith.constant 0 : i32
      %dma_start3A_229 = tpu.memref_slice %arg13[%add3A_205, %dma_start3A_228] : memref<10240x128xf32, #tpu.memory_space<vmem_shared>> -> memref<64x128xf32, #tpu.memory_space<vmem_shared>>
      tpu.enqueue_dma source(%dma_start3A_229 : memref<64x128xf32, #tpu.memory_space<vmem_shared>>) target(%dma_start3A_227 : memref<64x128xf32, #tpu.memory_space<hbm>>) target_semaphore(%run_scoped3A : memref<!tpu.dma_semaphore, #tpu.memory_space<semaphore_mem>>)
      %dma_wait3A_230 = arith.constant 0 : i32
      %dma_wait3A_231 = arith.constant 0 : i32
      %dma_wait3A_232 = tpu.memref_slice %arg5[%arg0, %dma_wait3A_230, %dma_wait3A_231] : memref<2x10240x128xf32, #tpu.memory_space<hbm>> -> memref<1x10240x128xf32, #tpu.memory_space<hbm>>
      %dma_wait3A_233 = tpu.memref_squeeze %dma_wait3A_232 : memref<1x10240x128xf32, #tpu.memory_space<hbm>> -> memref<10240x128xf32, #tpu.memory_space<hbm>>
      %dma_wait3A_234 = arith.constant 0 : i32
      %dma_wait3A_235 = tpu.memref_slice %dma_wait3A_233[%add3A_205, %dma_wait3A_234] : memref<10240x128xf32, #tpu.memory_space<hbm>> -> memref<64x128xf32, #tpu.memory_space<hbm>>
      %dma_wait3A_236 = arith.constant 0 : i32
      %dma_wait3A_237 = tpu.memref_slice %arg13[%add3A_205, %dma_wait3A_236] : memref<10240x128xf32, #tpu.memory_space<vmem_shared>> -> memref<64x128xf32, #tpu.memory_space<vmem_shared>>
      tpu.wait_dma2 semaphore(%run_scoped3A : memref<!tpu.dma_semaphore, #tpu.memory_space<semaphore_mem>>) src(%dma_wait3A_237 : memref<64x128xf32, #tpu.memory_space<vmem_shared>>) dst(%dma_wait3A_235 : memref<64x128xf32, #tpu.memory_space<hbm>>)
      tpu.yield
    }) : () -> ()
    %mul3A_206 = arith.constant 640 : i32
    %mul3A_207 = arith.muli %arg1, %mul3A_206 : i32
    %add3A_208 = arith.constant 384 : i32
    %add3A_209 = arith.addi %mul3A_207, %add3A_208 : i32
    "tpu.region"() ({
      %run_scoped3A = tpu.sem_alloc : memref<!tpu.dma_semaphore, #tpu.memory_space<semaphore_mem>>
      %dma_start3A_222 = arith.constant 0 : i32
      %dma_start3A_223 = arith.constant 0 : i32
      %dma_start3A_224 = tpu.memref_slice %arg5[%arg0, %dma_start3A_222, %dma_start3A_223] : memref<2x10240x128xf32, #tpu.memory_space<hbm>> -> memref<1x10240x128xf32, #tpu.memory_space<hbm>>
      %dma_start3A_225 = tpu.memref_squeeze %dma_start3A_224 : memref<1x10240x128xf32, #tpu.memory_space<hbm>> -> memref<10240x128xf32, #tpu.memory_space<hbm>>
      %dma_start3A_226 = arith.constant 0 : i32
      %dma_start3A_227 = tpu.memref_slice %dma_start3A_225[%add3A_209, %dma_start3A_226] : memref<10240x128xf32, #tpu.memory_space<hbm>> -> memref<64x128xf32, #tpu.memory_space<hbm>>
      %dma_start3A_228 = arith.constant 0 : i32
      %dma_start3A_229 = tpu.memref_slice %arg13[%add3A_209, %dma_start3A_228] : memref<10240x128xf32, #tpu.memory_space<vmem_shared>> -> memref<64x128xf32, #tpu.memory_space<vmem_shared>>
      tpu.enqueue_dma source(%dma_start3A_229 : memref<64x128xf32, #tpu.memory_space<vmem_shared>>) target(%dma_start3A_227 : memref<64x128xf32, #tpu.memory_space<hbm>>) target_semaphore(%run_scoped3A : memref<!tpu.dma_semaphore, #tpu.memory_space<semaphore_mem>>)
      %dma_wait3A_230 = arith.constant 0 : i32
      %dma_wait3A_231 = arith.constant 0 : i32
      %dma_wait3A_232 = tpu.memref_slice %arg5[%arg0, %dma_wait3A_230, %dma_wait3A_231] : memref<2x10240x128xf32, #tpu.memory_space<hbm>> -> memref<1x10240x128xf32, #tpu.memory_space<hbm>>
      %dma_wait3A_233 = tpu.memref_squeeze %dma_wait3A_232 : memref<1x10240x128xf32, #tpu.memory_space<hbm>> -> memref<10240x128xf32, #tpu.memory_space<hbm>>
      %dma_wait3A_234 = arith.constant 0 : i32
      %dma_wait3A_235 = tpu.memref_slice %dma_wait3A_233[%add3A_209, %dma_wait3A_234] : memref<10240x128xf32, #tpu.memory_space<hbm>> -> memref<64x128xf32, #tpu.memory_space<hbm>>
      %dma_wait3A_236 = arith.constant 0 : i32
      %dma_wait3A_237 = tpu.memref_slice %arg13[%add3A_209, %dma_wait3A_236] : memref<10240x128xf32, #tpu.memory_space<vmem_shared>> -> memref<64x128xf32, #tpu.memory_space<vmem_shared>>
      tpu.wait_dma2 semaphore(%run_scoped3A : memref<!tpu.dma_semaphore, #tpu.memory_space<semaphore_mem>>) src(%dma_wait3A_237 : memref<64x128xf32, #tpu.memory_space<vmem_shared>>) dst(%dma_wait3A_235 : memref<64x128xf32, #tpu.memory_space<hbm>>)
      tpu.yield
    }) : () -> ()
    %mul3A_210 = arith.constant 640 : i32
    %mul3A_211 = arith.muli %arg1, %mul3A_210 : i32
    %add3A_212 = arith.constant 448 : i32
    %add3A_213 = arith.addi %mul3A_211, %add3A_212 : i32
    "tpu.region"() ({
      %run_scoped3A = tpu.sem_alloc : memref<!tpu.dma_semaphore, #tpu.memory_space<semaphore_mem>>
      %dma_start3A_222 = arith.constant 0 : i32
      %dma_start3A_223 = arith.constant 0 : i32
      %dma_start3A_224 = tpu.memref_slice %arg5[%arg0, %dma_start3A_222, %dma_start3A_223] : memref<2x10240x128xf32, #tpu.memory_space<hbm>> -> memref<1x10240x128xf32, #tpu.memory_space<hbm>>
      %dma_start3A_225 = tpu.memref_squeeze %dma_start3A_224 : memref<1x10240x128xf32, #tpu.memory_space<hbm>> -> memref<10240x128xf32, #tpu.memory_space<hbm>>
      %dma_start3A_226 = arith.constant 0 : i32
      %dma_start3A_227 = tpu.memref_slice %dma_start3A_225[%add3A_213, %dma_start3A_226] : memref<10240x128xf32, #tpu.memory_space<hbm>> -> memref<64x128xf32, #tpu.memory_space<hbm>>
      %dma_start3A_228 = arith.constant 0 : i32
      %dma_start3A_229 = tpu.memref_slice %arg13[%add3A_213, %dma_start3A_228] : memref<10240x128xf32, #tpu.memory_space<vmem_shared>> -> memref<64x128xf32, #tpu.memory_space<vmem_shared>>
      tpu.enqueue_dma source(%dma_start3A_229 : memref<64x128xf32, #tpu.memory_space<vmem_shared>>) target(%dma_start3A_227 : memref<64x128xf32, #tpu.memory_space<hbm>>) target_semaphore(%run_scoped3A : memref<!tpu.dma_semaphore, #tpu.memory_space<semaphore_mem>>)
      %dma_wait3A_230 = arith.constant 0 : i32
      %dma_wait3A_231 = arith.constant 0 : i32
      %dma_wait3A_232 = tpu.memref_slice %arg5[%arg0, %dma_wait3A_230, %dma_wait3A_231] : memref<2x10240x128xf32, #tpu.memory_space<hbm>> -> memref<1x10240x128xf32, #tpu.memory_space<hbm>>
      %dma_wait3A_233 = tpu.memref_squeeze %dma_wait3A_232 : memref<1x10240x128xf32, #tpu.memory_space<hbm>> -> memref<10240x128xf32, #tpu.memory_space<hbm>>
      %dma_wait3A_234 = arith.constant 0 : i32
      %dma_wait3A_235 = tpu.memref_slice %dma_wait3A_233[%add3A_213, %dma_wait3A_234] : memref<10240x128xf32, #tpu.memory_space<hbm>> -> memref<64x128xf32, #tpu.memory_space<hbm>>
      %dma_wait3A_236 = arith.constant 0 : i32
      %dma_wait3A_237 = tpu.memref_slice %arg13[%add3A_213, %dma_wait3A_236] : memref<10240x128xf32, #tpu.memory_space<vmem_shared>> -> memref<64x128xf32, #tpu.memory_space<vmem_shared>>
      tpu.wait_dma2 semaphore(%run_scoped3A : memref<!tpu.dma_semaphore, #tpu.memory_space<semaphore_mem>>) src(%dma_wait3A_237 : memref<64x128xf32, #tpu.memory_space<vmem_shared>>) dst(%dma_wait3A_235 : memref<64x128xf32, #tpu.memory_space<hbm>>)
      tpu.yield
    }) : () -> ()
    %mul3A_214 = arith.constant 640 : i32
    %mul3A_215 = arith.muli %arg1, %mul3A_214 : i32
    %add3A_216 = arith.constant 512 : i32
    %add3A_217 = arith.addi %mul3A_215, %add3A_216 : i32
    "tpu.region"() ({
      %run_scoped3A = tpu.sem_alloc : memref<!tpu.dma_semaphore, #tpu.memory_space<semaphore_mem>>
      %dma_start3A_222 = arith.constant 0 : i32
      %dma_start3A_223 = arith.constant 0 : i32
      %dma_start3A_224 = tpu.memref_slice %arg5[%arg0, %dma_start3A_222, %dma_start3A_223] : memref<2x10240x128xf32, #tpu.memory_space<hbm>> -> memref<1x10240x128xf32, #tpu.memory_space<hbm>>
      %dma_start3A_225 = tpu.memref_squeeze %dma_start3A_224 : memref<1x10240x128xf32, #tpu.memory_space<hbm>> -> memref<10240x128xf32, #tpu.memory_space<hbm>>
      %dma_start3A_226 = arith.constant 0 : i32
      %dma_start3A_227 = tpu.memref_slice %dma_start3A_225[%add3A_217, %dma_start3A_226] : memref<10240x128xf32, #tpu.memory_space<hbm>> -> memref<64x128xf32, #tpu.memory_space<hbm>>
      %dma_start3A_228 = arith.constant 0 : i32
      %dma_start3A_229 = tpu.memref_slice %arg13[%add3A_217, %dma_start3A_228] : memref<10240x128xf32, #tpu.memory_space<vmem_shared>> -> memref<64x128xf32, #tpu.memory_space<vmem_shared>>
      tpu.enqueue_dma source(%dma_start3A_229 : memref<64x128xf32, #tpu.memory_space<vmem_shared>>) target(%dma_start3A_227 : memref<64x128xf32, #tpu.memory_space<hbm>>) target_semaphore(%run_scoped3A : memref<!tpu.dma_semaphore, #tpu.memory_space<semaphore_mem>>)
      %dma_wait3A_230 = arith.constant 0 : i32
      %dma_wait3A_231 = arith.constant 0 : i32
      %dma_wait3A_232 = tpu.memref_slice %arg5[%arg0, %dma_wait3A_230, %dma_wait3A_231] : memref<2x10240x128xf32, #tpu.memory_space<hbm>> -> memref<1x10240x128xf32, #tpu.memory_space<hbm>>
      %dma_wait3A_233 = tpu.memref_squeeze %dma_wait3A_232 : memref<1x10240x128xf32, #tpu.memory_space<hbm>> -> memref<10240x128xf32, #tpu.memory_space<hbm>>
      %dma_wait3A_234 = arith.constant 0 : i32
      %dma_wait3A_235 = tpu.memref_slice %dma_wait3A_233[%add3A_217, %dma_wait3A_234] : memref<10240x128xf32, #tpu.memory_space<hbm>> -> memref<64x128xf32, #tpu.memory_space<hbm>>
      %dma_wait3A_236 = arith.constant 0 : i32
      %dma_wait3A_237 = tpu.memref_slice %arg13[%add3A_217, %dma_wait3A_236] : memref<10240x128xf32, #tpu.memory_space<vmem_shared>> -> memref<64x128xf32, #tpu.memory_space<vmem_shared>>
      tpu.wait_dma2 semaphore(%run_scoped3A : memref<!tpu.dma_semaphore, #tpu.memory_space<semaphore_mem>>) src(%dma_wait3A_237 : memref<64x128xf32, #tpu.memory_space<vmem_shared>>) dst(%dma_wait3A_235 : memref<64x128xf32, #tpu.memory_space<hbm>>)
      tpu.yield
    }) : () -> ()
    %mul3A_218 = arith.constant 640 : i32
    %mul3A_219 = arith.muli %arg1, %mul3A_218 : i32
    %add3A_220 = arith.constant 576 : i32
    %add3A_221 = arith.addi %mul3A_219, %add3A_220 : i32
    "tpu.region"() ({
      %run_scoped3A = tpu.sem_alloc : memref<!tpu.dma_semaphore, #tpu.memory_space<semaphore_mem>>
      %dma_start3A_222 = arith.constant 0 : i32
      %dma_start3A_223 = arith.constant 0 : i32
      %dma_start3A_224 = tpu.memref_slice %arg5[%arg0, %dma_start3A_222, %dma_start3A_223] : memref<2x10240x128xf32, #tpu.memory_space<hbm>> -> memref<1x10240x128xf32, #tpu.memory_space<hbm>>
      %dma_start3A_225 = tpu.memref_squeeze %dma_start3A_224 : memref<1x10240x128xf32, #tpu.memory_space<hbm>> -> memref<10240x128xf32, #tpu.memory_space<hbm>>
      %dma_start3A_226 = arith.constant 0 : i32
      %dma_start3A_227 = tpu.memref_slice %dma_start3A_225[%add3A_221, %dma_start3A_226] : memref<10240x128xf32, #tpu.memory_space<hbm>> -> memref<64x128xf32, #tpu.memory_space<hbm>>
      %dma_start3A_228 = arith.constant 0 : i32
      %dma_start3A_229 = tpu.memref_slice %arg13[%add3A_221, %dma_start3A_228] : memref<10240x128xf32, #tpu.memory_space<vmem_shared>> -> memref<64x128xf32, #tpu.memory_space<vmem_shared>>
      tpu.enqueue_dma source(%dma_start3A_229 : memref<64x128xf32, #tpu.memory_space<vmem_shared>>) target(%dma_start3A_227 : memref<64x128xf32, #tpu.memory_space<hbm>>) target_semaphore(%run_scoped3A : memref<!tpu.dma_semaphore, #tpu.memory_space<semaphore_mem>>)
      %dma_wait3A_230 = arith.constant 0 : i32
      %dma_wait3A_231 = arith.constant 0 : i32
      %dma_wait3A_232 = tpu.memref_slice %arg5[%arg0, %dma_wait3A_230, %dma_wait3A_231] : memref<2x10240x128xf32, #tpu.memory_space<hbm>> -> memref<1x10240x128xf32, #tpu.memory_space<hbm>>
      %dma_wait3A_233 = tpu.memref_squeeze %dma_wait3A_232 : memref<1x10240x128xf32, #tpu.memory_space<hbm>> -> memref<10240x128xf32, #tpu.memory_space<hbm>>
      %dma_wait3A_234 = arith.constant 0 : i32
      %dma_wait3A_235 = tpu.memref_slice %dma_wait3A_233[%add3A_221, %dma_wait3A_234] : memref<10240x128xf32, #tpu.memory_space<hbm>> -> memref<64x128xf32, #tpu.memory_space<hbm>>
      %dma_wait3A_236 = arith.constant 0 : i32
      %dma_wait3A_237 = tpu.memref_slice %arg13[%add3A_221, %dma_wait3A_236] : memref<10240x128xf32, #tpu.memory_space<vmem_shared>> -> memref<64x128xf32, #tpu.memory_space<vmem_shared>>
      tpu.wait_dma2 semaphore(%run_scoped3A : memref<!tpu.dma_semaphore, #tpu.memory_space<semaphore_mem>>) src(%dma_wait3A_237 : memref<64x128xf32, #tpu.memory_space<vmem_shared>>) dst(%dma_wait3A_235 : memref<64x128xf32, #tpu.memory_space<hbm>>)
      tpu.yield
    }) : () -> ()
    return
  }
}

#map = affine_map<(d0, d1) -> (0, 0)>
#map1 = affine_map<(d0, d1) -> (0, 0, 0)>
module attributes {stable_mosaic.version = 14 : i64} {
  func.func @k(%arg0: i32, %arg1: i32, %arg2: memref<10240x128xf32, #tpu.memory_space<hbm>>, %arg3: memref<32x80x128xi32, #tpu.memory_space<hbm>>, %arg4: memref<32x80x128xi32, #tpu.memory_space<hbm>>, %arg5: memref<2x10240x128xf32, #tpu.memory_space<hbm>>, %arg6: memref<64x128xf32, #tpu.memory_space<vmem>>, %arg7: memref<128x128xf32, #tpu.memory_space<vmem>>, %arg8: memref<128x128xf32, #tpu.memory_space<vmem>>, %arg9: memref<128xi32, #tpu.memory_space<vmem>>, %arg10: memref<128xi32, #tpu.memory_space<vmem>>, %arg11: memref<128xi32, #tpu.memory_space<vmem>>, %arg12: memref<128xi32, #tpu.memory_space<vmem>>, %arg13: memref<10240x128xf32, #tpu.memory_space<vmem_shared>>, %arg14: memref<!tpu.dma_semaphore, #tpu.memory_space<semaphore_mem>>, %arg15: memref<!tpu.dma_semaphore, #tpu.memory_space<semaphore_mem>>, %arg16: memref<!tpu.dma_semaphore, #tpu.memory_space<semaphore_mem>>, %arg17: memref<!tpu.dma_semaphore, #tpu.memory_space<semaphore_mem>>) attributes {dimension_semantics = [#tpu.dimension_semantics<core_parallel>, #tpu.dimension_semantics<subcore_parallel>], iteration_bounds = array<i64: 2, 16>, scalar_prefetch = 0 : i64, scratch_operands = 12 : i64, tpu.core_type = #tpu.core_type<sc_vector_subcore>, window_params = [{transform_indices = #map}, {transform_indices = #map1}, {transform_indices = #map1}, {transform_indices = #map1}]} {
    %mul3A = arith.constant 16 : i32
    %mul3A_0 = arith.muli %arg0, %mul3A : i32
    %add3A = arith.addi %mul3A_0, %arg1 : i32
    %broadcast_in_dim3A = arith.constant 0.000000e+00 : f32
    %broadcast_in_dim3A_1 = vector.broadcast %broadcast_in_dim3A : f32 to vector<16xf32>
    %scan3A = arith.constant 0 : i32
    %scan3A_2 = arith.constant 64 : i32
    %scan3A_3 = arith.addi %scan3A, %scan3A_2 : i32
    %scan3A_4 = arith.constant 1 : i32
    scf.for %scan3A_222 = %scan3A to %scan3A_3 step %scan3A_4  : i32 {
      %mul3A_223 = arith.constant 1 : i32
      %mul3A_224 = arith.muli %scan3A_222, %mul3A_223 : i32
      %add3A_225 = arith.constant 0 : i32
      %add3A_226 = arith.addi %add3A_225, %mul3A_224 : i32
      %scan3A_227 = arith.constant 0 : i32
      %scan3A_228 = arith.constant 8 : i32
      %scan3A_229 = arith.addi %scan3A_227, %scan3A_228 : i32
      %scan3A_230 = arith.constant 1 : i32
      scf.for %scan3A_232 = %scan3A_227 to %scan3A_229 step %scan3A_230  : i32 {
        %mul3A_233 = arith.constant 16 : i32
        %mul3A_234 = arith.muli %scan3A_232, %mul3A_233 : i32
        %add3A_235 = arith.constant 0 : i32
        %add3A_236 = arith.addi %add3A_235, %mul3A_234 : i32
        %swap3A = arith.index_cast %add3A_226 : i32 to index
        %swap3A_237 = arith.index_cast %add3A_236 : i32 to index
        %swap3A_238 = tpu.vector_load %arg6[%swap3A, %swap3A_237] {strides = array<i32>} : memref<64x128xf32, #tpu.memory_space<vmem>>, vector<1x16xf32>,
        %swap3A_239 = vector.shape_cast %swap3A_238 : vector<1x16xf32> to vector<16xf32>
        %swap3A_240 = vector.shape_cast %broadcast_in_dim3A_1 : vector<16xf32> to vector<1x16xf32>
        tpu.vector_store %arg6[%swap3A, %swap3A_237], %swap3A_240 {strides = array<i32>} : memref<64x128xf32, #tpu.memory_space<vmem>>, vector<1x16xf32>,
      }
      %scan3A_231 = arith.constant 8 : i32
    }
    %scan3A_5 = arith.constant 64 : i32
    %mul3A_6 = arith.constant 640 : i32
    %mul3A_7 = arith.muli %arg1, %mul3A_6 : i32
    %add3A_8 = arith.constant 0 : i32
    %add3A_9 = arith.addi %mul3A_7, %add3A_8 : i32
    "tpu.region"() ({
      %run_scoped3A = tpu.sem_alloc : memref<!tpu.dma_semaphore, #tpu.memory_space<semaphore_mem>>
      %dma_start3A_222 = arith.constant 0 : i32
      %dma_start3A_223 = tpu.memref_slice %arg13[%add3A_9, %dma_start3A_222] : memref<10240x128xf32, #tpu.memory_space<vmem_shared>> -> memref<64x128xf32, #tpu.memory_space<vmem_shared>>
      %dma_start3A_224 = arith.constant 0 : i32
      %dma_start3A_225 = tpu.memref_slice %arg13[%add3A_9, %dma_start3A_224] : memref<10240x128xf32, #tpu.memory_space<vmem_shared>> -> memref<64x128xf32, #tpu.memory_space<vmem_shared>>
      tpu.enqueue_dma source(%arg6 : memref<64x128xf32, #tpu.memory_space<vmem>>) target(%dma_start3A_225 : memref<64x128xf32, #tpu.memory_space<vmem_shared>>) target_semaphore(%run_scoped3A : memref<!tpu.dma_semaphore, #tpu.memory_space<semaphore_mem>>)
      %dma_wait3A_226 = arith.constant 0 : i32
      %dma_wait3A_227 = tpu.memref_slice %arg13[%add3A_9, %dma_wait3A_226] : memref<10240x128xf32, #tpu.memory_space<vmem_shared>> -> memref<64x128xf32, #tpu.memory_space<vmem_shared>>
      %dma_wait3A_228 = arith.constant 0 : i32
      %dma_wait3A_229 = tpu.memref_slice %arg13[%add3A_9, %dma_wait3A_228] : memref<10240x128xf32, #tpu.memory_space<vmem_shared>> -> memref<64x128xf32, #tpu.memory_space<vmem_shared>>
      tpu.wait_dma2 semaphore(%run_scoped3A : memref<!tpu.dma_semaphore, #tpu.memory_space<semaphore_mem>>) src(%arg6 : memref<64x128xf32, #tpu.memory_space<vmem>>) dst(%dma_wait3A_229 : memref<64x128xf32, #tpu.memory_space<vmem_shared>>)
      tpu.yield
    }) : () -> ()
    %mul3A_10 = arith.constant 640 : i32
    %mul3A_11 = arith.muli %arg1, %mul3A_10 : i32
    %add3A_12 = arith.constant 64 : i32
    %add3A_13 = arith.addi %mul3A_11, %add3A_12 : i32
    "tpu.region"() ({
      %run_scoped3A = tpu.sem_alloc : memref<!tpu.dma_semaphore, #tpu.memory_space<semaphore_mem>>
      %dma_start3A_222 = arith.constant 0 : i32
      %dma_start3A_223 = tpu.memref_slice %arg13[%add3A_13, %dma_start3A_222] : memref<10240x128xf32, #tpu.memory_space<vmem_shared>> -> memref<64x128xf32, #tpu.memory_space<vmem_shared>>
      %dma_start3A_224 = arith.constant 0 : i32
      %dma_start3A_225 = tpu.memref_slice %arg13[%add3A_13, %dma_start3A_224] : memref<10240x128xf32, #tpu.memory_space<vmem_shared>> -> memref<64x128xf32, #tpu.memory_space<vmem_shared>>
      tpu.enqueue_dma source(%arg6 : memref<64x128xf32, #tpu.memory_space<vmem>>) target(%dma_start3A_225 : memref<64x128xf32, #tpu.memory_space<vmem_shared>>) target_semaphore(%run_scoped3A : memref<!tpu.dma_semaphore, #tpu.memory_space<semaphore_mem>>)
      %dma_wait3A_226 = arith.constant 0 : i32
      %dma_wait3A_227 = tpu.memref_slice %arg13[%add3A_13, %dma_wait3A_226] : memref<10240x128xf32, #tpu.memory_space<vmem_shared>> -> memref<64x128xf32, #tpu.memory_space<vmem_shared>>
      %dma_wait3A_228 = arith.constant 0 : i32
      %dma_wait3A_229 = tpu.memref_slice %arg13[%add3A_13, %dma_wait3A_228] : memref<10240x128xf32, #tpu.memory_space<vmem_shared>> -> memref<64x128xf32, #tpu.memory_space<vmem_shared>>
      tpu.wait_dma2 semaphore(%run_scoped3A : memref<!tpu.dma_semaphore, #tpu.memory_space<semaphore_mem>>) src(%arg6 : memref<64x128xf32, #tpu.memory_space<vmem>>) dst(%dma_wait3A_229 : memref<64x128xf32, #tpu.memory_space<vmem_shared>>)
      tpu.yield
    }) : () -> ()
    %mul3A_14 = arith.constant 640 : i32
    %mul3A_15 = arith.muli %arg1, %mul3A_14 : i32
    %add3A_16 = arith.constant 128 : i32
    %add3A_17 = arith.addi %mul3A_15, %add3A_16 : i32
    "tpu.region"() ({
      %run_scoped3A = tpu.sem_alloc : memref<!tpu.dma_semaphore, #tpu.memory_space<semaphore_mem>>
      %dma_start3A_222 = arith.constant 0 : i32
      %dma_start3A_223 = tpu.memref_slice %arg13[%add3A_17, %dma_start3A_222] : memref<10240x128xf32, #tpu.memory_space<vmem_shared>> -> memref<64x128xf32, #tpu.memory_space<vmem_shared>>
      %dma_start3A_224 = arith.constant 0 : i32
      %dma_start3A_225 = tpu.memref_slice %arg13[%add3A_17, %dma_start3A_224] : memref<10240x128xf32, #tpu.memory_space<vmem_shared>> -> memref<64x128xf32, #tpu.memory_space<vmem_shared>>
      tpu.enqueue_dma source(%arg6 : memref<64x128xf32, #tpu.memory_space<vmem>>) target(%dma_start3A_225 : memref<64x128xf32, #tpu.memory_space<vmem_shared>>) target_semaphore(%run_scoped3A : memref<!tpu.dma_semaphore, #tpu.memory_space<semaphore_mem>>)
      %dma_wait3A_226 = arith.constant 0 : i32
      %dma_wait3A_227 = tpu.memref_slice %arg13[%add3A_17, %dma_wait3A_226] : memref<10240x128xf32, #tpu.memory_space<vmem_shared>> -> memref<64x128xf32, #tpu.memory_space<vmem_shared>>
      %dma_wait3A_228 = arith.constant 0 : i32
      %dma_wait3A_229 = tpu.memref_slice %arg13[%add3A_17, %dma_wait3A_228] : memref<10240x128xf32, #tpu.memory_space<vmem_shared>> -> memref<64x128xf32, #tpu.memory_space<vmem_shared>>
      tpu.wait_dma2 semaphore(%run_scoped3A : memref<!tpu.dma_semaphore, #tpu.memory_space<semaphore_mem>>) src(%arg6 : memref<64x128xf32, #tpu.memory_space<vmem>>) dst(%dma_wait3A_229 : memref<64x128xf32, #tpu.memory_space<vmem_shared>>)
      tpu.yield
    }) : () -> ()
    %mul3A_18 = arith.constant 640 : i32
    %mul3A_19 = arith.muli %arg1, %mul3A_18 : i32
    %add3A_20 = arith.constant 192 : i32
    %add3A_21 = arith.addi %mul3A_19, %add3A_20 : i32
    "tpu.region"() ({
      %run_scoped3A = tpu.sem_alloc : memref<!tpu.dma_semaphore, #tpu.memory_space<semaphore_mem>>
      %dma_start3A_222 = arith.constant 0 : i32
      %dma_start3A_223 = tpu.memref_slice %arg13[%add3A_21, %dma_start3A_222] : memref<10240x128xf32, #tpu.memory_space<vmem_shared>> -> memref<64x128xf32, #tpu.memory_space<vmem_shared>>
      %dma_start3A_224 = arith.constant 0 : i32
      %dma_start3A_225 = tpu.memref_slice %arg13[%add3A_21, %dma_start3A_224] : memref<10240x128xf32, #tpu.memory_space<vmem_shared>> -> memref<64x128xf32, #tpu.memory_space<vmem_shared>>
      tpu.enqueue_dma source(%arg6 : memref<64x128xf32, #tpu.memory_space<vmem>>) target(%dma_start3A_225 : memref<64x128xf32, #tpu.memory_space<vmem_shared>>) target_semaphore(%run_scoped3A : memref<!tpu.dma_semaphore, #tpu.memory_space<semaphore_mem>>)
      %dma_wait3A_226 = arith.constant 0 : i32
      %dma_wait3A_227 = tpu.memref_slice %arg13[%add3A_21, %dma_wait3A_226] : memref<10240x128xf32, #tpu.memory_space<vmem_shared>> -> memref<64x128xf32, #tpu.memory_space<vmem_shared>>
      %dma_wait3A_228 = arith.constant 0 : i32
      %dma_wait3A_229 = tpu.memref_slice %arg13[%add3A_21, %dma_wait3A_228] : memref<10240x128xf32, #tpu.memory_space<vmem_shared>> -> memref<64x128xf32, #tpu.memory_space<vmem_shared>>
      tpu.wait_dma2 semaphore(%run_scoped3A : memref<!tpu.dma_semaphore, #tpu.memory_space<semaphore_mem>>) src(%arg6 : memref<64x128xf32, #tpu.memory_space<vmem>>) dst(%dma_wait3A_229 : memref<64x128xf32, #tpu.memory_space<vmem_shared>>)
      tpu.yield
    }) : () -> ()
    %mul3A_22 = arith.constant 640 : i32
    %mul3A_23 = arith.muli %arg1, %mul3A_22 : i32
    %add3A_24 = arith.constant 256 : i32
    %add3A_25 = arith.addi %mul3A_23, %add3A_24 : i32
    "tpu.region"() ({
      %run_scoped3A = tpu.sem_alloc : memref<!tpu.dma_semaphore, #tpu.memory_space<semaphore_mem>>
      %dma_start3A_222 = arith.constant 0 : i32
      %dma_start3A_223 = tpu.memref_slice %arg13[%add3A_25, %dma_start3A_222] : memref<10240x128xf32, #tpu.memory_space<vmem_shared>> -> memref<64x128xf32, #tpu.memory_space<vmem_shared>>
      %dma_start3A_224 = arith.constant 0 : i32
      %dma_start3A_225 = tpu.memref_slice %arg13[%add3A_25, %dma_start3A_224] : memref<10240x128xf32, #tpu.memory_space<vmem_shared>> -> memref<64x128xf32, #tpu.memory_space<vmem_shared>>
      tpu.enqueue_dma source(%arg6 : memref<64x128xf32, #tpu.memory_space<vmem>>) target(%dma_start3A_225 : memref<64x128xf32, #tpu.memory_space<vmem_shared>>) target_semaphore(%run_scoped3A : memref<!tpu.dma_semaphore, #tpu.memory_space<semaphore_mem>>)
      %dma_wait3A_226 = arith.constant 0 : i32
      %dma_wait3A_227 = tpu.memref_slice %arg13[%add3A_25, %dma_wait3A_226] : memref<10240x128xf32, #tpu.memory_space<vmem_shared>> -> memref<64x128xf32, #tpu.memory_space<vmem_shared>>
      %dma_wait3A_228 = arith.constant 0 : i32
      %dma_wait3A_229 = tpu.memref_slice %arg13[%add3A_25, %dma_wait3A_228] : memref<10240x128xf32, #tpu.memory_space<vmem_shared>> -> memref<64x128xf32, #tpu.memory_space<vmem_shared>>
      tpu.wait_dma2 semaphore(%run_scoped3A : memref<!tpu.dma_semaphore, #tpu.memory_space<semaphore_mem>>) src(%arg6 : memref<64x128xf32, #tpu.memory_space<vmem>>) dst(%dma_wait3A_229 : memref<64x128xf32, #tpu.memory_space<vmem_shared>>)
      tpu.yield
    }) : () -> ()
    %mul3A_26 = arith.constant 640 : i32
    %mul3A_27 = arith.muli %arg1, %mul3A_26 : i32
    %add3A_28 = arith.constant 320 : i32
    %add3A_29 = arith.addi %mul3A_27, %add3A_28 : i32
    "tpu.region"() ({
      %run_scoped3A = tpu.sem_alloc : memref<!tpu.dma_semaphore, #tpu.memory_space<semaphore_mem>>
      %dma_start3A_222 = arith.constant 0 : i32
      %dma_start3A_223 = tpu.memref_slice %arg13[%add3A_29, %dma_start3A_222] : memref<10240x128xf32, #tpu.memory_space<vmem_shared>> -> memref<64x128xf32, #tpu.memory_space<vmem_shared>>
      %dma_start3A_224 = arith.constant 0 : i32
      %dma_start3A_225 = tpu.memref_slice %arg13[%add3A_29, %dma_start3A_224] : memref<10240x128xf32, #tpu.memory_space<vmem_shared>> -> memref<64x128xf32, #tpu.memory_space<vmem_shared>>
      tpu.enqueue_dma source(%arg6 : memref<64x128xf32, #tpu.memory_space<vmem>>) target(%dma_start3A_225 : memref<64x128xf32, #tpu.memory_space<vmem_shared>>) target_semaphore(%run_scoped3A : memref<!tpu.dma_semaphore, #tpu.memory_space<semaphore_mem>>)
      %dma_wait3A_226 = arith.constant 0 : i32
      %dma_wait3A_227 = tpu.memref_slice %arg13[%add3A_29, %dma_wait3A_226] : memref<10240x128xf32, #tpu.memory_space<vmem_shared>> -> memref<64x128xf32, #tpu.memory_space<vmem_shared>>
      %dma_wait3A_228 = arith.constant 0 : i32
      %dma_wait3A_229 = tpu.memref_slice %arg13[%add3A_29, %dma_wait3A_228] : memref<10240x128xf32, #tpu.memory_space<vmem_shared>> -> memref<64x128xf32, #tpu.memory_space<vmem_shared>>
      tpu.wait_dma2 semaphore(%run_scoped3A : memref<!tpu.dma_semaphore, #tpu.memory_space<semaphore_mem>>) src(%arg6 : memref<64x128xf32, #tpu.memory_space<vmem>>) dst(%dma_wait3A_229 : memref<64x128xf32, #tpu.memory_space<vmem_shared>>)
      tpu.yield
    }) : () -> ()
    %mul3A_30 = arith.constant 640 : i32
    %mul3A_31 = arith.muli %arg1, %mul3A_30 : i32
    %add3A_32 = arith.constant 384 : i32
    %add3A_33 = arith.addi %mul3A_31, %add3A_32 : i32
    "tpu.region"() ({
      %run_scoped3A = tpu.sem_alloc : memref<!tpu.dma_semaphore, #tpu.memory_space<semaphore_mem>>
      %dma_start3A_222 = arith.constant 0 : i32
      %dma_start3A_223 = tpu.memref_slice %arg13[%add3A_33, %dma_start3A_222] : memref<10240x128xf32, #tpu.memory_space<vmem_shared>> -> memref<64x128xf32, #tpu.memory_space<vmem_shared>>
      %dma_start3A_224 = arith.constant 0 : i32
      %dma_start3A_225 = tpu.memref_slice %arg13[%add3A_33, %dma_start3A_224] : memref<10240x128xf32, #tpu.memory_space<vmem_shared>> -> memref<64x128xf32, #tpu.memory_space<vmem_shared>>
      tpu.enqueue_dma source(%arg6 : memref<64x128xf32, #tpu.memory_space<vmem>>) target(%dma_start3A_225 : memref<64x128xf32, #tpu.memory_space<vmem_shared>>) target_semaphore(%run_scoped3A : memref<!tpu.dma_semaphore, #tpu.memory_space<semaphore_mem>>)
      %dma_wait3A_226 = arith.constant 0 : i32
      %dma_wait3A_227 = tpu.memref_slice %arg13[%add3A_33, %dma_wait3A_226] : memref<10240x128xf32, #tpu.memory_space<vmem_shared>> -> memref<64x128xf32, #tpu.memory_space<vmem_shared>>
      %dma_wait3A_228 = arith.constant 0 : i32
      %dma_wait3A_229 = tpu.memref_slice %arg13[%add3A_33, %dma_wait3A_228] : memref<10240x128xf32, #tpu.memory_space<vmem_shared>> -> memref<64x128xf32, #tpu.memory_space<vmem_shared>>
      tpu.wait_dma2 semaphore(%run_scoped3A : memref<!tpu.dma_semaphore, #tpu.memory_space<semaphore_mem>>) src(%arg6 : memref<64x128xf32, #tpu.memory_space<vmem>>) dst(%dma_wait3A_229 : memref<64x128xf32, #tpu.memory_space<vmem_shared>>)
      tpu.yield
    }) : () -> ()
    %mul3A_34 = arith.constant 640 : i32
    %mul3A_35 = arith.muli %arg1, %mul3A_34 : i32
    %add3A_36 = arith.constant 448 : i32
    %add3A_37 = arith.addi %mul3A_35, %add3A_36 : i32
    "tpu.region"() ({
      %run_scoped3A = tpu.sem_alloc : memref<!tpu.dma_semaphore, #tpu.memory_space<semaphore_mem>>
      %dma_start3A_222 = arith.constant 0 : i32
      %dma_start3A_223 = tpu.memref_slice %arg13[%add3A_37, %dma_start3A_222] : memref<10240x128xf32, #tpu.memory_space<vmem_shared>> -> memref<64x128xf32, #tpu.memory_space<vmem_shared>>
      %dma_start3A_224 = arith.constant 0 : i32
      %dma_start3A_225 = tpu.memref_slice %arg13[%add3A_37, %dma_start3A_224] : memref<10240x128xf32, #tpu.memory_space<vmem_shared>> -> memref<64x128xf32, #tpu.memory_space<vmem_shared>>
      tpu.enqueue_dma source(%arg6 : memref<64x128xf32, #tpu.memory_space<vmem>>) target(%dma_start3A_225 : memref<64x128xf32, #tpu.memory_space<vmem_shared>>) target_semaphore(%run_scoped3A : memref<!tpu.dma_semaphore, #tpu.memory_space<semaphore_mem>>)
      %dma_wait3A_226 = arith.constant 0 : i32
      %dma_wait3A_227 = tpu.memref_slice %arg13[%add3A_37, %dma_wait3A_226] : memref<10240x128xf32, #tpu.memory_space<vmem_shared>> -> memref<64x128xf32, #tpu.memory_space<vmem_shared>>
      %dma_wait3A_228 = arith.constant 0 : i32
      %dma_wait3A_229 = tpu.memref_slice %arg13[%add3A_37, %dma_wait3A_228] : memref<10240x128xf32, #tpu.memory_space<vmem_shared>> -> memref<64x128xf32, #tpu.memory_space<vmem_shared>>
      tpu.wait_dma2 semaphore(%run_scoped3A : memref<!tpu.dma_semaphore, #tpu.memory_space<semaphore_mem>>) src(%arg6 : memref<64x128xf32, #tpu.memory_space<vmem>>) dst(%dma_wait3A_229 : memref<64x128xf32, #tpu.memory_space<vmem_shared>>)
      tpu.yield
    }) : () -> ()
    %mul3A_38 = arith.constant 640 : i32
    %mul3A_39 = arith.muli %arg1, %mul3A_38 : i32
    %add3A_40 = arith.constant 512 : i32
    %add3A_41 = arith.addi %mul3A_39, %add3A_40 : i32
    "tpu.region"() ({
      %run_scoped3A = tpu.sem_alloc : memref<!tpu.dma_semaphore, #tpu.memory_space<semaphore_mem>>
      %dma_start3A_222 = arith.constant 0 : i32
      %dma_start3A_223 = tpu.memref_slice %arg13[%add3A_41, %dma_start3A_222] : memref<10240x128xf32, #tpu.memory_space<vmem_shared>> -> memref<64x128xf32, #tpu.memory_space<vmem_shared>>
      %dma_start3A_224 = arith.constant 0 : i32
      %dma_start3A_225 = tpu.memref_slice %arg13[%add3A_41, %dma_start3A_224] : memref<10240x128xf32, #tpu.memory_space<vmem_shared>> -> memref<64x128xf32, #tpu.memory_space<vmem_shared>>
      tpu.enqueue_dma source(%arg6 : memref<64x128xf32, #tpu.memory_space<vmem>>) target(%dma_start3A_225 : memref<64x128xf32, #tpu.memory_space<vmem_shared>>) target_semaphore(%run_scoped3A : memref<!tpu.dma_semaphore, #tpu.memory_space<semaphore_mem>>)
      %dma_wait3A_226 = arith.constant 0 : i32
      %dma_wait3A_227 = tpu.memref_slice %arg13[%add3A_41, %dma_wait3A_226] : memref<10240x128xf32, #tpu.memory_space<vmem_shared>> -> memref<64x128xf32, #tpu.memory_space<vmem_shared>>
      %dma_wait3A_228 = arith.constant 0 : i32
      %dma_wait3A_229 = tpu.memref_slice %arg13[%add3A_41, %dma_wait3A_228] : memref<10240x128xf32, #tpu.memory_space<vmem_shared>> -> memref<64x128xf32, #tpu.memory_space<vmem_shared>>
      tpu.wait_dma2 semaphore(%run_scoped3A : memref<!tpu.dma_semaphore, #tpu.memory_space<semaphore_mem>>) src(%arg6 : memref<64x128xf32, #tpu.memory_space<vmem>>) dst(%dma_wait3A_229 : memref<64x128xf32, #tpu.memory_space<vmem_shared>>)
      tpu.yield
    }) : () -> ()
    %mul3A_42 = arith.constant 640 : i32
    %mul3A_43 = arith.muli %arg1, %mul3A_42 : i32
    %add3A_44 = arith.constant 576 : i32
    %add3A_45 = arith.addi %mul3A_43, %add3A_44 : i32
    "tpu.region"() ({
      %run_scoped3A = tpu.sem_alloc : memref<!tpu.dma_semaphore, #tpu.memory_space<semaphore_mem>>
      %dma_start3A_222 = arith.constant 0 : i32
      %dma_start3A_223 = tpu.memref_slice %arg13[%add3A_45, %dma_start3A_222] : memref<10240x128xf32, #tpu.memory_space<vmem_shared>> -> memref<64x128xf32, #tpu.memory_space<vmem_shared>>
      %dma_start3A_224 = arith.constant 0 : i32
      %dma_start3A_225 = tpu.memref_slice %arg13[%add3A_45, %dma_start3A_224] : memref<10240x128xf32, #tpu.memory_space<vmem_shared>> -> memref<64x128xf32, #tpu.memory_space<vmem_shared>>
      tpu.enqueue_dma source(%arg6 : memref<64x128xf32, #tpu.memory_space<vmem>>) target(%dma_start3A_225 : memref<64x128xf32, #tpu.memory_space<vmem_shared>>) target_semaphore(%run_scoped3A : memref<!tpu.dma_semaphore, #tpu.memory_space<semaphore_mem>>)
      %dma_wait3A_226 = arith.constant 0 : i32
      %dma_wait3A_227 = tpu.memref_slice %arg13[%add3A_45, %dma_wait3A_226] : memref<10240x128xf32, #tpu.memory_space<vmem_shared>> -> memref<64x128xf32, #tpu.memory_space<vmem_shared>>
      %dma_wait3A_228 = arith.constant 0 : i32
      %dma_wait3A_229 = tpu.memref_slice %arg13[%add3A_45, %dma_wait3A_228] : memref<10240x128xf32, #tpu.memory_space<vmem_shared>> -> memref<64x128xf32, #tpu.memory_space<vmem_shared>>
      tpu.wait_dma2 semaphore(%run_scoped3A : memref<!tpu.dma_semaphore, #tpu.memory_space<semaphore_mem>>) src(%arg6 : memref<64x128xf32, #tpu.memory_space<vmem>>) dst(%dma_wait3A_229 : memref<64x128xf32, #tpu.memory_space<vmem_shared>>)
      tpu.yield
    }) : () -> ()
    %barrier3A = arith.constant 0 : index
    tpu.barrier barrier_id(%barrier3A)
    %dma_start3A = arith.constant 0 : i32
    %dma_start3A_46 = arith.constant 0 : i32
    %dma_start3A_47 = arith.constant 0 : i32
    %dma_start3A_48 = tpu.memref_slice %arg3[%add3A, %dma_start3A_46, %dma_start3A_47] : memref<32x80x128xi32, #tpu.memory_space<hbm>> -> memref<1x80x128xi32, #tpu.memory_space<hbm>>
    %dma_start3A_49 = tpu.memref_squeeze %dma_start3A_48 : memref<1x80x128xi32, #tpu.memory_space<hbm>> -> memref<80x128xi32, #tpu.memory_space<hbm>>
    %dma_start3A_50 = arith.constant 0 : i32
    %dma_start3A_51 = tpu.memref_slice %dma_start3A_49[%dma_start3A, %dma_start3A_50] : memref<80x128xi32, #tpu.memory_space<hbm>> -> memref<1x128xi32, #tpu.memory_space<hbm>>
    %dma_start3A_52 = tpu.memref_squeeze %dma_start3A_51 : memref<1x128xi32, #tpu.memory_space<hbm>> -> memref<128xi32, #tpu.memory_space<hbm>>
    %dma_start3A_53 = arith.constant 0 : i32
    %dma_start3A_54 = arith.constant 0 : i32
    %dma_start3A_55 = tpu.memref_slice %arg3[%add3A, %dma_start3A_53, %dma_start3A_54] : memref<32x80x128xi32, #tpu.memory_space<hbm>> -> memref<1x80x128xi32, #tpu.memory_space<hbm>>
    %dma_start3A_56 = tpu.memref_squeeze %dma_start3A_55 : memref<1x80x128xi32, #tpu.memory_space<hbm>> -> memref<80x128xi32, #tpu.memory_space<hbm>>
    %dma_start3A_57 = arith.constant 0 : i32
    %dma_start3A_58 = tpu.memref_slice %dma_start3A_56[%dma_start3A, %dma_start3A_57] : memref<80x128xi32, #tpu.memory_space<hbm>> -> memref<1x128xi32, #tpu.memory_space<hbm>>
    %dma_start3A_59 = tpu.memref_squeeze %dma_start3A_58 : memref<1x128xi32, #tpu.memory_space<hbm>> -> memref<128xi32, #tpu.memory_space<hbm>>
    tpu.enqueue_dma source(%dma_start3A_59 : memref<128xi32, #tpu.memory_space<hbm>>) target(%arg9 : memref<128xi32, #tpu.memory_space<vmem>>) target_semaphore(%arg16 : memref<!tpu.dma_semaphore, #tpu.memory_space<semaphore_mem>>)
    %dma_start3A_60 = arith.constant 0 : i32
    %dma_start3A_61 = arith.constant 0 : i32
    %dma_start3A_62 = arith.constant 0 : i32
    %dma_start3A_63 = tpu.memref_slice %arg4[%add3A, %dma_start3A_61, %dma_start3A_62] : memref<32x80x128xi32, #tpu.memory_space<hbm>> -> memref<1x80x128xi32, #tpu.memory_space<hbm>>
    %dma_start3A_64 = tpu.memref_squeeze %dma_start3A_63 : memref<1x80x128xi32, #tpu.memory_space<hbm>> -> memref<80x128xi32, #tpu.memory_space<hbm>>
    %dma_start3A_65 = arith.constant 0 : i32
    %dma_start3A_66 = tpu.memref_slice %dma_start3A_64[%dma_start3A_60, %dma_start3A_65] : memref<80x128xi32, #tpu.memory_space<hbm>> -> memref<1x128xi32, #tpu.memory_space<hbm>>
    %dma_start3A_67 = tpu.memref_squeeze %dma_start3A_66 : memref<1x128xi32, #tpu.memory_space<hbm>> -> memref<128xi32, #tpu.memory_space<hbm>>
    %dma_start3A_68 = arith.constant 0 : i32
    %dma_start3A_69 = arith.constant 0 : i32
    %dma_start3A_70 = tpu.memref_slice %arg4[%add3A, %dma_start3A_68, %dma_start3A_69] : memref<32x80x128xi32, #tpu.memory_space<hbm>> -> memref<1x80x128xi32, #tpu.memory_space<hbm>>
    %dma_start3A_71 = tpu.memref_squeeze %dma_start3A_70 : memref<1x80x128xi32, #tpu.memory_space<hbm>> -> memref<80x128xi32, #tpu.memory_space<hbm>>
    %dma_start3A_72 = arith.constant 0 : i32
    %dma_start3A_73 = tpu.memref_slice %dma_start3A_71[%dma_start3A_60, %dma_start3A_72] : memref<80x128xi32, #tpu.memory_space<hbm>> -> memref<1x128xi32, #tpu.memory_space<hbm>>
    %dma_start3A_74 = tpu.memref_squeeze %dma_start3A_73 : memref<1x128xi32, #tpu.memory_space<hbm>> -> memref<128xi32, #tpu.memory_space<hbm>>
    tpu.enqueue_dma source(%dma_start3A_74 : memref<128xi32, #tpu.memory_space<hbm>>) target(%arg11 : memref<128xi32, #tpu.memory_space<vmem>>) target_semaphore(%arg16 : memref<!tpu.dma_semaphore, #tpu.memory_space<semaphore_mem>>)
    %dma_wait3A = arith.constant 0 : i32
    %dma_wait3A_75 = arith.constant 0 : i32
    %dma_wait3A_76 = arith.constant 0 : i32
    %dma_wait3A_77 = tpu.memref_slice %arg3[%add3A, %dma_wait3A_75, %dma_wait3A_76] : memref<32x80x128xi32, #tpu.memory_space<hbm>> -> memref<1x80x128xi32, #tpu.memory_space<hbm>>
    %dma_wait3A_78 = tpu.memref_squeeze %dma_wait3A_77 : memref<1x80x128xi32, #tpu.memory_space<hbm>> -> memref<80x128xi32, #tpu.memory_space<hbm>>
    %dma_wait3A_79 = arith.constant 0 : i32
    %dma_wait3A_80 = tpu.memref_slice %dma_wait3A_78[%dma_wait3A, %dma_wait3A_79] : memref<80x128xi32, #tpu.memory_space<hbm>> -> memref<1x128xi32, #tpu.memory_space<hbm>>
    %dma_wait3A_81 = tpu.memref_squeeze %dma_wait3A_80 : memref<1x128xi32, #tpu.memory_space<hbm>> -> memref<128xi32, #tpu.memory_space<hbm>>
    %dma_wait3A_82 = arith.constant 0 : i32
    %dma_wait3A_83 = arith.constant 0 : i32
    %dma_wait3A_84 = tpu.memref_slice %arg3[%add3A, %dma_wait3A_82, %dma_wait3A_83] : memref<32x80x128xi32, #tpu.memory_space<hbm>> -> memref<1x80x128xi32, #tpu.memory_space<hbm>>
    %dma_wait3A_85 = tpu.memref_squeeze %dma_wait3A_84 : memref<1x80x128xi32, #tpu.memory_space<hbm>> -> memref<80x128xi32, #tpu.memory_space<hbm>>
    %dma_wait3A_86 = arith.constant 0 : i32
    %dma_wait3A_87 = tpu.memref_slice %dma_wait3A_85[%dma_wait3A, %dma_wait3A_86] : memref<80x128xi32, #tpu.memory_space<hbm>> -> memref<1x128xi32, #tpu.memory_space<hbm>>
    %dma_wait3A_88 = tpu.memref_squeeze %dma_wait3A_87 : memref<1x128xi32, #tpu.memory_space<hbm>> -> memref<128xi32, #tpu.memory_space<hbm>>
    tpu.wait_dma2 semaphore(%arg16 : memref<!tpu.dma_semaphore, #tpu.memory_space<semaphore_mem>>) src(%dma_wait3A_88 : memref<128xi32, #tpu.memory_space<hbm>>) dst(%arg9 : memref<128xi32, #tpu.memory_space<vmem>>)
    %dma_wait3A_89 = arith.constant 0 : i32
    %dma_wait3A_90 = arith.constant 0 : i32
    %dma_wait3A_91 = arith.constant 0 : i32
    %dma_wait3A_92 = tpu.memref_slice %arg4[%add3A, %dma_wait3A_90, %dma_wait3A_91] : memref<32x80x128xi32, #tpu.memory_space<hbm>> -> memref<1x80x128xi32, #tpu.memory_space<hbm>>
    %dma_wait3A_93 = tpu.memref_squeeze %dma_wait3A_92 : memref<1x80x128xi32, #tpu.memory_space<hbm>> -> memref<80x128xi32, #tpu.memory_space<hbm>>
    %dma_wait3A_94 = arith.constant 0 : i32
    %dma_wait3A_95 = tpu.memref_slice %dma_wait3A_93[%dma_wait3A_89, %dma_wait3A_94] : memref<80x128xi32, #tpu.memory_space<hbm>> -> memref<1x128xi32, #tpu.memory_space<hbm>>
    %dma_wait3A_96 = tpu.memref_squeeze %dma_wait3A_95 : memref<1x128xi32, #tpu.memory_space<hbm>> -> memref<128xi32, #tpu.memory_space<hbm>>
    %dma_wait3A_97 = arith.constant 0 : i32
    %dma_wait3A_98 = arith.constant 0 : i32
    %dma_wait3A_99 = tpu.memref_slice %arg4[%add3A, %dma_wait3A_97, %dma_wait3A_98] : memref<32x80x128xi32, #tpu.memory_space<hbm>> -> memref<1x80x128xi32, #tpu.memory_space<hbm>>
    %dma_wait3A_100 = tpu.memref_squeeze %dma_wait3A_99 : memref<1x80x128xi32, #tpu.memory_space<hbm>> -> memref<80x128xi32, #tpu.memory_space<hbm>>
    %dma_wait3A_101 = arith.constant 0 : i32
    %dma_wait3A_102 = tpu.memref_slice %dma_wait3A_100[%dma_wait3A_89, %dma_wait3A_101] : memref<80x128xi32, #tpu.memory_space<hbm>> -> memref<1x128xi32, #tpu.memory_space<hbm>>
    %dma_wait3A_103 = tpu.memref_squeeze %dma_wait3A_102 : memref<1x128xi32, #tpu.memory_space<hbm>> -> memref<128xi32, #tpu.memory_space<hbm>>
    tpu.wait_dma2 semaphore(%arg16 : memref<!tpu.dma_semaphore, #tpu.memory_space<semaphore_mem>>) src(%dma_wait3A_103 : memref<128xi32, #tpu.memory_space<hbm>>) dst(%arg11 : memref<128xi32, #tpu.memory_space<vmem>>)
    %dma_start3A_104 = arith.constant 0 : i32
    %dma_start3A_105 = arith.constant 0 : i32
    %dma_start3A_106 = tpu.memref_slice %arg2[%dma_start3A_104, %dma_start3A_105] : memref<10240x128xf32, #tpu.memory_space<hbm>> -> memref<10240x128xf32, #tpu.memory_space<hbm>>
    tpu.enqueue_indirect_dma source(%dma_start3A_106 : memref<10240x128xf32, #tpu.memory_space<hbm>>) target(%arg7 : memref<128x128xf32, #tpu.memory_space<vmem>>) offsets(%arg9 : memref<128xi32, #tpu.memory_space<vmem>>) semaphore(%arg14 : memref<!tpu.dma_semaphore, #tpu.memory_space<semaphore_mem>>)
    %dma_start3A_107 = arith.constant 1 : i32
    %dma_start3A_108 = arith.constant 0 : i32
    %dma_start3A_109 = arith.constant 0 : i32
    %dma_start3A_110 = tpu.memref_slice %arg3[%add3A, %dma_start3A_108, %dma_start3A_109] : memref<32x80x128xi32, #tpu.memory_space<hbm>> -> memref<1x80x128xi32, #tpu.memory_space<hbm>>
    %dma_start3A_111 = tpu.memref_squeeze %dma_start3A_110 : memref<1x80x128xi32, #tpu.memory_space<hbm>> -> memref<80x128xi32, #tpu.memory_space<hbm>>
    %dma_start3A_112 = arith.constant 0 : i32
    %dma_start3A_113 = tpu.memref_slice %dma_start3A_111[%dma_start3A_107, %dma_start3A_112] : memref<80x128xi32, #tpu.memory_space<hbm>> -> memref<1x128xi32, #tpu.memory_space<hbm>>
    %dma_start3A_114 = tpu.memref_squeeze %dma_start3A_113 : memref<1x128xi32, #tpu.memory_space<hbm>> -> memref<128xi32, #tpu.memory_space<hbm>>
    %dma_start3A_115 = arith.constant 0 : i32
    %dma_start3A_116 = arith.constant 0 : i32
    %dma_start3A_117 = tpu.memref_slice %arg3[%add3A, %dma_start3A_115, %dma_start3A_116] : memref<32x80x128xi32, #tpu.memory_space<hbm>> -> memref<1x80x128xi32, #tpu.memory_space<hbm>>
    %dma_start3A_118 = tpu.memref_squeeze %dma_start3A_117 : memref<1x80x128xi32, #tpu.memory_space<hbm>> -> memref<80x128xi32, #tpu.memory_space<hbm>>
    %dma_start3A_119 = arith.constant 0 : i32
    %dma_start3A_120 = tpu.memref_slice %dma_start3A_118[%dma_start3A_107, %dma_start3A_119] : memref<80x128xi32, #tpu.memory_space<hbm>> -> memref<1x128xi32, #tpu.memory_space<hbm>>
    %dma_start3A_121 = tpu.memref_squeeze %dma_start3A_120 : memref<1x128xi32, #tpu.memory_space<hbm>> -> memref<128xi32, #tpu.memory_space<hbm>>
    tpu.enqueue_dma source(%dma_start3A_121 : memref<128xi32, #tpu.memory_space<hbm>>) target(%arg10 : memref<128xi32, #tpu.memory_space<vmem>>) target_semaphore(%arg17 : memref<!tpu.dma_semaphore, #tpu.memory_space<semaphore_mem>>)
    %dma_start3A_122 = arith.constant 1 : i32
    %dma_start3A_123 = arith.constant 0 : i32
    %dma_start3A_124 = arith.constant 0 : i32
    %dma_start3A_125 = tpu.memref_slice %arg4[%add3A, %dma_start3A_123, %dma_start3A_124] : memref<32x80x128xi32, #tpu.memory_space<hbm>> -> memref<1x80x128xi32, #tpu.memory_space<hbm>>
    %dma_start3A_126 = tpu.memref_squeeze %dma_start3A_125 : memref<1x80x128xi32, #tpu.memory_space<hbm>> -> memref<80x128xi32, #tpu.memory_space<hbm>>
    %dma_start3A_127 = arith.constant 0 : i32
    %dma_start3A_128 = tpu.memref_slice %dma_start3A_126[%dma_start3A_122, %dma_start3A_127] : memref<80x128xi32, #tpu.memory_space<hbm>> -> memref<1x128xi32, #tpu.memory_space<hbm>>
    %dma_start3A_129 = tpu.memref_squeeze %dma_start3A_128 : memref<1x128xi32, #tpu.memory_space<hbm>> -> memref<128xi32, #tpu.memory_space<hbm>>
    %dma_start3A_130 = arith.constant 0 : i32
    %dma_start3A_131 = arith.constant 0 : i32
    %dma_start3A_132 = tpu.memref_slice %arg4[%add3A, %dma_start3A_130, %dma_start3A_131] : memref<32x80x128xi32, #tpu.memory_space<hbm>> -> memref<1x80x128xi32, #tpu.memory_space<hbm>>
    %dma_start3A_133 = tpu.memref_squeeze %dma_start3A_132 : memref<1x80x128xi32, #tpu.memory_space<hbm>> -> memref<80x128xi32, #tpu.memory_space<hbm>>
    %dma_start3A_134 = arith.constant 0 : i32
    %dma_start3A_135 = tpu.memref_slice %dma_start3A_133[%dma_start3A_122, %dma_start3A_134] : memref<80x128xi32, #tpu.memory_space<hbm>> -> memref<1x128xi32, #tpu.memory_space<hbm>>
    %dma_start3A_136 = tpu.memref_squeeze %dma_start3A_135 : memref<1x128xi32, #tpu.memory_space<hbm>> -> memref<128xi32, #tpu.memory_space<hbm>>
    tpu.enqueue_dma source(%dma_start3A_136 : memref<128xi32, #tpu.memory_space<hbm>>) target(%arg12 : memref<128xi32, #tpu.memory_space<vmem>>) target_semaphore(%arg17 : memref<!tpu.dma_semaphore, #tpu.memory_space<semaphore_mem>>)
    %scan3A_137 = arith.constant 0 : i32
    %scan3A_138 = arith.constant 39 : i32
    %scan3A_139 = arith.addi %scan3A_137, %scan3A_138 : i32
    %scan3A_140 = arith.constant 1 : i32
    scf.for %scan3A_222 = %scan3A_137 to %scan3A_139 step %scan3A_140  : i32 {
      %mul3A_223 = arith.constant 1 : i32
      %mul3A_224 = arith.muli %scan3A_222, %mul3A_223 : i32
      %add3A_225 = arith.constant 0 : i32
      %add3A_226 = arith.addi %add3A_225, %mul3A_224 : i32
      %mul3A_227 = arith.constant 2 : i32
      %mul3A_228 = arith.muli %mul3A_227, %add3A_226 : i32
      %dma_wait3A_229 = arith.constant 0 : i32
      %dma_wait3A_230 = arith.constant 0 : i32
      %dma_wait3A_231 = tpu.memref_slice %arg2[%dma_wait3A_229, %dma_wait3A_230] : memref<10240x128xf32, #tpu.memory_space<hbm>> -> memref<10240x128xf32, #tpu.memory_space<hbm>>
      tpu.wait_indirect_dma semaphore(%arg14 : memref<!tpu.dma_semaphore, #tpu.memory_space<semaphore_mem>>) src(%dma_wait3A_231 : memref<10240x128xf32, #tpu.memory_space<hbm>>) dst(%arg7 : memref<128x128xf32, #tpu.memory_space<vmem>>)
      %dma_wait3A_232 = arith.constant 0 : i32
      %dma_wait3A_233 = arith.constant 0 : i32
      %dma_wait3A_234 = arith.constant 0 : i32
      %dma_wait3A_235 = tpu.memref_slice %arg3[%add3A, %dma_wait3A_233, %dma_wait3A_234] : memref<32x80x128xi32, #tpu.memory_space<hbm>> -> memref<1x80x128xi32, #tpu.memory_space<hbm>>
      %dma_wait3A_236 = tpu.memref_squeeze %dma_wait3A_235 : memref<1x80x128xi32, #tpu.memory_space<hbm>> -> memref<80x128xi32, #tpu.memory_space<hbm>>
      %dma_wait3A_237 = arith.constant 0 : i32
      %dma_wait3A_238 = tpu.memref_slice %dma_wait3A_236[%dma_wait3A_232, %dma_wait3A_237] : memref<80x128xi32, #tpu.memory_space<hbm>> -> memref<1x128xi32, #tpu.memory_space<hbm>>
      %dma_wait3A_239 = tpu.memref_squeeze %dma_wait3A_238 : memref<1x128xi32, #tpu.memory_space<hbm>> -> memref<128xi32, #tpu.memory_space<hbm>>
      %dma_wait3A_240 = arith.constant 0 : i32
      %dma_wait3A_241 = arith.constant 0 : i32
      %dma_wait3A_242 = tpu.memref_slice %arg3[%add3A, %dma_wait3A_240, %dma_wait3A_241] : memref<32x80x128xi32, #tpu.memory_space<hbm>> -> memref<1x80x128xi32, #tpu.memory_space<hbm>>
      %dma_wait3A_243 = tpu.memref_squeeze %dma_wait3A_242 : memref<1x80x128xi32, #tpu.memory_space<hbm>> -> memref<80x128xi32, #tpu.memory_space<hbm>>
      %dma_wait3A_244 = arith.constant 0 : i32
      %dma_wait3A_245 = tpu.memref_slice %dma_wait3A_243[%dma_wait3A_232, %dma_wait3A_244] : memref<80x128xi32, #tpu.memory_space<hbm>> -> memref<1x128xi32, #tpu.memory_space<hbm>>
      %dma_wait3A_246 = tpu.memref_squeeze %dma_wait3A_245 : memref<1x128xi32, #tpu.memory_space<hbm>> -> memref<128xi32, #tpu.memory_space<hbm>>
      tpu.wait_dma2 semaphore(%arg17 : memref<!tpu.dma_semaphore, #tpu.memory_space<semaphore_mem>>) src(%dma_wait3A_246 : memref<128xi32, #tpu.memory_space<hbm>>) dst(%arg10 : memref<128xi32, #tpu.memory_space<vmem>>)
      %dma_wait3A_247 = arith.constant 0 : i32
      %dma_wait3A_248 = arith.constant 0 : i32
      %dma_wait3A_249 = arith.constant 0 : i32
      %dma_wait3A_250 = tpu.memref_slice %arg4[%add3A, %dma_wait3A_248, %dma_wait3A_249] : memref<32x80x128xi32, #tpu.memory_space<hbm>> -> memref<1x80x128xi32, #tpu.memory_space<hbm>>
      %dma_wait3A_251 = tpu.memref_squeeze %dma_wait3A_250 : memref<1x80x128xi32, #tpu.memory_space<hbm>> -> memref<80x128xi32, #tpu.memory_space<hbm>>
      %dma_wait3A_252 = arith.constant 0 : i32
      %dma_wait3A_253 = tpu.memref_slice %dma_wait3A_251[%dma_wait3A_247, %dma_wait3A_252] : memref<80x128xi32, #tpu.memory_space<hbm>> -> memref<1x128xi32, #tpu.memory_space<hbm>>
      %dma_wait3A_254 = tpu.memref_squeeze %dma_wait3A_253 : memref<1x128xi32, #tpu.memory_space<hbm>> -> memref<128xi32, #tpu.memory_space<hbm>>
      %dma_wait3A_255 = arith.constant 0 : i32
      %dma_wait3A_256 = arith.constant 0 : i32
      %dma_wait3A_257 = tpu.memref_slice %arg4[%add3A, %dma_wait3A_255, %dma_wait3A_256] : memref<32x80x128xi32, #tpu.memory_space<hbm>> -> memref<1x80x128xi32, #tpu.memory_space<hbm>>
      %dma_wait3A_258 = tpu.memref_squeeze %dma_wait3A_257 : memref<1x80x128xi32, #tpu.memory_space<hbm>> -> memref<80x128xi32, #tpu.memory_space<hbm>>
      %dma_wait3A_259 = arith.constant 0 : i32
      %dma_wait3A_260 = tpu.memref_slice %dma_wait3A_258[%dma_wait3A_247, %dma_wait3A_259] : memref<80x128xi32, #tpu.memory_space<hbm>> -> memref<1x128xi32, #tpu.memory_space<hbm>>
      %dma_wait3A_261 = tpu.memref_squeeze %dma_wait3A_260 : memref<1x128xi32, #tpu.memory_space<hbm>> -> memref<128xi32, #tpu.memory_space<hbm>>
      tpu.wait_dma2 semaphore(%arg17 : memref<!tpu.dma_semaphore, #tpu.memory_space<semaphore_mem>>) src(%dma_wait3A_261 : memref<128xi32, #tpu.memory_space<hbm>>) dst(%arg12 : memref<128xi32, #tpu.memory_space<vmem>>)
      %dma_start3A_262 = arith.constant 0 : i32
      %dma_start3A_263 = arith.constant 0 : i32
      %dma_start3A_264 = tpu.memref_slice %arg2[%dma_start3A_262, %dma_start3A_263] : memref<10240x128xf32, #tpu.memory_space<hbm>> -> memref<10240x128xf32, #tpu.memory_space<hbm>>
      tpu.enqueue_indirect_dma source(%dma_start3A_264 : memref<10240x128xf32, #tpu.memory_space<hbm>>) target(%arg8 : memref<128x128xf32, #tpu.memory_space<vmem>>) offsets(%arg10 : memref<128xi32, #tpu.memory_space<vmem>>) semaphore(%arg15 : memref<!tpu.dma_semaphore, #tpu.memory_space<semaphore_mem>>)
      "tpu.region"() ({
        %run_scoped3A = tpu.sem_alloc : memref<!tpu.dma_semaphore, #tpu.memory_space<semaphore_mem>>
        %dma_start3A_365 = arith.constant 0 : i32
        %dma_start3A_366 = arith.constant 0 : i32
        %dma_start3A_367 = tpu.memref_slice %arg13[%dma_start3A_365, %dma_start3A_366] : memref<10240x128xf32, #tpu.memory_space<vmem_shared>> -> memref<10240x128xf32, #tpu.memory_space<vmem_shared>>
        tpu.enqueue_indirect_dma source(%arg7 : memref<128x128xf32, #tpu.memory_space<vmem>>) target(%dma_start3A_367 : memref<10240x128xf32, #tpu.memory_space<vmem_shared>>) offsets(%arg11 : memref<128xi32, #tpu.memory_space<vmem>>) semaphore(%run_scoped3A : memref<!tpu.dma_semaphore, #tpu.memory_space<semaphore_mem>>) {add = true}
        %dma_wait3A_368 = arith.constant 0 : i32
        %dma_wait3A_369 = arith.constant 0 : i32
        %dma_wait3A_370 = tpu.memref_slice %arg13[%dma_wait3A_368, %dma_wait3A_369] : memref<10240x128xf32, #tpu.memory_space<vmem_shared>> -> memref<10240x128xf32, #tpu.memory_space<vmem_shared>>
        tpu.wait_indirect_dma semaphore(%run_scoped3A : memref<!tpu.dma_semaphore, #tpu.memory_space<semaphore_mem>>) src(%arg7 : memref<128x128xf32, #tpu.memory_space<vmem>>) dst(%dma_wait3A_370 : memref<10240x128xf32, #tpu.memory_space<vmem_shared>>)
        tpu.yield
      }) : () -> ()
      %add3A_265 = arith.constant 2 : i32
      %add3A_266 = arith.addi %mul3A_228, %add3A_265 : i32
      %dma_start3A_267 = arith.constant 0 : i32
      %dma_start3A_268 = arith.constant 0 : i32
      %dma_start3A_269 = tpu.memref_slice %arg3[%add3A, %dma_start3A_267, %dma_start3A_268] : memref<32x80x128xi32, #tpu.memory_space<hbm>> -> memref<1x80x128xi32, #tpu.memory_space<hbm>>
      %dma_start3A_270 = tpu.memref_squeeze %dma_start3A_269 : memref<1x80x128xi32, #tpu.memory_space<hbm>> -> memref<80x128xi32, #tpu.memory_space<hbm>>
      %dma_start3A_271 = arith.constant 0 : i32
      %dma_start3A_272 = tpu.memref_slice %dma_start3A_270[%add3A_266, %dma_start3A_271] : memref<80x128xi32, #tpu.memory_space<hbm>> -> memref<1x128xi32, #tpu.memory_space<hbm>>
      %dma_start3A_273 = tpu.memref_squeeze %dma_start3A_272 : memref<1x128xi32, #tpu.memory_space<hbm>> -> memref<128xi32, #tpu.memory_space<hbm>>
      %dma_start3A_274 = arith.constant 0 : i32
      %dma_start3A_275 = arith.constant 0 : i32
      %dma_start3A_276 = tpu.memref_slice %arg3[%add3A, %dma_start3A_274, %dma_start3A_275] : memref<32x80x128xi32, #tpu.memory_space<hbm>> -> memref<1x80x128xi32, #tpu.memory_space<hbm>>
      %dma_start3A_277 = tpu.memref_squeeze %dma_start3A_276 : memref<1x80x128xi32, #tpu.memory_space<hbm>> -> memref<80x128xi32, #tpu.memory_space<hbm>>
      %dma_start3A_278 = arith.constant 0 : i32
      %dma_start3A_279 = tpu.memref_slice %dma_start3A_277[%add3A_266, %dma_start3A_278] : memref<80x128xi32, #tpu.memory_space<hbm>> -> memref<1x128xi32, #tpu.memory_space<hbm>>
      %dma_start3A_280 = tpu.memref_squeeze %dma_start3A_279 : memref<1x128xi32, #tpu.memory_space<hbm>> -> memref<128xi32, #tpu.memory_space<hbm>>
      tpu.enqueue_dma source(%dma_start3A_280 : memref<128xi32, #tpu.memory_space<hbm>>) target(%arg9 : memref<128xi32, #tpu.memory_space<vmem>>) target_semaphore(%arg16 : memref<!tpu.dma_semaphore, #tpu.memory_space<semaphore_mem>>)
      %dma_start3A_281 = arith.constant 0 : i32
      %dma_start3A_282 = arith.constant 0 : i32
      %dma_start3A_283 = tpu.memref_slice %arg4[%add3A, %dma_start3A_281, %dma_start3A_282] : memref<32x80x128xi32, #tpu.memory_space<hbm>> -> memref<1x80x128xi32, #tpu.memory_space<hbm>>
      %dma_start3A_284 = tpu.memref_squeeze %dma_start3A_283 : memref<1x80x128xi32, #tpu.memory_space<hbm>> -> memref<80x128xi32, #tpu.memory_space<hbm>>
      %dma_start3A_285 = arith.constant 0 : i32
      %dma_start3A_286 = tpu.memref_slice %dma_start3A_284[%add3A_266, %dma_start3A_285] : memref<80x128xi32, #tpu.memory_space<hbm>> -> memref<1x128xi32, #tpu.memory_space<hbm>>
      %dma_start3A_287 = tpu.memref_squeeze %dma_start3A_286 : memref<1x128xi32, #tpu.memory_space<hbm>> -> memref<128xi32, #tpu.memory_space<hbm>>
      %dma_start3A_288 = arith.constant 0 : i32
      %dma_start3A_289 = arith.constant 0 : i32
      %dma_start3A_290 = tpu.memref_slice %arg4[%add3A, %dma_start3A_288, %dma_start3A_289] : memref<32x80x128xi32, #tpu.memory_space<hbm>> -> memref<1x80x128xi32, #tpu.memory_space<hbm>>
      %dma_start3A_291 = tpu.memref_squeeze %dma_start3A_290 : memref<1x80x128xi32, #tpu.memory_space<hbm>> -> memref<80x128xi32, #tpu.memory_space<hbm>>
      %dma_start3A_292 = arith.constant 0 : i32
      %dma_start3A_293 = tpu.memref_slice %dma_start3A_291[%add3A_266, %dma_start3A_292] : memref<80x128xi32, #tpu.memory_space<hbm>> -> memref<1x128xi32, #tpu.memory_space<hbm>>
      %dma_start3A_294 = tpu.memref_squeeze %dma_start3A_293 : memref<1x128xi32, #tpu.memory_space<hbm>> -> memref<128xi32, #tpu.memory_space<hbm>>
      tpu.enqueue_dma source(%dma_start3A_294 : memref<128xi32, #tpu.memory_space<hbm>>) target(%arg11 : memref<128xi32, #tpu.memory_space<vmem>>) target_semaphore(%arg16 : memref<!tpu.dma_semaphore, #tpu.memory_space<semaphore_mem>>)
      %mul3A_295 = arith.constant 2 : i32
      %mul3A_296 = arith.muli %mul3A_295, %add3A_226 : i32
      %add3A_297 = arith.constant 1 : i32
      %add3A_298 = arith.addi %mul3A_296, %add3A_297 : i32
      %dma_wait3A_299 = arith.constant 0 : i32
      %dma_wait3A_300 = arith.constant 0 : i32
      %dma_wait3A_301 = tpu.memref_slice %arg2[%dma_wait3A_299, %dma_wait3A_300] : memref<10240x128xf32, #tpu.memory_space<hbm>> -> memref<10240x128xf32, #tpu.memory_space<hbm>>
      tpu.wait_indirect_dma semaphore(%arg15 : memref<!tpu.dma_semaphore, #tpu.memory_space<semaphore_mem>>) src(%dma_wait3A_301 : memref<10240x128xf32, #tpu.memory_space<hbm>>) dst(%arg8 : memref<128x128xf32, #tpu.memory_space<vmem>>)
      %dma_wait3A_302 = arith.constant 0 : i32
      %dma_wait3A_303 = arith.constant 0 : i32
      %dma_wait3A_304 = arith.constant 0 : i32
      %dma_wait3A_305 = tpu.memref_slice %arg3[%add3A, %dma_wait3A_303, %dma_wait3A_304] : memref<32x80x128xi32, #tpu.memory_space<hbm>> -> memref<1x80x128xi32, #tpu.memory_space<hbm>>
      %dma_wait3A_306 = tpu.memref_squeeze %dma_wait3A_305 : memref<1x80x128xi32, #tpu.memory_space<hbm>> -> memref<80x128xi32, #tpu.memory_space<hbm>>
      %dma_wait3A_307 = arith.constant 0 : i32
      %dma_wait3A_308 = tpu.memref_slice %dma_wait3A_306[%dma_wait3A_302, %dma_wait3A_307] : memref<80x128xi32, #tpu.memory_space<hbm>> -> memref<1x128xi32, #tpu.memory_space<hbm>>
      %dma_wait3A_309 = tpu.memref_squeeze %dma_wait3A_308 : memref<1x128xi32, #tpu.memory_space<hbm>> -> memref<128xi32, #tpu.memory_space<hbm>>
      %dma_wait3A_310 = arith.constant 0 : i32
      %dma_wait3A_311 = arith.constant 0 : i32
      %dma_wait3A_312 = tpu.memref_slice %arg3[%add3A, %dma_wait3A_310, %dma_wait3A_311] : memref<32x80x128xi32, #tpu.memory_space<hbm>> -> memref<1x80x128xi32, #tpu.memory_space<hbm>>
      %dma_wait3A_313 = tpu.memref_squeeze %dma_wait3A_312 : memref<1x80x128xi32, #tpu.memory_space<hbm>> -> memref<80x128xi32, #tpu.memory_space<hbm>>
      %dma_wait3A_314 = arith.constant 0 : i32
      %dma_wait3A_315 = tpu.memref_slice %dma_wait3A_313[%dma_wait3A_302, %dma_wait3A_314] : memref<80x128xi32, #tpu.memory_space<hbm>> -> memref<1x128xi32, #tpu.memory_space<hbm>>
      %dma_wait3A_316 = tpu.memref_squeeze %dma_wait3A_315 : memref<1x128xi32, #tpu.memory_space<hbm>> -> memref<128xi32, #tpu.memory_space<hbm>>
      tpu.wait_dma2 semaphore(%arg16 : memref<!tpu.dma_semaphore, #tpu.memory_space<semaphore_mem>>) src(%dma_wait3A_316 : memref<128xi32, #tpu.memory_space<hbm>>) dst(%arg9 : memref<128xi32, #tpu.memory_space<vmem>>)
      %dma_wait3A_317 = arith.constant 0 : i32
      %dma_wait3A_318 = arith.constant 0 : i32
      %dma_wait3A_319 = arith.constant 0 : i32
      %dma_wait3A_320 = tpu.memref_slice %arg4[%add3A, %dma_wait3A_318, %dma_wait3A_319] : memref<32x80x128xi32, #tpu.memory_space<hbm>> -> memref<1x80x128xi32, #tpu.memory_space<hbm>>
      %dma_wait3A_321 = tpu.memref_squeeze %dma_wait3A_320 : memref<1x80x128xi32, #tpu.memory_space<hbm>> -> memref<80x128xi32, #tpu.memory_space<hbm>>
      %dma_wait3A_322 = arith.constant 0 : i32
      %dma_wait3A_323 = tpu.memref_slice %dma_wait3A_321[%dma_wait3A_317, %dma_wait3A_322] : memref<80x128xi32, #tpu.memory_space<hbm>> -> memref<1x128xi32, #tpu.memory_space<hbm>>
      %dma_wait3A_324 = tpu.memref_squeeze %dma_wait3A_323 : memref<1x128xi32, #tpu.memory_space<hbm>> -> memref<128xi32, #tpu.memory_space<hbm>>
      %dma_wait3A_325 = arith.constant 0 : i32
      %dma_wait3A_326 = arith.constant 0 : i32
      %dma_wait3A_327 = tpu.memref_slice %arg4[%add3A, %dma_wait3A_325, %dma_wait3A_326] : memref<32x80x128xi32, #tpu.memory_space<hbm>> -> memref<1x80x128xi32, #tpu.memory_space<hbm>>
      %dma_wait3A_328 = tpu.memref_squeeze %dma_wait3A_327 : memref<1x80x128xi32, #tpu.memory_space<hbm>> -> memref<80x128xi32, #tpu.memory_space<hbm>>
      %dma_wait3A_329 = arith.constant 0 : i32
      %dma_wait3A_330 = tpu.memref_slice %dma_wait3A_328[%dma_wait3A_317, %dma_wait3A_329] : memref<80x128xi32, #tpu.memory_space<hbm>> -> memref<1x128xi32, #tpu.memory_space<hbm>>
      %dma_wait3A_331 = tpu.memref_squeeze %dma_wait3A_330 : memref<1x128xi32, #tpu.memory_space<hbm>> -> memref<128xi32, #tpu.memory_space<hbm>>
      tpu.wait_dma2 semaphore(%arg16 : memref<!tpu.dma_semaphore, #tpu.memory_space<semaphore_mem>>) src(%dma_wait3A_331 : memref<128xi32, #tpu.memory_space<hbm>>) dst(%arg11 : memref<128xi32, #tpu.memory_space<vmem>>)
      %dma_start3A_332 = arith.constant 0 : i32
      %dma_start3A_333 = arith.constant 0 : i32
      %dma_start3A_334 = tpu.memref_slice %arg2[%dma_start3A_332, %dma_start3A_333] : memref<10240x128xf32, #tpu.memory_space<hbm>> -> memref<10240x128xf32, #tpu.memory_space<hbm>>
      tpu.enqueue_indirect_dma source(%dma_start3A_334 : memref<10240x128xf32, #tpu.memory_space<hbm>>) target(%arg7 : memref<128x128xf32, #tpu.memory_space<vmem>>) offsets(%arg9 : memref<128xi32, #tpu.memory_space<vmem>>) semaphore(%arg14 : memref<!tpu.dma_semaphore, #tpu.memory_space<semaphore_mem>>)
      "tpu.region"() ({
        %run_scoped3A = tpu.sem_alloc : memref<!tpu.dma_semaphore, #tpu.memory_space<semaphore_mem>>
        %dma_start3A_365 = arith.constant 0 : i32
        %dma_start3A_366 = arith.constant 0 : i32
        %dma_start3A_367 = tpu.memref_slice %arg13[%dma_start3A_365, %dma_start3A_366] : memref<10240x128xf32, #tpu.memory_space<vmem_shared>> -> memref<10240x128xf32, #tpu.memory_space<vmem_shared>>
        tpu.enqueue_indirect_dma source(%arg8 : memref<128x128xf32, #tpu.memory_space<vmem>>) target(%dma_start3A_367 : memref<10240x128xf32, #tpu.memory_space<vmem_shared>>) offsets(%arg12 : memref<128xi32, #tpu.memory_space<vmem>>) semaphore(%run_scoped3A : memref<!tpu.dma_semaphore, #tpu.memory_space<semaphore_mem>>) {add = true}
        %dma_wait3A_368 = arith.constant 0 : i32
        %dma_wait3A_369 = arith.constant 0 : i32
        %dma_wait3A_370 = tpu.memref_slice %arg13[%dma_wait3A_368, %dma_wait3A_369] : memref<10240x128xf32, #tpu.memory_space<vmem_shared>> -> memref<10240x128xf32, #tpu.memory_space<vmem_shared>>
        tpu.wait_indirect_dma semaphore(%run_scoped3A : memref<!tpu.dma_semaphore, #tpu.memory_space<semaphore_mem>>) src(%arg8 : memref<128x128xf32, #tpu.memory_space<vmem>>) dst(%dma_wait3A_370 : memref<10240x128xf32, #tpu.memory_space<vmem_shared>>)
        tpu.yield
      }) : () -> ()
      %add3A_335 = arith.constant 2 : i32
      %add3A_336 = arith.addi %add3A_298, %add3A_335 : i32
      %dma_start3A_337 = arith.constant 0 : i32
      %dma_start3A_338 = arith.constant 0 : i32
      %dma_start3A_339 = tpu.memref_slice %arg3[%add3A, %dma_start3A_337, %dma_start3A_338] : memref<32x80x128xi32, #tpu.memory_space<hbm>> -> memref<1x80x128xi32, #tpu.memory_space<hbm>>
      %dma_start3A_340 = tpu.memref_squeeze %dma_start3A_339 : memref<1x80x128xi32, #tpu.memory_space<hbm>> -> memref<80x128xi32, #tpu.memory_space<hbm>>
      %dma_start3A_341 = arith.constant 0 : i32
      %dma_start3A_342 = tpu.memref_slice %dma_start3A_340[%add3A_336, %dma_start3A_341] : memref<80x128xi32, #tpu.memory_space<hbm>> -> memref<1x128xi32, #tpu.memory_space<hbm>>
      %dma_start3A_343 = tpu.memref_squeeze %dma_start3A_342 : memref<1x128xi32, #tpu.memory_space<hbm>> -> memref<128xi32, #tpu.memory_space<hbm>>
      %dma_start3A_344 = arith.constant 0 : i32
      %dma_start3A_345 = arith.constant 0 : i32
      %dma_start3A_346 = tpu.memref_slice %arg3[%add3A, %dma_start3A_344, %dma_start3A_345] : memref<32x80x128xi32, #tpu.memory_space<hbm>> -> memref<1x80x128xi32, #tpu.memory_space<hbm>>
      %dma_start3A_347 = tpu.memref_squeeze %dma_start3A_346 : memref<1x80x128xi32, #tpu.memory_space<hbm>> -> memref<80x128xi32, #tpu.memory_space<hbm>>
      %dma_start3A_348 = arith.constant 0 : i32
      %dma_start3A_349 = tpu.memref_slice %dma_start3A_347[%add3A_336, %dma_start3A_348] : memref<80x128xi32, #tpu.memory_space<hbm>> -> memref<1x128xi32, #tpu.memory_space<hbm>>
      %dma_start3A_350 = tpu.memref_squeeze %dma_start3A_349 : memref<1x128xi32, #tpu.memory_space<hbm>> -> memref<128xi32, #tpu.memory_space<hbm>>
      tpu.enqueue_dma source(%dma_start3A_350 : memref<128xi32, #tpu.memory_space<hbm>>) target(%arg10 : memref<128xi32, #tpu.memory_space<vmem>>) target_semaphore(%arg17 : memref<!tpu.dma_semaphore, #tpu.memory_space<semaphore_mem>>)
      %dma_start3A_351 = arith.constant 0 : i32
      %dma_start3A_352 = arith.constant 0 : i32
      %dma_start3A_353 = tpu.memref_slice %arg4[%add3A, %dma_start3A_351, %dma_start3A_352] : memref<32x80x128xi32, #tpu.memory_space<hbm>> -> memref<1x80x128xi32, #tpu.memory_space<hbm>>
      %dma_start3A_354 = tpu.memref_squeeze %dma_start3A_353 : memref<1x80x128xi32, #tpu.memory_space<hbm>> -> memref<80x128xi32, #tpu.memory_space<hbm>>
      %dma_start3A_355 = arith.constant 0 : i32
      %dma_start3A_356 = tpu.memref_slice %dma_start3A_354[%add3A_336, %dma_start3A_355] : memref<80x128xi32, #tpu.memory_space<hbm>> -> memref<1x128xi32, #tpu.memory_space<hbm>>
      %dma_start3A_357 = tpu.memref_squeeze %dma_start3A_356 : memref<1x128xi32, #tpu.memory_space<hbm>> -> memref<128xi32, #tpu.memory_space<hbm>>
      %dma_start3A_358 = arith.constant 0 : i32
      %dma_start3A_359 = arith.constant 0 : i32
      %dma_start3A_360 = tpu.memref_slice %arg4[%add3A, %dma_start3A_358, %dma_start3A_359] : memref<32x80x128xi32, #tpu.memory_space<hbm>> -> memref<1x80x128xi32, #tpu.memory_space<hbm>>
      %dma_start3A_361 = tpu.memref_squeeze %dma_start3A_360 : memref<1x80x128xi32, #tpu.memory_space<hbm>> -> memref<80x128xi32, #tpu.memory_space<hbm>>
      %dma_start3A_362 = arith.constant 0 : i32
      %dma_start3A_363 = tpu.memref_slice %dma_start3A_361[%add3A_336, %dma_start3A_362] : memref<80x128xi32, #tpu.memory_space<hbm>> -> memref<1x128xi32, #tpu.memory_space<hbm>>
      %dma_start3A_364 = tpu.memref_squeeze %dma_start3A_363 : memref<1x128xi32, #tpu.memory_space<hbm>> -> memref<128xi32, #tpu.memory_space<hbm>>
      tpu.enqueue_dma source(%dma_start3A_364 : memref<128xi32, #tpu.memory_space<hbm>>) target(%arg12 : memref<128xi32, #tpu.memory_space<vmem>>) target_semaphore(%arg17 : memref<!tpu.dma_semaphore, #tpu.memory_space<semaphore_mem>>)
    }
    %scan3A_141 = arith.constant 39 : i32
    %dma_wait3A_142 = arith.constant 0 : i32
    %dma_wait3A_143 = arith.constant 0 : i32
    %dma_wait3A_144 = tpu.memref_slice %arg2[%dma_wait3A_142, %dma_wait3A_143] : memref<10240x128xf32, #tpu.memory_space<hbm>> -> memref<10240x128xf32, #tpu.memory_space<hbm>>
    tpu.wait_indirect_dma semaphore(%arg14 : memref<!tpu.dma_semaphore, #tpu.memory_space<semaphore_mem>>) src(%dma_wait3A_144 : memref<10240x128xf32, #tpu.memory_space<hbm>>) dst(%arg7 : memref<128x128xf32, #tpu.memory_space<vmem>>)
    %dma_wait3A_145 = arith.constant 0 : i32
    %dma_wait3A_146 = arith.constant 0 : i32
    %dma_wait3A_147 = arith.constant 0 : i32
    %dma_wait3A_148 = tpu.memref_slice %arg3[%add3A, %dma_wait3A_146, %dma_wait3A_147] : memref<32x80x128xi32, #tpu.memory_space<hbm>> -> memref<1x80x128xi32, #tpu.memory_space<hbm>>
    %dma_wait3A_149 = tpu.memref_squeeze %dma_wait3A_148 : memref<1x80x128xi32, #tpu.memory_space<hbm>> -> memref<80x128xi32, #tpu.memory_space<hbm>>
    %dma_wait3A_150 = arith.constant 0 : i32
    %dma_wait3A_151 = tpu.memref_slice %dma_wait3A_149[%dma_wait3A_145, %dma_wait3A_150] : memref<80x128xi32, #tpu.memory_space<hbm>> -> memref<1x128xi32, #tpu.memory_space<hbm>>
    %dma_wait3A_152 = tpu.memref_squeeze %dma_wait3A_151 : memref<1x128xi32, #tpu.memory_space<hbm>> -> memref<128xi32, #tpu.memory_space<hbm>>
    %dma_wait3A_153 = arith.constant 0 : i32
    %dma_wait3A_154 = arith.constant 0 : i32
    %dma_wait3A_155 = tpu.memref_slice %arg3[%add3A, %dma_wait3A_153, %dma_wait3A_154] : memref<32x80x128xi32, #tpu.memory_space<hbm>> -> memref<1x80x128xi32, #tpu.memory_space<hbm>>
    %dma_wait3A_156 = tpu.memref_squeeze %dma_wait3A_155 : memref<1x80x128xi32, #tpu.memory_space<hbm>> -> memref<80x128xi32, #tpu.memory_space<hbm>>
    %dma_wait3A_157 = arith.constant 0 : i32
    %dma_wait3A_158 = tpu.memref_slice %dma_wait3A_156[%dma_wait3A_145, %dma_wait3A_157] : memref<80x128xi32, #tpu.memory_space<hbm>> -> memref<1x128xi32, #tpu.memory_space<hbm>>
    %dma_wait3A_159 = tpu.memref_squeeze %dma_wait3A_158 : memref<1x128xi32, #tpu.memory_space<hbm>> -> memref<128xi32, #tpu.memory_space<hbm>>
    tpu.wait_dma2 semaphore(%arg17 : memref<!tpu.dma_semaphore, #tpu.memory_space<semaphore_mem>>) src(%dma_wait3A_159 : memref<128xi32, #tpu.memory_space<hbm>>) dst(%arg10 : memref<128xi32, #tpu.memory_space<vmem>>)
    %dma_wait3A_160 = arith.constant 0 : i32
    %dma_wait3A_161 = arith.constant 0 : i32
    %dma_wait3A_162 = arith.constant 0 : i32
    %dma_wait3A_163 = tpu.memref_slice %arg4[%add3A, %dma_wait3A_161, %dma_wait3A_162] : memref<32x80x128xi32, #tpu.memory_space<hbm>> -> memref<1x80x128xi32, #tpu.memory_space<hbm>>
    %dma_wait3A_164 = tpu.memref_squeeze %dma_wait3A_163 : memref<1x80x128xi32, #tpu.memory_space<hbm>> -> memref<80x128xi32, #tpu.memory_space<hbm>>
    %dma_wait3A_165 = arith.constant 0 : i32
    %dma_wait3A_166 = tpu.memref_slice %dma_wait3A_164[%dma_wait3A_160, %dma_wait3A_165] : memref<80x128xi32, #tpu.memory_space<hbm>> -> memref<1x128xi32, #tpu.memory_space<hbm>>
    %dma_wait3A_167 = tpu.memref_squeeze %dma_wait3A_166 : memref<1x128xi32, #tpu.memory_space<hbm>> -> memref<128xi32, #tpu.memory_space<hbm>>
    %dma_wait3A_168 = arith.constant 0 : i32
    %dma_wait3A_169 = arith.constant 0 : i32
    %dma_wait3A_170 = tpu.memref_slice %arg4[%add3A, %dma_wait3A_168, %dma_wait3A_169] : memref<32x80x128xi32, #tpu.memory_space<hbm>> -> memref<1x80x128xi32, #tpu.memory_space<hbm>>
    %dma_wait3A_171 = tpu.memref_squeeze %dma_wait3A_170 : memref<1x80x128xi32, #tpu.memory_space<hbm>> -> memref<80x128xi32, #tpu.memory_space<hbm>>
    %dma_wait3A_172 = arith.constant 0 : i32
    %dma_wait3A_173 = tpu.memref_slice %dma_wait3A_171[%dma_wait3A_160, %dma_wait3A_172] : memref<80x128xi32, #tpu.memory_space<hbm>> -> memref<1x128xi32, #tpu.memory_space<hbm>>
    %dma_wait3A_174 = tpu.memref_squeeze %dma_wait3A_173 : memref<1x128xi32, #tpu.memory_space<hbm>> -> memref<128xi32, #tpu.memory_space<hbm>>
    tpu.wait_dma2 semaphore(%arg17 : memref<!tpu.dma_semaphore, #tpu.memory_space<semaphore_mem>>) src(%dma_wait3A_174 : memref<128xi32, #tpu.memory_space<hbm>>) dst(%arg12 : memref<128xi32, #tpu.memory_space<vmem>>)
    %dma_start3A_175 = arith.constant 0 : i32
    %dma_start3A_176 = arith.constant 0 : i32
    %dma_start3A_177 = tpu.memref_slice %arg2[%dma_start3A_175, %dma_start3A_176] : memref<10240x128xf32, #tpu.memory_space<hbm>> -> memref<10240x128xf32, #tpu.memory_space<hbm>>
    tpu.enqueue_indirect_dma source(%dma_start3A_177 : memref<10240x128xf32, #tpu.memory_space<hbm>>) target(%arg8 : memref<128x128xf32, #tpu.memory_space<vmem>>) offsets(%arg10 : memref<128xi32, #tpu.memory_space<vmem>>) semaphore(%arg15 : memref<!tpu.dma_semaphore, #tpu.memory_space<semaphore_mem>>)
    "tpu.region"() ({
      %run_scoped3A = tpu.sem_alloc : memref<!tpu.dma_semaphore, #tpu.memory_space<semaphore_mem>>
      %dma_start3A_222 = arith.constant 0 : i32
      %dma_start3A_223 = arith.constant 0 : i32
      %dma_start3A_224 = tpu.memref_slice %arg13[%dma_start3A_222, %dma_start3A_223] : memref<10240x128xf32, #tpu.memory_space<vmem_shared>> -> memref<10240x128xf32, #tpu.memory_space<vmem_shared>>
      tpu.enqueue_indirect_dma source(%arg7 : memref<128x128xf32, #tpu.memory_space<vmem>>) target(%dma_start3A_224 : memref<10240x128xf32, #tpu.memory_space<vmem_shared>>) offsets(%arg11 : memref<128xi32, #tpu.memory_space<vmem>>) semaphore(%run_scoped3A : memref<!tpu.dma_semaphore, #tpu.memory_space<semaphore_mem>>) {add = true}
      %dma_wait3A_225 = arith.constant 0 : i32
      %dma_wait3A_226 = arith.constant 0 : i32
      %dma_wait3A_227 = tpu.memref_slice %arg13[%dma_wait3A_225, %dma_wait3A_226] : memref<10240x128xf32, #tpu.memory_space<vmem_shared>> -> memref<10240x128xf32, #tpu.memory_space<vmem_shared>>
      tpu.wait_indirect_dma semaphore(%run_scoped3A : memref<!tpu.dma_semaphore, #tpu.memory_space<semaphore_mem>>) src(%arg7 : memref<128x128xf32, #tpu.memory_space<vmem>>) dst(%dma_wait3A_227 : memref<10240x128xf32, #tpu.memory_space<vmem_shared>>)
      tpu.yield
    }) : () -> ()
    %dma_wait3A_178 = arith.constant 0 : i32
    %dma_wait3A_179 = arith.constant 0 : i32
    %dma_wait3A_180 = tpu.memref_slice %arg2[%dma_wait3A_178, %dma_wait3A_179] : memref<10240x128xf32, #tpu.memory_space<hbm>> -> memref<10240x128xf32, #tpu.memory_space<hbm>>
    tpu.wait_indirect_dma semaphore(%arg15 : memref<!tpu.dma_semaphore, #tpu.memory_space<semaphore_mem>>) src(%dma_wait3A_180 : memref<10240x128xf32, #tpu.memory_space<hbm>>) dst(%arg8 : memref<128x128xf32, #tpu.memory_space<vmem>>)
    "tpu.region"() ({
      %run_scoped3A = tpu.sem_alloc : memref<!tpu.dma_semaphore, #tpu.memory_space<semaphore_mem>>
      %dma_start3A_222 = arith.constant 0 : i32
      %dma_start3A_223 = arith.constant 0 : i32
      %dma_start3A_224 = tpu.memref_slice %arg13[%dma_start3A_222, %dma_start3A_223] : memref<10240x128xf32, #tpu.memory_space<vmem_shared>> -> memref<10240x128xf32, #tpu.memory_space<vmem_shared>>
      tpu.enqueue_indirect_dma source(%arg8 : memref<128x128xf32, #tpu.memory_space<vmem>>) target(%dma_start3A_224 : memref<10240x128xf32, #tpu.memory_space<vmem_shared>>) offsets(%arg12 : memref<128xi32, #tpu.memory_space<vmem>>) semaphore(%run_scoped3A : memref<!tpu.dma_semaphore, #tpu.memory_space<semaphore_mem>>) {add = true}
      %dma_wait3A_225 = arith.constant 0 : i32
      %dma_wait3A_226 = arith.constant 0 : i32
      %dma_wait3A_227 = tpu.memref_slice %arg13[%dma_wait3A_225, %dma_wait3A_226] : memref<10240x128xf32, #tpu.memory_space<vmem_shared>> -> memref<10240x128xf32, #tpu.memory_space<vmem_shared>>
      tpu.wait_indirect_dma semaphore(%run_scoped3A : memref<!tpu.dma_semaphore, #tpu.memory_space<semaphore_mem>>) src(%arg8 : memref<128x128xf32, #tpu.memory_space<vmem>>) dst(%dma_wait3A_227 : memref<10240x128xf32, #tpu.memory_space<vmem_shared>>)
      tpu.yield
    }) : () -> ()
    %barrier3A_181 = arith.constant 0 : index
    tpu.barrier barrier_id(%barrier3A_181)
    %mul3A_182 = arith.constant 640 : i32
    %mul3A_183 = arith.muli %arg1, %mul3A_182 : i32
    %add3A_184 = arith.constant 0 : i32
    %add3A_185 = arith.addi %mul3A_183, %add3A_184 : i32
    "tpu.region"() ({
      %run_scoped3A = tpu.sem_alloc : memref<!tpu.dma_semaphore, #tpu.memory_space<semaphore_mem>>
      %dma_start3A_222 = arith.constant 0 : i32
      %dma_start3A_223 = arith.constant 0 : i32
      %dma_start3A_224 = tpu.memref_slice %arg5[%arg0, %dma_start3A_222, %dma_start3A_223] : memref<2x10240x128xf32, #tpu.memory_space<hbm>> -> memref<1x10240x128xf32, #tpu.memory_space<hbm>>
      %dma_start3A_225 = tpu.memref_squeeze %dma_start3A_224 : memref<1x10240x128xf32, #tpu.memory_space<hbm>> -> memref<10240x128xf32, #tpu.memory_space<hbm>>
      %dma_start3A_226 = arith.constant 0 : i32
      %dma_start3A_227 = tpu.memref_slice %dma_start3A_225[%add3A_185, %dma_start3A_226] : memref<10240x128xf32, #tpu.memory_space<hbm>> -> memref<64x128xf32, #tpu.memory_space<hbm>>
      %dma_start3A_228 = arith.constant 0 : i32
      %dma_start3A_229 = tpu.memref_slice %arg13[%add3A_185, %dma_start3A_228] : memref<10240x128xf32, #tpu.memory_space<vmem_shared>> -> memref<64x128xf32, #tpu.memory_space<vmem_shared>>
      tpu.enqueue_dma source(%dma_start3A_229 : memref<64x128xf32, #tpu.memory_space<vmem_shared>>) target(%dma_start3A_227 : memref<64x128xf32, #tpu.memory_space<hbm>>) target_semaphore(%run_scoped3A : memref<!tpu.dma_semaphore, #tpu.memory_space<semaphore_mem>>)
      %dma_wait3A_230 = arith.constant 0 : i32
      %dma_wait3A_231 = arith.constant 0 : i32
      %dma_wait3A_232 = tpu.memref_slice %arg5[%arg0, %dma_wait3A_230, %dma_wait3A_231] : memref<2x10240x128xf32, #tpu.memory_space<hbm>> -> memref<1x10240x128xf32, #tpu.memory_space<hbm>>
      %dma_wait3A_233 = tpu.memref_squeeze %dma_wait3A_232 : memref<1x10240x128xf32, #tpu.memory_space<hbm>> -> memref<10240x128xf32, #tpu.memory_space<hbm>>
      %dma_wait3A_234 = arith.constant 0 : i32
      %dma_wait3A_235 = tpu.memref_slice %dma_wait3A_233[%add3A_185, %dma_wait3A_234] : memref<10240x128xf32, #tpu.memory_space<hbm>> -> memref<64x128xf32, #tpu.memory_space<hbm>>
      %dma_wait3A_236 = arith.constant 0 : i32
      %dma_wait3A_237 = tpu.memref_slice %arg13[%add3A_185, %dma_wait3A_236] : memref<10240x128xf32, #tpu.memory_space<vmem_shared>> -> memref<64x128xf32, #tpu.memory_space<vmem_shared>>
      tpu.wait_dma2 semaphore(%run_scoped3A : memref<!tpu.dma_semaphore, #tpu.memory_space<semaphore_mem>>) src(%dma_wait3A_237 : memref<64x128xf32, #tpu.memory_space<vmem_shared>>) dst(%dma_wait3A_235 : memref<64x128xf32, #tpu.memory_space<hbm>>)
      tpu.yield
    }) : () -> ()
    %mul3A_186 = arith.constant 640 : i32
    %mul3A_187 = arith.muli %arg1, %mul3A_186 : i32
    %add3A_188 = arith.constant 64 : i32
    %add3A_189 = arith.addi %mul3A_187, %add3A_188 : i32
    "tpu.region"() ({
      %run_scoped3A = tpu.sem_alloc : memref<!tpu.dma_semaphore, #tpu.memory_space<semaphore_mem>>
      %dma_start3A_222 = arith.constant 0 : i32
      %dma_start3A_223 = arith.constant 0 : i32
      %dma_start3A_224 = tpu.memref_slice %arg5[%arg0, %dma_start3A_222, %dma_start3A_223] : memref<2x10240x128xf32, #tpu.memory_space<hbm>> -> memref<1x10240x128xf32, #tpu.memory_space<hbm>>
      %dma_start3A_225 = tpu.memref_squeeze %dma_start3A_224 : memref<1x10240x128xf32, #tpu.memory_space<hbm>> -> memref<10240x128xf32, #tpu.memory_space<hbm>>
      %dma_start3A_226 = arith.constant 0 : i32
      %dma_start3A_227 = tpu.memref_slice %dma_start3A_225[%add3A_189, %dma_start3A_226] : memref<10240x128xf32, #tpu.memory_space<hbm>> -> memref<64x128xf32, #tpu.memory_space<hbm>>
      %dma_start3A_228 = arith.constant 0 : i32
      %dma_start3A_229 = tpu.memref_slice %arg13[%add3A_189, %dma_start3A_228] : memref<10240x128xf32, #tpu.memory_space<vmem_shared>> -> memref<64x128xf32, #tpu.memory_space<vmem_shared>>
      tpu.enqueue_dma source(%dma_start3A_229 : memref<64x128xf32, #tpu.memory_space<vmem_shared>>) target(%dma_start3A_227 : memref<64x128xf32, #tpu.memory_space<hbm>>) target_semaphore(%run_scoped3A : memref<!tpu.dma_semaphore, #tpu.memory_space<semaphore_mem>>)
      %dma_wait3A_230 = arith.constant 0 : i32
      %dma_wait3A_231 = arith.constant 0 : i32
      %dma_wait3A_232 = tpu.memref_slice %arg5[%arg0, %dma_wait3A_230, %dma_wait3A_231] : memref<2x10240x128xf32, #tpu.memory_space<hbm>> -> memref<1x10240x128xf32, #tpu.memory_space<hbm>>
      %dma_wait3A_233 = tpu.memref_squeeze %dma_wait3A_232 : memref<1x10240x128xf32, #tpu.memory_space<hbm>> -> memref<10240x128xf32, #tpu.memory_space<hbm>>
      %dma_wait3A_234 = arith.constant 0 : i32
      %dma_wait3A_235 = tpu.memref_slice %dma_wait3A_233[%add3A_189, %dma_wait3A_234] : memref<10240x128xf32, #tpu.memory_space<hbm>> -> memref<64x128xf32, #tpu.memory_space<hbm>>
      %dma_wait3A_236 = arith.constant 0 : i32
      %dma_wait3A_237 = tpu.memref_slice %arg13[%add3A_189, %dma_wait3A_236] : memref<10240x128xf32, #tpu.memory_space<vmem_shared>> -> memref<64x128xf32, #tpu.memory_space<vmem_shared>>
      tpu.wait_dma2 semaphore(%run_scoped3A : memref<!tpu.dma_semaphore, #tpu.memory_space<semaphore_mem>>) src(%dma_wait3A_237 : memref<64x128xf32, #tpu.memory_space<vmem_shared>>) dst(%dma_wait3A_235 : memref<64x128xf32, #tpu.memory_space<hbm>>)
      tpu.yield
    }) : () -> ()
    %mul3A_190 = arith.constant 640 : i32
    %mul3A_191 = arith.muli %arg1, %mul3A_190 : i32
    %add3A_192 = arith.constant 128 : i32
    %add3A_193 = arith.addi %mul3A_191, %add3A_192 : i32
    "tpu.region"() ({
      %run_scoped3A = tpu.sem_alloc : memref<!tpu.dma_semaphore, #tpu.memory_space<semaphore_mem>>
      %dma_start3A_222 = arith.constant 0 : i32
      %dma_start3A_223 = arith.constant 0 : i32
      %dma_start3A_224 = tpu.memref_slice %arg5[%arg0, %dma_start3A_222, %dma_start3A_223] : memref<2x10240x128xf32, #tpu.memory_space<hbm>> -> memref<1x10240x128xf32, #tpu.memory_space<hbm>>
      %dma_start3A_225 = tpu.memref_squeeze %dma_start3A_224 : memref<1x10240x128xf32, #tpu.memory_space<hbm>> -> memref<10240x128xf32, #tpu.memory_space<hbm>>
      %dma_start3A_226 = arith.constant 0 : i32
      %dma_start3A_227 = tpu.memref_slice %dma_start3A_225[%add3A_193, %dma_start3A_226] : memref<10240x128xf32, #tpu.memory_space<hbm>> -> memref<64x128xf32, #tpu.memory_space<hbm>>
      %dma_start3A_228 = arith.constant 0 : i32
      %dma_start3A_229 = tpu.memref_slice %arg13[%add3A_193, %dma_start3A_228] : memref<10240x128xf32, #tpu.memory_space<vmem_shared>> -> memref<64x128xf32, #tpu.memory_space<vmem_shared>>
      tpu.enqueue_dma source(%dma_start3A_229 : memref<64x128xf32, #tpu.memory_space<vmem_shared>>) target(%dma_start3A_227 : memref<64x128xf32, #tpu.memory_space<hbm>>) target_semaphore(%run_scoped3A : memref<!tpu.dma_semaphore, #tpu.memory_space<semaphore_mem>>)
      %dma_wait3A_230 = arith.constant 0 : i32
      %dma_wait3A_231 = arith.constant 0 : i32
      %dma_wait3A_232 = tpu.memref_slice %arg5[%arg0, %dma_wait3A_230, %dma_wait3A_231] : memref<2x10240x128xf32, #tpu.memory_space<hbm>> -> memref<1x10240x128xf32, #tpu.memory_space<hbm>>
      %dma_wait3A_233 = tpu.memref_squeeze %dma_wait3A_232 : memref<1x10240x128xf32, #tpu.memory_space<hbm>> -> memref<10240x128xf32, #tpu.memory_space<hbm>>
      %dma_wait3A_234 = arith.constant 0 : i32
      %dma_wait3A_235 = tpu.memref_slice %dma_wait3A_233[%add3A_193, %dma_wait3A_234] : memref<10240x128xf32, #tpu.memory_space<hbm>> -> memref<64x128xf32, #tpu.memory_space<hbm>>
      %dma_wait3A_236 = arith.constant 0 : i32
      %dma_wait3A_237 = tpu.memref_slice %arg13[%add3A_193, %dma_wait3A_236] : memref<10240x128xf32, #tpu.memory_space<vmem_shared>> -> memref<64x128xf32, #tpu.memory_space<vmem_shared>>
      tpu.wait_dma2 semaphore(%run_scoped3A : memref<!tpu.dma_semaphore, #tpu.memory_space<semaphore_mem>>) src(%dma_wait3A_237 : memref<64x128xf32, #tpu.memory_space<vmem_shared>>) dst(%dma_wait3A_235 : memref<64x128xf32, #tpu.memory_space<hbm>>)
      tpu.yield
    }) : () -> ()
    %mul3A_194 = arith.constant 640 : i32
    %mul3A_195 = arith.muli %arg1, %mul3A_194 : i32
    %add3A_196 = arith.constant 192 : i32
    %add3A_197 = arith.addi %mul3A_195, %add3A_196 : i32
    "tpu.region"() ({
      %run_scoped3A = tpu.sem_alloc : memref<!tpu.dma_semaphore, #tpu.memory_space<semaphore_mem>>
      %dma_start3A_222 = arith.constant 0 : i32
      %dma_start3A_223 = arith.constant 0 : i32
      %dma_start3A_224 = tpu.memref_slice %arg5[%arg0, %dma_start3A_222, %dma_start3A_223] : memref<2x10240x128xf32, #tpu.memory_space<hbm>> -> memref<1x10240x128xf32, #tpu.memory_space<hbm>>
      %dma_start3A_225 = tpu.memref_squeeze %dma_start3A_224 : memref<1x10240x128xf32, #tpu.memory_space<hbm>> -> memref<10240x128xf32, #tpu.memory_space<hbm>>
      %dma_start3A_226 = arith.constant 0 : i32
      %dma_start3A_227 = tpu.memref_slice %dma_start3A_225[%add3A_197, %dma_start3A_226] : memref<10240x128xf32, #tpu.memory_space<hbm>> -> memref<64x128xf32, #tpu.memory_space<hbm>>
      %dma_start3A_228 = arith.constant 0 : i32
      %dma_start3A_229 = tpu.memref_slice %arg13[%add3A_197, %dma_start3A_228] : memref<10240x128xf32, #tpu.memory_space<vmem_shared>> -> memref<64x128xf32, #tpu.memory_space<vmem_shared>>
      tpu.enqueue_dma source(%dma_start3A_229 : memref<64x128xf32, #tpu.memory_space<vmem_shared>>) target(%dma_start3A_227 : memref<64x128xf32, #tpu.memory_space<hbm>>) target_semaphore(%run_scoped3A : memref<!tpu.dma_semaphore, #tpu.memory_space<semaphore_mem>>)
      %dma_wait3A_230 = arith.constant 0 : i32
      %dma_wait3A_231 = arith.constant 0 : i32
      %dma_wait3A_232 = tpu.memref_slice %arg5[%arg0, %dma_wait3A_230, %dma_wait3A_231] : memref<2x10240x128xf32, #tpu.memory_space<hbm>> -> memref<1x10240x128xf32, #tpu.memory_space<hbm>>
      %dma_wait3A_233 = tpu.memref_squeeze %dma_wait3A_232 : memref<1x10240x128xf32, #tpu.memory_space<hbm>> -> memref<10240x128xf32, #tpu.memory_space<hbm>>
      %dma_wait3A_234 = arith.constant 0 : i32
      %dma_wait3A_235 = tpu.memref_slice %dma_wait3A_233[%add3A_197, %dma_wait3A_234] : memref<10240x128xf32, #tpu.memory_space<hbm>> -> memref<64x128xf32, #tpu.memory_space<hbm>>
      %dma_wait3A_236 = arith.constant 0 : i32
      %dma_wait3A_237 = tpu.memref_slice %arg13[%add3A_197, %dma_wait3A_236] : memref<10240x128xf32, #tpu.memory_space<vmem_shared>> -> memref<64x128xf32, #tpu.memory_space<vmem_shared>>
      tpu.wait_dma2 semaphore(%run_scoped3A : memref<!tpu.dma_semaphore, #tpu.memory_space<semaphore_mem>>) src(%dma_wait3A_237 : memref<64x128xf32, #tpu.memory_space<vmem_shared>>) dst(%dma_wait3A_235 : memref<64x128xf32, #tpu.memory_space<hbm>>)
      tpu.yield
    }) : () -> ()
    %mul3A_198 = arith.constant 640 : i32
    %mul3A_199 = arith.muli %arg1, %mul3A_198 : i32
    %add3A_200 = arith.constant 256 : i32
    %add3A_201 = arith.addi %mul3A_199, %add3A_200 : i32
    "tpu.region"() ({
      %run_scoped3A = tpu.sem_alloc : memref<!tpu.dma_semaphore, #tpu.memory_space<semaphore_mem>>
      %dma_start3A_222 = arith.constant 0 : i32
      %dma_start3A_223 = arith.constant 0 : i32
      %dma_start3A_224 = tpu.memref_slice %arg5[%arg0, %dma_start3A_222, %dma_start3A_223] : memref<2x10240x128xf32, #tpu.memory_space<hbm>> -> memref<1x10240x128xf32, #tpu.memory_space<hbm>>
      %dma_start3A_225 = tpu.memref_squeeze %dma_start3A_224 : memref<1x10240x128xf32, #tpu.memory_space<hbm>> -> memref<10240x128xf32, #tpu.memory_space<hbm>>
      %dma_start3A_226 = arith.constant 0 : i32
      %dma_start3A_227 = tpu.memref_slice %dma_start3A_225[%add3A_201, %dma_start3A_226] : memref<10240x128xf32, #tpu.memory_space<hbm>> -> memref<64x128xf32, #tpu.memory_space<hbm>>
      %dma_start3A_228 = arith.constant 0 : i32
      %dma_start3A_229 = tpu.memref_slice %arg13[%add3A_201, %dma_start3A_228] : memref<10240x128xf32, #tpu.memory_space<vmem_shared>> -> memref<64x128xf32, #tpu.memory_space<vmem_shared>>
      tpu.enqueue_dma source(%dma_start3A_229 : memref<64x128xf32, #tpu.memory_space<vmem_shared>>) target(%dma_start3A_227 : memref<64x128xf32, #tpu.memory_space<hbm>>) target_semaphore(%run_scoped3A : memref<!tpu.dma_semaphore, #tpu.memory_space<semaphore_mem>>)
      %dma_wait3A_230 = arith.constant 0 : i32
      %dma_wait3A_231 = arith.constant 0 : i32
      %dma_wait3A_232 = tpu.memref_slice %arg5[%arg0, %dma_wait3A_230, %dma_wait3A_231] : memref<2x10240x128xf32, #tpu.memory_space<hbm>> -> memref<1x10240x128xf32, #tpu.memory_space<hbm>>
      %dma_wait3A_233 = tpu.memref_squeeze %dma_wait3A_232 : memref<1x10240x128xf32, #tpu.memory_space<hbm>> -> memref<10240x128xf32, #tpu.memory_space<hbm>>
      %dma_wait3A_234 = arith.constant 0 : i32
      %dma_wait3A_235 = tpu.memref_slice %dma_wait3A_233[%add3A_201, %dma_wait3A_234] : memref<10240x128xf32, #tpu.memory_space<hbm>> -> memref<64x128xf32, #tpu.memory_space<hbm>>
      %dma_wait3A_236 = arith.constant 0 : i32
      %dma_wait3A_237 = tpu.memref_slice %arg13[%add3A_201, %dma_wait3A_236] : memref<10240x128xf32, #tpu.memory_space<vmem_shared>> -> memref<64x128xf32, #tpu.memory_space<vmem_shared>>
      tpu.wait_dma2 semaphore(%run_scoped3A : memref<!tpu.dma_semaphore, #tpu.memory_space<semaphore_mem>>) src(%dma_wait3A_237 : memref<64x128xf32, #tpu.memory_space<vmem_shared>>) dst(%dma_wait3A_235 : memref<64x128xf32, #tpu.memory_space<hbm>>)
      tpu.yield
    }) : () -> ()
    %mul3A_202 = arith.constant 640 : i32
    %mul3A_203 = arith.muli %arg1, %mul3A_202 : i32
    %add3A_204 = arith.constant 320 : i32
    %add3A_205 = arith.addi %mul3A_203, %add3A_204 : i32
    "tpu.region"() ({
      %run_scoped3A = tpu.sem_alloc : memref<!tpu.dma_semaphore, #tpu.memory_space<semaphore_mem>>
      %dma_start3A_222 = arith.constant 0 : i32
      %dma_start3A_223 = arith.constant 0 : i32
      %dma_start3A_224 = tpu.memref_slice %arg5[%arg0, %dma_start3A_222, %dma_start3A_223] : memref<2x10240x128xf32, #tpu.memory_space<hbm>> -> memref<1x10240x128xf32, #tpu.memory_space<hbm>>
      %dma_start3A_225 = tpu.memref_squeeze %dma_start3A_224 : memref<1x10240x128xf32, #tpu.memory_space<hbm>> -> memref<10240x128xf32, #tpu.memory_space<hbm>>
      %dma_start3A_226 = arith.constant 0 : i32
      %dma_start3A_227 = tpu.memref_slice %dma_start3A_225[%add3A_205, %dma_start3A_226] : memref<10240x128xf32, #tpu.memory_space<hbm>> -> memref<64x128xf32, #tpu.memory_space<hbm>>
      %dma_start3A_228 = arith.constant 0 : i32
      %dma_start3A_229 = tpu.memref_slice %arg13[%add3A_205, %dma_start3A_228] : memref<10240x128xf32, #tpu.memory_space<vmem_shared>> -> memref<64x128xf32, #tpu.memory_space<vmem_shared>>
      tpu.enqueue_dma source(%dma_start3A_229 : memref<64x128xf32, #tpu.memory_space<vmem_shared>>) target(%dma_start3A_227 : memref<64x128xf32, #tpu.memory_space<hbm>>) target_semaphore(%run_scoped3A : memref<!tpu.dma_semaphore, #tpu.memory_space<semaphore_mem>>)
      %dma_wait3A_230 = arith.constant 0 : i32
      %dma_wait3A_231 = arith.constant 0 : i32
      %dma_wait3A_232 = tpu.memref_slice %arg5[%arg0, %dma_wait3A_230, %dma_wait3A_231] : memref<2x10240x128xf32, #tpu.memory_space<hbm>> -> memref<1x10240x128xf32, #tpu.memory_space<hbm>>
      %dma_wait3A_233 = tpu.memref_squeeze %dma_wait3A_232 : memref<1x10240x128xf32, #tpu.memory_space<hbm>> -> memref<10240x128xf32, #tpu.memory_space<hbm>>
      %dma_wait3A_234 = arith.constant 0 : i32
      %dma_wait3A_235 = tpu.memref_slice %dma_wait3A_233[%add3A_205, %dma_wait3A_234] : memref<10240x128xf32, #tpu.memory_space<hbm>> -> memref<64x128xf32, #tpu.memory_space<hbm>>
      %dma_wait3A_236 = arith.constant 0 : i32
      %dma_wait3A_237 = tpu.memref_slice %arg13[%add3A_205, %dma_wait3A_236] : memref<10240x128xf32, #tpu.memory_space<vmem_shared>> -> memref<64x128xf32, #tpu.memory_space<vmem_shared>>
      tpu.wait_dma2 semaphore(%run_scoped3A : memref<!tpu.dma_semaphore, #tpu.memory_space<semaphore_mem>>) src(%dma_wait3A_237 : memref<64x128xf32, #tpu.memory_space<vmem_shared>>) dst(%dma_wait3A_235 : memref<64x128xf32, #tpu.memory_space<hbm>>)
      tpu.yield
    }) : () -> ()
    %mul3A_206 = arith.constant 640 : i32
    %mul3A_207 = arith.muli %arg1, %mul3A_206 : i32
    %add3A_208 = arith.constant 384 : i32
    %add3A_209 = arith.addi %mul3A_207, %add3A_208 : i32
    "tpu.region"() ({
      %run_scoped3A = tpu.sem_alloc : memref<!tpu.dma_semaphore, #tpu.memory_space<semaphore_mem>>
      %dma_start3A_222 = arith.constant 0 : i32
      %dma_start3A_223 = arith.constant 0 : i32
      %dma_start3A_224 = tpu.memref_slice %arg5[%arg0, %dma_start3A_222, %dma_start3A_223] : memref<2x10240x128xf32, #tpu.memory_space<hbm>> -> memref<1x10240x128xf32, #tpu.memory_space<hbm>>
      %dma_start3A_225 = tpu.memref_squeeze %dma_start3A_224 : memref<1x10240x128xf32, #tpu.memory_space<hbm>> -> memref<10240x128xf32, #tpu.memory_space<hbm>>
      %dma_start3A_226 = arith.constant 0 : i32
      %dma_start3A_227 = tpu.memref_slice %dma_start3A_225[%add3A_209, %dma_start3A_226] : memref<10240x128xf32, #tpu.memory_space<hbm>> -> memref<64x128xf32, #tpu.memory_space<hbm>>
      %dma_start3A_228 = arith.constant 0 : i32
      %dma_start3A_229 = tpu.memref_slice %arg13[%add3A_209, %dma_start3A_228] : memref<10240x128xf32, #tpu.memory_space<vmem_shared>> -> memref<64x128xf32, #tpu.memory_space<vmem_shared>>
      tpu.enqueue_dma source(%dma_start3A_229 : memref<64x128xf32, #tpu.memory_space<vmem_shared>>) target(%dma_start3A_227 : memref<64x128xf32, #tpu.memory_space<hbm>>) target_semaphore(%run_scoped3A : memref<!tpu.dma_semaphore, #tpu.memory_space<semaphore_mem>>)
      %dma_wait3A_230 = arith.constant 0 : i32
      %dma_wait3A_231 = arith.constant 0 : i32
      %dma_wait3A_232 = tpu.memref_slice %arg5[%arg0, %dma_wait3A_230, %dma_wait3A_231] : memref<2x10240x128xf32, #tpu.memory_space<hbm>> -> memref<1x10240x128xf32, #tpu.memory_space<hbm>>
      %dma_wait3A_233 = tpu.memref_squeeze %dma_wait3A_232 : memref<1x10240x128xf32, #tpu.memory_space<hbm>> -> memref<10240x128xf32, #tpu.memory_space<hbm>>
      %dma_wait3A_234 = arith.constant 0 : i32
      %dma_wait3A_235 = tpu.memref_slice %dma_wait3A_233[%add3A_209, %dma_wait3A_234] : memref<10240x128xf32, #tpu.memory_space<hbm>> -> memref<64x128xf32, #tpu.memory_space<hbm>>
      %dma_wait3A_236 = arith.constant 0 : i32
      %dma_wait3A_237 = tpu.memref_slice %arg13[%add3A_209, %dma_wait3A_236] : memref<10240x128xf32, #tpu.memory_space<vmem_shared>> -> memref<64x128xf32, #tpu.memory_space<vmem_shared>>
      tpu.wait_dma2 semaphore(%run_scoped3A : memref<!tpu.dma_semaphore, #tpu.memory_space<semaphore_mem>>) src(%dma_wait3A_237 : memref<64x128xf32, #tpu.memory_space<vmem_shared>>) dst(%dma_wait3A_235 : memref<64x128xf32, #tpu.memory_space<hbm>>)
      tpu.yield
    }) : () -> ()
    %mul3A_210 = arith.constant 640 : i32
    %mul3A_211 = arith.muli %arg1, %mul3A_210 : i32
    %add3A_212 = arith.constant 448 : i32
    %add3A_213 = arith.addi %mul3A_211, %add3A_212 : i32
    "tpu.region"() ({
      %run_scoped3A = tpu.sem_alloc : memref<!tpu.dma_semaphore, #tpu.memory_space<semaphore_mem>>
      %dma_start3A_222 = arith.constant 0 : i32
      %dma_start3A_223 = arith.constant 0 : i32
      %dma_start3A_224 = tpu.memref_slice %arg5[%arg0, %dma_start3A_222, %dma_start3A_223] : memref<2x10240x128xf32, #tpu.memory_space<hbm>> -> memref<1x10240x128xf32, #tpu.memory_space<hbm>>
      %dma_start3A_225 = tpu.memref_squeeze %dma_start3A_224 : memref<1x10240x128xf32, #tpu.memory_space<hbm>> -> memref<10240x128xf32, #tpu.memory_space<hbm>>
      %dma_start3A_226 = arith.constant 0 : i32
      %dma_start3A_227 = tpu.memref_slice %dma_start3A_225[%add3A_213, %dma_start3A_226] : memref<10240x128xf32, #tpu.memory_space<hbm>> -> memref<64x128xf32, #tpu.memory_space<hbm>>
      %dma_start3A_228 = arith.constant 0 : i32
      %dma_start3A_229 = tpu.memref_slice %arg13[%add3A_213, %dma_start3A_228] : memref<10240x128xf32, #tpu.memory_space<vmem_shared>> -> memref<64x128xf32, #tpu.memory_space<vmem_shared>>
      tpu.enqueue_dma source(%dma_start3A_229 : memref<64x128xf32, #tpu.memory_space<vmem_shared>>) target(%dma_start3A_227 : memref<64x128xf32, #tpu.memory_space<hbm>>) target_semaphore(%run_scoped3A : memref<!tpu.dma_semaphore, #tpu.memory_space<semaphore_mem>>)
      %dma_wait3A_230 = arith.constant 0 : i32
      %dma_wait3A_231 = arith.constant 0 : i32
      %dma_wait3A_232 = tpu.memref_slice %arg5[%arg0, %dma_wait3A_230, %dma_wait3A_231] : memref<2x10240x128xf32, #tpu.memory_space<hbm>> -> memref<1x10240x128xf32, #tpu.memory_space<hbm>>
      %dma_wait3A_233 = tpu.memref_squeeze %dma_wait3A_232 : memref<1x10240x128xf32, #tpu.memory_space<hbm>> -> memref<10240x128xf32, #tpu.memory_space<hbm>>
      %dma_wait3A_234 = arith.constant 0 : i32
      %dma_wait3A_235 = tpu.memref_slice %dma_wait3A_233[%add3A_213, %dma_wait3A_234] : memref<10240x128xf32, #tpu.memory_space<hbm>> -> memref<64x128xf32, #tpu.memory_space<hbm>>
      %dma_wait3A_236 = arith.constant 0 : i32
      %dma_wait3A_237 = tpu.memref_slice %arg13[%add3A_213, %dma_wait3A_236] : memref<10240x128xf32, #tpu.memory_space<vmem_shared>> -> memref<64x128xf32, #tpu.memory_space<vmem_shared>>
      tpu.wait_dma2 semaphore(%run_scoped3A : memref<!tpu.dma_semaphore, #tpu.memory_space<semaphore_mem>>) src(%dma_wait3A_237 : memref<64x128xf32, #tpu.memory_space<vmem_shared>>) dst(%dma_wait3A_235 : memref<64x128xf32, #tpu.memory_space<hbm>>)
      tpu.yield
    }) : () -> ()
    %mul3A_214 = arith.constant 640 : i32
    %mul3A_215 = arith.muli %arg1, %mul3A_214 : i32
    %add3A_216 = arith.constant 512 : i32
    %add3A_217 = arith.addi %mul3A_215, %add3A_216 : i32
    "tpu.region"() ({
      %run_scoped3A = tpu.sem_alloc : memref<!tpu.dma_semaphore, #tpu.memory_space<semaphore_mem>>
      %dma_start3A_222 = arith.constant 0 : i32
      %dma_start3A_223 = arith.constant 0 : i32
      %dma_start3A_224 = tpu.memref_slice %arg5[%arg0, %dma_start3A_222, %dma_start3A_223] : memref<2x10240x128xf32, #tpu.memory_space<hbm>> -> memref<1x10240x128xf32, #tpu.memory_space<hbm>>
      %dma_start3A_225 = tpu.memref_squeeze %dma_start3A_224 : memref<1x10240x128xf32, #tpu.memory_space<hbm>> -> memref<10240x128xf32, #tpu.memory_space<hbm>>
      %dma_start3A_226 = arith.constant 0 : i32
      %dma_start3A_227 = tpu.memref_slice %dma_start3A_225[%add3A_217, %dma_start3A_226] : memref<10240x128xf32, #tpu.memory_space<hbm>> -> memref<64x128xf32, #tpu.memory_space<hbm>>
      %dma_start3A_228 = arith.constant 0 : i32
      %dma_start3A_229 = tpu.memref_slice %arg13[%add3A_217, %dma_start3A_228] : memref<10240x128xf32, #tpu.memory_space<vmem_shared>> -> memref<64x128xf32, #tpu.memory_space<vmem_shared>>
      tpu.enqueue_dma source(%dma_start3A_229 : memref<64x128xf32, #tpu.memory_space<vmem_shared>>) target(%dma_start3A_227 : memref<64x128xf32, #tpu.memory_space<hbm>>) target_semaphore(%run_scoped3A : memref<!tpu.dma_semaphore, #tpu.memory_space<semaphore_mem>>)
      %dma_wait3A_230 = arith.constant 0 : i32
      %dma_wait3A_231 = arith.constant 0 : i32
      %dma_wait3A_232 = tpu.memref_slice %arg5[%arg0, %dma_wait3A_230, %dma_wait3A_231] : memref<2x10240x128xf32, #tpu.memory_space<hbm>> -> memref<1x10240x128xf32, #tpu.memory_space<hbm>>
      %dma_wait3A_233 = tpu.memref_squeeze %dma_wait3A_232 : memref<1x10240x128xf32, #tpu.memory_space<hbm>> -> memref<10240x128xf32, #tpu.memory_space<hbm>>
      %dma_wait3A_234 = arith.constant 0 : i32
      %dma_wait3A_235 = tpu.memref_slice %dma_wait3A_233[%add3A_217, %dma_wait3A_234] : memref<10240x128xf32, #tpu.memory_space<hbm>> -> memref<64x128xf32, #tpu.memory_space<hbm>>
      %dma_wait3A_236 = arith.constant 0 : i32
      %dma_wait3A_237 = tpu.memref_slice %arg13[%add3A_217, %dma_wait3A_236] : memref<10240x128xf32, #tpu.memory_space<vmem_shared>> -> memref<64x128xf32, #tpu.memory_space<vmem_shared>>
      tpu.wait_dma2 semaphore(%run_scoped3A : memref<!tpu.dma_semaphore, #tpu.memory_space<semaphore_mem>>) src(%dma_wait3A_237 : memref<64x128xf32, #tpu.memory_space<vmem_shared>>) dst(%dma_wait3A_235 : memref<64x128xf32, #tpu.memory_space<hbm>>)
      tpu.yield
    }) : () -> ()
    %mul3A_218 = arith.constant 640 : i32
    %mul3A_219 = arith.muli %arg1, %mul3A_218 : i32
    %add3A_220 = arith.constant 576 : i32
    %add3A_221 = arith.addi %mul3A_219, %add3A_220 : i32
    "tpu.region"() ({
      %run_scoped3A = tpu.sem_alloc : memref<!tpu.dma_semaphore, #tpu.memory_space<semaphore_mem>>
      %dma_start3A_222 = arith.constant 0 : i32
      %dma_start3A_223 = arith.constant 0 : i32
      %dma_start3A_224 = tpu.memref_slice %arg5[%arg0, %dma_start3A_222, %dma_start3A_223] : memref<2x10240x128xf32, #tpu.memory_space<hbm>> -> memref<1x10240x128xf32, #tpu.memory_space<hbm>>
      %dma_start3A_225 = tpu.memref_squeeze %dma_start3A_224 : memref<1x10240x128xf32, #tpu.memory_space<hbm>> -> memref<10240x128xf32, #tpu.memory_space<hbm>>
      %dma_start3A_226 = arith.constant 0 : i32
      %dma_start3A_227 = tpu.memref_slice %dma_start3A_225[%add3A_221, %dma_start3A_226] : memref<10240x128xf32, #tpu.memory_space<hbm>> -> memref<64x128xf32, #tpu.memory_space<hbm>>
      %dma_start3A_228 = arith.constant 0 : i32
      %dma_start3A_229 = tpu.memref_slice %arg13[%add3A_221, %dma_start3A_228] : memref<10240x128xf32, #tpu.memory_space<vmem_shared>> -> memref<64x128xf32, #tpu.memory_space<vmem_shared>>
      tpu.enqueue_dma source(%dma_start3A_229 : memref<64x128xf32, #tpu.memory_space<vmem_shared>>) target(%dma_start3A_227 : memref<64x128xf32, #tpu.memory_space<hbm>>) target_semaphore(%run_scoped3A : memref<!tpu.dma_semaphore, #tpu.memory_space<semaphore_mem>>)
      %dma_wait3A_230 = arith.constant 0 : i32
      %dma_wait3A_231 = arith.constant 0 : i32
      %dma_wait3A_232 = tpu.memref_slice %arg5[%arg0, %dma_wait3A_230, %dma_wait3A_231] : memref<2x10240x128xf32, #tpu.memory_space<hbm>> -> memref<1x10240x128xf32, #tpu.memory_space<hbm>>
      %dma_wait3A_233 = tpu.memref_squeeze %dma_wait3A_232 : memref<1x10240x128xf32, #tpu.memory_space<hbm>> -> memref<10240x128xf32, #tpu.memory_space<hbm>>
      %dma_wait3A_234 = arith.constant 0 : i32
      %dma_wait3A_235 = tpu.memref_slice %dma_wait3A_233[%add3A_221, %dma_wait3A_234] : memref<10240x128xf32, #tpu.memory_space<hbm>> -> memref<64x128xf32, #tpu.memory_space<hbm>>
      %dma_wait3A_236 = arith.constant 0 : i32
      %dma_wait3A_237 = tpu.memref_slice %arg13[%add3A_221, %dma_wait3A_236] : memref<10240x128xf32, #tpu.memory_space<vmem_shared>> -> memref<64x128xf32, #tpu.memory_space<vmem_shared>>
      tpu.wait_dma2 semaphore(%run_scoped3A : memref<!tpu.dma_semaphore, #tpu.memory_space<semaphore_mem>>) src(%dma_wait3A_237 : memref<64x128xf32, #tpu.memory_space<vmem_shared>>) dst(%dma_wait3A_235 : memref<64x128xf32, #tpu.memory_space<hbm>>)
      tpu.yield
    }) : () -> ()
    return
  }
}

module attributes {stable_mosaic.version = 14 : i64} {
  func.func @body(%arg0: i32, %arg1: memref<2x1024x16xf32, #tpu.memory_space<vmem>>, %arg2: memref<1024x128xf32, #tpu.memory_space<vmem>>, %arg3: memref<128x128xf32, #tpu.memory_space<vmem>>, %arg4: memref<1024x128xf32, #tpu.memory_space<vmem>>, %arg5: memref<1024x128xf32, #tpu.memory_space<vmem>>) attributes {dimension_semantics = [#tpu.dimension_semantics<arbitrary>], iteration_bounds = array<i64: 10>, scalar_prefetch = 0 : i64, scratch_operands = 0 : i64, tpu.core_type = #tpu.core_type<tc>, window_params = [{transform_indices = @transform_0, window_bounds = array<i64: 2, 1024, 16>}, {transform_indices = @transform_1, window_bounds = array<i64: 1024, 128>}, {pipeline_mode = #tpu.pipeline_mode<synchronous>, transform_indices = @transform_2, window_bounds = array<i64: 128, 128>}, {transform_indices = @transform_3, window_bounds = array<i64: 1024, 128>}, {transform_indices = @transform_4, window_bounds = array<i64: 1024, 128>}]} {
    %get3A = arith.constant 0 : index
    %get3A_0 = arith.constant 0 : index
    %get3A_1 = arith.constant 0 : index
    %get3A_2 = vector.load %arg1[%get3A, %get3A_0, %get3A_1] : memref<2x1024x16xf32, #tpu.memory_space<vmem>>, vector<1x1024x16xf32>
    %get3A_3 = vector.shape_cast %get3A_2 : vector<1x1024x16xf32> to vector<1024x16xf32>
    %slice3A = vector.extract_strided_slice %get3A_3 {offsets = [0, 0], sizes = [1024, 1], strides = [1, 1]} : vector<1024x16xf32> to vector<1024x1xf32>
    %get3A_4 = arith.constant 1 : index
    %get3A_5 = arith.constant 0 : index
    %get3A_6 = arith.constant 0 : index
    %get3A_7 = vector.load %arg1[%get3A_4, %get3A_5, %get3A_6] : memref<2x1024x16xf32, #tpu.memory_space<vmem>>, vector<1x1024x16xf32>
    %get3A_8 = vector.shape_cast %get3A_7 : vector<1x1024x16xf32> to vector<1024x16xf32>
    %slice3A_9 = vector.extract_strided_slice %get3A_8 {offsets = [0, 0], sizes = [1024, 1], strides = [1, 1]} : vector<1024x16xf32> to vector<1024x1xf32>
    %add3A = arith.addf %slice3A, %slice3A_9 : vector<1024x1xf32>
    %gt3A = arith.constant 0.000000e+00 : f32
    %gt3A_10 = vector.broadcast %gt3A : f32 to vector<1024x1xf32>
    %gt3A_11 = arith.cmpf ogt, %add3A, %gt3A_10 : vector<1024x1xf32>
    %max3A = arith.constant 1.000000e+00 : f32
    %max3A_12 = vector.broadcast %max3A : f32 to vector<1024x1xf32>
    %max3A_13 = arith.maximumf %add3A, %max3A_12 : vector<1024x1xf32>
    %rsqrt3A = math.rsqrt %max3A_13 : vector<1024x1xf32>
    %jit3A = arith.constant 0.000000e+00 : f32
    %broadcast_in_dim3A = vector.broadcast %jit3A : f32 to vector<1024x1xf32>
    %select_n3A = arith.select %gt3A_11, %rsqrt3A, %broadcast_in_dim3A : vector<1024x1xi1>, vector<1024x1xf32>
    %broadcast_in_dim3A_14 = vector.shape_cast %select_n3A : vector<1024x1xf32> to vector<1024x1xf32>
    %broadcast_in_dim3A_15 = vector.broadcast %broadcast_in_dim3A_14 : vector<1024x1xf32> to vector<1024x128xf32>
    %get3A_16 = arith.constant 0 : index
    %get3A_17 = arith.constant 0 : index
    %get3A_18 = vector.load %arg2[%get3A_16, %get3A_17] : memref<1024x128xf32, #tpu.memory_space<vmem>>, vector<1024x128xf32>
    %get3A_19 = arith.constant 0 : index
    %get3A_20 = arith.constant 0 : index
    %get3A_21 = vector.load %arg3[%get3A_19, %get3A_20] : memref<128x128xf32, #tpu.memory_space<vmem>>, vector<128x128xf32>
    %dot_general3A = arith.constant dense<0.000000e+00> : vector<1024x128xf32>
    %dot_general3A_22 = tpu.matmul %get3A_18, %get3A_21, %dot_general3A {dimension_numbers = #tpu.dot_dimension_numbers<[1], [0], [0], [1], [0, 0, 1, 1], [], []>, transpose_lhs_hint = false} : vector<1024x128xf32>, vector<128x128xf32>, vector<1024x128xf32> -> vector<1024x128xf32>
    %mul3A = arith.mulf %dot_general3A_22, %broadcast_in_dim3A_15 : vector<1024x128xf32>
    %swap3A = arith.constant 0 : index
    %swap3A_23 = arith.constant 0 : index
    %swap3A_24 = vector.load %arg4[%swap3A, %swap3A_23] : memref<1024x128xf32, #tpu.memory_space<vmem>>, vector<1024x128xf32>
    tpu.vector_store %arg4[%swap3A, %swap3A_23], %mul3A {strides = array<i32>} : memref<1024x128xf32, #tpu.memory_space<vmem>>, vector<1024x128xf32>,
    %swap3A_25 = arith.constant 0 : index
    %swap3A_26 = arith.constant 0 : index
    %swap3A_27 = vector.load %arg5[%swap3A_25, %swap3A_26] : memref<1024x128xf32, #tpu.memory_space<vmem>>, vector<1024x128xf32>
    tpu.vector_store %arg5[%swap3A_25, %swap3A_26], %broadcast_in_dim3A_15 {strides = array<i32>} : memref<1024x128xf32, #tpu.memory_space<vmem>>, vector<1024x128xf32>,
    return
  }
  func.func @transform_0(%arg0: i32) -> (i32, i32, i32) {
    %c0_i32 = arith.constant 0 : i32
    %c0_i32_0 = arith.constant 0 : i32
    %c0_i32_1 = arith.constant 0 : i32
    return %c0_i32, %arg0, %c0_i32_0 : i32, i32, i32
  }
  func.func @transform_1(%arg0: i32) -> (i32, i32) {
    %c0_i32 = arith.constant 0 : i32
    %c0_i32_0 = arith.constant 0 : i32
    return %arg0, %c0_i32 : i32, i32
  }
  func.func @transform_2(%arg0: i32) -> (i32, i32) {
    %c0_i32 = arith.constant 0 : i32
    %c0_i32_0 = arith.constant 0 : i32
    %c0_i32_1 = arith.constant 0 : i32
    return %c0_i32, %c0_i32_0 : i32, i32
  }
  func.func @transform_3(%arg0: i32) -> (i32, i32) {
    %c0_i32 = arith.constant 0 : i32
    %c0_i32_0 = arith.constant 0 : i32
    return %arg0, %c0_i32 : i32, i32
  }
  func.func @transform_4(%arg0: i32) -> (i32, i32) {
    %c0_i32 = arith.constant 0 : i32
    %c0_i32_0 = arith.constant 0 : i32
    return %arg0, %c0_i32 : i32, i32
  }
}

module attributes {stable_mosaic.version = 14 : i64} {
  func.func @body(%arg0: i32, %arg1: memref<2x1024x128xf32, #tpu.memory_space<vmem>>, %arg2: memref<1024x128xf32, #tpu.memory_space<vmem>>, %arg3: memref<128x128xf32, #tpu.memory_space<vmem>>, %arg4: memref<1024x128xf32, #tpu.memory_space<vmem>>) attributes {dimension_semantics = [#tpu.dimension_semantics<arbitrary>], iteration_bounds = array<i64: 10>, scalar_prefetch = 0 : i64, scratch_operands = 0 : i64, tpu.core_type = #tpu.core_type<tc>, window_params = [{transform_indices = @transform_0, window_bounds = array<i64: 2, 1024, 128>}, {transform_indices = @transform_1, window_bounds = array<i64: 1024, 128>}, {pipeline_mode = #tpu.pipeline_mode<synchronous>, transform_indices = @transform_2, window_bounds = array<i64: 128, 128>}, {transform_indices = @transform_3, window_bounds = array<i64: 1024, 128>}]} {
    %get3A = arith.constant 0 : index
    %get3A_0 = arith.constant 0 : index
    %get3A_1 = vector.load %arg2[%get3A, %get3A_0] : memref<1024x128xf32, #tpu.memory_space<vmem>>, vector<1024x128xf32>
    %get3A_2 = arith.constant 0 : index
    %get3A_3 = arith.constant 0 : index
    %get3A_4 = arith.constant 0 : index
    %get3A_5 = vector.load %arg1[%get3A_2, %get3A_3, %get3A_4] : memref<2x1024x128xf32, #tpu.memory_space<vmem>>, vector<1x1024x128xf32>
    %get3A_6 = vector.shape_cast %get3A_5 : vector<1x1024x128xf32> to vector<1024x128xf32>
    %get3A_7 = arith.constant 1 : index
    %get3A_8 = arith.constant 0 : index
    %get3A_9 = arith.constant 0 : index
    %get3A_10 = vector.load %arg1[%get3A_7, %get3A_8, %get3A_9] : memref<2x1024x128xf32, #tpu.memory_space<vmem>>, vector<1x1024x128xf32>
    %get3A_11 = vector.shape_cast %get3A_10 : vector<1x1024x128xf32> to vector<1024x128xf32>
    %add3A = arith.addf %get3A_6, %get3A_11 : vector<1024x128xf32>
    %mul3A = arith.mulf %add3A, %get3A_1 : vector<1024x128xf32>
    %max3A = arith.constant 0.000000e+00 : f32
    %max3A_12 = vector.broadcast %max3A : f32 to vector<1024x128xf32>
    %max3A_13 = arith.maximumf %mul3A, %max3A_12 : vector<1024x128xf32>
    %get3A_14 = arith.constant 0 : index
    %get3A_15 = arith.constant 0 : index
    %get3A_16 = vector.load %arg3[%get3A_14, %get3A_15] : memref<128x128xf32, #tpu.memory_space<vmem>>, vector<128x128xf32>
    %dot_general3A = arith.constant dense<0.000000e+00> : vector<1024x128xf32>
    %dot_general3A_17 = tpu.matmul %max3A_13, %get3A_16, %dot_general3A {dimension_numbers = #tpu.dot_dimension_numbers<[1], [0], [0], [1], [0, 0, 1, 1], [], []>, transpose_lhs_hint = false} : vector<1024x128xf32>, vector<128x128xf32>, vector<1024x128xf32> -> vector<1024x128xf32>
    %mul3A_18 = arith.mulf %dot_general3A_17, %get3A_1 : vector<1024x128xf32>
    %swap3A = arith.constant 0 : index
    %swap3A_19 = arith.constant 0 : index
    %swap3A_20 = vector.load %arg4[%swap3A, %swap3A_19] : memref<1024x128xf32, #tpu.memory_space<vmem>>, vector<1024x128xf32>
    tpu.vector_store %arg4[%swap3A, %swap3A_19], %mul3A_18 {strides = array<i32>} : memref<1024x128xf32, #tpu.memory_space<vmem>>, vector<1024x128xf32>,
    return
  }
  func.func @transform_0(%arg0: i32) -> (i32, i32, i32) {
    %c0_i32 = arith.constant 0 : i32
    %c0_i32_0 = arith.constant 0 : i32
    %c0_i32_1 = arith.constant 0 : i32
    return %c0_i32, %arg0, %c0_i32_0 : i32, i32, i32
  }
  func.func @transform_1(%arg0: i32) -> (i32, i32) {
    %c0_i32 = arith.constant 0 : i32
    %c0_i32_0 = arith.constant 0 : i32
    return %arg0, %c0_i32 : i32, i32
  }
  func.func @transform_2(%arg0: i32) -> (i32, i32) {
    %c0_i32 = arith.constant 0 : i32
    %c0_i32_0 = arith.constant 0 : i32
    %c0_i32_1 = arith.constant 0 : i32
    return %c0_i32, %c0_i32_0 : i32, i32
  }
  func.func @transform_3(%arg0: i32) -> (i32, i32) {
    %c0_i32 = arith.constant 0 : i32
    %c0_i32_0 = arith.constant 0 : i32
    return %arg0, %c0_i32 : i32, i32
  }
}

module attributes {stable_mosaic.version = 14 : i64} {
  func.func @body(%arg0: i32, %arg1: memref<2x1024x128xf32, #tpu.memory_space<vmem>>, %arg2: memref<1024x128xf32, #tpu.memory_space<vmem>>, %arg3: memref<128x16xf32, #tpu.memory_space<vmem>>, %arg4: memref<128x16xf32, #tpu.memory_space<vmem>>, %arg5: memref<1024x16xf32, #tpu.memory_space<vmem>>, %arg6: memref<1024x16xf32, #tpu.memory_space<vmem>>) attributes {dimension_semantics = [#tpu.dimension_semantics<arbitrary>], iteration_bounds = array<i64: 10>, scalar_prefetch = 0 : i64, scratch_operands = 0 : i64, tpu.core_type = #tpu.core_type<tc>, window_params = [{transform_indices = @transform_0, window_bounds = array<i64: 2, 1024, 128>}, {transform_indices = @transform_1, window_bounds = array<i64: 1024, 128>}, {pipeline_mode = #tpu.pipeline_mode<synchronous>, transform_indices = @transform_2, window_bounds = array<i64: 128, 16>}, {pipeline_mode = #tpu.pipeline_mode<synchronous>, transform_indices = @transform_3, window_bounds = array<i64: 128, 16>}, {transform_indices = @transform_4, window_bounds = array<i64: 1024, 16>}, {transform_indices = @transform_5, window_bounds = array<i64: 1024, 16>}]} {
    %get3A = arith.constant 0 : index
    %get3A_0 = arith.constant 0 : index
    %get3A_1 = arith.constant 0 : index
    %get3A_2 = vector.load %arg1[%get3A, %get3A_0, %get3A_1] : memref<2x1024x128xf32, #tpu.memory_space<vmem>>, vector<1x1024x128xf32>
    %get3A_3 = vector.shape_cast %get3A_2 : vector<1x1024x128xf32> to vector<1024x128xf32>
    %get3A_4 = arith.constant 1 : index
    %get3A_5 = arith.constant 0 : index
    %get3A_6 = arith.constant 0 : index
    %get3A_7 = vector.load %arg1[%get3A_4, %get3A_5, %get3A_6] : memref<2x1024x128xf32, #tpu.memory_space<vmem>>, vector<1x1024x128xf32>
    %get3A_8 = vector.shape_cast %get3A_7 : vector<1x1024x128xf32> to vector<1024x128xf32>
    %add3A = arith.addf %get3A_3, %get3A_8 : vector<1024x128xf32>
    %get3A_9 = arith.constant 0 : index
    %get3A_10 = arith.constant 0 : index
    %get3A_11 = vector.load %arg2[%get3A_9, %get3A_10] : memref<1024x128xf32, #tpu.memory_space<vmem>>, vector<1024x128xf32>
    %mul3A = arith.mulf %add3A, %get3A_11 : vector<1024x128xf32>
    %get3A_12 = arith.constant 0 : index
    %get3A_13 = arith.constant 0 : index
    %get3A_14 = vector.load %arg3[%get3A_12, %get3A_13] : memref<128x16xf32, #tpu.memory_space<vmem>>, vector<128x16xf32>
    %dot_general3A = arith.constant dense<0.000000e+00> : vector<1024x16xf32>
    %dot_general3A_15 = tpu.matmul %mul3A, %get3A_14, %dot_general3A {dimension_numbers = #tpu.dot_dimension_numbers<[1], [0], [0], [1], [0, 0, 1, 1], [], []>, transpose_lhs_hint = false} : vector<1024x128xf32>, vector<128x16xf32>, vector<1024x16xf32> -> vector<1024x16xf32>
    %swap3A = arith.constant 0 : index
    %swap3A_16 = arith.constant 0 : index
    %swap3A_17 = vector.load %arg5[%swap3A, %swap3A_16] : memref<1024x16xf32, #tpu.memory_space<vmem>>, vector<1024x16xf32>
    tpu.vector_store %arg5[%swap3A, %swap3A_16], %dot_general3A_15 {strides = array<i32>} : memref<1024x16xf32, #tpu.memory_space<vmem>>, vector<1024x16xf32>,
    %get3A_18 = arith.constant 0 : index
    %get3A_19 = arith.constant 0 : index
    %get3A_20 = vector.load %arg4[%get3A_18, %get3A_19] : memref<128x16xf32, #tpu.memory_space<vmem>>, vector<128x16xf32>
    %dot_general3A_21 = arith.constant dense<0.000000e+00> : vector<1024x16xf32>
    %dot_general3A_22 = tpu.matmul %mul3A, %get3A_20, %dot_general3A_21 {dimension_numbers = #tpu.dot_dimension_numbers<[1], [0], [0], [1], [0, 0, 1, 1], [], []>, transpose_lhs_hint = false} : vector<1024x128xf32>, vector<128x16xf32>, vector<1024x16xf32> -> vector<1024x16xf32>
    %swap3A_23 = arith.constant 0 : index
    %swap3A_24 = arith.constant 0 : index
    %swap3A_25 = vector.load %arg6[%swap3A_23, %swap3A_24] : memref<1024x16xf32, #tpu.memory_space<vmem>>, vector<1024x16xf32>
    tpu.vector_store %arg6[%swap3A_23, %swap3A_24], %dot_general3A_22 {strides = array<i32>} : memref<1024x16xf32, #tpu.memory_space<vmem>>, vector<1024x16xf32>,
    return
  }
  func.func @transform_0(%arg0: i32) -> (i32, i32, i32) {
    %c0_i32 = arith.constant 0 : i32
    %c0_i32_0 = arith.constant 0 : i32
    %c0_i32_1 = arith.constant 0 : i32
    return %c0_i32, %arg0, %c0_i32_0 : i32, i32, i32
  }
  func.func @transform_1(%arg0: i32) -> (i32, i32) {
    %c0_i32 = arith.constant 0 : i32
    %c0_i32_0 = arith.constant 0 : i32
    return %arg0, %c0_i32 : i32, i32
  }
  func.func @transform_2(%arg0: i32) -> (i32, i32) {
    %c0_i32 = arith.constant 0 : i32
    %c0_i32_0 = arith.constant 0 : i32
    %c0_i32_1 = arith.constant 0 : i32
    return %c0_i32, %c0_i32_0 : i32, i32
  }
  func.func @transform_3(%arg0: i32) -> (i32, i32) {
    %c0_i32 = arith.constant 0 : i32
    %c0_i32_0 = arith.constant 0 : i32
    %c0_i32_1 = arith.constant 0 : i32
    return %c0_i32, %c0_i32_0 : i32, i32
  }
  func.func @transform_4(%arg0: i32) -> (i32, i32) {
    %c0_i32 = arith.constant 0 : i32
    %c0_i32_0 = arith.constant 0 : i32
    return %arg0, %c0_i32 : i32, i32
  }
  func.func @transform_5(%arg0: i32) -> (i32, i32) {
    %c0_i32 = arith.constant 0 : i32
    %c0_i32_0 = arith.constant 0 : i32
    return %arg0, %c0_i32 : i32, i32
  }
}

</mosaic_0001>

<sc_bundles>
// kernel: kernel.12.cloned.1.call-start
scs
__scs_entry_jumppad:
0x0: {  	(pc) =	sbr.rel $0x88, $3  }
0x1: {  	(tag) =	ssettag $0x0;
	lr =	simm.s32 $0x1  }
0x2: {  	[smem:$0x3F9A] =	sst lr;
	_ =	strace $0xD0000000  }
0x3: {  	_ = 	snop  }
0x4: {  	_ = 	snop  }
0x5: {  	_ = 	snop  }
0x6: {  	_ = 	snop  }
0x7: {  	_ = 	snop  }
__scs_overlays_trampoline_lowered:
0x8: {  	[smem:$0x3FA9] =	sst s0  }
0x9: {  	[smem:$0x3FAA] =	sst s1  }
0xa: {  	[smem:$0x3FAB] =	sst s2  }
0xb: {  	[smem:$0x3FAC] =	sst s3  }
0xc: {  	[smem:$0x3FAD] =	sst s4  }
0xd: {  	[smem:$0x3FAE] =	sst s5  }
0xe: {  	[smem:$0x3FAF] =	sst s6  }
0xf: {  	[smem:$0x3FB0] =	sst s7  }
0x10: {  	[smem:$0x3FB1] =	sst s8  }
0x11: {  	[smem:$0x3FB2] =	sst s9;
	s0 =	simm.s32 @!p0 $0x0  }
0x12: {  	s1 =	sld [smem:$0x3F98];
	s0 =	simm.s32 @p0 $0x1  }
0x13: {  	[smem:$0x3FB3] =	sst s0;
	s0 =	simm.s32 @!p1 $0x0  }
0x14: {  	s2 =	sld [smem:$0x3F97];
	s0 =	simm.s32 @p1 $0x1  }
0x15: {  	[smem:$0x3FB4] =	sst s0;
	s0 =	simm.s32 @!p2 $0x0  }
0x16: {  	s3 =	sld [smem:$0x3FDB];
	s0 =	simm.s32 @p2 $0x1  }
0x17: {  	s4 =	simm.s32 $0x1BF5;
	[smem:$0x3FB6] =	sst s0  }
0x18: {  	s0 =	sld [smem:$0x3F99];
	_ =	swait.ge [sflag:s4], $0x0  }
0x19: {  	s7 =	sld [smem:$0x3F9A]  }
0x1a: {  	s8 =	sadd.s32 $0xFFFFE003, lr  }
0x1b: {  	s9 =	sadd.s32 $0xFFFFFEF7, lr;
	s5 =	simm.s32 $0xFFFFFFFF;
	p2 =	slt.u32 s8, $0xFFFFF086  }
0x1c: {  	p1 =	slt.u32 s9, $0xF7A;
	s5 =	simm.s32 @!p2 $0x0  }
0x1d: {  	s5 =	simm.s32 @p1 $0x1;
	p0 =	seq.s32 s7, s2  }
0x1e: {  	s7 =	smul.u32 @!p0 $0xF7A, s2;
	p2 =	seq.s32 @!p0 s5, $0x0  }
0x1f: {  	s9 =	smul.u32 $0xF7A, s1;
	s8 =	simm.s32 @!p0 $0x1BF5;
	p2 =	por !p2, p0  }
0x20: {  	[sflag:s8] =	ssyncset.s32 @!p0 $0xFFFFF086;
	s6 =	sadd.s32 @!p0 s3, s7;
	s7 =	simm.s32 @!p0 $0x108  }
0x21: {  	s3 =	sadd.s32 s3, s9;
	s6 =	sadd.s32 @!p0 $0x88, s6;
	s7 =	simm.s32 @p2 $0x1082  }
0x22: {  	[simem:s7], [sflag:s8] =	dma.local @!p0 [hbm:s6], $0xF7A  }
0x23: {  	s9 =	sor.u32 $0xD0000000, s2;
	s6 =	simm.s32 $0x108;
	_ =	swait.ge @!p0 [sflag:s8], $0x0  }
0x24: {  	s3 =	sadd.s32 $0x88, s3;
	s6 =	simm.s32 @!p1 $0x1082;
	[sflag:s4] =	ssyncset.s32 $0xFFFFF086  }
0x25: {  	[simem:s6], [sflag:s4] =	dma.local [hbm:s3], $0xF7A  }
0x26: {  	[smem:$0x3F9A] =	sst s1;
	(tag) =	ssettag s2;
	_ =	strace s9  }
0x27: {  	s1 =	sld [smem:$0x3FAA]  }
0x28: {  	s2 =	sld [smem:$0x3FAB]  }
0x29: {  	s4 =	sld [smem:$0x3FAD]  }
0x2a: {  	p0 =	seq.s32 s5, $0x0;
	s5 =	sld [smem:$0x3FAE]  }
0x2b: {  	s6 =	sld [smem:$0x3FAF]  }
0x2c: {  	s7 =	sld [smem:$0x3FB0]  }
0x2d: {  	s3 =	simm.s32 $0x108;
	s8 =	sld [smem:$0x3FB1]  }
0x2e: {  	s3 =	simm.s32 @!p0 $0x1082;
	s9 =	sld [smem:$0x3FB2]  }
0x2f: {  	lr =	sadd.s32 s0, s3;
	s0 =	sld [smem:$0x3FA9]  }
0x30: {  	s3 =	sld [smem:$0x3FAC]  }
0x31: {  	[smem:$0x3FB5] =	sst s10  }
0x32: {  	s10 =	sld [smem:$0x3FB3];
	_ =	sdelay $0x3  }
0x33: {  	p0 =	seq.s32 s10, $0x1;
	s10 =	sld [smem:$0x3FB5];
	_ =	sdelay $0x3  }
0x34: {  	[smem:$0x3FB5] =	sst s10  }
0x35: {  	s10 =	sld [smem:$0x3FB4];
	_ =	sdelay $0x3  }
0x36: {  	p1 =	seq.s32 s10, $0x1;
	s10 =	sld [smem:$0x3FB5];
	_ =	sdelay $0x3  }
0x37: {  	[smem:$0x3FB5] =	sst s10  }
0x38: {  	s10 =	sld [smem:$0x3FB6]  }
0x39: {  	_ = 	snop;
	(pc) =	sbr.ind lr, $3  }
0x3a: {  	_ = 	snop  }
0x3b: {  	_ = 	snop  }
0x3c: {  	p2 =	seq.s32 s10, $0x1;
	s10 =	sld [smem:$0x3FB5]  }
0x3d: {  	_ =	shalt  }
0x3e: {  	_ =	shalt  }
0x3f: {  	_ =	shalt  }
0x40: {  	_ =	shalt  }
0x41: {  	_ =	shalt  }
0x42: {  	_ =	shalt  }
0x43: {  	_ =	shalt  }
0x44: {  	_ =	shalt  }
0x45: {  	_ =	shalt  }
0x46: {  	_ =	shalt  }
0x47: {  	_ =	shalt  }
0x48: {  	_ =	shalt  }
0x49: {  	_ =	shalt  }
0x4a: {  	_ =	shalt  }
0x4b: {  	_ =	shalt  }
0x4c: {  	_ =	shalt  }
0x4d: {  	_ =	shalt  }
0x4e: {  	_ =	shalt  }
0x4f: {  	_ =	shalt  }
0x50: {  	_ =	shalt  }
0x51: {  	_ =	shalt  }
0x52: {  	_ =	shalt  }
0x53: {  	_ =	shalt  }
0x54: {  	_ =	shalt  }
0x55: {  	_ =	shalt  }
0x56: {  	_ =	shalt  }
0x57: {  	_ =	shalt  }
0x58: {  	_ =	shalt  }
0x59: {  	_ =	shalt  }
0x5a: {  	_ =	shalt  }
0x5b: {  	_ =	shalt  }
0x5c: {  	_ =	shalt  }
0x5d: {  	_ =	shalt  }
0x5e: {  	_ =	shalt  }
0x5f: {  	_ =	shalt  }
0x60: {  	_ =	shalt  }
0x61: {  	_ =	shalt  }
0x62: {  	_ =	shalt  }
0x63: {  	_ =	shalt  }
0x64: {  	_ =	shalt  }
0x65: {  	_ =	shalt  }
0x66: {  	_ =	shalt  }
0x67: {  	_ =	shalt  }
0x68: {  	_ =	shalt  }
0x69: {  	_ =	shalt  }
0x6a: {  	_ =	shalt  }
0x6b: {  	_ =	shalt  }
0x6c: {  	_ =	shalt  }
0x6d: {  	_ =	shalt  }
0x6e: {  	_ =	shalt  }
0x6f: {  	_ =	shalt  }
0x70: {  	_ =	shalt  }
0x71: {  	_ =	shalt  }
0x72: {  	_ =	shalt  }
0x73: {  	_ =	shalt  }
0x74: {  	_ =	shalt  }
0x75: {  	_ =	shalt  }
0x76: {  	_ =	shalt  }
0x77: {  	_ =	shalt  }
0x78: {  	_ =	shalt  }
0x79: {  	_ =	shalt  }
0x7a: {  	_ =	shalt  }
0x7b: {  	_ =	shalt  }
0x7c: {  	_ =	shalt  }
0x7d: {  	_ =	shalt  }
0x7e: {  	_ =	shalt  }
0x7f: {  	_ =	shalt  }
0x80: {  	_ =	shalt  }
0x81: {  	_ =	shalt  }
0x82: {  	_ =	shalt  }
0x83: {  	_ =	shalt  }
0x84: {  	_ =	shalt  }
0x85: {  	_ =	shalt  }
0x86: {  	_ =	shalt  }
0x87: {  	_ =	shalt  }
.Lfunc_end0:
.L_simem_size_0:
called_computation.1_lowered:
.L_overlay_start_0:
0x88: {  	s2 =	sld [smem:$0x3FD9]  }
0x89: {  	s3 =	sld [smem:$0x3FFE];
	_ =	sdelay $0x1  }
0x8a: {  	s1 =	srdreg.scid  }
0x8b: {  	s0 =	sand.u32 $0x1, s1  }
0x8c: {  	s17 =	sshll.u32 s0, $0xA;
	s2 =	sadd.s32 s3, s2  }
0x8d: {  	s2 =	sadd.s32 s2, s17  }
0x8e: {  	[smem:$0x3FC1] =	sst s2  }
0x8f: {  	_ = 	snop  }
0x90: {  	s2 =	sld [smem:$0x3FD0];
	(tm) =	ssettm $0x1  }
0x91: {  	s18 =	sld [smem:$0x3FFB];
	_ =	sdelay $0x3  }
0x92: {  	_ =	strace s18  }
0x93: {  	s3 =	sld [smem:$0x3FFC];
	_ =	sdelay $0x3  }
0x94: {  	_ =	strace s3  }
0x95: {  	s3 =	sld [smem:$0x3FFD];
	_ =	sdelay $0x3  }
0x96: {  	_ =	strace s3  }
0x97: {  	_ =	strace $0x8FFFFFFF  }
0x98: {  	s19 =	sld [smem:$0x3FDB];
	_ =	sdelay $0x1  }
0x99: {  	s4 =	simm.s32 $_scs_section_size  }
0x9a: {  	s5 =	simm.s32 $_size__tile_overlayer_lowered;
	s6 =	simm.s32 $_tile_overlayer_lowered  }
0x9b: {  	s22 =	simm.s32 $0x1BFF;
	s21 =	sshll.u32 s6, $0x1;
	s3 =	sadd.s32 s4, s19  }
0x9c: {  	s7 =	simm.s32 $0x0;
	s20 =	sshll.u32 s5, $0x1;
	s5 =	sadd.s32 s21, s3  }
0x9d: {  	[timem:s7], [sflag:s22] =	dma.local [hbm:s5], s20  }
0x9e: {  	_ =	swait.ge [sflag:s22], s20  }
0x9f: {  	s4 =	ssub.s32 $0x0, s20;
	[sflag:s22] =	ssyncset.done $0x0  }
0xa0: {  	[sflag:s22] =	ssyncadd.s32 s4;
	_ =	sdelay $0x1  }
0xa1: {  	s23 =	simm.s32 $0x1B8B  }
0xa2: {  	_ =	swait.ge [sflag:s23], $0x1  }
0xa3: {  	[sflag:s23] =	ssyncset.done $0x0  }
0xa4: {  	s25 =	simm.s32 $0x1B8E;
	s24 =	sld [smem:$0x3FFE];
	[sflag:s23] =	ssyncadd.s32 $0xFFFFFFFF  }
0xa5: {  	s26 =	simm.s32 $execute0_lowered;
	[smem:$0x3FD2] =	sst s25  }
0xa6: {  	s5 =	sshll.u32 s26, $0x1;
	_ =	strace $0x80000049;
	[dreg:$0x1] =	wrdreg $0xFFFFFFFF  }
0xa7: {  	s28 =	simm.s32 $_size_execute0_lowered;
	s3 =	sadd.s32 s3, s5;
	[dreg:$0x0] =	wrdreg $0x0  }
0xa8: {  	s5 =	sshll.u32 s28, $0x1;
	[dreg:$0x2] =	wrdreg s3  }
0xa9: {  	[dreg:$0x3] =	wrdreg s5  }
0xaa: {  	[dreg:$0x4] =	wrdreg $0xC0  }
0xab: {  	_ =	task [dreg:s7], $0x5FFFF  }
0xac: {  	[dreg:$0x1] =	wrdreg $0xFFFFFFFF  }
0xad: {  	[dreg:$0x0] =	wrdreg $0x60  }
0xae: {  	[dreg:$0x2] =	wrdreg s24  }
0xaf: {  	[dreg:$0x3] =	wrdreg s2  }
0xb0: {  	[dreg:$0x4] =	wrdreg $0xA2000  }
0xb1: {  	[dreg:$0x5] =	wrdreg $0x9  }
0xb2: {  	_ =	task.clear_ibuf [dreg:s7], $0x6FFFF;
	_ =	strace $0x90000049  }
0xb3: {  	s29 =	simm.s32 $0x9;
	_ =	strace $0x8000004B  }
0xb4: {  	_ =	swait.ge [sflag:s29], $0x1  }
0xb5: {  	[sflag:s29] =	ssyncadd.s32 $0xFFFFFFFF  }
0xb6: {  	_ =	strace $0x9000004B  }
0xb7: {  	_ =	sfence  }
0xb8: {  	s30 =	sld [smem:$0x0];
	_ =	sdelay $0x2  }
0xb9: {  	s31 =	sshll.u32 s1, $0xD;
	s1 =	sshrl.u32 s1, $0x2  }
0xba: {  	s3 =	sand.u32 $0x4000, s31;
	s1 =	sadd.s32 s1, s30  }
0xbb: {  	s0 =	sor.u32 s3, s0;
	s1 =	sshll.u32 s1, $0x11  }
0xbc: {  	s0 =	sor.u32 s1, s0  }
0xbd: {  	s0 =	sadd.s32 $0x8F2B, s0  }
0xbe: {  	[sflag:s0] =	ssyncadd.remote.s32 $0x1  }
0xbf: {  	_ =	sfence.sel $0xFFFF  }
0xc0: {  	[dreg:$0x0] =	wrdreg $0xFFFFFFFF;
	(pc) =	sbr.abs _section_cstart, $3  }
0xc1: {  	[dreg:$0x1] =	wrdreg $0xFFFFFFFF  }
0xc2: {  	_ =	task.clear_ibuf [dreg:s7], $0x2FFFF;
	_ =	strace $0x9FFFFFFF  }
0xc3: {  	(tm) =	ssettm $0x7FFFFFFF  }
tec
execute0_lowered:
.L_overlay_start_1:
0x0: {  	(tag) =	ssettag $0x1  }
0x1: {  	s0 =	rddreg [dreg:$0x0]  }
0x2: {  	s3 =	rddreg [dreg:$0x1]  }
0x3: {  	s1 =	rddreg [dreg:$0x2];
	s2 =	simm.s32 $0x0  }
0x4: {  	s4 =	srdreg.scid;
	s8 =	stileid.u32;
	s29 =	simm.s32 $0x5  }
0x5: {  	s30 =	simm.s32 $0xA000;
	s31 =	simm.s32 $0xA100;
	s4 =	sand.u32 $0x1, s4  }
0x6: {  	[smem:$0x7FF] =	sst s2;
	s5 =	sshll.u32 s4, $0x4;
	s6 =	smul.u32 $0x28000, s4  }
0x7: {  	s4 =	ssub.s32 $0x2, s4;
	s5 =	sor.u32 s8, s5;
	s8 =	smul.u32 $0x14000, s8  }
0x8: {  	s7 =	sshrl.u32 s4, $0x1;
	s5 =	smul.u32 $0x500, s5;
	s6 =	sadd.s32 s6, s0  }
0x9: {  	s4 =	ssub.s32 s4, s7;
	s7 =	sor.u32 $0x2000, s8;
	s9 =	sadd.s32 $0x4000, s8  }
0xa: {  	s10 =	sadd.s32 $0x6000, s8;
	s11 =	sadd.s32 $0x8000, s8;
	s12 =	sadd.s32 $0xA000, s8  }
0xb: {  	s13 =	sadd.s32 $0xC000, s8;
	s23 =	sadd.s32 $0xE000, s8;
	s24 =	sadd.s32 $0x10000, s8  }
0xc: {  	s25 =	sadd.s32 $0x12000, s8;
	s6 =	sadd.s32 $0x33400, s6;
	s14 =	sshrl.u32 s8, $0x3  }
0xd: {  	s28 =	sadd.s32 s8, s1;
	s8 =	simm.s32 $0x4;
	s15 =	sshrl.u32 s7, $0x3  }
0xe: {  	s16 =	sshrl.u32 s9, $0x3;
	s17 =	sshrl.u32 s10, $0x3;
	s14 =	sadd.s32 s14, s6  }
0xf: {  	s18 =	sshrl.u32 s11, $0x3;
	[dreg:$0x4] =	wrdreg s14;
	s15 =	sadd.s32 s15, s6  }
0x10: {  	s19 =	sshrl.u32 s12, $0x3;
	s16 =	sadd.s32 s16, s6;
	[dreg:$0x5] =	wrdreg s15  }
0x11: {  	s20 =	sshrl.u32 s13, $0x3;
	s17 =	sadd.s32 s17, s6;
	[dreg:$0x6] =	wrdreg s16  }
0x12: {  	s21 =	sshrl.u32 s23, $0x3;
	s18 =	sadd.s32 s18, s6;
	[dreg:$0x7] =	wrdreg s17  }
0x13: {  	s22 =	sshrl.u32 s24, $0x3;
	s19 =	sadd.s32 s19, s6;
	[dreg:$0x8] =	wrdreg s18  }
0x14: {  	s26 =	sshrl.u32 s25, $0x3;
	s20 =	sadd.s32 s20, s6;
	[dreg:$0x9] =	wrdreg s19  }
0x15: {  	s23 =	sadd.s32 s23, s1;
	s21 =	sadd.s32 s21, s6;
	[dreg:$0xa] =	wrdreg s20  }
0x16: {  	s24 =	sadd.s32 s24, s1;
	s14 =	sadd.s32 s22, s6;
	[dreg:$0xb] =	wrdreg s21  }
0x17: {  	s25 =	sadd.s32 s25, s1;
	s6 =	sadd.s32 s26, s6;
	[dreg:$0xc] =	wrdreg s14  }
0x18: {  	s22 =	sadd.s32 s13, s1;
	[dreg:$0xd] =	wrdreg s6;
	s14 =	sadd.s32 s3, s5  }
0x19: {  	s6 =	sadd.s32 s5, s0;
	s15 =	sadd.s32 $0xB400, s0;
	s16 =	sadd.s32 s7, s1  }
0x1a: {  	s18 =	sadd.s32 s9, s1;
	s19 =	sadd.s32 s10, s1;
	s20 =	sadd.s32 s11, s1  }
0x1b: {  	s21 =	sadd.s32 s12, s1;
	s17 =	smax.u32 s4, $0x1;
	s7 =	simm.s32 $0x3  }
0x1c: {  	s0 =	simm.s32 $0x80;
	s3 =	simm.s32 $0x2000;
	s4 =	simm.s32 $0xA080  }
0x1d: {  	s5 =	simm.s32 $0xA180;
	s9 =	simm.s32 $0x6000;
	s10 =	simm.s32 $0x2  }
0x1e: {  	s11 =	simm.s32 $0x0;
	_ =	strace $0x8000004A;
	[dreg:$0xe] =	wrdreg s16  }
0x1f: {  	v0 =	vimm.f32 $0.0e+00;
	s26 =	sadd.s32 $0x1400, s6;
	[dreg:$0xf] =	wrdreg s17;
	s6 =	simm.s32 $0x1  }
.LBB2_1:
0x20: {  	s12 =	simm.s32 $0x0;
	s13 =	simm.s32 $0x200  }
.LBB2_2:
0x21: {  	p0 =	sne.s32 s13, $0x7E00;
	[tilespmem:s12+$0x70] =	vst v0  }
0x22: {  	[tilespmem:s12+$0x0] =	vst v0  }
0x23: {  	[tilespmem:s12+$0x10] =	vst v0  }
.Ltmp0:
0x24: {  	[tilespmem:s12+$0x20] =	vst v0;
	(pc) =	sbr.rel @p0 .LBB2_2-.Ltmp0, $4  }
0x25: {  	[tilespmem:s12+$0x30] =	vst v0  }
0x26: {  	[tilespmem:s12+$0x40] =	vst v0  }
0x27: {  	[tilespmem:s12+$0x50] =	vst v0  }
0x28: {  	[tilespmem:s12+$0x60] =	vst v0;
	s12 =	sshra.s32 s13, $0x2;
	s13 =	sadd.s32 $0x200, s13  }
0x29: {  	[tilespmem:s12+$0x70] =	vst v0  }
0x2a: {  	[tilespmem:s12+$0x0] =	vst v0  }
0x2b: {  	[tilespmem:s12+$0x10] =	vst v0  }
0x2c: {  	[tilespmem:s12+$0x20] =	vst v0  }
0x2d: {  	[tilespmem:s12+$0x30] =	vst v0  }
0x2e: {  	[tilespmem:s12+$0x40] =	vst v0  }
0x2f: {  	[tilespmem:s12+$0x50] =	vst v0  }
0x30: {  	[tilespmem:s12+$0x60] =	vst v0  }
0x31: {  	[spmem:s28] =	stream.linear.scatter [tilespmem:s2], [sflag:$0x5], $0x2000, $0x38;
	[tilespmem:$0x1E200] =	vst v63  }
0x32: {  	_ =	swait.ge [sflag:s29], $0x2000  }
0x33: {  	[sflag:s29] =	ssyncset.done $0x0  }
0x34: {  	s16 =	rddreg [dreg:$0xe];
	[sflag:s29] =	ssyncadd.s32 $0xFFFFE000  }
0x35: {  	[spmem:s16] =	stream.linear.scatter [tilespmem:s2], [sflag:$0x5], $0x2000, $0x38;
	[tilespmem:$0x1E200] =	vst v63  }
0x36: {  	_ =	swait.ge [sflag:s29], $0x2000  }
0x37: {  	[sflag:s29] =	ssyncset.done $0x0  }
0x38: {  	[sflag:s29] =	ssyncadd.s32 $0xFFFFE000  }
0x39: {  	[spmem:s18] =	stream.linear.scatter [tilespmem:s2], [sflag:$0x5], $0x2000, $0x38;
	[tilespmem:$0x1E200] =	vst v63  }
0x3a: {  	_ =	swait.ge [sflag:s29], $0x2000  }
0x3b: {  	[sflag:s29] =	ssyncset.done $0x0  }
0x3c: {  	[sflag:s29] =	ssyncadd.s32 $0xFFFFE000  }
0x3d: {  	[spmem:s19] =	stream.linear.scatter [tilespmem:s2], [sflag:$0x5], $0x2000, $0x38;
	[tilespmem:$0x1E200] =	vst v63  }
0x3e: {  	_ =	swait.ge [sflag:s29], $0x2000  }
0x3f: {  	[sflag:s29] =	ssyncset.done $0x0  }
0x40: {  	[sflag:s29] =	ssyncadd.s32 $0xFFFFE000  }
0x41: {  	[spmem:s20] =	stream.linear.scatter [tilespmem:s2], [sflag:$0x5], $0x2000, $0x38;
	[tilespmem:$0x1E200] =	vst v63  }
0x42: {  	_ =	swait.ge [sflag:s29], $0x2000  }
0x43: {  	[sflag:s29] =	ssyncset.done $0x0  }
0x44: {  	[sflag:s29] =	ssyncadd.s32 $0xFFFFE000  }
0x45: {  	[spmem:s21] =	stream.linear.scatter [tilespmem:s2], [sflag:$0x5], $0x2000, $0x38;
	[tilespmem:$0x1E200] =	vst v63  }
0x46: {  	_ =	swait.ge [sflag:s29], $0x2000  }
0x47: {  	[sflag:s29] =	ssyncset.done $0x0  }
0x48: {  	[sflag:s29] =	ssyncadd.s32 $0xFFFFE000  }
0x49: {  	[spmem:s22] =	stream.linear.scatter [tilespmem:s2], [sflag:$0x5], $0x2000, $0x38;
	[tilespmem:$0x1E200] =	vst v63  }
0x4a: {  	_ =	swait.ge [sflag:s29], $0x2000  }
0x4b: {  	[sflag:s29] =	ssyncset.done $0x0  }
0x4c: {  	[sflag:s29] =	ssyncadd.s32 $0xFFFFE000  }
0x4d: {  	[spmem:s23] =	stream.linear.scatter [tilespmem:s2], [sflag:$0x5], $0x2000, $0x38;
	[tilespmem:$0x1E200] =	vst v63  }
0x4e: {  	_ =	swait.ge [sflag:s29], $0x2000  }
0x4f: {  	[sflag:s29] =	ssyncset.done $0x0  }
0x50: {  	[sflag:s29] =	ssyncadd.s32 $0xFFFFE000  }
0x51: {  	[spmem:s24] =	stream.linear.scatter [tilespmem:s2], [sflag:$0x5], $0x2000, $0x38;
	[tilespmem:$0x1E200] =	vst v63  }
0x52: {  	_ =	swait.ge [sflag:s29], $0x2000  }
0x53: {  	[sflag:s29] =	ssyncset.done $0x0  }
0x54: {  	[sflag:s29] =	ssyncadd.s32 $0xFFFFE000  }
0x55: {  	[spmem:s25] =	stream.linear.scatter [tilespmem:s2], [sflag:$0x5], $0x2000, $0x38;
	[tilespmem:$0x1E200] =	vst v63  }
0x56: {  	_ =	swait.ge [sflag:s29], $0x2000  }
0x57: {  	[sflag:s29] =	ssyncset.done $0x0  }
0x58: {  	[sflag:s29] =	ssyncadd.s32 $0xFFFFE000  }
0x59: {  	[bflag:$0x0] =	sbarrier.arrive $0xFFFF  }
0x5a: {  	[tilespmem:s30], [sflag:$0x3] =	stream.linear.gather [hbm4b:s14+s2], $0x80, $0x38;
	[tilespmem:$0x1E200] =	vst v63  }
0x5b: {  	_ = 	snop  }
0x5c: {  	[tilespmem:s31], [sflag:$0x3] =	stream.linear.gather [hbm4b:s26+s2], $0x80, $0x38;
	[tilespmem:$0x1E200] =	vst v63  }
0x5d: {  	_ =	swait.ge [sflag:s7], $0x80  }
0x5e: {  	[sflag:s7] =	ssyncset.done $0x0  }
0x5f: {  	[sflag:s7] =	ssyncadd.s32 $0xFFFFFF80  }
0x60: {  	_ =	swait.ge [sflag:s7], $0x80  }
0x61: {  	[sflag:s7] =	ssyncset.done $0x0  }
0x62: {  	[sflag:s7] =	ssyncadd.s32 $0xFFFFFF80  }
0x63: {  	[tilespmem:s3], [sflag:$0x1] =	stream.indirect.gather [hbm4b:s15+s0], $0x80, s30, s0, $0xb8;
	[tilespmem:$0x1E200] =	vst v63  }
0x64: {  	s17 =	smov.u32 s28;
	s28 =	sadd.s32 $0x10, s14  }
0x65: {  	[tilespmem:s4], [sflag:$0x4] =	stream.linear.gather [hbm4b:s28+s2], $0x80, $0x38;
	[tilespmem:$0x1E200] =	vst v63  }
0x66: {  	s13 =	sadd.s32 $0x10, s26  }
0x67: {  	[tilespmem:s5], [sflag:$0x4] =	stream.linear.gather [hbm4b:s13+s2], $0x80, $0x38;
	[tilespmem:$0x1E200] =	vst v63  }
0x68: {  	_ =	swait.ge [sflag:s6], $0x4000  }
0x69: {  	[sflag:s6] =	ssyncset.done $0x0  }
0x6a: {  	[sflag:s6] =	ssyncadd.s32 $0xFFFFC000  }
0x6b: {  	_ =	swait.ge [sflag:s8], $0x80  }
0x6c: {  	[sflag:s8] =	ssyncset.done $0x0  }
0x6d: {  	[sflag:s8] =	ssyncadd.s32 $0xFFFFFF80  }
0x6e: {  	_ =	swait.ge [sflag:s8], $0x80  }
0x6f: {  	[sflag:s8] =	ssyncset.done $0x0  }
0x70: {  	[sflag:s8] =	ssyncadd.s32 $0xFFFFFF80  }
0x71: {  	[tilespmem:s9], [sflag:$0x2] =	stream.indirect.gather [hbm4b:s15+s0], $0x80, s4, s0, $0xb8;
	[tilespmem:$0x1E200] =	vst v63  }
0x72: {  	_ = 	snop  }
0x73: {  	[spmem:s1] =	stream.indirect.scatter.add.f32 [tilespmem:s3], [sflag:$0x5], $0x80, s31, s0, $0xb8;
	[tilespmem:$0x1E200] =	vst v63  }
0x74: {  	_ =	swait.ge [sflag:s29], $0x4000  }
0x75: {  	s12 =	sadd.s32 $0xFFFFFB20, s14;
	[sflag:s29] =	ssyncset.done $0x0  }
0x76: {  	s28 =	sadd.s32 $0xFFFFFB20, s26;
	s13 =	sadd.s32 $0x500, s12;
	[sflag:s29] =	ssyncadd.s32 $0xFFFFC000  }
0x77: {  	[tilespmem:s30], [sflag:$0x3] =	stream.linear.gather [hbm4b:s13+s2], $0x80, $0x38;
	[tilespmem:$0x1E200] =	vst v63  }
0x78: {  	s16 =	sadd.s32 $0x500, s28  }
0x79: {  	[tilespmem:s31], [sflag:$0x3] =	stream.linear.gather [hbm4b:s16+s2], $0x80, $0x38;
	[tilespmem:$0x1E200] =	vst v63  }
0x7a: {  	_ =	swait.ge [sflag:s10], $0x4000  }
0x7b: {  	[sflag:s10] =	ssyncset.done $0x0  }
0x7c: {  	[sflag:s10] =	ssyncadd.s32 $0xFFFFC000  }
0x7d: {  	_ =	swait.ge [sflag:s7], $0x80  }
0x7e: {  	[sflag:s7] =	ssyncset.done $0x0  }
0x7f: {  	[sflag:s7] =	ssyncadd.s32 $0xFFFFFF80  }
0x80: {  	_ =	swait.ge [sflag:s7], $0x80  }
0x81: {  	[sflag:s7] =	ssyncset.done $0x0  }
0x82: {  	[sflag:s7] =	ssyncadd.s32 $0xFFFFFF80  }
0x83: {  	[tilespmem:s3], [sflag:$0x1] =	stream.indirect.gather [hbm4b:s15+s0], $0x80, s30, s0, $0xb8;
	[tilespmem:$0x1E200] =	vst v63  }
0x84: {  	_ = 	snop  }
0x85: {  	[spmem:s1] =	stream.indirect.scatter.add.f32 [tilespmem:s9], [sflag:$0x5], $0x80, s5, s0, $0xb8;
	[tilespmem:$0x1E200] =	vst v63  }
0x86: {  	_ =	swait.ge [sflag:s29], $0x4000  }
0x87: {  	[sflag:s29] =	ssyncset.done $0x0  }
0x88: {  	s12 =	sadd.s32 $0x510, s12;
	[sflag:s29] =	ssyncadd.s32 $0xFFFFC000  }
0x89: {  	[tilespmem:s4], [sflag:$0x4] =	stream.linear.gather [hbm4b:s12+s2], $0x80, $0x38;
	[tilespmem:$0x1E200] =	vst v63  }
0x8a: {  	s13 =	sadd.s32 $0x510, s28;
	s12 =	simm.s32 $0xFFFFFB40  }
.LBB2_4:
0x8b: {  	[tilespmem:s5], [sflag:$0x4] =	stream.linear.gather [hbm4b:s13+s2], $0x80, $0x38;
	[tilespmem:$0x1E200] =	vst v63  }
0x8c: {  	s13 =	smov.u32 s12  }
0x8d: {  	p0 =	sne.s32 s12, $0xFFFFFFE0;
	s12 =	sadd.s32 $0x20, s12;
	_ =	swait.ge [sflag:s6], $0x4000  }
0x8e: {  	[sflag:s6] =	ssyncset.done $0x0  }
0x8f: {  	[sflag:s6] =	ssyncadd.s32 $0xFFFFC000  }
0x90: {  	_ =	swait.ge [sflag:s8], $0x80  }
0x91: {  	[sflag:s8] =	ssyncset.done $0x0  }
0x92: {  	[sflag:s8] =	ssyncadd.s32 $0xFFFFFF80  }
0x93: {  	_ =	swait.ge [sflag:s8], $0x80  }
0x94: {  	[sflag:s8] =	ssyncset.done $0x0  }
0x95: {  	[sflag:s8] =	ssyncadd.s32 $0xFFFFFF80  }
0x96: {  	[tilespmem:s9], [sflag:$0x2] =	stream.indirect.gather [hbm4b:s15+s0], $0x80, s4, s0, $0xb8;
	[tilespmem:$0x1E200] =	vst v63  }
0x97: {  	_ = 	snop  }
0x98: {  	[spmem:s1] =	stream.indirect.scatter.add.f32 [tilespmem:s3], [sflag:$0x5], $0x80, s31, s0, $0xb8;
	[tilespmem:$0x1E200] =	vst v63  }
0x99: {  	_ =	swait.ge [sflag:s29], $0x4000  }
0x9a: {  	s28 =	sadd.s32 s13, s14;
	[sflag:s29] =	ssyncset.done $0x0  }
0x9b: {  	s13 =	sadd.s32 s13, s26;
	s16 =	sadd.s32 $0x500, s28;
	[sflag:s29] =	ssyncadd.s32 $0xFFFFC000  }
0x9c: {  	[tilespmem:s30], [sflag:$0x3] =	stream.linear.gather [hbm4b:s16+s2], $0x80, $0x38;
	[tilespmem:$0x1E200] =	vst v63  }
0x9d: {  	s16 =	sadd.s32 $0x500, s13  }
0x9e: {  	[tilespmem:s31], [sflag:$0x3] =	stream.linear.gather [hbm4b:s16+s2], $0x80, $0x38;
	[tilespmem:$0x1E200] =	vst v63  }
0x9f: {  	_ =	swait.ge [sflag:s10], $0x4000  }
0xa0: {  	[sflag:s10] =	ssyncset.done $0x0  }
0xa1: {  	[sflag:s10] =	ssyncadd.s32 $0xFFFFC000  }
0xa2: {  	_ =	swait.ge [sflag:s7], $0x80  }
0xa3: {  	[sflag:s7] =	ssyncset.done $0x0  }
0xa4: {  	[sflag:s7] =	ssyncadd.s32 $0xFFFFFF80  }
0xa5: {  	_ =	swait.ge [sflag:s7], $0x80  }
0xa6: {  	[sflag:s7] =	ssyncset.done $0x0  }
0xa7: {  	[sflag:s7] =	ssyncadd.s32 $0xFFFFFF80  }
0xa8: {  	[tilespmem:s3], [sflag:$0x1] =	stream.indirect.gather [hbm4b:s15+s0], $0x80, s30, s0, $0xb8;
	[tilespmem:$0x1E200] =	vst v63  }
0xa9: {  	_ = 	snop  }
0xaa: {  	[spmem:s1] =	stream.indirect.scatter.add.f32 [tilespmem:s9], [sflag:$0x5], $0x80, s5, s0, $0xb8;
	[tilespmem:$0x1E200] =	vst v63  }
.Ltmp1:
0xab: {  	_ =	swait.ge [sflag:s29], $0x4000;
	(pc) =	sbr.rel @p0 .LBB2_4-.Ltmp1, $4  }
0xac: {  	[sflag:s29] =	ssyncset.done $0x0  }
0xad: {  	s16 =	sadd.s32 $0x510, s28;
	[sflag:s29] =	ssyncadd.s32 $0xFFFFC000  }
0xae: {  	[tilespmem:s4], [sflag:$0x4] =	stream.linear.gather [hbm4b:s16+s2], $0x80, $0x38;
	[tilespmem:$0x1E200] =	vst v63  }
0xaf: {  	s13 =	sadd.s32 $0x510, s13  }
0xb0: {  	[tilespmem:s5], [sflag:$0x4] =	stream.linear.gather [hbm4b:s13+s2], $0x80, $0x38;
	[tilespmem:$0x1E200] =	vst v63  }
0xb1: {  	_ =	swait.ge [sflag:s6], $0x4000  }
0xb2: {  	[sflag:s6] =	ssyncset.done $0x0  }
0xb3: {  	[sflag:s6] =	ssyncadd.s32 $0xFFFFC000  }
0xb4: {  	_ =	swait.ge [sflag:s8], $0x80  }
0xb5: {  	[sflag:s8] =	ssyncset.done $0x0  }
0xb6: {  	[sflag:s8] =	ssyncadd.s32 $0xFFFFFF80  }
0xb7: {  	_ =	swait.ge [sflag:s8], $0x80  }
0xb8: {  	[sflag:s8] =	ssyncset.done $0x0  }
0xb9: {  	[sflag:s8] =	ssyncadd.s32 $0xFFFFFF80  }
0xba: {  	[tilespmem:s9], [sflag:$0x2] =	stream.indirect.gather [hbm4b:s15+s0], $0x80, s4, s0, $0xb8;
	[tilespmem:$0x1E200] =	vst v63  }
0xbb: {  	_ = 	snop  }
0xbc: {  	[spmem:s1] =	stream.indirect.scatter.add.f32 [tilespmem:s3], [sflag:$0x5], $0x80, s31, s0, $0xb8;
	[tilespmem:$0x1E200] =	vst v63  }
0xbd: {  	_ =	swait.ge [sflag:s29], $0x4000  }
0xbe: {  	[sflag:s29] =	ssyncset.done $0x0  }
0xbf: {  	[sflag:s29] =	ssyncadd.s32 $0xFFFFC000  }
0xc0: {  	_ =	swait.ge [sflag:s10], $0x4000  }
0xc1: {  	[sflag:s10] =	ssyncset.done $0x0  }
0xc2: {  	[sflag:s10] =	ssyncadd.s32 $0xFFFFC000  }
0xc3: {  	[spmem:s1] =	stream.indirect.scatter.add.f32 [tilespmem:s9], [sflag:$0x5], $0x80, s5, s0, $0xb8;
	[tilespmem:$0x1E200] =	vst v63  }
0xc4: {  	_ =	swait.ge [sflag:s29], $0x4000  }
0xc5: {  	[sflag:s29] =	ssyncset.done $0x0  }
0xc6: {  	s12 =	stileid.u32;
	[sflag:s29] =	ssyncadd.s32 $0xFFFFC000  }
0xc7: {  	s28 =	smov.u32 s17;
	s12 =	sshll.u32 s12, $0x6;
	[bflag:$0x0] =	sbarrier.arrive $0xFFFF  }
0xc8: {  	s17 =	sshrl.u32 s17, $0x3;
	s12 =	sor.u32 $0x1C05, s12;
	s16 =	rddreg [dreg:$0x4]  }
0xc9: {  	[hbm:s16], [sflag:s12] =	dma.local [spmem:s17], $0x400  }
0xca: {  	_ =	swait.ge [sflag:s29], $0x400  }
0xcb: {  	[sflag:s29] =	ssyncset.done $0x0;
	s16 =	rddreg [dreg:$0xe]  }
0xcc: {  	s17 =	rddreg [dreg:$0x5];
	[sflag:s29] =	ssyncadd.s32 $0xFFFFFC00;
	s13 =	sshrl.u32 s16, $0x3  }
0xcd: {  	[hbm:s17], [sflag:s12] =	dma.local [spmem:s13], $0x400  }
0xce: {  	_ =	swait.ge [sflag:s29], $0x400  }
0xcf: {  	[sflag:s29] =	ssyncset.done $0x0  }
0xd0: {  	s16 =	sshrl.u32 s18, $0x3;
	s17 =	rddreg [dreg:$0x6];
	[sflag:s29] =	ssyncadd.s32 $0xFFFFFC00  }
0xd1: {  	[hbm:s17], [sflag:s12] =	dma.local [spmem:s16], $0x400  }
0xd2: {  	_ =	swait.ge [sflag:s29], $0x400  }
0xd3: {  	[sflag:s29] =	ssyncset.done $0x0  }
0xd4: {  	s16 =	sshrl.u32 s19, $0x3;
	s17 =	rddreg [dreg:$0x7];
	[sflag:s29] =	ssyncadd.s32 $0xFFFFFC00  }
0xd5: {  	[hbm:s17], [sflag:s12] =	dma.local [spmem:s16], $0x400  }
0xd6: {  	_ =	swait.ge [sflag:s29], $0x400  }
0xd7: {  	[sflag:s29] =	ssyncset.done $0x0  }
0xd8: {  	s16 =	sshrl.u32 s20, $0x3;
	s17 =	rddreg [dreg:$0x8];
	[sflag:s29] =	ssyncadd.s32 $0xFFFFFC00  }
0xd9: {  	[hbm:s17], [sflag:s12] =	dma.local [spmem:s16], $0x400  }
0xda: {  	_ =	swait.ge [sflag:s29], $0x400  }
0xdb: {  	[sflag:s29] =	ssyncset.done $0x0  }
0xdc: {  	s16 =	sshrl.u32 s21, $0x3;
	s17 =	rddreg [dreg:$0x9];
	[sflag:s29] =	ssyncadd.s32 $0xFFFFFC00  }
0xdd: {  	[hbm:s17], [sflag:s12] =	dma.local [spmem:s16], $0x400  }
0xde: {  	_ =	swait.ge [sflag:s29], $0x400  }
0xdf: {  	[sflag:s29] =	ssyncset.done $0x0  }
0xe0: {  	s16 =	sshrl.u32 s22, $0x3;
	s17 =	rddreg [dreg:$0xa];
	[sflag:s29] =	ssyncadd.s32 $0xFFFFFC00  }
0xe1: {  	[hbm:s17], [sflag:s12] =	dma.local [spmem:s16], $0x400  }
0xe2: {  	_ =	swait.ge [sflag:s29], $0x400  }
0xe3: {  	[sflag:s29] =	ssyncset.done $0x0  }
0xe4: {  	s16 =	sshrl.u32 s23, $0x3;
	s17 =	rddreg [dreg:$0xb];
	[sflag:s29] =	ssyncadd.s32 $0xFFFFFC00  }
0xe5: {  	[hbm:s17], [sflag:s12] =	dma.local [spmem:s16], $0x400  }
0xe6: {  	_ =	swait.ge [sflag:s29], $0x400  }
0xe7: {  	[sflag:s29] =	ssyncset.done $0x0  }
0xe8: {  	s16 =	sshrl.u32 s24, $0x3;
	s17 =	rddreg [dreg:$0xc];
	[sflag:s29] =	ssyncadd.s32 $0xFFFFFC00  }
0xe9: {  	[hbm:s17], [sflag:s12] =	dma.local [spmem:s16], $0x400  }
0xea: {  	_ =	swait.ge [sflag:s29], $0x400  }
0xeb: {  	[sflag:s29] =	ssyncset.done $0x0  }
0xec: {  	s16 =	sshrl.u32 s25, $0x3;
	s17 =	rddreg [dreg:$0xd];
	[sflag:s29] =	ssyncadd.s32 $0xFFFFFC00  }
0xed: {  	[hbm:s17], [sflag:s12] =	dma.local [spmem:s16], $0x400  }
0xee: {  	_ =	swait.ge [sflag:s29], $0x400  }
0xef: {  	s11 =	sadd.s32 $0x1, s11;
	s17 =	rddreg [dreg:$0xf]  }
0xf0: {  	p0 =	sne.s32 s11, s17  }
.Ltmp2:
0xf1: {  	_ = 	snop;
	(pc) =	sbr.rel @p0 .LBB2_1-.Ltmp2, $3  }
0xf2: {  	_ =	sdelay $0x1  }
0xf3: {  	[sflag:s29] =	ssyncset.done $0x0  }
0xf4: {  	[sflag:s29] =	ssyncadd.s32 $0xFFFFFC00  }
0xf5: {  	_ =	sfence.sel $0x180000  }
0xf6: {  	[bflag:$0x0] =	sbarrier.arrive $0xFFFF  }
0xf7: {  	_ =	strace $0x9000004A  }
0xf8: {  	s0 =	stileid.u32;
	[bflag:$0x2] =	sbarrier.arrive $0xFFFF  }
0xf9: {  	p0 =	sne.s32 s0, $0x0;
	s0 =	rddreg [dreg:$0x3]  }
0xfa: {  	s0 =	sadd.s32 @!p0 $0x100000, s0  }
0xfb: {  	[sflag:s0] =	ssyncadd.tile.s32 @!p0 $0x1;
	_ =	shalt  }
.Lfunc_end2:
_tile_overlayer_lowered:
.L_overlay_start_2:
0xfc: {  	(tag) =	ssettag $0x2  }
0xfd: {  	s0 =	rddreg [dreg:$0x0];
	s2 =	stileid.u32  }
0xfe: {  	s1 =	rddreg [dreg:$0x1];
	p0 =	sne.s32 s2, $0x0  }
0xff: {  	s3 =	rddreg [dreg:$0x2];
	[bflag:$0x3] =	sbarrier.arrive $0xFFFF;
	s2 =	simm.s32 @!p0 $0x1C05  }
0x100: {  	[timem:s3], [sflag:s2] =	dma.local @!p0 [hbm:s0], s1  }
0x101: {  	s0 =	simm.s32 @!p0 $0x5  }
0x102: {  	_ =	swait.ge @!p0 [sflag:s0], s1  }
0x103: {  	s1 =	ssub.s32 @!p0 $0x0, s1;
	[sflag:s0] =	ssyncset.done @!p0 $0x0  }
0x104: {  	[sflag:s0] =	ssyncadd.s32 @!p0 s1  }
0x105: {  	[bflag:$0x3] =	sbarrier.arrive $0xFFFF  }
0x106: {  	_ =	shalt  }

// kernel: kernel.15.cloned.1.call-start
scs
__scs_entry_jumppad:
0x0: {  	(pc) =	sbr.rel $0x88, $3  }
0x1: {  	(tag) =	ssettag $0x0;
	lr =	simm.s32 $0x1  }
0x2: {  	[smem:$0x3F9A] =	sst lr;
	_ =	strace $0xD0000000  }
0x3: {  	_ = 	snop  }
0x4: {  	_ = 	snop  }
0x5: {  	_ = 	snop  }
0x6: {  	_ = 	snop  }
0x7: {  	_ = 	snop  }
__scs_overlays_trampoline_lowered:
0x8: {  	[smem:$0x3FA9] =	sst s0  }
0x9: {  	[smem:$0x3FAA] =	sst s1  }
0xa: {  	[smem:$0x3FAB] =	sst s2  }
0xb: {  	[smem:$0x3FAC] =	sst s3  }
0xc: {  	[smem:$0x3FAD] =	sst s4  }
0xd: {  	[smem:$0x3FAE] =	sst s5  }
0xe: {  	[smem:$0x3FAF] =	sst s6  }
0xf: {  	[smem:$0x3FB0] =	sst s7  }
0x10: {  	[smem:$0x3FB1] =	sst s8  }
0x11: {  	[smem:$0x3FB2] =	sst s9;
	s0 =	simm.s32 @!p0 $0x0  }
0x12: {  	s1 =	sld [smem:$0x3F98];
	s0 =	simm.s32 @p0 $0x1  }
0x13: {  	[smem:$0x3FB3] =	sst s0;
	s0 =	simm.s32 @!p1 $0x0  }
0x14: {  	s2 =	sld [smem:$0x3F97];
	s0 =	simm.s32 @p1 $0x1  }
0x15: {  	[smem:$0x3FB4] =	sst s0;
	s0 =	simm.s32 @!p2 $0x0  }
0x16: {  	s3 =	sld [smem:$0x3FDB];
	s0 =	simm.s32 @p2 $0x1  }
0x17: {  	s4 =	simm.s32 $0x1BF5;
	[smem:$0x3FB6] =	sst s0  }
0x18: {  	s0 =	sld [smem:$0x3F99];
	_ =	swait.ge [sflag:s4], $0x0  }
0x19: {  	s7 =	sld [smem:$0x3F9A]  }
0x1a: {  	s8 =	sadd.s32 $0xFFFFE003, lr  }
0x1b: {  	s9 =	sadd.s32 $0xFFFFFEF7, lr;
	s5 =	simm.s32 $0xFFFFFFFF;
	p2 =	slt.u32 s8, $0xFFFFF086  }
0x1c: {  	p1 =	slt.u32 s9, $0xF7A;
	s5 =	simm.s32 @!p2 $0x0  }
0x1d: {  	s5 =	simm.s32 @p1 $0x1;
	p0 =	seq.s32 s7, s2  }
0x1e: {  	s7 =	smul.u32 @!p0 $0xF7A, s2;
	p2 =	seq.s32 @!p0 s5, $0x0  }
0x1f: {  	s9 =	smul.u32 $0xF7A, s1;
	s8 =	simm.s32 @!p0 $0x1BF5;
	p2 =	por !p2, p0  }
0x20: {  	[sflag:s8] =	ssyncset.s32 @!p0 $0xFFFFF086;
	s6 =	sadd.s32 @!p0 s3, s7;
	s7 =	simm.s32 @!p0 $0x108  }
0x21: {  	s3 =	sadd.s32 s3, s9;
	s6 =	sadd.s32 @!p0 $0x88, s6;
	s7 =	simm.s32 @p2 $0x1082  }
0x22: {  	[simem:s7], [sflag:s8] =	dma.local @!p0 [hbm:s6], $0xF7A  }
0x23: {  	s9 =	sor.u32 $0xD0000000, s2;
	s6 =	simm.s32 $0x108;
	_ =	swait.ge @!p0 [sflag:s8], $0x0  }
0x24: {  	s3 =	sadd.s32 $0x88, s3;
	s6 =	simm.s32 @!p1 $0x1082;
	[sflag:s4] =	ssyncset.s32 $0xFFFFF086  }
0x25: {  	[simem:s6], [sflag:s4] =	dma.local [hbm:s3], $0xF7A  }
0x26: {  	[smem:$0x3F9A] =	sst s1;
	(tag) =	ssettag s2;
	_ =	strace s9  }
0x27: {  	s1 =	sld [smem:$0x3FAA]  }
0x28: {  	s2 =	sld [smem:$0x3FAB]  }
0x29: {  	s4 =	sld [smem:$0x3FAD]  }
0x2a: {  	p0 =	seq.s32 s5, $0x0;
	s5 =	sld [smem:$0x3FAE]  }
0x2b: {  	s6 =	sld [smem:$0x3FAF]  }
0x2c: {  	s7 =	sld [smem:$0x3FB0]  }
0x2d: {  	s3 =	simm.s32 $0x108;
	s8 =	sld [smem:$0x3FB1]  }
0x2e: {  	s3 =	simm.s32 @!p0 $0x1082;
	s9 =	sld [smem:$0x3FB2]  }
0x2f: {  	lr =	sadd.s32 s0, s3;
	s0 =	sld [smem:$0x3FA9]  }
0x30: {  	s3 =	sld [smem:$0x3FAC]  }
0x31: {  	[smem:$0x3FB5] =	sst s10  }
0x32: {  	s10 =	sld [smem:$0x3FB3];
	_ =	sdelay $0x3  }
0x33: {  	p0 =	seq.s32 s10, $0x1;
	s10 =	sld [smem:$0x3FB5];
	_ =	sdelay $0x3  }
0x34: {  	[smem:$0x3FB5] =	sst s10  }
0x35: {  	s10 =	sld [smem:$0x3FB4];
	_ =	sdelay $0x3  }
0x36: {  	p1 =	seq.s32 s10, $0x1;
	s10 =	sld [smem:$0x3FB5];
	_ =	sdelay $0x3  }
0x37: {  	[smem:$0x3FB5] =	sst s10  }
0x38: {  	s10 =	sld [smem:$0x3FB6]  }
0x39: {  	_ = 	snop;
	(pc) =	sbr.ind lr, $3  }
0x3a: {  	_ = 	snop  }
0x3b: {  	_ = 	snop  }
0x3c: {  	p2 =	seq.s32 s10, $0x1;
	s10 =	sld [smem:$0x3FB5]  }
0x3d: {  	_ =	shalt  }
0x3e: {  	_ =	shalt  }
0x3f: {  	_ =	shalt  }
0x40: {  	_ =	shalt  }
0x41: {  	_ =	shalt  }
0x42: {  	_ =	shalt  }
0x43: {  	_ =	shalt  }
0x44: {  	_ =	shalt  }
0x45: {  	_ =	shalt  }
0x46: {  	_ =	shalt  }
0x47: {  	_ =	shalt  }
0x48: {  	_ =	shalt  }
0x49: {  	_ =	shalt  }
0x4a: {  	_ =	shalt  }
0x4b: {  	_ =	shalt  }
0x4c: {  	_ =	shalt  }
0x4d: {  	_ =	shalt  }
0x4e: {  	_ =	shalt  }
0x4f: {  	_ =	shalt  }
0x50: {  	_ =	shalt  }
0x51: {  	_ =	shalt  }
0x52: {  	_ =	shalt  }
0x53: {  	_ =	shalt  }
0x54: {  	_ =	shalt  }
0x55: {  	_ =	shalt  }
0x56: {  	_ =	shalt  }
0x57: {  	_ =	shalt  }
0x58: {  	_ =	shalt  }
0x59: {  	_ =	shalt  }
0x5a: {  	_ =	shalt  }
0x5b: {  	_ =	shalt  }
0x5c: {  	_ =	shalt  }
0x5d: {  	_ =	shalt  }
0x5e: {  	_ =	shalt  }
0x5f: {  	_ =	shalt  }
0x60: {  	_ =	shalt  }
0x61: {  	_ =	shalt  }
0x62: {  	_ =	shalt  }
0x63: {  	_ =	shalt  }
0x64: {  	_ =	shalt  }
0x65: {  	_ =	shalt  }
0x66: {  	_ =	shalt  }
0x67: {  	_ =	shalt  }
0x68: {  	_ =	shalt  }
0x69: {  	_ =	shalt  }
0x6a: {  	_ =	shalt  }
0x6b: {  	_ =	shalt  }
0x6c: {  	_ =	shalt  }
0x6d: {  	_ =	shalt  }
0x6e: {  	_ =	shalt  }
0x6f: {  	_ =	shalt  }
0x70: {  	_ =	shalt  }
0x71: {  	_ =	shalt  }
0x72: {  	_ =	shalt  }
0x73: {  	_ =	shalt  }
0x74: {  	_ =	shalt  }
0x75: {  	_ =	shalt  }
0x76: {  	_ =	shalt  }
0x77: {  	_ =	shalt  }
0x78: {  	_ =	shalt  }
0x79: {  	_ =	shalt  }
0x7a: {  	_ =	shalt  }
0x7b: {  	_ =	shalt  }
0x7c: {  	_ =	shalt  }
0x7d: {  	_ =	shalt  }
0x7e: {  	_ =	shalt  }
0x7f: {  	_ =	shalt  }
0x80: {  	_ =	shalt  }
0x81: {  	_ =	shalt  }
0x82: {  	_ =	shalt  }
0x83: {  	_ =	shalt  }
0x84: {  	_ =	shalt  }
0x85: {  	_ =	shalt  }
0x86: {  	_ =	shalt  }
0x87: {  	_ =	shalt  }
.Lfunc_end0:
.L_simem_size_0:
called_computation.2_lowered:
.L_overlay_start_0:
0x88: {  	s2 =	sld [smem:$0x3FD9]  }
0x89: {  	s3 =	sld [smem:$0x3FFE];
	_ =	sdelay $0x1  }
0x8a: {  	s1 =	srdreg.scid  }
0x8b: {  	s0 =	sand.u32 $0x1, s1  }
0x8c: {  	s17 =	sshll.u32 s0, $0xA;
	s2 =	sadd.s32 s3, s2  }
0x8d: {  	s2 =	sadd.s32 s2, s17  }
0x8e: {  	[smem:$0x3FC1] =	sst s2  }
0x8f: {  	_ = 	snop  }
0x90: {  	s2 =	sld [smem:$0x3FD0];
	(tm) =	ssettm $0x1  }
0x91: {  	s18 =	sld [smem:$0x3FFB];
	_ =	sdelay $0x3  }
0x92: {  	_ =	strace s18  }
0x93: {  	s3 =	sld [smem:$0x3FFC];
	_ =	sdelay $0x3  }
0x94: {  	_ =	strace s3  }
0x95: {  	s3 =	sld [smem:$0x3FFD];
	_ =	sdelay $0x3  }
0x96: {  	_ =	strace s3  }
0x97: {  	_ =	strace $0x8FFFFFFF  }
0x98: {  	s19 =	sld [smem:$0x3FDB];
	_ =	sdelay $0x1  }
0x99: {  	s4 =	simm.s32 $_scs_section_size  }
0x9a: {  	s5 =	simm.s32 $_size__tile_overlayer_lowered;
	s6 =	simm.s32 $_tile_overlayer_lowered  }
0x9b: {  	s22 =	simm.s32 $0x1BFF;
	s21 =	sshll.u32 s6, $0x1;
	s3 =	sadd.s32 s4, s19  }
0x9c: {  	s7 =	simm.s32 $0x0;
	s20 =	sshll.u32 s5, $0x1;
	s5 =	sadd.s32 s21, s3  }
0x9d: {  	[timem:s7], [sflag:s22] =	dma.local [hbm:s5], s20  }
0x9e: {  	_ =	swait.ge [sflag:s22], s20  }
0x9f: {  	s4 =	ssub.s32 $0x0, s20;
	[sflag:s22] =	ssyncset.done $0x0  }
0xa0: {  	[sflag:s22] =	ssyncadd.s32 s4;
	_ =	sdelay $0x1  }
0xa1: {  	s23 =	simm.s32 $0x1B8B  }
0xa2: {  	_ =	swait.ge [sflag:s23], $0x1  }
0xa3: {  	[sflag:s23] =	ssyncset.done $0x0  }
0xa4: {  	s25 =	simm.s32 $0x1B8E;
	s24 =	sld [smem:$0x3FFE];
	[sflag:s23] =	ssyncadd.s32 $0xFFFFFFFF  }
0xa5: {  	s26 =	simm.s32 $execute0_lowered;
	[smem:$0x3FD2] =	sst s25  }
0xa6: {  	s5 =	sshll.u32 s26, $0x1;
	_ =	strace $0x8000004C;
	[dreg:$0x1] =	wrdreg $0xFFFFFFFF  }
0xa7: {  	s28 =	simm.s32 $_size_execute0_lowered;
	s3 =	sadd.s32 s3, s5;
	[dreg:$0x0] =	wrdreg $0x0  }
0xa8: {  	s5 =	sshll.u32 s28, $0x1;
	[dreg:$0x2] =	wrdreg s3  }
0xa9: {  	[dreg:$0x3] =	wrdreg s5  }
0xaa: {  	[dreg:$0x4] =	wrdreg $0xC0  }
0xab: {  	_ =	task [dreg:s7], $0x5FFFF  }
0xac: {  	[dreg:$0x1] =	wrdreg $0xFFFFFFFF  }
0xad: {  	[dreg:$0x0] =	wrdreg $0x60  }
0xae: {  	[dreg:$0x2] =	wrdreg s24  }
0xaf: {  	[dreg:$0x3] =	wrdreg s2  }
0xb0: {  	[dreg:$0x4] =	wrdreg $0xA2000  }
0xb1: {  	[dreg:$0x5] =	wrdreg $0x9  }
0xb2: {  	_ =	task.clear_ibuf [dreg:s7], $0x6FFFF;
	_ =	strace $0x9000004C  }
0xb3: {  	s29 =	simm.s32 $0x9;
	_ =	strace $0x8000004E  }
0xb4: {  	_ =	swait.ge [sflag:s29], $0x1  }
0xb5: {  	[sflag:s29] =	ssyncadd.s32 $0xFFFFFFFF  }
0xb6: {  	_ =	strace $0x9000004E  }
0xb7: {  	_ =	sfence  }
0xb8: {  	s30 =	sld [smem:$0x0];
	_ =	sdelay $0x2  }
0xb9: {  	s31 =	sshll.u32 s1, $0xD;
	s1 =	sshrl.u32 s1, $0x2  }
0xba: {  	s3 =	sand.u32 $0x4000, s31;
	s1 =	sadd.s32 s1, s30  }
0xbb: {  	s0 =	sor.u32 s3, s0;
	s1 =	sshll.u32 s1, $0x11  }
0xbc: {  	s0 =	sor.u32 s1, s0  }
0xbd: {  	s0 =	sadd.s32 $0x8F2B, s0  }
0xbe: {  	[sflag:s0] =	ssyncadd.remote.s32 $0x1  }
0xbf: {  	_ =	sfence.sel $0xFFFF  }
0xc0: {  	[dreg:$0x0] =	wrdreg $0xFFFFFFFF;
	(pc) =	sbr.abs _section_cstart, $3  }
0xc1: {  	[dreg:$0x1] =	wrdreg $0xFFFFFFFF  }
0xc2: {  	_ =	task.clear_ibuf [dreg:s7], $0x2FFFF;
	_ =	strace $0x9FFFFFFF  }
0xc3: {  	(tm) =	ssettm $0x7FFFFFFF  }
tec
execute0_lowered:
.L_overlay_start_1:
0x0: {  	(tag) =	ssettag $0x1  }
0x1: {  	s0 =	rddreg [dreg:$0x0]  }
0x2: {  	s3 =	rddreg [dreg:$0x1]  }
0x3: {  	s1 =	rddreg [dreg:$0x2];
	s2 =	simm.s32 $0x0  }
0x4: {  	s4 =	srdreg.scid;
	s8 =	stileid.u32;
	s29 =	simm.s32 $0x5  }
0x5: {  	s30 =	simm.s32 $0xA000;
	s31 =	simm.s32 $0xA100;
	s4 =	sand.u32 $0x1, s4  }
0x6: {  	[smem:$0x7FF] =	sst s2;
	s5 =	sshll.u32 s4, $0x4;
	s6 =	smul.u32 $0x28000, s4  }
0x7: {  	s4 =	ssub.s32 $0x2, s4;
	s5 =	sor.u32 s8, s5;
	s8 =	smul.u32 $0x14000, s8  }
0x8: {  	s7 =	sshrl.u32 s4, $0x1;
	s5 =	smul.u32 $0x500, s5;
	s6 =	sadd.s32 s6, s0  }
0x9: {  	s4 =	ssub.s32 s4, s7;
	s7 =	sor.u32 $0x2000, s8;
	s9 =	sadd.s32 $0x4000, s8  }
0xa: {  	s10 =	sadd.s32 $0x6000, s8;
	s11 =	sadd.s32 $0x8000, s8;
	s12 =	sadd.s32 $0xA000, s8  }
0xb: {  	s13 =	sadd.s32 $0xC000, s8;
	s23 =	sadd.s32 $0xE000, s8;
	s24 =	sadd.s32 $0x10000, s8  }
0xc: {  	s25 =	sadd.s32 $0x12000, s8;
	s6 =	sadd.s32 $0x33400, s6;
	s14 =	sshrl.u32 s8, $0x3  }
0xd: {  	s28 =	sadd.s32 s8, s1;
	s8 =	simm.s32 $0x4;
	s15 =	sshrl.u32 s7, $0x3  }
0xe: {  	s16 =	sshrl.u32 s9, $0x3;
	s17 =	sshrl.u32 s10, $0x3;
	s14 =	sadd.s32 s14, s6  }
0xf: {  	s18 =	sshrl.u32 s11, $0x3;
	[dreg:$0x4] =	wrdreg s14;
	s15 =	sadd.s32 s15, s6  }
0x10: {  	s19 =	sshrl.u32 s12, $0x3;
	s16 =	sadd.s32 s16, s6;
	[dreg:$0x5] =	wrdreg s15  }
0x11: {  	s20 =	sshrl.u32 s13, $0x3;
	s17 =	sadd.s32 s17, s6;
	[dreg:$0x6] =	wrdreg s16  }
0x12: {  	s21 =	sshrl.u32 s23, $0x3;
	s18 =	sadd.s32 s18, s6;
	[dreg:$0x7] =	wrdreg s17  }
0x13: {  	s22 =	sshrl.u32 s24, $0x3;
	s19 =	sadd.s32 s19, s6;
	[dreg:$0x8] =	wrdreg s18  }
0x14: {  	s26 =	sshrl.u32 s25, $0x3;
	s20 =	sadd.s32 s20, s6;
	[dreg:$0x9] =	wrdreg s19  }
0x15: {  	s23 =	sadd.s32 s23, s1;
	s21 =	sadd.s32 s21, s6;
	[dreg:$0xa] =	wrdreg s20  }
0x16: {  	s24 =	sadd.s32 s24, s1;
	s14 =	sadd.s32 s22, s6;
	[dreg:$0xb] =	wrdreg s21  }
0x17: {  	s25 =	sadd.s32 s25, s1;
	s6 =	sadd.s32 s26, s6;
	[dreg:$0xc] =	wrdreg s14  }
0x18: {  	s22 =	sadd.s32 s13, s1;
	[dreg:$0xd] =	wrdreg s6;
	s14 =	sadd.s32 s3, s5  }
0x19: {  	s6 =	sadd.s32 s5, s0;
	s15 =	sadd.s32 $0xB400, s0;
	s16 =	sadd.s32 s7, s1  }
0x1a: {  	s18 =	sadd.s32 s9, s1;
	s19 =	sadd.s32 s10, s1;
	s20 =	sadd.s32 s11, s1  }
0x1b: {  	s21 =	sadd.s32 s12, s1;
	s17 =	smax.u32 s4, $0x1;
	s7 =	simm.s32 $0x3  }
0x1c: {  	s0 =	simm.s32 $0x80;
	s3 =	simm.s32 $0x2000;
	s4 =	simm.s32 $0xA080  }
0x1d: {  	s5 =	simm.s32 $0xA180;
	s9 =	simm.s32 $0x6000;
	s10 =	simm.s32 $0x2  }
0x1e: {  	s11 =	simm.s32 $0x0;
	_ =	strace $0x8000004D;
	[dreg:$0xe] =	wrdreg s16  }
0x1f: {  	v0 =	vimm.f32 $0.0e+00;
	s26 =	sadd.s32 $0x1400, s6;
	[dreg:$0xf] =	wrdreg s17;
	s6 =	simm.s32 $0x1  }
.LBB2_1:
0x20: {  	s12 =	simm.s32 $0x0;
	s13 =	simm.s32 $0x200  }
.LBB2_2:
0x21: {  	p0 =	sne.s32 s13, $0x7E00;
	[tilespmem:s12+$0x70] =	vst v0  }
0x22: {  	[tilespmem:s12+$0x0] =	vst v0  }
0x23: {  	[tilespmem:s12+$0x10] =	vst v0  }
.Ltmp0:
0x24: {  	[tilespmem:s12+$0x20] =	vst v0;
	(pc) =	sbr.rel @p0 .LBB2_2-.Ltmp0, $4  }
0x25: {  	[tilespmem:s12+$0x30] =	vst v0  }
0x26: {  	[tilespmem:s12+$0x40] =	vst v0  }
0x27: {  	[tilespmem:s12+$0x50] =	vst v0  }
0x28: {  	[tilespmem:s12+$0x60] =	vst v0;
	s12 =	sshra.s32 s13, $0x2;
	s13 =	sadd.s32 $0x200, s13  }
0x29: {  	[tilespmem:s12+$0x70] =	vst v0  }
0x2a: {  	[tilespmem:s12+$0x0] =	vst v0  }
0x2b: {  	[tilespmem:s12+$0x10] =	vst v0  }
0x2c: {  	[tilespmem:s12+$0x20] =	vst v0  }
0x2d: {  	[tilespmem:s12+$0x30] =	vst v0  }
0x2e: {  	[tilespmem:s12+$0x40] =	vst v0  }
0x2f: {  	[tilespmem:s12+$0x50] =	vst v0  }
0x30: {  	[tilespmem:s12+$0x60] =	vst v0  }
0x31: {  	[spmem:s28] =	stream.linear.scatter [tilespmem:s2], [sflag:$0x5], $0x2000, $0x38;
	[tilespmem:$0x1E200] =	vst v63  }
0x32: {  	_ =	swait.ge [sflag:s29], $0x2000  }
0x33: {  	[sflag:s29] =	ssyncset.done $0x0  }
0x34: {  	s16 =	rddreg [dreg:$0xe];
	[sflag:s29] =	ssyncadd.s32 $0xFFFFE000  }
0x35: {  	[spmem:s16] =	stream.linear.scatter [tilespmem:s2], [sflag:$0x5], $0x2000, $0x38;
	[tilespmem:$0x1E200] =	vst v63  }
0x36: {  	_ =	swait.ge [sflag:s29], $0x2000  }
0x37: {  	[sflag:s29] =	ssyncset.done $0x0  }
0x38: {  	[sflag:s29] =	ssyncadd.s32 $0xFFFFE000  }
0x39: {  	[spmem:s18] =	stream.linear.scatter [tilespmem:s2], [sflag:$0x5], $0x2000, $0x38;
	[tilespmem:$0x1E200] =	vst v63  }
0x3a: {  	_ =	swait.ge [sflag:s29], $0x2000  }
0x3b: {  	[sflag:s29] =	ssyncset.done $0x0  }
0x3c: {  	[sflag:s29] =	ssyncadd.s32 $0xFFFFE000  }
0x3d: {  	[spmem:s19] =	stream.linear.scatter [tilespmem:s2], [sflag:$0x5], $0x2000, $0x38;
	[tilespmem:$0x1E200] =	vst v63  }
0x3e: {  	_ =	swait.ge [sflag:s29], $0x2000  }
0x3f: {  	[sflag:s29] =	ssyncset.done $0x0  }
0x40: {  	[sflag:s29] =	ssyncadd.s32 $0xFFFFE000  }
0x41: {  	[spmem:s20] =	stream.linear.scatter [tilespmem:s2], [sflag:$0x5], $0x2000, $0x38;
	[tilespmem:$0x1E200] =	vst v63  }
0x42: {  	_ =	swait.ge [sflag:s29], $0x2000  }
0x43: {  	[sflag:s29] =	ssyncset.done $0x0  }
0x44: {  	[sflag:s29] =	ssyncadd.s32 $0xFFFFE000  }
0x45: {  	[spmem:s21] =	stream.linear.scatter [tilespmem:s2], [sflag:$0x5], $0x2000, $0x38;
	[tilespmem:$0x1E200] =	vst v63  }
0x46: {  	_ =	swait.ge [sflag:s29], $0x2000  }
0x47: {  	[sflag:s29] =	ssyncset.done $0x0  }
0x48: {  	[sflag:s29] =	ssyncadd.s32 $0xFFFFE000  }
0x49: {  	[spmem:s22] =	stream.linear.scatter [tilespmem:s2], [sflag:$0x5], $0x2000, $0x38;
	[tilespmem:$0x1E200] =	vst v63  }
0x4a: {  	_ =	swait.ge [sflag:s29], $0x2000  }
0x4b: {  	[sflag:s29] =	ssyncset.done $0x0  }
0x4c: {  	[sflag:s29] =	ssyncadd.s32 $0xFFFFE000  }
0x4d: {  	[spmem:s23] =	stream.linear.scatter [tilespmem:s2], [sflag:$0x5], $0x2000, $0x38;
	[tilespmem:$0x1E200] =	vst v63  }
0x4e: {  	_ =	swait.ge [sflag:s29], $0x2000  }
0x4f: {  	[sflag:s29] =	ssyncset.done $0x0  }
0x50: {  	[sflag:s29] =	ssyncadd.s32 $0xFFFFE000  }
0x51: {  	[spmem:s24] =	stream.linear.scatter [tilespmem:s2], [sflag:$0x5], $0x2000, $0x38;
	[tilespmem:$0x1E200] =	vst v63  }
0x52: {  	_ =	swait.ge [sflag:s29], $0x2000  }
0x53: {  	[sflag:s29] =	ssyncset.done $0x0  }
0x54: {  	[sflag:s29] =	ssyncadd.s32 $0xFFFFE000  }
0x55: {  	[spmem:s25] =	stream.linear.scatter [tilespmem:s2], [sflag:$0x5], $0x2000, $0x38;
	[tilespmem:$0x1E200] =	vst v63  }
0x56: {  	_ =	swait.ge [sflag:s29], $0x2000  }
0x57: {  	[sflag:s29] =	ssyncset.done $0x0  }
0x58: {  	[sflag:s29] =	ssyncadd.s32 $0xFFFFE000  }
0x59: {  	[bflag:$0x0] =	sbarrier.arrive $0xFFFF  }
0x5a: {  	[tilespmem:s30], [sflag:$0x3] =	stream.linear.gather [hbm4b:s14+s2], $0x80, $0x38;
	[tilespmem:$0x1E200] =	vst v63  }
0x5b: {  	_ = 	snop  }
0x5c: {  	[tilespmem:s31], [sflag:$0x3] =	stream.linear.gather [hbm4b:s26+s2], $0x80, $0x38;
	[tilespmem:$0x1E200] =	vst v63  }
0x5d: {  	_ =	swait.ge [sflag:s7], $0x80  }
0x5e: {  	[sflag:s7] =	ssyncset.done $0x0  }
0x5f: {  	[sflag:s7] =	ssyncadd.s32 $0xFFFFFF80  }
0x60: {  	_ =	swait.ge [sflag:s7], $0x80  }
0x61: {  	[sflag:s7] =	ssyncset.done $0x0  }
0x62: {  	[sflag:s7] =	ssyncadd.s32 $0xFFFFFF80  }
0x63: {  	[tilespmem:s3], [sflag:$0x1] =	stream.indirect.gather [hbm4b:s15+s0], $0x80, s30, s0, $0xb8;
	[tilespmem:$0x1E200] =	vst v63  }
0x64: {  	s17 =	smov.u32 s28;
	s28 =	sadd.s32 $0x10, s14  }
0x65: {  	[tilespmem:s4], [sflag:$0x4] =	stream.linear.gather [hbm4b:s28+s2], $0x80, $0x38;
	[tilespmem:$0x1E200] =	vst v63  }
0x66: {  	s13 =	sadd.s32 $0x10, s26  }
0x67: {  	[tilespmem:s5], [sflag:$0x4] =	stream.linear.gather [hbm4b:s13+s2], $0x80, $0x38;
	[tilespmem:$0x1E200] =	vst v63  }
0x68: {  	_ =	swait.ge [sflag:s6], $0x4000  }
0x69: {  	[sflag:s6] =	ssyncset.done $0x0  }
0x6a: {  	[sflag:s6] =	ssyncadd.s32 $0xFFFFC000  }
0x6b: {  	_ =	swait.ge [sflag:s8], $0x80  }
0x6c: {  	[sflag:s8] =	ssyncset.done $0x0  }
0x6d: {  	[sflag:s8] =	ssyncadd.s32 $0xFFFFFF80  }
0x6e: {  	_ =	swait.ge [sflag:s8], $0x80  }
0x6f: {  	[sflag:s8] =	ssyncset.done $0x0  }
0x70: {  	[sflag:s8] =	ssyncadd.s32 $0xFFFFFF80  }
0x71: {  	[tilespmem:s9], [sflag:$0x2] =	stream.indirect.gather [hbm4b:s15+s0], $0x80, s4, s0, $0xb8;
	[tilespmem:$0x1E200] =	vst v63  }
0x72: {  	_ = 	snop  }
0x73: {  	[spmem:s1] =	stream.indirect.scatter.add.f32 [tilespmem:s3], [sflag:$0x5], $0x80, s31, s0, $0xb8;
	[tilespmem:$0x1E200] =	vst v63  }
0x74: {  	_ =	swait.ge [sflag:s29], $0x4000  }
0x75: {  	s12 =	sadd.s32 $0xFFFFFB20, s14;
	[sflag:s29] =	ssyncset.done $0x0  }
0x76: {  	s28 =	sadd.s32 $0xFFFFFB20, s26;
	s13 =	sadd.s32 $0x500, s12;
	[sflag:s29] =	ssyncadd.s32 $0xFFFFC000  }
0x77: {  	[tilespmem:s30], [sflag:$0x3] =	stream.linear.gather [hbm4b:s13+s2], $0x80, $0x38;
	[tilespmem:$0x1E200] =	vst v63  }
0x78: {  	s16 =	sadd.s32 $0x500, s28  }
0x79: {  	[tilespmem:s31], [sflag:$0x3] =	stream.linear.gather [hbm4b:s16+s2], $0x80, $0x38;
	[tilespmem:$0x1E200] =	vst v63  }
0x7a: {  	_ =	swait.ge [sflag:s10], $0x4000  }
0x7b: {  	[sflag:s10] =	ssyncset.done $0x0  }
0x7c: {  	[sflag:s10] =	ssyncadd.s32 $0xFFFFC000  }
0x7d: {  	_ =	swait.ge [sflag:s7], $0x80  }
0x7e: {  	[sflag:s7] =	ssyncset.done $0x0  }
0x7f: {  	[sflag:s7] =	ssyncadd.s32 $0xFFFFFF80  }
0x80: {  	_ =	swait.ge [sflag:s7], $0x80  }
0x81: {  	[sflag:s7] =	ssyncset.done $0x0  }
0x82: {  	[sflag:s7] =	ssyncadd.s32 $0xFFFFFF80  }
0x83: {  	[tilespmem:s3], [sflag:$0x1] =	stream.indirect.gather [hbm4b:s15+s0], $0x80, s30, s0, $0xb8;
	[tilespmem:$0x1E200] =	vst v63  }
0x84: {  	_ = 	snop  }
0x85: {  	[spmem:s1] =	stream.indirect.scatter.add.f32 [tilespmem:s9], [sflag:$0x5], $0x80, s5, s0, $0xb8;
	[tilespmem:$0x1E200] =	vst v63  }
0x86: {  	_ =	swait.ge [sflag:s29], $0x4000  }
0x87: {  	[sflag:s29] =	ssyncset.done $0x0  }
0x88: {  	s12 =	sadd.s32 $0x510, s12;
	[sflag:s29] =	ssyncadd.s32 $0xFFFFC000  }
0x89: {  	[tilespmem:s4], [sflag:$0x4] =	stream.linear.gather [hbm4b:s12+s2], $0x80, $0x38;
	[tilespmem:$0x1E200] =	vst v63  }
0x8a: {  	s13 =	sadd.s32 $0x510, s28;
	s12 =	simm.s32 $0xFFFFFB40  }
.LBB2_4:
0x8b: {  	[tilespmem:s5], [sflag:$0x4] =	stream.linear.gather [hbm4b:s13+s2], $0x80, $0x38;
	[tilespmem:$0x1E200] =	vst v63  }
0x8c: {  	s13 =	smov.u32 s12  }
0x8d: {  	p0 =	sne.s32 s12, $0xFFFFFFE0;
	s12 =	sadd.s32 $0x20, s12;
	_ =	swait.ge [sflag:s6], $0x4000  }
0x8e: {  	[sflag:s6] =	ssyncset.done $0x0  }
0x8f: {  	[sflag:s6] =	ssyncadd.s32 $0xFFFFC000  }
0x90: {  	_ =	swait.ge [sflag:s8], $0x80  }
0x91: {  	[sflag:s8] =	ssyncset.done $0x0  }
0x92: {  	[sflag:s8] =	ssyncadd.s32 $0xFFFFFF80  }
0x93: {  	_ =	swait.ge [sflag:s8], $0x80  }
0x94: {  	[sflag:s8] =	ssyncset.done $0x0  }
0x95: {  	[sflag:s8] =	ssyncadd.s32 $0xFFFFFF80  }
0x96: {  	[tilespmem:s9], [sflag:$0x2] =	stream.indirect.gather [hbm4b:s15+s0], $0x80, s4, s0, $0xb8;
	[tilespmem:$0x1E200] =	vst v63  }
0x97: {  	_ = 	snop  }
0x98: {  	[spmem:s1] =	stream.indirect.scatter.add.f32 [tilespmem:s3], [sflag:$0x5], $0x80, s31, s0, $0xb8;
	[tilespmem:$0x1E200] =	vst v63  }
0x99: {  	_ =	swait.ge [sflag:s29], $0x4000  }
0x9a: {  	s28 =	sadd.s32 s13, s14;
	[sflag:s29] =	ssyncset.done $0x0  }
0x9b: {  	s13 =	sadd.s32 s13, s26;
	s16 =	sadd.s32 $0x500, s28;
	[sflag:s29] =	ssyncadd.s32 $0xFFFFC000  }
0x9c: {  	[tilespmem:s30], [sflag:$0x3] =	stream.linear.gather [hbm4b:s16+s2], $0x80, $0x38;
	[tilespmem:$0x1E200] =	vst v63  }
0x9d: {  	s16 =	sadd.s32 $0x500, s13  }
0x9e: {  	[tilespmem:s31], [sflag:$0x3] =	stream.linear.gather [hbm4b:s16+s2], $0x80, $0x38;
	[tilespmem:$0x1E200] =	vst v63  }
0x9f: {  	_ =	swait.ge [sflag:s10], $0x4000  }
0xa0: {  	[sflag:s10] =	ssyncset.done $0x0  }
0xa1: {  	[sflag:s10] =	ssyncadd.s32 $0xFFFFC000  }
0xa2: {  	_ =	swait.ge [sflag:s7], $0x80  }
0xa3: {  	[sflag:s7] =	ssyncset.done $0x0  }
0xa4: {  	[sflag:s7] =	ssyncadd.s32 $0xFFFFFF80  }
0xa5: {  	_ =	swait.ge [sflag:s7], $0x80  }
0xa6: {  	[sflag:s7] =	ssyncset.done $0x0  }
0xa7: {  	[sflag:s7] =	ssyncadd.s32 $0xFFFFFF80  }
0xa8: {  	[tilespmem:s3], [sflag:$0x1] =	stream.indirect.gather [hbm4b:s15+s0], $0x80, s30, s0, $0xb8;
	[tilespmem:$0x1E200] =	vst v63  }
0xa9: {  	_ = 	snop  }
0xaa: {  	[spmem:s1] =	stream.indirect.scatter.add.f32 [tilespmem:s9], [sflag:$0x5], $0x80, s5, s0, $0xb8;
	[tilespmem:$0x1E200] =	vst v63  }
.Ltmp1:
0xab: {  	_ =	swait.ge [sflag:s29], $0x4000;
	(pc) =	sbr.rel @p0 .LBB2_4-.Ltmp1, $4  }
0xac: {  	[sflag:s29] =	ssyncset.done $0x0  }
0xad: {  	s16 =	sadd.s32 $0x510, s28;
	[sflag:s29] =	ssyncadd.s32 $0xFFFFC000  }
0xae: {  	[tilespmem:s4], [sflag:$0x4] =	stream.linear.gather [hbm4b:s16+s2], $0x80, $0x38;
	[tilespmem:$0x1E200] =	vst v63  }
0xaf: {  	s13 =	sadd.s32 $0x510, s13  }
0xb0: {  	[tilespmem:s5], [sflag:$0x4] =	stream.linear.gather [hbm4b:s13+s2], $0x80, $0x38;
	[tilespmem:$0x1E200] =	vst v63  }
0xb1: {  	_ =	swait.ge [sflag:s6], $0x4000  }
0xb2: {  	[sflag:s6] =	ssyncset.done $0x0  }
0xb3: {  	[sflag:s6] =	ssyncadd.s32 $0xFFFFC000  }
0xb4: {  	_ =	swait.ge [sflag:s8], $0x80  }
0xb5: {  	[sflag:s8] =	ssyncset.done $0x0  }
0xb6: {  	[sflag:s8] =	ssyncadd.s32 $0xFFFFFF80  }
0xb7: {  	_ =	swait.ge [sflag:s8], $0x80  }
0xb8: {  	[sflag:s8] =	ssyncset.done $0x0  }
0xb9: {  	[sflag:s8] =	ssyncadd.s32 $0xFFFFFF80  }
0xba: {  	[tilespmem:s9], [sflag:$0x2] =	stream.indirect.gather [hbm4b:s15+s0], $0x80, s4, s0, $0xb8;
	[tilespmem:$0x1E200] =	vst v63  }
0xbb: {  	_ = 	snop  }
0xbc: {  	[spmem:s1] =	stream.indirect.scatter.add.f32 [tilespmem:s3], [sflag:$0x5], $0x80, s31, s0, $0xb8;
	[tilespmem:$0x1E200] =	vst v63  }
0xbd: {  	_ =	swait.ge [sflag:s29], $0x4000  }
0xbe: {  	[sflag:s29] =	ssyncset.done $0x0  }
0xbf: {  	[sflag:s29] =	ssyncadd.s32 $0xFFFFC000  }
0xc0: {  	_ =	swait.ge [sflag:s10], $0x4000  }
0xc1: {  	[sflag:s10] =	ssyncset.done $0x0  }
0xc2: {  	[sflag:s10] =	ssyncadd.s32 $0xFFFFC000  }
0xc3: {  	[spmem:s1] =	stream.indirect.scatter.add.f32 [tilespmem:s9], [sflag:$0x5], $0x80, s5, s0, $0xb8;
	[tilespmem:$0x1E200] =	vst v63  }
0xc4: {  	_ =	swait.ge [sflag:s29], $0x4000  }
0xc5: {  	[sflag:s29] =	ssyncset.done $0x0  }
0xc6: {  	s12 =	stileid.u32;
	[sflag:s29] =	ssyncadd.s32 $0xFFFFC000  }
0xc7: {  	s28 =	smov.u32 s17;
	s12 =	sshll.u32 s12, $0x6;
	[bflag:$0x0] =	sbarrier.arrive $0xFFFF  }
0xc8: {  	s17 =	sshrl.u32 s17, $0x3;
	s12 =	sor.u32 $0x1C05, s12;
	s16 =	rddreg [dreg:$0x4]  }
0xc9: {  	[hbm:s16], [sflag:s12] =	dma.local [spmem:s17], $0x400  }
0xca: {  	_ =	swait.ge [sflag:s29], $0x400  }
0xcb: {  	[sflag:s29] =	ssyncset.done $0x0;
	s16 =	rddreg [dreg:$0xe]  }
0xcc: {  	s17 =	rddreg [dreg:$0x5];
	[sflag:s29] =	ssyncadd.s32 $0xFFFFFC00;
	s13 =	sshrl.u32 s16, $0x3  }
0xcd: {  	[hbm:s17], [sflag:s12] =	dma.local [spmem:s13], $0x400  }
0xce: {  	_ =	swait.ge [sflag:s29], $0x400  }
0xcf: {  	[sflag:s29] =	ssyncset.done $0x0  }
0xd0: {  	s16 =	sshrl.u32 s18, $0x3;
	s17 =	rddreg [dreg:$0x6];
	[sflag:s29] =	ssyncadd.s32 $0xFFFFFC00  }
0xd1: {  	[hbm:s17], [sflag:s12] =	dma.local [spmem:s16], $0x400  }
0xd2: {  	_ =	swait.ge [sflag:s29], $0x400  }
0xd3: {  	[sflag:s29] =	ssyncset.done $0x0  }
0xd4: {  	s16 =	sshrl.u32 s19, $0x3;
	s17 =	rddreg [dreg:$0x7];
	[sflag:s29] =	ssyncadd.s32 $0xFFFFFC00  }
0xd5: {  	[hbm:s17], [sflag:s12] =	dma.local [spmem:s16], $0x400  }
0xd6: {  	_ =	swait.ge [sflag:s29], $0x400  }
0xd7: {  	[sflag:s29] =	ssyncset.done $0x0  }
0xd8: {  	s16 =	sshrl.u32 s20, $0x3;
	s17 =	rddreg [dreg:$0x8];
	[sflag:s29] =	ssyncadd.s32 $0xFFFFFC00  }
0xd9: {  	[hbm:s17], [sflag:s12] =	dma.local [spmem:s16], $0x400  }
0xda: {  	_ =	swait.ge [sflag:s29], $0x400  }
0xdb: {  	[sflag:s29] =	ssyncset.done $0x0  }
0xdc: {  	s16 =	sshrl.u32 s21, $0x3;
	s17 =	rddreg [dreg:$0x9];
	[sflag:s29] =	ssyncadd.s32 $0xFFFFFC00  }
0xdd: {  	[hbm:s17], [sflag:s12] =	dma.local [spmem:s16], $0x400  }
0xde: {  	_ =	swait.ge [sflag:s29], $0x400  }
0xdf: {  	[sflag:s29] =	ssyncset.done $0x0  }
0xe0: {  	s16 =	sshrl.u32 s22, $0x3;
	s17 =	rddreg [dreg:$0xa];
	[sflag:s29] =	ssyncadd.s32 $0xFFFFFC00  }
0xe1: {  	[hbm:s17], [sflag:s12] =	dma.local [spmem:s16], $0x400  }
0xe2: {  	_ =	swait.ge [sflag:s29], $0x400  }
0xe3: {  	[sflag:s29] =	ssyncset.done $0x0  }
0xe4: {  	s16 =	sshrl.u32 s23, $0x3;
	s17 =	rddreg [dreg:$0xb];
	[sflag:s29] =	ssyncadd.s32 $0xFFFFFC00  }
0xe5: {  	[hbm:s17], [sflag:s12] =	dma.local [spmem:s16], $0x400  }
0xe6: {  	_ =	swait.ge [sflag:s29], $0x400  }
0xe7: {  	[sflag:s29] =	ssyncset.done $0x0  }
0xe8: {  	s16 =	sshrl.u32 s24, $0x3;
	s17 =	rddreg [dreg:$0xc];
	[sflag:s29] =	ssyncadd.s32 $0xFFFFFC00  }
0xe9: {  	[hbm:s17], [sflag:s12] =	dma.local [spmem:s16], $0x400  }
0xea: {  	_ =	swait.ge [sflag:s29], $0x400  }
0xeb: {  	[sflag:s29] =	ssyncset.done $0x0  }
0xec: {  	s16 =	sshrl.u32 s25, $0x3;
	s17 =	rddreg [dreg:$0xd];
	[sflag:s29] =	ssyncadd.s32 $0xFFFFFC00  }
0xed: {  	[hbm:s17], [sflag:s12] =	dma.local [spmem:s16], $0x400  }
0xee: {  	_ =	swait.ge [sflag:s29], $0x400  }
0xef: {  	s11 =	sadd.s32 $0x1, s11;
	s17 =	rddreg [dreg:$0xf]  }
0xf0: {  	p0 =	sne.s32 s11, s17  }
.Ltmp2:
0xf1: {  	_ = 	snop;
	(pc) =	sbr.rel @p0 .LBB2_1-.Ltmp2, $3  }
0xf2: {  	_ =	sdelay $0x1  }
0xf3: {  	[sflag:s29] =	ssyncset.done $0x0  }
0xf4: {  	[sflag:s29] =	ssyncadd.s32 $0xFFFFFC00  }
0xf5: {  	_ =	sfence.sel $0x180000  }
0xf6: {  	[bflag:$0x0] =	sbarrier.arrive $0xFFFF  }
0xf7: {  	_ =	strace $0x9000004D  }
0xf8: {  	s0 =	stileid.u32;
	[bflag:$0x2] =	sbarrier.arrive $0xFFFF  }
0xf9: {  	p0 =	sne.s32 s0, $0x0;
	s0 =	rddreg [dreg:$0x3]  }
0xfa: {  	s0 =	sadd.s32 @!p0 $0x100000, s0  }
0xfb: {  	[sflag:s0] =	ssyncadd.tile.s32 @!p0 $0x1;
	_ =	shalt  }
.Lfunc_end2:
_tile_overlayer_lowered:
.L_overlay_start_2:
0xfc: {  	(tag) =	ssettag $0x2  }
0xfd: {  	s0 =	rddreg [dreg:$0x0];
	s2 =	stileid.u32  }
0xfe: {  	s1 =	rddreg [dreg:$0x1];
	p0 =	sne.s32 s2, $0x0  }
0xff: {  	s3 =	rddreg [dreg:$0x2];
	[bflag:$0x3] =	sbarrier.arrive $0xFFFF;
	s2 =	simm.s32 @!p0 $0x1C05  }
0x100: {  	[timem:s3], [sflag:s2] =	dma.local @!p0 [hbm:s0], s1  }
0x101: {  	s0 =	simm.s32 @!p0 $0x5  }
0x102: {  	_ =	swait.ge @!p0 [sflag:s0], s1  }
0x103: {  	s1 =	ssub.s32 @!p0 $0x0, s1;
	[sflag:s0] =	ssyncset.done @!p0 $0x0  }
0x104: {  	[sflag:s0] =	ssyncadd.s32 @!p0 s1  }
0x105: {  	[bflag:$0x3] =	sbarrier.arrive $0xFFFF  }
0x106: {  	_ =	shalt  }

// kernel: kernel.18.cloned.1.call-start
scs
__scs_entry_jumppad:
0x0: {  	(pc) =	sbr.rel $0x88, $3  }
0x1: {  	(tag) =	ssettag $0x0;
	lr =	simm.s32 $0x1  }
0x2: {  	[smem:$0x3F9A] =	sst lr;
	_ =	strace $0xD0000000  }
0x3: {  	_ = 	snop  }
0x4: {  	_ = 	snop  }
0x5: {  	_ = 	snop  }
0x6: {  	_ = 	snop  }
0x7: {  	_ = 	snop  }
__scs_overlays_trampoline_lowered:
0x8: {  	[smem:$0x3FA9] =	sst s0  }
0x9: {  	[smem:$0x3FAA] =	sst s1  }
0xa: {  	[smem:$0x3FAB] =	sst s2  }
0xb: {  	[smem:$0x3FAC] =	sst s3  }
0xc: {  	[smem:$0x3FAD] =	sst s4  }
0xd: {  	[smem:$0x3FAE] =	sst s5  }
0xe: {  	[smem:$0x3FAF] =	sst s6  }
0xf: {  	[smem:$0x3FB0] =	sst s7  }
0x10: {  	[smem:$0x3FB1] =	sst s8  }
0x11: {  	[smem:$0x3FB2] =	sst s9;
	s0 =	simm.s32 @!p0 $0x0  }
0x12: {  	s1 =	sld [smem:$0x3F98];
	s0 =	simm.s32 @p0 $0x1  }
0x13: {  	[smem:$0x3FB3] =	sst s0;
	s0 =	simm.s32 @!p1 $0x0  }
0x14: {  	s2 =	sld [smem:$0x3F97];
	s0 =	simm.s32 @p1 $0x1  }
0x15: {  	[smem:$0x3FB4] =	sst s0;
	s0 =	simm.s32 @!p2 $0x0  }
0x16: {  	s3 =	sld [smem:$0x3FDB];
	s0 =	simm.s32 @p2 $0x1  }
0x17: {  	s4 =	simm.s32 $0x1BF5;
	[smem:$0x3FB6] =	sst s0  }
0x18: {  	s0 =	sld [smem:$0x3F99];
	_ =	swait.ge [sflag:s4], $0x0  }
0x19: {  	s7 =	sld [smem:$0x3F9A]  }
0x1a: {  	s8 =	sadd.s32 $0xFFFFE003, lr  }
0x1b: {  	s9 =	sadd.s32 $0xFFFFFEF7, lr;
	s5 =	simm.s32 $0xFFFFFFFF;
	p2 =	slt.u32 s8, $0xFFFFF086  }
0x1c: {  	p1 =	slt.u32 s9, $0xF7A;
	s5 =	simm.s32 @!p2 $0x0  }
0x1d: {  	s5 =	simm.s32 @p1 $0x1;
	p0 =	seq.s32 s7, s2  }
0x1e: {  	s7 =	smul.u32 @!p0 $0xF7A, s2;
	p2 =	seq.s32 @!p0 s5, $0x0  }
0x1f: {  	s9 =	smul.u32 $0xF7A, s1;
	s8 =	simm.s32 @!p0 $0x1BF5;
	p2 =	por !p2, p0  }
0x20: {  	[sflag:s8] =	ssyncset.s32 @!p0 $0xFFFFF086;
	s6 =	sadd.s32 @!p0 s3, s7;
	s7 =	simm.s32 @!p0 $0x108  }
0x21: {  	s3 =	sadd.s32 s3, s9;
	s6 =	sadd.s32 @!p0 $0x88, s6;
	s7 =	simm.s32 @p2 $0x1082  }
0x22: {  	[simem:s7], [sflag:s8] =	dma.local @!p0 [hbm:s6], $0xF7A  }
0x23: {  	s9 =	sor.u32 $0xD0000000, s2;
	s6 =	simm.s32 $0x108;
	_ =	swait.ge @!p0 [sflag:s8], $0x0  }
0x24: {  	s3 =	sadd.s32 $0x88, s3;
	s6 =	simm.s32 @!p1 $0x1082;
	[sflag:s4] =	ssyncset.s32 $0xFFFFF086  }
0x25: {  	[simem:s6], [sflag:s4] =	dma.local [hbm:s3], $0xF7A  }
0x26: {  	[smem:$0x3F9A] =	sst s1;
	(tag) =	ssettag s2;
	_ =	strace s9  }
0x27: {  	s1 =	sld [smem:$0x3FAA]  }
0x28: {  	s2 =	sld [smem:$0x3FAB]  }
0x29: {  	s4 =	sld [smem:$0x3FAD]  }
0x2a: {  	p0 =	seq.s32 s5, $0x0;
	s5 =	sld [smem:$0x3FAE]  }
0x2b: {  	s6 =	sld [smem:$0x3FAF]  }
0x2c: {  	s7 =	sld [smem:$0x3FB0]  }
0x2d: {  	s3 =	simm.s32 $0x108;
	s8 =	sld [smem:$0x3FB1]  }
0x2e: {  	s3 =	simm.s32 @!p0 $0x1082;
	s9 =	sld [smem:$0x3FB2]  }
0x2f: {  	lr =	sadd.s32 s0, s3;
	s0 =	sld [smem:$0x3FA9]  }
0x30: {  	s3 =	sld [smem:$0x3FAC]  }
0x31: {  	[smem:$0x3FB5] =	sst s10  }
0x32: {  	s10 =	sld [smem:$0x3FB3];
	_ =	sdelay $0x3  }
0x33: {  	p0 =	seq.s32 s10, $0x1;
	s10 =	sld [smem:$0x3FB5];
	_ =	sdelay $0x3  }
0x34: {  	[smem:$0x3FB5] =	sst s10  }
0x35: {  	s10 =	sld [smem:$0x3FB4];
	_ =	sdelay $0x3  }
0x36: {  	p1 =	seq.s32 s10, $0x1;
	s10 =	sld [smem:$0x3FB5];
	_ =	sdelay $0x3  }
0x37: {  	[smem:$0x3FB5] =	sst s10  }
0x38: {  	s10 =	sld [smem:$0x3FB6]  }
0x39: {  	_ = 	snop;
	(pc) =	sbr.ind lr, $3  }
0x3a: {  	_ = 	snop  }
0x3b: {  	_ = 	snop  }
0x3c: {  	p2 =	seq.s32 s10, $0x1;
	s10 =	sld [smem:$0x3FB5]  }
0x3d: {  	_ =	shalt  }
0x3e: {  	_ =	shalt  }
0x3f: {  	_ =	shalt  }
0x40: {  	_ =	shalt  }
0x41: {  	_ =	shalt  }
0x42: {  	_ =	shalt  }
0x43: {  	_ =	shalt  }
0x44: {  	_ =	shalt  }
0x45: {  	_ =	shalt  }
0x46: {  	_ =	shalt  }
0x47: {  	_ =	shalt  }
0x48: {  	_ =	shalt  }
0x49: {  	_ =	shalt  }
0x4a: {  	_ =	shalt  }
0x4b: {  	_ =	shalt  }
0x4c: {  	_ =	shalt  }
0x4d: {  	_ =	shalt  }
0x4e: {  	_ =	shalt  }
0x4f: {  	_ =	shalt  }
0x50: {  	_ =	shalt  }
0x51: {  	_ =	shalt  }
0x52: {  	_ =	shalt  }
0x53: {  	_ =	shalt  }
0x54: {  	_ =	shalt  }
0x55: {  	_ =	shalt  }
0x56: {  	_ =	shalt  }
0x57: {  	_ =	shalt  }
0x58: {  	_ =	shalt  }
0x59: {  	_ =	shalt  }
0x5a: {  	_ =	shalt  }
0x5b: {  	_ =	shalt  }
0x5c: {  	_ =	shalt  }
0x5d: {  	_ =	shalt  }
0x5e: {  	_ =	shalt  }
0x5f: {  	_ =	shalt  }
0x60: {  	_ =	shalt  }
0x61: {  	_ =	shalt  }
0x62: {  	_ =	shalt  }
0x63: {  	_ =	shalt  }
0x64: {  	_ =	shalt  }
0x65: {  	_ =	shalt  }
0x66: {  	_ =	shalt  }
0x67: {  	_ =	shalt  }
0x68: {  	_ =	shalt  }
0x69: {  	_ =	shalt  }
0x6a: {  	_ =	shalt  }
0x6b: {  	_ =	shalt  }
0x6c: {  	_ =	shalt  }
0x6d: {  	_ =	shalt  }
0x6e: {  	_ =	shalt  }
0x6f: {  	_ =	shalt  }
0x70: {  	_ =	shalt  }
0x71: {  	_ =	shalt  }
0x72: {  	_ =	shalt  }
0x73: {  	_ =	shalt  }
0x74: {  	_ =	shalt  }
0x75: {  	_ =	shalt  }
0x76: {  	_ =	shalt  }
0x77: {  	_ =	shalt  }
0x78: {  	_ =	shalt  }
0x79: {  	_ =	shalt  }
0x7a: {  	_ =	shalt  }
0x7b: {  	_ =	shalt  }
0x7c: {  	_ =	shalt  }
0x7d: {  	_ =	shalt  }
0x7e: {  	_ =	shalt  }
0x7f: {  	_ =	shalt  }
0x80: {  	_ =	shalt  }
0x81: {  	_ =	shalt  }
0x82: {  	_ =	shalt  }
0x83: {  	_ =	shalt  }
0x84: {  	_ =	shalt  }
0x85: {  	_ =	shalt  }
0x86: {  	_ =	shalt  }
0x87: {  	_ =	shalt  }
.Lfunc_end0:
.L_simem_size_0:
called_computation.3_lowered:
.L_overlay_start_0:
0x88: {  	s2 =	sld [smem:$0x3FD9]  }
0x89: {  	s3 =	sld [smem:$0x3FFE];
	_ =	sdelay $0x1  }
0x8a: {  	s1 =	srdreg.scid  }
0x8b: {  	s0 =	sand.u32 $0x1, s1  }
0x8c: {  	s17 =	sshll.u32 s0, $0xA;
	s2 =	sadd.s32 s3, s2  }
0x8d: {  	s2 =	sadd.s32 s2, s17  }
0x8e: {  	[smem:$0x3FC1] =	sst s2  }
0x8f: {  	_ = 	snop  }
0x90: {  	s2 =	sld [smem:$0x3FD0];
	(tm) =	ssettm $0x1  }
0x91: {  	s18 =	sld [smem:$0x3FFB];
	_ =	sdelay $0x3  }
0x92: {  	_ =	strace s18  }
0x93: {  	s3 =	sld [smem:$0x3FFC];
	_ =	sdelay $0x3  }
0x94: {  	_ =	strace s3  }
0x95: {  	s3 =	sld [smem:$0x3FFD];
	_ =	sdelay $0x3  }
0x96: {  	_ =	strace s3  }
0x97: {  	_ =	strace $0x8FFFFFFF  }
0x98: {  	s19 =	sld [smem:$0x3FDB];
	_ =	sdelay $0x1  }
0x99: {  	s4 =	simm.s32 $_scs_section_size  }
0x9a: {  	s5 =	simm.s32 $_size__tile_overlayer_lowered;
	s6 =	simm.s32 $_tile_overlayer_lowered  }
0x9b: {  	s22 =	simm.s32 $0x1BFF;
	s21 =	sshll.u32 s6, $0x1;
	s3 =	sadd.s32 s4, s19  }
0x9c: {  	s7 =	simm.s32 $0x0;
	s20 =	sshll.u32 s5, $0x1;
	s5 =	sadd.s32 s21, s3  }
0x9d: {  	[timem:s7], [sflag:s22] =	dma.local [hbm:s5], s20  }
0x9e: {  	_ =	swait.ge [sflag:s22], s20  }
0x9f: {  	s4 =	ssub.s32 $0x0, s20;
	[sflag:s22] =	ssyncset.done $0x0  }
0xa0: {  	[sflag:s22] =	ssyncadd.s32 s4;
	_ =	sdelay $0x1  }
0xa1: {  	s23 =	simm.s32 $0x1B8B  }
0xa2: {  	_ =	swait.ge [sflag:s23], $0x1  }
0xa3: {  	[sflag:s23] =	ssyncset.done $0x0  }
0xa4: {  	s25 =	simm.s32 $0x1B8E;
	s24 =	sld [smem:$0x3FFE];
	[sflag:s23] =	ssyncadd.s32 $0xFFFFFFFF  }
0xa5: {  	s26 =	simm.s32 $execute0_lowered;
	[smem:$0x3FD2] =	sst s25  }
0xa6: {  	s5 =	sshll.u32 s26, $0x1;
	_ =	strace $0x8000004F;
	[dreg:$0x1] =	wrdreg $0xFFFFFFFF  }
0xa7: {  	s28 =	simm.s32 $_size_execute0_lowered;
	s3 =	sadd.s32 s3, s5;
	[dreg:$0x0] =	wrdreg $0x0  }
0xa8: {  	s5 =	sshll.u32 s28, $0x1;
	[dreg:$0x2] =	wrdreg s3  }
0xa9: {  	[dreg:$0x3] =	wrdreg s5  }
0xaa: {  	[dreg:$0x4] =	wrdreg $0xC0  }
0xab: {  	_ =	task [dreg:s7], $0x5FFFF  }
0xac: {  	[dreg:$0x1] =	wrdreg $0xFFFFFFFF  }
0xad: {  	[dreg:$0x0] =	wrdreg $0x60  }
0xae: {  	[dreg:$0x2] =	wrdreg s2  }
0xaf: {  	[dreg:$0x3] =	wrdreg s24  }
0xb0: {  	[dreg:$0x4] =	wrdreg $0x9  }
0xb1: {  	_ =	task.clear_ibuf [dreg:s7], $0x5FFFF;
	_ =	strace $0x9000004F  }
0xb2: {  	s29 =	simm.s32 $0x9;
	_ =	strace $0x80000051  }
0xb3: {  	_ =	swait.ge [sflag:s29], $0x1  }
0xb4: {  	[sflag:s29] =	ssyncadd.s32 $0xFFFFFFFF  }
0xb5: {  	_ =	strace $0x90000051  }
0xb6: {  	_ =	sfence  }
0xb7: {  	s30 =	sld [smem:$0x0];
	_ =	sdelay $0x2  }
0xb8: {  	s31 =	sshll.u32 s1, $0xD;
	s1 =	sshrl.u32 s1, $0x2  }
0xb9: {  	s3 =	sand.u32 $0x4000, s31;
	s1 =	sadd.s32 s1, s30  }
0xba: {  	s0 =	sor.u32 s3, s0;
	s1 =	sshll.u32 s1, $0x11  }
0xbb: {  	s0 =	sor.u32 s1, s0  }
0xbc: {  	s0 =	sadd.s32 $0x8F2B, s0  }
0xbd: {  	[sflag:s0] =	ssyncadd.remote.s32 $0x1  }
0xbe: {  	_ =	sfence.sel $0xFFFF  }
0xbf: {  	[dreg:$0x0] =	wrdreg $0xFFFFFFFF;
	(pc) =	sbr.abs _section_cstart, $3  }
0xc0: {  	[dreg:$0x1] =	wrdreg $0xFFFFFFFF  }
0xc1: {  	_ =	task.clear_ibuf [dreg:s7], $0x2FFFF;
	_ =	strace $0x9FFFFFFF  }
0xc2: {  	(tm) =	ssettm $0x7FFFFFFF  }
0xc3: {  	_ =	shalt  }
tec
execute0_lowered:
.L_overlay_start_1:
0x0: {  	(tag) =	ssettag $0x1  }
0x1: {  	s0 =	srdreg.scid;
	s2 =	rddreg [dreg:$0x0]  }
0x2: {  	s1 =	rddreg [dreg:$0x1];
	s5 =	stileid.u32  }
0x3: {  	s3 =	simm.s32 $0x0;
	s14 =	simm.s32 $0x7;
	s16 =	simm.s32 $0x80  }
0x4: {  	s17 =	simm.s32 $0x800;
	s18 =	simm.s32 $0x1;
	s19 =	simm.s32 $0x2  }
0x5: {  	s20 =	simm.s32 $0x1000;
	s21 =	simm.s32 $0x1800;
	s22 =	simm.s32 $0x2000  }
0x6: {  	s23 =	simm.s32 $0x3;
	s24 =	simm.s32 $0x4;
	s0 =	sand.u32 $0x1, s0  }
0x7: {  	s25 =	simm.s32 $0x2800;
	s29 =	simm.s32 $0x5;
	s4 =	sshll.u32 s0, $0x4  }
0x8: {  	s30 =	simm.s32 $0x6;
	s31 =	simm.s32 $0x0;
	s5 =	sor.u32 s5, s4  }
0x9: {  	[smem:$0x7FF] =	sst s3;
	s0 =	ssub.s32 $0x2, s0;
	s4 =	smul.u32 $0x2800, s5  }
0xa: {  	s6 =	sadd.s32 $0x1400, s1;
	s8 =	sshrl.u32 s0, $0x1;
	s5 =	smul.u32 $0x28000, s5  }
0xb: {  	_ =	strace $0x80000050;
	s0 =	ssub.s32 s0, s8;
	s7 =	sshrl.u32 s4, $0x3  }
0xc: {  	s28 =	sshrl.u32 s5, $0x3;
	s9 =	sadd.s32 s7, s1;
	s7 =	sadd.s32 $0x97400, s1  }
0xd: {  	s12 =	smax.u32 s0, $0x1;
	s8 =	sadd.s32 $0x8D400, s9;
	s1 =	sadd.s32 s7, s28  }
0xe: {  	s9 =	sadd.s32 $0x83400, s9;
	s10 =	sadd.s32 $0x4E00, s1;
	s11 =	sadd.s32 $0x4F00, s1  }
.LBB2_1:
0xf: {  	s0 =	simm.s32 $0x3000  }
0x10: {  	[tilespmem:s0], [sflag:$0x7] =	stream.linear.gather [hbm4b:s8+s3], $0x2800, $0x38;
	[tilespmem:$0x8000] =	vst v63  }
0x11: {  	_ =	swait.ge [sflag:s14], $0x2800  }
0x12: {  	[sflag:s14] =	ssyncset.done $0x0  }
0x13: {  	s1 =	simm.s32 $0x5800;
	[sflag:s14] =	ssyncadd.s32 $0xFFFFD800  }
0x14: {  	[tilespmem:s1], [sflag:$0x7] =	stream.linear.gather [hbm4b:s9+s3], $0x2800, $0x38;
	[tilespmem:$0x8000] =	vst v63  }
0x15: {  	_ =	swait.ge [sflag:s14], $0x2800  }
0x16: {  	[sflag:s14] =	ssyncset.done $0x0  }
0x17: {  	[sflag:s14] =	ssyncadd.s32 $0xFFFFD800  }
0x18: {  	[tilespmem:s3], [sflag:$0x1] =	stream.indirect.gather [hbm4b:s2+s16], $0x10, s0, s16, $0xb8;
	[tilespmem:$0x8000] =	vst v63  }
0x19: {  	s0 =	simm.s32 $0x0  }
0x1a: {  	[tilespmem:s17], [sflag:$0x2] =	stream.indirect.gather [hbm4b:s6+s16], $0x10, s1, s16, $0xb8;
	[tilespmem:$0x8000] =	vst v63  }
.LBB2_2:
0x1b: {  	_ =	swait.ge [sflag:s18], $0x800  }
0x1c: {  	[sflag:s18] =	ssyncset.done $0x0  }
0x1d: {  	[sflag:s18] =	ssyncadd.s32 $0xFFFFF800  }
0x1e: {  	_ =	swait.ge [sflag:s19], $0x800  }
0x1f: {  	s26 =	sshll.u32 s0, $0x8;
	[sflag:s19] =	ssyncset.done $0x0  }
0x20: {  	p0 =	seq.s32 s0, $0x0;
	s1 =	sadd.s32 $0x3080, s26;
	[sflag:s19] =	ssyncadd.s32 $0xFFFFF800  }
0x21: {  	[tilespmem:s20], [sflag:$0x3] =	stream.indirect.gather [hbm4b:s2+s16], $0x10, s1, s16, $0xb8;
	[tilespmem:$0x8000] =	vst v63  }
0x22: {  	s15 =	sadd.s32 $0x5880, s26;
	s1 =	simm.s32 @!p0 $0x5  }
0x23: {  	[tilespmem:s21], [sflag:$0x4] =	stream.indirect.gather [hbm4b:s6+s16], $0x10, s15, s16, $0xb8;
	[tilespmem:$0x8000] =	vst v63  }
0x24: {  	_ =	swait.ge @!p0 [sflag:s1], $0x800  }
0x25: {  	[sflag:s1] =	ssyncset.done @!p0 $0x0  }
0x26: {  	s28 =	simm.s32 $0x0;
	[sflag:s1] =	ssyncadd.s32 @!p0 $0xFFFFF800  }
0x27: {  	v0 =	vld [tilespmem:s28+$0x70]  }
0x28: {  	v1 =	vld [tilespmem:s28+$0x870]  }
0x29: {  	v2 =	vld [tilespmem:s28+$0x0]  }
0x2a: {  	v3 =	vld [tilespmem:s28+$0x800]  }
0x2b: {  	v4 =	vld [tilespmem:s28+$0x10]  }
0x2c: {  	v5 =	vld [tilespmem:s28+$0x810]  }
0x2d: {  	v6 =	vld [tilespmem:s28+$0x20]  }
0x2e: {  	v7 =	vld [tilespmem:s28+$0x30]  }
0x2f: {  	v0 =	vadd.f32 v1, v0;
	v1 =	vld [tilespmem:s28+$0x820]  }
0x30: {  	v8 =	vld [tilespmem:s28+$0x830]  }
0x31: {  	v9 =	vld [tilespmem:s28+$0x840];
	v2 =	vadd.f32 v3, v2  }
0x32: {  	[tilespmem:s28+$0x2070] =	vst v0;
	v0 =	vadd.f32 v5, v4;
	v5 =	vld [tilespmem:s28+$0x40]  }
0x33: {  	v3 =	vld [tilespmem:s28+$0x850];
	[tilespmem:s28+$0x2000] =	vst v2  }
0x34: {  	v2 =	vld [tilespmem:s28+$0x50];
	[tilespmem:s28+$0x2010] =	vst v0;
	v0 =	vadd.f32 v1, v6  }
0x35: {  	v4 =	vld [tilespmem:s28+$0x860];
	v6 =	vadd.f32 v8, v7  }
0x36: {  	s13 =	simm.s32 $0x80;
	[tilespmem:s28+$0x2020] =	vst v0;
	v0 =	vld [tilespmem:s28+$0x60]  }
0x37: {  	s15 =	simm.s32 $0x400;
	s1 =	sor.u32 $0x80, s26;
	v5 =	vadd.f32 v9, v5;
	v1 =	vld [tilespmem:s13+$0x70];
	[tilespmem:s28+$0x2030] =	vst v6  }
.LBB2_3:
0x38: {  	p1 =	sne.s32 s15, $0x1E00;
	v6 =	vld [tilespmem:s13+$0x870]  }
0x39: {  	v7 =	vld [tilespmem:s13+$0x0];
	[tilespmem:s28+$0x2040] =	vst v5;
	v2 =	vadd.f32 v3, v2  }
0x3a: {  	v3 =	vld [tilespmem:s13+$0x800]  }
0x3b: {  	v5 =	vld [tilespmem:s13+$0x10];
	[tilespmem:s28+$0x2050] =	vst v2;
	v0 =	vadd.f32 v4, v0  }
0x3c: {  	v2 =	vld [tilespmem:s13+$0x810]  }
0x3d: {  	v4 =	vld [tilespmem:s13+$0x20];
	v1 =	vadd.f32 v6, v1;
	[tilespmem:s28+$0x2060] =	vst v0;
	s28 =	smov.u32 s13  }
0x3e: {  	v0 =	vld [tilespmem:s28+$0x820]  }
0x3f: {  	v3 =	vadd.f32 v3, v7;
	v6 =	vld [tilespmem:s28+$0x30];
	[tilespmem:s28+$0x2070] =	vst v1  }
0x40: {  	v1 =	vld [tilespmem:s28+$0x830]  }
0x41: {  	[tilespmem:s28+$0x2000] =	vst v3;
	v2 =	vadd.f32 v2, v5;
	v5 =	vld [tilespmem:s28+$0x40]  }
0x42: {  	v7 =	vld [tilespmem:s28+$0x840]  }
.Ltmp0:
0x43: {  	[tilespmem:s28+$0x2010] =	vst v2;
	v0 =	vadd.f32 v0, v4;
	v2 =	vld [tilespmem:s28+$0x50];
	(pc) =	sbr.rel @p1 .LBB2_3-.Ltmp0, $4  }
0x44: {  	v3 =	vld [tilespmem:s28+$0x850]  }
0x45: {  	[tilespmem:s28+$0x2020] =	vst v0;
	v6 =	vadd.f32 v1, v6;
	v0 =	vld [tilespmem:s28+$0x60]  }
0x46: {  	s13 =	sshra.s32 s15, $0x2;
	v4 =	vld [tilespmem:s28+$0x860]  }
0x47: {  	s15 =	sadd.s32 $0x200, s15;
	v1 =	vld [tilespmem:s13+$0x70];
	[tilespmem:s28+$0x2030] =	vst v6;
	v5 =	vadd.f32 v7, v5  }
0x48: {  	v6 =	vld [tilespmem:s13+$0x870]  }
0x49: {  	v7 =	vld [tilespmem:s13+$0x0];
	[tilespmem:s28+$0x2040] =	vst v5;
	v2 =	vadd.f32 v3, v2  }
0x4a: {  	v3 =	vld [tilespmem:s13+$0x800]  }
0x4b: {  	v5 =	vld [tilespmem:s13+$0x10];
	[tilespmem:s28+$0x2050] =	vst v2;
	v0 =	vadd.f32 v4, v0  }
0x4c: {  	v2 =	vld [tilespmem:s13+$0x810]  }
0x4d: {  	v4 =	vld [tilespmem:s13+$0x20];
	[tilespmem:s28+$0x2060] =	vst v0  }
0x4e: {  	v0 =	vadd.f32 v6, v1;
	v1 =	vld [tilespmem:s13+$0x820]  }
0x4f: {  	v6 =	vld [tilespmem:s13+$0x30]  }
0x50: {  	v3 =	vadd.f32 v3, v7;
	[tilespmem:s13+$0x2070] =	vst v0;
	v0 =	vld [tilespmem:s13+$0x830]  }
0x51: {  	v7 =	vld [tilespmem:s13+$0x860]  }
0x52: {  	[tilespmem:s13+$0x2000] =	vst v3;
	v2 =	vadd.f32 v2, v5;
	v3 =	vld [tilespmem:s13+$0x40]  }
0x53: {  	v5 =	vld [tilespmem:s13+$0x840]  }
0x54: {  	[tilespmem:s13+$0x2010] =	vst v2;
	v1 =	vadd.f32 v1, v4;
	v2 =	vld [tilespmem:s13+$0x50]  }
0x55: {  	v4 =	vld [tilespmem:s13+$0x850]  }
0x56: {  	[tilespmem:s13+$0x2020] =	vst v1;
	v1 =	vld [tilespmem:s13+$0x60];
	_ =	sdelay $0x1  }
0x57: {  	v0 =	vadd.f32 v0, v6  }
0x58: {  	v3 =	vadd.f32 v5, v3  }
0x59: {  	s15 =	sshll.u32 s0, $0xC;
	[tilespmem:s13+$0x2030] =	vst v0;
	v0 =	vadd.f32 v4, v2  }
0x5a: {  	s15 =	sadd.s32 s5, s15;
	[tilespmem:s13+$0x2040] =	vst v3;
	v1 =	vadd.f32 v7, v1  }
0x5b: {  	s15 =	sshrl.u32 s15, $0x3;
	[tilespmem:s13+$0x2050] =	vst v0  }
0x5c: {  	s28 =	sadd.s32 s7, s15;
	[tilespmem:s13+$0x2060] =	vst v1  }
0x5d: {  	[hbm4b:s28+s3] =	stream.linear.scatter [tilespmem:s22], [sflag:$0x5], $0x800, $0x38;
	[tilespmem:$0x8000] =	vst v63  }
0x5e: {  	_ =	swait.ge [sflag:s23], $0x800  }
0x5f: {  	[sflag:s23] =	ssyncset.done $0x0  }
0x60: {  	[sflag:s23] =	ssyncadd.s32 $0xFFFFF800  }
0x61: {  	_ =	swait.ge [sflag:s24], $0x800  }
0x62: {  	[sflag:s24] =	ssyncset.done $0x0  }
0x63: {  	s15 =	sadd.s32 $0x3100, s26;
	[sflag:s24] =	ssyncadd.s32 $0xFFFFF800  }
0x64: {  	[tilespmem:s3], [sflag:$0x1] =	stream.indirect.gather [hbm4b:s2+s16], $0x10, s15, s16, $0xb8;
	[tilespmem:$0x8000] =	vst v63  }
0x65: {  	s13 =	simm.s32 @!p0 $0x6;
	s28 =	sadd.s32 $0x5900, s26  }
0x66: {  	[tilespmem:s17], [sflag:$0x2] =	stream.indirect.gather [hbm4b:s6+s16], $0x10, s28, s16, $0xb8;
	[tilespmem:$0x8000] =	vst v63  }
0x67: {  	_ =	swait.ge @!p0 [sflag:s13], $0x800  }
0x68: {  	[sflag:s13] =	ssyncset.done @!p0 $0x0  }
0x69: {  	s26 =	simm.s32 $0x0;
	[sflag:s13] =	ssyncadd.s32 @!p0 $0xFFFFF800  }
0x6a: {  	v0 =	vld [tilespmem:s26+$0x1070]  }
0x6b: {  	v1 =	vld [tilespmem:s26+$0x1870]  }
0x6c: {  	v2 =	vld [tilespmem:s26+$0x1000]  }
0x6d: {  	v3 =	vld [tilespmem:s26+$0x1800]  }
0x6e: {  	v4 =	vld [tilespmem:s26+$0x1010]  }
0x6f: {  	v5 =	vld [tilespmem:s26+$0x1810]  }
0x70: {  	v6 =	vld [tilespmem:s26+$0x1020]  }
0x71: {  	v7 =	vld [tilespmem:s26+$0x1030]  }
0x72: {  	v0 =	vadd.f32 v1, v0;
	v1 =	vld [tilespmem:s26+$0x1820]  }
0x73: {  	v8 =	vld [tilespmem:s26+$0x1830]  }
0x74: {  	v9 =	vld [tilespmem:s26+$0x1840];
	v2 =	vadd.f32 v3, v2  }
0x75: {  	[tilespmem:s26+$0x2870] =	vst v0;
	v0 =	vadd.f32 v5, v4;
	v5 =	vld [tilespmem:s26+$0x1040]  }
0x76: {  	v3 =	vld [tilespmem:s26+$0x1850];
	[tilespmem:s26+$0x2800] =	vst v2  }
0x77: {  	v2 =	vld [tilespmem:s26+$0x1050];
	[tilespmem:s26+$0x2810] =	vst v0;
	v0 =	vadd.f32 v1, v6  }
0x78: {  	v4 =	vld [tilespmem:s26+$0x1860];
	v6 =	vadd.f32 v8, v7  }
0x79: {  	s13 =	simm.s32 $0x80;
	[tilespmem:s26+$0x2820] =	vst v0;
	v0 =	vld [tilespmem:s26+$0x1060]  }
0x7a: {  	s15 =	simm.s32 $0x400;
	v5 =	vadd.f32 v9, v5;
	v1 =	vld [tilespmem:s13+$0x1070];
	[tilespmem:s26+$0x2830] =	vst v6  }
.LBB2_5:
0x7b: {  	p0 =	sne.s32 s15, $0x1E00;
	v6 =	vld [tilespmem:s13+$0x1870]  }
0x7c: {  	v7 =	vld [tilespmem:s13+$0x1000];
	[tilespmem:s26+$0x2840] =	vst v5;
	v2 =	vadd.f32 v3, v2  }
0x7d: {  	v3 =	vld [tilespmem:s13+$0x1800]  }
0x7e: {  	v5 =	vld [tilespmem:s13+$0x1010];
	[tilespmem:s26+$0x2850] =	vst v2;
	v0 =	vadd.f32 v4, v0  }
0x7f: {  	v2 =	vld [tilespmem:s13+$0x1810]  }
0x80: {  	v4 =	vld [tilespmem:s13+$0x1020];
	v1 =	vadd.f32 v6, v1;
	[tilespmem:s26+$0x2860] =	vst v0;
	s26 =	smov.u32 s13  }
0x81: {  	v0 =	vld [tilespmem:s26+$0x1820]  }
0x82: {  	v3 =	vadd.f32 v3, v7;
	v6 =	vld [tilespmem:s26+$0x1030];
	[tilespmem:s26+$0x2870] =	vst v1  }
0x83: {  	v1 =	vld [tilespmem:s26+$0x1830]  }
0x84: {  	[tilespmem:s26+$0x2800] =	vst v3;
	v2 =	vadd.f32 v2, v5;
	v5 =	vld [tilespmem:s26+$0x1040]  }
0x85: {  	v7 =	vld [tilespmem:s26+$0x1840]  }
.Ltmp1:
0x86: {  	[tilespmem:s26+$0x2810] =	vst v2;
	v0 =	vadd.f32 v0, v4;
	v2 =	vld [tilespmem:s26+$0x1050];
	(pc) =	sbr.rel @p0 .LBB2_5-.Ltmp1, $4  }
0x87: {  	v3 =	vld [tilespmem:s26+$0x1850]  }
0x88: {  	[tilespmem:s26+$0x2820] =	vst v0;
	v6 =	vadd.f32 v1, v6;
	v0 =	vld [tilespmem:s26+$0x1060]  }
0x89: {  	s13 =	sshra.s32 s15, $0x2;
	v4 =	vld [tilespmem:s26+$0x1860]  }
0x8a: {  	s15 =	sadd.s32 $0x200, s15;
	v1 =	vld [tilespmem:s13+$0x1070];
	[tilespmem:s26+$0x2830] =	vst v6;
	v5 =	vadd.f32 v7, v5  }
0x8b: {  	v6 =	vld [tilespmem:s13+$0x1870]  }
0x8c: {  	v7 =	vld [tilespmem:s13+$0x1000];
	[tilespmem:s26+$0x2840] =	vst v5;
	v2 =	vadd.f32 v3, v2  }
0x8d: {  	v51 =	vld [tilespmem:s13+$0x1800]  }
0x8e: {  	v5 =	vld [tilespmem:s13+$0x1010];
	[tilespmem:s26+$0x2850] =	vst v2;
	v0 =	vadd.f32 v4, v0  }
0x8f: {  	v2 =	vld [tilespmem:s13+$0x1810]  }
0x90: {  	v52 =	vld [tilespmem:s13+$0x1020];
	[tilespmem:s26+$0x2860] =	vst v0  }
0x91: {  	v54 =	vld [tilespmem:s13+$0x1820]  }
0x92: {  	v55 =	vld [tilespmem:s13+$0x1030]  }
0x93: {  	v56 =	vld [tilespmem:s13+$0x1830]  }
0x94: {  	v57 =	vld [tilespmem:s13+$0x1040]  }
0x95: {  	v58 =	vld [tilespmem:s13+$0x1840]  }
0x96: {  	v59 =	vld [tilespmem:s13+$0x1050]  }
0x97: {  	v53 =	vadd.f32 v6, v1;
	v60 =	vld [tilespmem:s13+$0x1850]  }
0x98: {  	v61 =	vld [tilespmem:s13+$0x1060];
	v3 =	vadd.f32 v51, v7  }
0x99: {  	v62 =	vld [tilespmem:s13+$0x1860];
	[tilespmem:s13+$0x2870] =	vst v53;
	v2 =	vadd.f32 v2, v5  }
0x9a: {  	[tilespmem:s13+$0x2800] =	vst v3;
	v1 =	vadd.f32 v54, v52  }
0x9b: {  	s0 =	sadd.s32 $0x1, s0;
	[tilespmem:s13+$0x2810] =	vst v2;
	v0 =	vadd.f32 v56, v55  }
0x9c: {  	p0 =	sne.s32 s0, $0x27;
	v3 =	vadd.f32 v58, v57;
	[tilespmem:s13+$0x2820] =	vst v1  }
.Ltmp2:
0x9d: {  	s1 =	sadd.s32 s4, s1;
	v63 =	vadd.f32 v60, v59;
	[tilespmem:s13+$0x2830] =	vst v0;
	(pc) =	sbr.rel @p0 .LBB2_2-.Ltmp2, $4  }
0x9e: {  	s1 =	sshll.u32 s1, $0x1;
	[tilespmem:s13+$0x2840] =	vst v3;
	v1 =	vadd.f32 v62, v61  }
0x9f: {  	s1 =	sand.u32 $0x1FFFFF00, s1;
	[tilespmem:s13+$0x2850] =	vst v63  }
0xa0: {  	s1 =	sadd.s32 s7, s1;
	[tilespmem:s13+$0x2860] =	vst v1  }
0xa1: {  	[hbm4b:s1+s3] =	stream.linear.scatter [tilespmem:s25], [sflag:$0x6], $0x800, $0x38;
	[tilespmem:$0x8000] =	vst v63  }
0xa2: {  	_ =	swait.ge [sflag:s18], $0x800  }
0xa3: {  	[sflag:s18] =	ssyncset.done $0x0  }
0xa4: {  	[sflag:s18] =	ssyncadd.s32 $0xFFFFF800  }
0xa5: {  	_ =	swait.ge [sflag:s19], $0x800  }
0xa6: {  	[sflag:s19] =	ssyncset.done $0x0  }
0xa7: {  	s0 =	simm.s32 $0x5780;
	[sflag:s19] =	ssyncadd.s32 $0xFFFFF800  }
0xa8: {  	[tilespmem:s20], [sflag:$0x3] =	stream.indirect.gather [hbm4b:s2+s16], $0x10, s0, s16, $0xb8;
	[tilespmem:$0x8000] =	vst v63  }
0xa9: {  	s28 =	simm.s32 $0x7F80  }
0xaa: {  	[tilespmem:s21], [sflag:$0x4] =	stream.indirect.gather [hbm4b:s6+s16], $0x10, s28, s16, $0xb8;
	[tilespmem:$0x8000] =	vst v63  }
0xab: {  	_ =	swait.ge [sflag:s29], $0x800  }
0xac: {  	[sflag:s29] =	ssyncset.done $0x0  }
0xad: {  	s0 =	simm.s32 $0x0;
	[sflag:s29] =	ssyncadd.s32 $0xFFFFF800  }
0xae: {  	v0 =	vld [tilespmem:s0+$0x70]  }
0xaf: {  	v1 =	vld [tilespmem:s0+$0x870]  }
0xb0: {  	v2 =	vld [tilespmem:s0+$0x0]  }
0xb1: {  	v3 =	vld [tilespmem:s0+$0x800]  }
0xb2: {  	v4 =	vld [tilespmem:s0+$0x10]  }
0xb3: {  	v5 =	vld [tilespmem:s0+$0x810]  }
0xb4: {  	v6 =	vld [tilespmem:s0+$0x20]  }
0xb5: {  	v7 =	vld [tilespmem:s0+$0x30]  }
0xb6: {  	v0 =	vadd.f32 v1, v0;
	v1 =	vld [tilespmem:s0+$0x820]  }
0xb7: {  	v8 =	vld [tilespmem:s0+$0x830]  }
0xb8: {  	v9 =	vld [tilespmem:s0+$0x840];
	v2 =	vadd.f32 v3, v2  }
0xb9: {  	[tilespmem:s0+$0x2070] =	vst v0;
	v0 =	vadd.f32 v5, v4;
	v5 =	vld [tilespmem:s0+$0x40]  }
0xba: {  	v3 =	vld [tilespmem:s0+$0x850];
	[tilespmem:s0+$0x2000] =	vst v2  }
0xbb: {  	v2 =	vld [tilespmem:s0+$0x50];
	[tilespmem:s0+$0x2010] =	vst v0;
	v0 =	vadd.f32 v1, v6  }
0xbc: {  	v4 =	vld [tilespmem:s0+$0x860];
	v6 =	vadd.f32 v8, v7  }
0xbd: {  	s1 =	simm.s32 $0x80;
	[tilespmem:s0+$0x2020] =	vst v0;
	v0 =	vld [tilespmem:s0+$0x60]  }
0xbe: {  	s13 =	simm.s32 $0x400;
	v5 =	vadd.f32 v9, v5;
	v1 =	vld [tilespmem:s1+$0x70];
	[tilespmem:s0+$0x2030] =	vst v6  }
.LBB2_8:
0xbf: {  	p0 =	sne.s32 s13, $0x1E00;
	v6 =	vld [tilespmem:s1+$0x870]  }
0xc0: {  	v7 =	vld [tilespmem:s1+$0x0];
	[tilespmem:s0+$0x2040] =	vst v5;
	v2 =	vadd.f32 v3, v2  }
0xc1: {  	v3 =	vld [tilespmem:s1+$0x800]  }
0xc2: {  	v5 =	vld [tilespmem:s1+$0x10];
	[tilespmem:s0+$0x2050] =	vst v2;
	v0 =	vadd.f32 v4, v0  }
0xc3: {  	v2 =	vld [tilespmem:s1+$0x810]  }
0xc4: {  	v4 =	vld [tilespmem:s1+$0x20];
	v1 =	vadd.f32 v6, v1;
	[tilespmem:s0+$0x2060] =	vst v0;
	s0 =	smov.u32 s1  }
0xc5: {  	v0 =	vld [tilespmem:s0+$0x820]  }
0xc6: {  	v3 =	vadd.f32 v3, v7;
	v6 =	vld [tilespmem:s0+$0x30];
	[tilespmem:s0+$0x2070] =	vst v1  }
0xc7: {  	v1 =	vld [tilespmem:s0+$0x830]  }
0xc8: {  	[tilespmem:s0+$0x2000] =	vst v3;
	v2 =	vadd.f32 v2, v5;
	v5 =	vld [tilespmem:s0+$0x40]  }
0xc9: {  	v7 =	vld [tilespmem:s0+$0x840]  }
.Ltmp3:
0xca: {  	[tilespmem:s0+$0x2010] =	vst v2;
	v0 =	vadd.f32 v0, v4;
	v2 =	vld [tilespmem:s0+$0x50];
	(pc) =	sbr.rel @p0 .LBB2_8-.Ltmp3, $4  }
0xcb: {  	v3 =	vld [tilespmem:s0+$0x850]  }
0xcc: {  	[tilespmem:s0+$0x2020] =	vst v0;
	v6 =	vadd.f32 v1, v6;
	v0 =	vld [tilespmem:s0+$0x60]  }
0xcd: {  	s1 =	sshra.s32 s13, $0x2;
	v4 =	vld [tilespmem:s0+$0x860]  }
0xce: {  	s13 =	sadd.s32 $0x200, s13;
	v1 =	vld [tilespmem:s1+$0x70];
	[tilespmem:s0+$0x2030] =	vst v6;
	v5 =	vadd.f32 v7, v5  }
0xcf: {  	v6 =	vld [tilespmem:s1+$0x870]  }
0xd0: {  	v7 =	vld [tilespmem:s1+$0x0];
	[tilespmem:s0+$0x2040] =	vst v5;
	v2 =	vadd.f32 v3, v2  }
0xd1: {  	v3 =	vld [tilespmem:s1+$0x800]  }
0xd2: {  	v5 =	vld [tilespmem:s1+$0x10];
	[tilespmem:s0+$0x2050] =	vst v2;
	v0 =	vadd.f32 v4, v0  }
0xd3: {  	v2 =	vld [tilespmem:s1+$0x810]  }
0xd4: {  	v4 =	vld [tilespmem:s1+$0x20];
	[tilespmem:s0+$0x2060] =	vst v0  }
0xd5: {  	v0 =	vadd.f32 v6, v1;
	v1 =	vld [tilespmem:s1+$0x820]  }
0xd6: {  	v6 =	vld [tilespmem:s1+$0x30]  }
0xd7: {  	v3 =	vadd.f32 v3, v7;
	[tilespmem:s1+$0x2070] =	vst v0;
	v0 =	vld [tilespmem:s1+$0x830]  }
0xd8: {  	v7 =	vld [tilespmem:s1+$0x860]  }
0xd9: {  	[tilespmem:s1+$0x2000] =	vst v3;
	v2 =	vadd.f32 v2, v5;
	v3 =	vld [tilespmem:s1+$0x40]  }
0xda: {  	v5 =	vld [tilespmem:s1+$0x840]  }
0xdb: {  	[tilespmem:s1+$0x2010] =	vst v2;
	v1 =	vadd.f32 v1, v4;
	v2 =	vld [tilespmem:s1+$0x50]  }
0xdc: {  	v4 =	vld [tilespmem:s1+$0x850]  }
0xdd: {  	[tilespmem:s1+$0x2020] =	vst v1;
	v1 =	vld [tilespmem:s1+$0x60];
	_ =	sdelay $0x1  }
0xde: {  	v0 =	vadd.f32 v0, v6  }
0xdf: {  	v3 =	vadd.f32 v5, v3  }
0xe0: {  	[tilespmem:s1+$0x2030] =	vst v0;
	v0 =	vadd.f32 v4, v2  }
0xe1: {  	[tilespmem:s1+$0x2040] =	vst v3;
	v1 =	vadd.f32 v7, v1  }
0xe2: {  	[tilespmem:s1+$0x2050] =	vst v0  }
0xe3: {  	s28 =	simm.s32 $0x0;
	[tilespmem:s1+$0x2060] =	vst v1  }
0xe4: {  	[hbm4b:s10+s28] =	stream.linear.scatter [tilespmem:s22], [sflag:$0x5], $0x800, $0x38;
	[tilespmem:$0x8000] =	vst v63  }
0xe5: {  	_ =	swait.ge [sflag:s23], $0x800  }
0xe6: {  	[sflag:s23] =	ssyncset.done $0x0  }
0xe7: {  	[sflag:s23] =	ssyncadd.s32 $0xFFFFF800  }
0xe8: {  	_ =	swait.ge [sflag:s24], $0x800  }
0xe9: {  	[sflag:s24] =	ssyncset.done $0x0  }
0xea: {  	[sflag:s24] =	ssyncadd.s32 $0xFFFFF800  }
0xeb: {  	_ =	swait.ge [sflag:s30], $0x800  }
0xec: {  	[sflag:s30] =	ssyncset.done $0x0  }
0xed: {  	s0 =	simm.s32 $0x0;
	[sflag:s30] =	ssyncadd.s32 $0xFFFFF800  }
0xee: {  	v0 =	vld [tilespmem:s0+$0x1070]  }
0xef: {  	v1 =	vld [tilespmem:s0+$0x1870]  }
0xf0: {  	v2 =	vld [tilespmem:s0+$0x1000]  }
0xf1: {  	v3 =	vld [tilespmem:s0+$0x1800]  }
0xf2: {  	v4 =	vld [tilespmem:s0+$0x1010]  }
0xf3: {  	v5 =	vld [tilespmem:s0+$0x1810]  }
0xf4: {  	v6 =	vld [tilespmem:s0+$0x1020]  }
0xf5: {  	v7 =	vld [tilespmem:s0+$0x1030]  }
0xf6: {  	v0 =	vadd.f32 v1, v0;
	v1 =	vld [tilespmem:s0+$0x1820]  }
0xf7: {  	v8 =	vld [tilespmem:s0+$0x1830]  }
0xf8: {  	v9 =	vld [tilespmem:s0+$0x1840];
	v2 =	vadd.f32 v3, v2  }
0xf9: {  	[tilespmem:s0+$0x2870] =	vst v0;
	v0 =	vadd.f32 v5, v4;
	v5 =	vld [tilespmem:s0+$0x1040]  }
0xfa: {  	v3 =	vld [tilespmem:s0+$0x1850];
	[tilespmem:s0+$0x2800] =	vst v2  }
0xfb: {  	v2 =	vld [tilespmem:s0+$0x1050];
	[tilespmem:s0+$0x2810] =	vst v0;
	v0 =	vadd.f32 v1, v6  }
0xfc: {  	v4 =	vld [tilespmem:s0+$0x1860];
	v6 =	vadd.f32 v8, v7  }
0xfd: {  	s1 =	simm.s32 $0x80;
	[tilespmem:s0+$0x2820] =	vst v0;
	v0 =	vld [tilespmem:s0+$0x1060]  }
0xfe: {  	s13 =	simm.s32 $0x400;
	v5 =	vadd.f32 v9, v5;
	v1 =	vld [tilespmem:s1+$0x1070];
	[tilespmem:s0+$0x2830] =	vst v6  }
.LBB2_10:
0xff: {  	p0 =	sne.s32 s13, $0x1E00;
	v6 =	vld [tilespmem:s1+$0x1870]  }
0x100: {  	v7 =	vld [tilespmem:s1+$0x1000];
	[tilespmem:s0+$0x2840] =	vst v5;
	v2 =	vadd.f32 v3, v2  }
0x101: {  	v3 =	vld [tilespmem:s1+$0x1800]  }
0x102: {  	v5 =	vld [tilespmem:s1+$0x1010];
	[tilespmem:s0+$0x2850] =	vst v2;
	v0 =	vadd.f32 v4, v0  }
0x103: {  	v2 =	vld [tilespmem:s1+$0x1810]  }
0x104: {  	v4 =	vld [tilespmem:s1+$0x1020];
	v1 =	vadd.f32 v6, v1;
	[tilespmem:s0+$0x2860] =	vst v0;
	s0 =	smov.u32 s1  }
0x105: {  	v0 =	vld [tilespmem:s0+$0x1820]  }
0x106: {  	v3 =	vadd.f32 v3, v7;
	v6 =	vld [tilespmem:s0+$0x1030];
	[tilespmem:s0+$0x2870] =	vst v1  }
0x107: {  	v1 =	vld [tilespmem:s0+$0x1830]  }
0x108: {  	[tilespmem:s0+$0x2800] =	vst v3;
	v2 =	vadd.f32 v2, v5;
	v5 =	vld [tilespmem:s0+$0x1040]  }
0x109: {  	v7 =	vld [tilespmem:s0+$0x1840]  }
.Ltmp4:
0x10a: {  	[tilespmem:s0+$0x2810] =	vst v2;
	v0 =	vadd.f32 v0, v4;
	v2 =	vld [tilespmem:s0+$0x1050];
	(pc) =	sbr.rel @p0 .LBB2_10-.Ltmp4, $4  }
0x10b: {  	v3 =	vld [tilespmem:s0+$0x1850]  }
0x10c: {  	[tilespmem:s0+$0x2820] =	vst v0;
	v6 =	vadd.f32 v1, v6;
	v0 =	vld [tilespmem:s0+$0x1060]  }
0x10d: {  	s1 =	sshra.s32 s13, $0x2;
	v4 =	vld [tilespmem:s0+$0x1860]  }
0x10e: {  	s13 =	sadd.s32 $0x200, s13;
	v1 =	vld [tilespmem:s1+$0x1070];
	[tilespmem:s0+$0x2830] =	vst v6;
	v5 =	vadd.f32 v7, v5  }
0x10f: {  	v6 =	vld [tilespmem:s1+$0x1870]  }
0x110: {  	v7 =	vld [tilespmem:s1+$0x1000];
	[tilespmem:s0+$0x2840] =	vst v5;
	v2 =	vadd.f32 v3, v2  }
0x111: {  	v51 =	vld [tilespmem:s1+$0x1800]  }
0x112: {  	v5 =	vld [tilespmem:s1+$0x1010];
	[tilespmem:s0+$0x2850] =	vst v2;
	v0 =	vadd.f32 v4, v0  }
0x113: {  	v2 =	vld [tilespmem:s1+$0x1810]  }
0x114: {  	v52 =	vld [tilespmem:s1+$0x1020];
	[tilespmem:s0+$0x2860] =	vst v0  }
0x115: {  	v54 =	vld [tilespmem:s1+$0x1820]  }
0x116: {  	v55 =	vld [tilespmem:s1+$0x1030]  }
0x117: {  	v56 =	vld [tilespmem:s1+$0x1830]  }
0x118: {  	v57 =	vld [tilespmem:s1+$0x1040]  }
0x119: {  	v58 =	vld [tilespmem:s1+$0x1840]  }
0x11a: {  	v59 =	vld [tilespmem:s1+$0x1050]  }
0x11b: {  	v53 =	vadd.f32 v6, v1;
	v60 =	vld [tilespmem:s1+$0x1850]  }
0x11c: {  	v61 =	vld [tilespmem:s1+$0x1060];
	v3 =	vadd.f32 v51, v7  }
0x11d: {  	v62 =	vld [tilespmem:s1+$0x1860];
	[tilespmem:s1+$0x2870] =	vst v53;
	v2 =	vadd.f32 v2, v5  }
0x11e: {  	[tilespmem:s1+$0x2800] =	vst v3;
	v1 =	vadd.f32 v54, v52  }
0x11f: {  	[tilespmem:s1+$0x2810] =	vst v2;
	v0 =	vadd.f32 v56, v55  }
0x120: {  	v3 =	vadd.f32 v58, v57;
	[tilespmem:s1+$0x2820] =	vst v1  }
0x121: {  	v63 =	vadd.f32 v60, v59;
	[tilespmem:s1+$0x2830] =	vst v0  }
0x122: {  	[tilespmem:s1+$0x2840] =	vst v3;
	v1 =	vadd.f32 v62, v61  }
0x123: {  	[tilespmem:s1+$0x2850] =	vst v63  }
0x124: {  	s31 =	sadd.s32 $0x1, s31;
	[tilespmem:s1+$0x2860] =	vst v1  }
0x125: {  	[hbm4b:s11+s3] =	stream.linear.scatter [tilespmem:s25], [sflag:$0x6], $0x800, $0x38;
	[tilespmem:$0x8000] =	vst v63  }
0x126: {  	p0 =	sne.s32 s31, s12;
	_ =	swait.ge [sflag:s29], $0x800  }
.Ltmp5:
0x127: {  	[sflag:s29] =	ssyncset.done $0x0;
	(pc) =	sbr.rel @p0 .LBB2_1-.Ltmp5, $4  }
0x128: {  	[sflag:s29] =	ssyncadd.s32 $0xFFFFF800  }
0x129: {  	_ =	swait.ge [sflag:s30], $0x800  }
0x12a: {  	[sflag:s30] =	ssyncset.done $0x0  }
0x12b: {  	[sflag:s30] =	ssyncadd.s32 $0xFFFFF800  }
0x12c: {  	_ =	sfence.sel $0x180000  }
0x12d: {  	[bflag:$0x0] =	sbarrier.arrive $0xFFFF  }
0x12e: {  	_ =	strace $0x90000050  }
0x12f: {  	s0 =	stileid.u32;
	[bflag:$0x2] =	sbarrier.arrive $0xFFFF  }
0x130: {  	p0 =	sne.s32 s0, $0x0;
	s0 =	rddreg [dreg:$0x2]  }
0x131: {  	s0 =	sadd.s32 @!p0 $0x100000, s0  }
0x132: {  	[sflag:s0] =	ssyncadd.tile.s32 @!p0 $0x1;
	_ =	shalt  }
.Lfunc_end2:
_tile_overlayer_lowered:
.L_overlay_start_2:
0x133: {  	(tag) =	ssettag $0x2  }
0x134: {  	s0 =	rddreg [dreg:$0x0];
	s2 =	stileid.u32  }
0x135: {  	s1 =	rddreg [dreg:$0x1];
	p0 =	sne.s32 s2, $0x0  }
0x136: {  	s3 =	rddreg [dreg:$0x2];
	[bflag:$0x3] =	sbarrier.arrive $0xFFFF;
	s2 =	simm.s32 @!p0 $0x1C07  }
0x137: {  	[timem:s3], [sflag:s2] =	dma.local @!p0 [hbm:s0], s1  }
0x138: {  	s0 =	simm.s32 @!p0 $0x7  }
0x139: {  	_ =	swait.ge @!p0 [sflag:s0], s1  }
0x13a: {  	s1 =	ssub.s32 @!p0 $0x0, s1;
	[sflag:s0] =	ssyncset.done @!p0 $0x0  }
0x13b: {  	[sflag:s0] =	ssyncadd.s32 @!p0 s1  }
0x13c: {  	[bflag:$0x3] =	sbarrier.arrive $0xFFFF  }
0x13d: {  	_ =	shalt  }

// kernel: kernel.9.cloned.1.call-start
scs
__scs_entry_jumppad:
0x0: {  	(pc) =	sbr.rel $0x88, $3  }
0x1: {  	(tag) =	ssettag $0x0;
	lr =	simm.s32 $0x1  }
0x2: {  	[smem:$0x3F9A] =	sst lr;
	_ =	strace $0xD0000000  }
0x3: {  	_ = 	snop  }
0x4: {  	_ = 	snop  }
0x5: {  	_ = 	snop  }
0x6: {  	_ = 	snop  }
0x7: {  	_ = 	snop  }
__scs_overlays_trampoline_lowered:
0x8: {  	[smem:$0x3FA9] =	sst s0  }
0x9: {  	[smem:$0x3FAA] =	sst s1  }
0xa: {  	[smem:$0x3FAB] =	sst s2  }
0xb: {  	[smem:$0x3FAC] =	sst s3  }
0xc: {  	[smem:$0x3FAD] =	sst s4  }
0xd: {  	[smem:$0x3FAE] =	sst s5  }
0xe: {  	[smem:$0x3FAF] =	sst s6  }
0xf: {  	[smem:$0x3FB0] =	sst s7  }
0x10: {  	[smem:$0x3FB1] =	sst s8  }
0x11: {  	[smem:$0x3FB2] =	sst s9;
	s0 =	simm.s32 @!p0 $0x0  }
0x12: {  	s1 =	sld [smem:$0x3F98];
	s0 =	simm.s32 @p0 $0x1  }
0x13: {  	[smem:$0x3FB3] =	sst s0;
	s0 =	simm.s32 @!p1 $0x0  }
0x14: {  	s2 =	sld [smem:$0x3F97];
	s0 =	simm.s32 @p1 $0x1  }
0x15: {  	[smem:$0x3FB4] =	sst s0;
	s0 =	simm.s32 @!p2 $0x0  }
0x16: {  	s3 =	sld [smem:$0x3FDB];
	s0 =	simm.s32 @p2 $0x1  }
0x17: {  	s4 =	simm.s32 $0x1BF5;
	[smem:$0x3FB6] =	sst s0  }
0x18: {  	s0 =	sld [smem:$0x3F99];
	_ =	swait.ge [sflag:s4], $0x0  }
0x19: {  	s7 =	sld [smem:$0x3F9A]  }
0x1a: {  	s8 =	sadd.s32 $0xFFFFE003, lr  }
0x1b: {  	s9 =	sadd.s32 $0xFFFFFEF7, lr;
	s5 =	simm.s32 $0xFFFFFFFF;
	p2 =	slt.u32 s8, $0xFFFFF086  }
0x1c: {  	p1 =	slt.u32 s9, $0xF7A;
	s5 =	simm.s32 @!p2 $0x0  }
0x1d: {  	s5 =	simm.s32 @p1 $0x1;
	p0 =	seq.s32 s7, s2  }
0x1e: {  	s7 =	smul.u32 @!p0 $0xF7A, s2;
	p2 =	seq.s32 @!p0 s5, $0x0  }
0x1f: {  	s9 =	smul.u32 $0xF7A, s1;
	s8 =	simm.s32 @!p0 $0x1BF5;
	p2 =	por !p2, p0  }
0x20: {  	[sflag:s8] =	ssyncset.s32 @!p0 $0xFFFFF086;
	s6 =	sadd.s32 @!p0 s3, s7;
	s7 =	simm.s32 @!p0 $0x108  }
0x21: {  	s3 =	sadd.s32 s3, s9;
	s6 =	sadd.s32 @!p0 $0x88, s6;
	s7 =	simm.s32 @p2 $0x1082  }
0x22: {  	[simem:s7], [sflag:s8] =	dma.local @!p0 [hbm:s6], $0xF7A  }
0x23: {  	s9 =	sor.u32 $0xD0000000, s2;
	s6 =	simm.s32 $0x108;
	_ =	swait.ge @!p0 [sflag:s8], $0x0  }
0x24: {  	s3 =	sadd.s32 $0x88, s3;
	s6 =	simm.s32 @!p1 $0x1082;
	[sflag:s4] =	ssyncset.s32 $0xFFFFF086  }
0x25: {  	[simem:s6], [sflag:s4] =	dma.local [hbm:s3], $0xF7A  }
0x26: {  	[smem:$0x3F9A] =	sst s1;
	(tag) =	ssettag s2;
	_ =	strace s9  }
0x27: {  	s1 =	sld [smem:$0x3FAA]  }
0x28: {  	s2 =	sld [smem:$0x3FAB]  }
0x29: {  	s4 =	sld [smem:$0x3FAD]  }
0x2a: {  	p0 =	seq.s32 s5, $0x0;
	s5 =	sld [smem:$0x3FAE]  }
0x2b: {  	s6 =	sld [smem:$0x3FAF]  }
0x2c: {  	s7 =	sld [smem:$0x3FB0]  }
0x2d: {  	s3 =	simm.s32 $0x108;
	s8 =	sld [smem:$0x3FB1]  }
0x2e: {  	s3 =	simm.s32 @!p0 $0x1082;
	s9 =	sld [smem:$0x3FB2]  }
0x2f: {  	lr =	sadd.s32 s0, s3;
	s0 =	sld [smem:$0x3FA9]  }
0x30: {  	s3 =	sld [smem:$0x3FAC]  }
0x31: {  	[smem:$0x3FB5] =	sst s10  }
0x32: {  	s10 =	sld [smem:$0x3FB3];
	_ =	sdelay $0x3  }
0x33: {  	p0 =	seq.s32 s10, $0x1;
	s10 =	sld [smem:$0x3FB5];
	_ =	sdelay $0x3  }
0x34: {  	[smem:$0x3FB5] =	sst s10  }
0x35: {  	s10 =	sld [smem:$0x3FB4];
	_ =	sdelay $0x3  }
0x36: {  	p1 =	seq.s32 s10, $0x1;
	s10 =	sld [smem:$0x3FB5];
	_ =	sdelay $0x3  }
0x37: {  	[smem:$0x3FB5] =	sst s10  }
0x38: {  	s10 =	sld [smem:$0x3FB6]  }
0x39: {  	_ = 	snop;
	(pc) =	sbr.ind lr, $3  }
0x3a: {  	_ = 	snop  }
0x3b: {  	_ = 	snop  }
0x3c: {  	p2 =	seq.s32 s10, $0x1;
	s10 =	sld [smem:$0x3FB5]  }
0x3d: {  	_ =	shalt  }
0x3e: {  	_ =	shalt  }
0x3f: {  	_ =	shalt  }
0x40: {  	_ =	shalt  }
0x41: {  	_ =	shalt  }
0x42: {  	_ =	shalt  }
0x43: {  	_ =	shalt  }
0x44: {  	_ =	shalt  }
0x45: {  	_ =	shalt  }
0x46: {  	_ =	shalt  }
0x47: {  	_ =	shalt  }
0x48: {  	_ =	shalt  }
0x49: {  	_ =	shalt  }
0x4a: {  	_ =	shalt  }
0x4b: {  	_ =	shalt  }
0x4c: {  	_ =	shalt  }
0x4d: {  	_ =	shalt  }
0x4e: {  	_ =	shalt  }
0x4f: {  	_ =	shalt  }
0x50: {  	_ =	shalt  }
0x51: {  	_ =	shalt  }
0x52: {  	_ =	shalt  }
0x53: {  	_ =	shalt  }
0x54: {  	_ =	shalt  }
0x55: {  	_ =	shalt  }
0x56: {  	_ =	shalt  }
0x57: {  	_ =	shalt  }
0x58: {  	_ =	shalt  }
0x59: {  	_ =	shalt  }
0x5a: {  	_ =	shalt  }
0x5b: {  	_ =	shalt  }
0x5c: {  	_ =	shalt  }
0x5d: {  	_ =	shalt  }
0x5e: {  	_ =	shalt  }
0x5f: {  	_ =	shalt  }
0x60: {  	_ =	shalt  }
0x61: {  	_ =	shalt  }
0x62: {  	_ =	shalt  }
0x63: {  	_ =	shalt  }
0x64: {  	_ =	shalt  }
0x65: {  	_ =	shalt  }
0x66: {  	_ =	shalt  }
0x67: {  	_ =	shalt  }
0x68: {  	_ =	shalt  }
0x69: {  	_ =	shalt  }
0x6a: {  	_ =	shalt  }
0x6b: {  	_ =	shalt  }
0x6c: {  	_ =	shalt  }
0x6d: {  	_ =	shalt  }
0x6e: {  	_ =	shalt  }
0x6f: {  	_ =	shalt  }
0x70: {  	_ =	shalt  }
0x71: {  	_ =	shalt  }
0x72: {  	_ =	shalt  }
0x73: {  	_ =	shalt  }
0x74: {  	_ =	shalt  }
0x75: {  	_ =	shalt  }
0x76: {  	_ =	shalt  }
0x77: {  	_ =	shalt  }
0x78: {  	_ =	shalt  }
0x79: {  	_ =	shalt  }
0x7a: {  	_ =	shalt  }
0x7b: {  	_ =	shalt  }
0x7c: {  	_ =	shalt  }
0x7d: {  	_ =	shalt  }
0x7e: {  	_ =	shalt  }
0x7f: {  	_ =	shalt  }
0x80: {  	_ =	shalt  }
0x81: {  	_ =	shalt  }
0x82: {  	_ =	shalt  }
0x83: {  	_ =	shalt  }
0x84: {  	_ =	shalt  }
0x85: {  	_ =	shalt  }
0x86: {  	_ =	shalt  }
0x87: {  	_ =	shalt  }
.Lfunc_end0:
.L_simem_size_0:
called_computation_lowered:
.L_overlay_start_0:
0x88: {  	s2 =	sld [smem:$0x3FD9]  }
0x89: {  	s3 =	sld [smem:$0x3FFE];
	_ =	sdelay $0x1  }
0x8a: {  	s1 =	srdreg.scid  }
0x8b: {  	s0 =	sand.u32 $0x1, s1  }
0x8c: {  	s16 =	sshll.u32 s0, $0xA;
	s2 =	sadd.s32 s3, s2  }
0x8d: {  	s2 =	sadd.s32 s2, s16  }
0x8e: {  	[smem:$0x3FC1] =	sst s2  }
0x8f: {  	_ = 	snop  }
0x90: {  	(tm) =	ssettm $0x1  }
0x91: {  	s17 =	sld [smem:$0x3FFB];
	_ =	sdelay $0x3  }
0x92: {  	_ =	strace s17  }
0x93: {  	s2 =	sld [smem:$0x3FFC];
	_ =	sdelay $0x3  }
0x94: {  	_ =	strace s2  }
0x95: {  	s2 =	sld [smem:$0x3FFD];
	_ =	sdelay $0x3  }
0x96: {  	_ =	strace s2  }
0x97: {  	_ =	strace $0x8FFFFFFF  }
0x98: {  	s18 =	sld [smem:$0x3FDB];
	_ =	sdelay $0x1  }
0x99: {  	s19 =	simm.s32 $_scs_section_size  }
0x9a: {  	s4 =	simm.s32 $_size__tile_overlayer_lowered;
	s5 =	simm.s32 $_tile_overlayer_lowered  }
0x9b: {  	s22 =	simm.s32 $0x1BFF;
	s21 =	sshll.u32 s5, $0x1;
	s2 =	sadd.s32 s19, s18  }
0x9c: {  	s6 =	simm.s32 $0x0;
	s20 =	sshll.u32 s4, $0x1;
	s4 =	sadd.s32 s21, s2  }
0x9d: {  	[timem:s6], [sflag:s22] =	dma.local [hbm:s4], s20  }
0x9e: {  	_ =	swait.ge [sflag:s22], s20  }
0x9f: {  	s3 =	ssub.s32 $0x0, s20;
	[sflag:s22] =	ssyncset.done $0x0  }
0xa0: {  	[sflag:s22] =	ssyncadd.s32 s3;
	_ =	sdelay $0x1  }
0xa1: {  	s23 =	simm.s32 $0x1B8B  }
0xa2: {  	_ =	swait.ge [sflag:s23], $0x1  }
0xa3: {  	[sflag:s23] =	ssyncset.done $0x0  }
0xa4: {  	s25 =	simm.s32 $0x1B8E;
	s24 =	sld [smem:$0x3FFE];
	[sflag:s23] =	ssyncadd.s32 $0xFFFFFFFF  }
0xa5: {  	s26 =	simm.s32 $execute0_lowered;
	[smem:$0x3FD2] =	sst s25  }
0xa6: {  	s4 =	sshll.u32 s26, $0x1;
	_ =	strace $0x80000046;
	[dreg:$0x1] =	wrdreg $0xFFFFFFFF  }
0xa7: {  	s28 =	simm.s32 $_size_execute0_lowered;
	s2 =	sadd.s32 s2, s4;
	[dreg:$0x0] =	wrdreg $0x0  }
0xa8: {  	s4 =	sshll.u32 s28, $0x1;
	[dreg:$0x2] =	wrdreg s2  }
0xa9: {  	[dreg:$0x3] =	wrdreg s4  }
0xaa: {  	[dreg:$0x4] =	wrdreg $0xC0  }
0xab: {  	_ =	task [dreg:s6], $0x5FFFF  }
0xac: {  	[dreg:$0x1] =	wrdreg $0xFFFFFFFF  }
0xad: {  	[dreg:$0x0] =	wrdreg $0x60  }
0xae: {  	[dreg:$0x2] =	wrdreg s24  }
0xaf: {  	[dreg:$0x3] =	wrdreg $0x38000  }
0xb0: {  	[dreg:$0x4] =	wrdreg $0x9  }
0xb1: {  	_ =	task.clear_ibuf [dreg:s6], $0x5FFFF;
	_ =	strace $0x90000046  }
0xb2: {  	s29 =	simm.s32 $0x9;
	_ =	strace $0x80000048  }
0xb3: {  	_ =	swait.ge [sflag:s29], $0x1  }
0xb4: {  	[sflag:s29] =	ssyncadd.s32 $0xFFFFFFFF  }
0xb5: {  	_ =	strace $0x90000048  }
0xb6: {  	_ =	sfence  }
0xb7: {  	s30 =	sld [smem:$0x0];
	_ =	sdelay $0x2  }
0xb8: {  	s31 =	sshll.u32 s1, $0xD;
	s1 =	sshrl.u32 s1, $0x2  }
0xb9: {  	s3 =	sand.u32 $0x4000, s31;
	s1 =	sadd.s32 s1, s30  }
0xba: {  	s0 =	sor.u32 s3, s0;
	s1 =	sshll.u32 s1, $0x11  }
0xbb: {  	s0 =	sor.u32 s1, s0  }
0xbc: {  	s0 =	sadd.s32 $0x8F2B, s0  }
0xbd: {  	[sflag:s0] =	ssyncadd.remote.s32 $0x1  }
0xbe: {  	_ =	sfence.sel $0xFFFF  }
0xbf: {  	[dreg:$0x0] =	wrdreg $0xFFFFFFFF;
	(pc) =	sbr.abs _section_cstart, $3  }
0xc0: {  	[dreg:$0x1] =	wrdreg $0xFFFFFFFF  }
0xc1: {  	_ =	task.clear_ibuf [dreg:s6], $0x2FFFF;
	_ =	strace $0x9FFFFFFF  }
0xc2: {  	(tm) =	ssettm $0x7FFFFFFF  }
0xc3: {  	_ =	shalt  }
tec
execute0_lowered:
.L_overlay_start_1:
0x0: {  	(tag) =	ssettag $0x1  }
0x1: {  	s5 =	rddreg [dreg:$0x0]  }
0x2: {  	s0 =	srdreg.scid;
	s2 =	rddreg [dreg:$0x1];
	s3 =	simm.s32 $0x0  }
0x3: {  	s4 =	sand.u32 $0x1, s0;
	s0 =	stileid.u32;
	[smem:$0x7FF] =	sst s3  }
0x4: {  	s1 =	sshll.u32 s4, $0x4;
	s7 =	smul.u32 $0x5000, s4;
	s4 =	ssub.s32 $0x2, s4  }
0x5: {  	s10 =	smul.u32 $0x2800, s0;
	s6 =	sor.u32 s0, s1;
	s1 =	rddreg [dreg:$0x2]  }
0x6: {  	_ =	strace $0x80000047;
	s8 =	sshrl.u32 s4, $0x1;
	s6 =	smul.u32 $0x500, s6  }
0x7: {  	s11 =	sadd.s32 s7, s5;
	s12 =	ssub.s32 s4, s8;
	s13 =	sadd.s32 $0x800, s10  }
0x8: {  	s14 =	sadd.s32 $0x1000, s10;
	s15 =	sadd.s32 $0x1800, s10;
	s16 =	sadd.s32 $0x2000, s10  }
0x9: {  	s17 =	sshrl.u32 s10, $0x3;
	s7 =	sadd.s32 s14, s2;
	s8 =	sadd.s32 s15, s2  }
0xa: {  	s9 =	sadd.s32 s16, s2;
	s20 =	sadd.s32 $0xB400, s11;
	s18 =	sshrl.u32 s13, $0x3  }
0xb: {  	s19 =	sshrl.u32 s14, $0x3;
	s21 =	sshrl.u32 s15, $0x3;
	s22 =	sshrl.u32 s16, $0x3  }
0xc: {  	s11 =	simm.s32 $0x1000;
	s14 =	simm.s32 $0x800;
	s15 =	simm.s32 $0x1  }
0xd: {  	s6 =	sadd.s32 s6, s5;
	s5 =	sadd.s32 s10, s2;
	s10 =	smax.u32 s12, $0x1  }
0xe: {  	s12 =	simm.s32 $0x2;
	s16 =	sadd.s32 s17, s20;
	s17 =	sadd.s32 s18, s20  }
0xf: {  	s18 =	sadd.s32 s19, s20;
	s19 =	sadd.s32 s21, s20;
	s20 =	sadd.s32 s22, s20  }
0x10: {  	v0 =	vimm.f32 $0.0e+00;
	v1 =	vimm.f32 $1.000000000e+00;
	s4 =	sadd.s32 $0x1400, s6;
	s6 =	sadd.s32 s13, s2;
	s13 =	simm.s32 $0x80  }
.LBB2_1:
0x11: {  	s21 =	simm.s32 $0x0  }
.LBB2_2:
0x12: {  	p0 =	sne.s32 s21, $0x1FC0  }
.Ltmp0:
0x13: {  	_ = 	snop;
	(pc) =	sbr.rel @p0 .LBB2_2-.Ltmp0, $3  }
0x14: {  	_ =	sdelay $0x1  }
0x15: {  	s22 =	sshra.s32 s21, $0x2  }
0x16: {  	s21 =	sadd.s32 $0x40, s21;
	[tilespmem:s22+$0x0] =	vst v0  }
0x17: {  	s21 =	simm.s32 $0x40;
	s22 =	simm.s32 $0x0  }
.LBB2_4:
0x18: {  	p0 =	sne.s32 s21, $0x1FC0;
	[tilespmem:s22+$0x800] =	vst v1;
	s22 =	smov.u32 s21;
	s21 =	sadd.s32 $0x40, s21  }
.Ltmp1:
0x19: {  	(pc) =	sbr.rel @p0 .LBB2_4-.Ltmp1, $2  }
0x1a: {  	_ =	sdelay $0x2  }
0x1b: {  	s22 =	sshra.s32 s22, $0x2  }
0x1c: {  	[tilespmem:s22+$0x800] =	vst v1;
	s21 =	simm.s32 $0x0  }
0x1d: {  	[tilespmem:s11], [sflag:$0x2] =	stream.linear.gather [hbm4b:s4+s21], $0x2800, $0x38;
	[tilespmem:$0x6000] =	vst v63  }
0x1e: {  	_ =	swait.ge [sflag:s12], $0x2800  }
0x1f: {  	[sflag:s12] =	ssyncset.done $0x0  }
0x20: {  	[sflag:s12] =	ssyncadd.s32 $0xFFFFD800  }
0x21: {  	[spmem:s5] =	stream.linear.scatter [tilespmem:s21], [sflag:$0x2], $0x800, $0x38;
	[tilespmem:$0x6000] =	vst v63  }
0x22: {  	_ =	swait.ge [sflag:s12], $0x800  }
0x23: {  	[sflag:s12] =	ssyncset.done $0x0  }
0x24: {  	[sflag:s12] =	ssyncadd.s32 $0xFFFFF800  }
0x25: {  	[spmem:s6] =	stream.linear.scatter [tilespmem:s21], [sflag:$0x2], $0x800, $0x38;
	[tilespmem:$0x6000] =	vst v63  }
0x26: {  	_ =	swait.ge [sflag:s12], $0x800  }
0x27: {  	[sflag:s12] =	ssyncset.done $0x0  }
0x28: {  	[sflag:s12] =	ssyncadd.s32 $0xFFFFF800  }
0x29: {  	[spmem:s7] =	stream.linear.scatter [tilespmem:s21], [sflag:$0x2], $0x800, $0x38;
	[tilespmem:$0x6000] =	vst v63  }
0x2a: {  	_ =	swait.ge [sflag:s12], $0x800  }
0x2b: {  	[sflag:s12] =	ssyncset.done $0x0  }
0x2c: {  	[sflag:s12] =	ssyncadd.s32 $0xFFFFF800  }
0x2d: {  	[spmem:s8] =	stream.linear.scatter [tilespmem:s21], [sflag:$0x2], $0x800, $0x38;
	[tilespmem:$0x6000] =	vst v63  }
0x2e: {  	_ =	swait.ge [sflag:s12], $0x800  }
0x2f: {  	[sflag:s12] =	ssyncset.done $0x0  }
0x30: {  	[sflag:s12] =	ssyncadd.s32 $0xFFFFF800  }
0x31: {  	[spmem:s9] =	stream.linear.scatter [tilespmem:s21], [sflag:$0x2], $0x800, $0x38;
	[tilespmem:$0x6000] =	vst v63  }
0x32: {  	_ =	swait.ge [sflag:s12], $0x800  }
0x33: {  	[sflag:s12] =	ssyncset.done $0x0  }
0x34: {  	[sflag:s12] =	ssyncadd.s32 $0xFFFFF800  }
0x35: {  	s23 =	simm.s32 $0x1000;
	[bflag:$0x0] =	sbarrier.arrive $0xFFFF  }
0x36: {  	[spmem:s2] =	stream.indirect.scatter.add.f32 [tilespmem:s14], [sflag:$0x1], $0x10, s23, s13, $0xb8;
	[tilespmem:$0x6000] =	vst v63  }
0x37: {  	s24 =	simm.s32 $0x1080  }
0x38: {  	[spmem:s2] =	stream.indirect.scatter.add.f32 [tilespmem:s14], [sflag:$0x1], $0x10, s24, s13, $0xb8;
	[tilespmem:$0x6000] =	vst v63  }
0x39: {  	s25 =	simm.s32 $0x1100  }
0x3a: {  	[spmem:s2] =	stream.indirect.scatter.add.f32 [tilespmem:s14], [sflag:$0x1], $0x10, s25, s13, $0xb8;
	[tilespmem:$0x6000] =	vst v63  }
0x3b: {  	s26 =	simm.s32 $0x1180  }
0x3c: {  	[spmem:s2] =	stream.indirect.scatter.add.f32 [tilespmem:s14], [sflag:$0x1], $0x10, s26, s13, $0xb8;
	[tilespmem:$0x6000] =	vst v63  }
0x3d: {  	s28 =	simm.s32 $0x1200  }
0x3e: {  	[spmem:s2] =	stream.indirect.scatter.add.f32 [tilespmem:s14], [sflag:$0x1], $0x10, s28, s13, $0xb8;
	[tilespmem:$0x6000] =	vst v63  }
0x3f: {  	s29 =	simm.s32 $0x1280  }
0x40: {  	[spmem:s2] =	stream.indirect.scatter.add.f32 [tilespmem:s14], [sflag:$0x1], $0x10, s29, s13, $0xb8;
	[tilespmem:$0x6000] =	vst v63  }
0x41: {  	s30 =	simm.s32 $0x1300  }
0x42: {  	[spmem:s2] =	stream.indirect.scatter.add.f32 [tilespmem:s14], [sflag:$0x1], $0x10, s30, s13, $0xb8;
	[tilespmem:$0x6000] =	vst v63  }
0x43: {  	s31 =	simm.s32 $0x1380  }
0x44: {  	[spmem:s2] =	stream.indirect.scatter.add.f32 [tilespmem:s14], [sflag:$0x1], $0x10, s31, s13, $0xb8;
	[tilespmem:$0x6000] =	vst v63  }
0x45: {  	_ =	swait.ge [sflag:s15], $0x800  }
0x46: {  	[sflag:s15] =	ssyncset.done $0x0  }
0x47: {  	[sflag:s15] =	ssyncadd.s32 $0xFFFFF800  }
0x48: {  	_ =	swait.ge [sflag:s15], $0x800  }
0x49: {  	[sflag:s15] =	ssyncset.done $0x0  }
0x4a: {  	[sflag:s15] =	ssyncadd.s32 $0xFFFFF800  }
0x4b: {  	_ =	swait.ge [sflag:s15], $0x800  }
0x4c: {  	[sflag:s15] =	ssyncset.done $0x0  }
0x4d: {  	[sflag:s15] =	ssyncadd.s32 $0xFFFFF800  }
0x4e: {  	_ =	swait.ge [sflag:s15], $0x800  }
0x4f: {  	[sflag:s15] =	ssyncset.done $0x0  }
0x50: {  	[sflag:s15] =	ssyncadd.s32 $0xFFFFF800  }
0x51: {  	_ =	swait.ge [sflag:s15], $0x800  }
0x52: {  	[sflag:s15] =	ssyncset.done $0x0  }
0x53: {  	[sflag:s15] =	ssyncadd.s32 $0xFFFFF800  }
0x54: {  	_ =	swait.ge [sflag:s15], $0x800  }
0x55: {  	[sflag:s15] =	ssyncset.done $0x0  }
0x56: {  	[sflag:s15] =	ssyncadd.s32 $0xFFFFF800  }
0x57: {  	_ =	swait.ge [sflag:s15], $0x800  }
0x58: {  	[sflag:s15] =	ssyncset.done $0x0  }
0x59: {  	[sflag:s15] =	ssyncadd.s32 $0xFFFFF800  }
0x5a: {  	_ =	swait.ge [sflag:s15], $0x800  }
0x5b: {  	s23 =	simm.s32 $0x400;
	s24 =	simm.s32 $0x2000;
	[sflag:s15] =	ssyncset.done $0x0  }
.LBB2_6:
0x5c: {  	s25 =	sadd.s32 $0x1000, s23  }
0x5d: {  	[sflag:s15] =	ssyncadd.s32 $0xFFFFF800;
	s22 =	smov.u32 s24;
	s21 =	sadd.s32 $0x1000, s24  }
0x5e: {  	[spmem:s2] =	stream.indirect.scatter.add.f32 [tilespmem:s14], [sflag:$0x1], $0x10, s25, s13, $0xb8;
	[tilespmem:$0x6000] =	vst v63  }
0x5f: {  	p0 =	sne.s32 s24, $0x9000;
	s24 =	sadd.s32 $0x1080, s23  }
0x60: {  	[spmem:s2] =	stream.indirect.scatter.add.f32 [tilespmem:s14], [sflag:$0x1], $0x10, s24, s13, $0xb8;
	[tilespmem:$0x6000] =	vst v63  }
0x61: {  	s24 =	sadd.s32 $0x1100, s23  }
0x62: {  	[spmem:s2] =	stream.indirect.scatter.add.f32 [tilespmem:s14], [sflag:$0x1], $0x10, s24, s13, $0xb8;
	[tilespmem:$0x6000] =	vst v63  }
0x63: {  	s24 =	sadd.s32 $0x1180, s23  }
0x64: {  	[spmem:s2] =	stream.indirect.scatter.add.f32 [tilespmem:s14], [sflag:$0x1], $0x10, s24, s13, $0xb8;
	[tilespmem:$0x6000] =	vst v63  }
0x65: {  	s24 =	sadd.s32 $0x1200, s23  }
0x66: {  	[spmem:s2] =	stream.indirect.scatter.add.f32 [tilespmem:s14], [sflag:$0x1], $0x10, s24, s13, $0xb8;
	[tilespmem:$0x6000] =	vst v63  }
0x67: {  	s24 =	sadd.s32 $0x1280, s23  }
0x68: {  	[spmem:s2] =	stream.indirect.scatter.add.f32 [tilespmem:s14], [sflag:$0x1], $0x10, s24, s13, $0xb8;
	[tilespmem:$0x6000] =	vst v63  }
0x69: {  	s24 =	sadd.s32 $0x1300, s23  }
0x6a: {  	[spmem:s2] =	stream.indirect.scatter.add.f32 [tilespmem:s14], [sflag:$0x1], $0x10, s24, s13, $0xb8;
	[tilespmem:$0x6000] =	vst v63  }
0x6b: {  	s23 =	sadd.s32 $0x1380, s23  }
0x6c: {  	[spmem:s2] =	stream.indirect.scatter.add.f32 [tilespmem:s14], [sflag:$0x1], $0x10, s23, s13, $0xb8;
	[tilespmem:$0x6000] =	vst v63  }
0x6d: {  	_ =	swait.ge [sflag:s15], $0x800  }
0x6e: {  	[sflag:s15] =	ssyncset.done $0x0  }
0x6f: {  	[sflag:s15] =	ssyncadd.s32 $0xFFFFF800  }
0x70: {  	_ =	swait.ge [sflag:s15], $0x800  }
0x71: {  	[sflag:s15] =	ssyncset.done $0x0  }
0x72: {  	[sflag:s15] =	ssyncadd.s32 $0xFFFFF800  }
0x73: {  	_ =	swait.ge [sflag:s15], $0x800  }
0x74: {  	[sflag:s15] =	ssyncset.done $0x0  }
0x75: {  	[sflag:s15] =	ssyncadd.s32 $0xFFFFF800  }
0x76: {  	_ =	swait.ge [sflag:s15], $0x800  }
0x77: {  	[sflag:s15] =	ssyncset.done $0x0  }
0x78: {  	[sflag:s15] =	ssyncadd.s32 $0xFFFFF800  }
0x79: {  	_ =	swait.ge [sflag:s15], $0x800  }
0x7a: {  	[sflag:s15] =	ssyncset.done $0x0  }
0x7b: {  	[sflag:s15] =	ssyncadd.s32 $0xFFFFF800  }
0x7c: {  	_ =	swait.ge [sflag:s15], $0x800  }
0x7d: {  	[sflag:s15] =	ssyncset.done $0x0  }
0x7e: {  	[sflag:s15] =	ssyncadd.s32 $0xFFFFF800  }
.Ltmp2:
0x7f: {  	_ =	swait.ge [sflag:s15], $0x800;
	(pc) =	sbr.rel @p0 .LBB2_6-.Ltmp2, $4  }
0x80: {  	[sflag:s15] =	ssyncset.done $0x0  }
0x81: {  	[sflag:s15] =	ssyncadd.s32 $0xFFFFF800  }
0x82: {  	_ =	swait.ge [sflag:s15], $0x800  }
0x83: {  	s24 =	smov.u32 s21;
	s23 =	sshra.s32 s22, $0x2;
	[sflag:s15] =	ssyncset.done $0x0  }
0x84: {  	s21 =	sadd.s32 $0x1000, s23;
	[sflag:s15] =	ssyncadd.s32 $0xFFFFF800  }
0x85: {  	[spmem:s2] =	stream.indirect.scatter.add.f32 [tilespmem:s14], [sflag:$0x1], $0x10, s21, s13, $0xb8;
	[tilespmem:$0x6000] =	vst v63  }
0x86: {  	s28 =	sadd.s32 $0x1080, s23  }
0x87: {  	[spmem:s2] =	stream.indirect.scatter.add.f32 [tilespmem:s14], [sflag:$0x1], $0x10, s28, s13, $0xb8;
	[tilespmem:$0x6000] =	vst v63  }
0x88: {  	s29 =	sadd.s32 $0x1100, s23  }
0x89: {  	[spmem:s2] =	stream.indirect.scatter.add.f32 [tilespmem:s14], [sflag:$0x1], $0x10, s29, s13, $0xb8;
	[tilespmem:$0x6000] =	vst v63  }
0x8a: {  	s30 =	sadd.s32 $0x1180, s23  }
0x8b: {  	[spmem:s2] =	stream.indirect.scatter.add.f32 [tilespmem:s14], [sflag:$0x1], $0x10, s30, s13, $0xb8;
	[tilespmem:$0x6000] =	vst v63  }
0x8c: {  	s31 =	sadd.s32 $0x1200, s23  }
0x8d: {  	[spmem:s2] =	stream.indirect.scatter.add.f32 [tilespmem:s14], [sflag:$0x1], $0x10, s31, s13, $0xb8;
	[tilespmem:$0x6000] =	vst v63  }
0x8e: {  	s22 =	sadd.s32 $0x1280, s23  }
0x8f: {  	[spmem:s2] =	stream.indirect.scatter.add.f32 [tilespmem:s14], [sflag:$0x1], $0x10, s22, s13, $0xb8;
	[tilespmem:$0x6000] =	vst v63  }
0x90: {  	s24 =	sadd.s32 $0x1300, s23  }
0x91: {  	[spmem:s2] =	stream.indirect.scatter.add.f32 [tilespmem:s14], [sflag:$0x1], $0x10, s24, s13, $0xb8;
	[tilespmem:$0x6000] =	vst v63  }
0x92: {  	s25 =	sadd.s32 $0x1380, s23  }
0x93: {  	[spmem:s2] =	stream.indirect.scatter.add.f32 [tilespmem:s14], [sflag:$0x1], $0x10, s25, s13, $0xb8;
	[tilespmem:$0x6000] =	vst v63  }
0x94: {  	_ =	swait.ge [sflag:s15], $0x800  }
0x95: {  	[sflag:s15] =	ssyncset.done $0x0  }
0x96: {  	[sflag:s15] =	ssyncadd.s32 $0xFFFFF800  }
0x97: {  	_ =	swait.ge [sflag:s15], $0x800  }
0x98: {  	[sflag:s15] =	ssyncset.done $0x0  }
0x99: {  	[sflag:s15] =	ssyncadd.s32 $0xFFFFF800  }
0x9a: {  	_ =	swait.ge [sflag:s15], $0x800  }
0x9b: {  	[sflag:s15] =	ssyncset.done $0x0  }
0x9c: {  	[sflag:s15] =	ssyncadd.s32 $0xFFFFF800  }
0x9d: {  	_ =	swait.ge [sflag:s15], $0x800  }
0x9e: {  	[sflag:s15] =	ssyncset.done $0x0  }
0x9f: {  	[sflag:s15] =	ssyncadd.s32 $0xFFFFF800  }
0xa0: {  	_ =	swait.ge [sflag:s15], $0x800  }
0xa1: {  	[sflag:s15] =	ssyncset.done $0x0  }
0xa2: {  	[sflag:s15] =	ssyncadd.s32 $0xFFFFF800  }
0xa3: {  	_ =	swait.ge [sflag:s15], $0x800  }
0xa4: {  	[sflag:s15] =	ssyncset.done $0x0  }
0xa5: {  	[sflag:s15] =	ssyncadd.s32 $0xFFFFF800  }
0xa6: {  	_ =	swait.ge [sflag:s15], $0x800  }
0xa7: {  	[sflag:s15] =	ssyncset.done $0x0  }
0xa8: {  	[sflag:s15] =	ssyncadd.s32 $0xFFFFF800  }
0xa9: {  	_ =	swait.ge [sflag:s15], $0x800  }
0xaa: {  	[sflag:s15] =	ssyncset.done $0x0  }
0xab: {  	s26 =	sshll.u32 s0, $0x6;
	[sflag:s15] =	ssyncadd.s32 $0xFFFFF800  }
0xac: {  	s21 =	sor.u32 $0x1C02, s26;
	s22 =	sshrl.u32 s5, $0x3;
	[bflag:$0x0] =	sbarrier.arrive $0xFFFF  }
0xad: {  	[hbm:s16], [sflag:s21] =	dma.local [spmem:s22], $0x100  }
0xae: {  	_ =	swait.ge [sflag:s12], $0x100  }
0xaf: {  	[sflag:s12] =	ssyncset.done $0x0  }
0xb0: {  	s28 =	sshrl.u32 s6, $0x3;
	[sflag:s12] =	ssyncadd.s32 $0xFFFFFF00  }
0xb1: {  	[hbm:s17], [sflag:s21] =	dma.local [spmem:s28], $0x100  }
0xb2: {  	_ =	swait.ge [sflag:s12], $0x100  }
0xb3: {  	[sflag:s12] =	ssyncset.done $0x0  }
0xb4: {  	s29 =	sshrl.u32 s7, $0x3;
	[sflag:s12] =	ssyncadd.s32 $0xFFFFFF00  }
0xb5: {  	[hbm:s18], [sflag:s21] =	dma.local [spmem:s29], $0x100  }
0xb6: {  	_ =	swait.ge [sflag:s12], $0x100  }
0xb7: {  	[sflag:s12] =	ssyncset.done $0x0  }
0xb8: {  	s30 =	sshrl.u32 s8, $0x3;
	[sflag:s12] =	ssyncadd.s32 $0xFFFFFF00  }
0xb9: {  	[hbm:s19], [sflag:s21] =	dma.local [spmem:s30], $0x100  }
0xba: {  	s3 =	sadd.s32 $0x1, s3;
	_ =	swait.ge [sflag:s12], $0x100  }
0xbb: {  	p0 =	sne.s32 s3, s10;
	[sflag:s12] =	ssyncset.done $0x0  }
.Ltmp3:
0xbc: {  	s31 =	sshrl.u32 s9, $0x3;
	[sflag:s12] =	ssyncadd.s32 $0xFFFFFF00;
	(pc) =	sbr.rel @p0 .LBB2_1-.Ltmp3, $4  }
0xbd: {  	[hbm:s20], [sflag:s21] =	dma.local [spmem:s31], $0x100  }
0xbe: {  	_ =	swait.ge [sflag:s12], $0x100  }
0xbf: {  	[sflag:s12] =	ssyncset.done $0x0  }
0xc0: {  	[sflag:s12] =	ssyncadd.s32 $0xFFFFFF00  }
0xc1: {  	_ =	sfence.sel $0x180000  }
0xc2: {  	[bflag:$0x0] =	sbarrier.arrive $0xFFFF  }
0xc3: {  	p0 =	sne.s32 s0, $0x0;
	_ =	strace $0x90000047  }
0xc4: {  	s0 =	sadd.s32 @!p0 $0x100000, s1;
	[bflag:$0x2] =	sbarrier.arrive $0xFFFF  }
0xc5: {  	[sflag:s0] =	ssyncadd.tile.s32 @!p0 $0x1;
	_ =	shalt  }
.Lfunc_end2:
_tile_overlayer_lowered:
.L_overlay_start_2:
0xc6: {  	(tag) =	ssettag $0x2  }
0xc7: {  	s0 =	rddreg [dreg:$0x0];
	s2 =	stileid.u32  }
0xc8: {  	s1 =	rddreg [dreg:$0x1];
	p0 =	sne.s32 s2, $0x0  }
0xc9: {  	s3 =	rddreg [dreg:$0x2];
	[bflag:$0x3] =	sbarrier.arrive $0xFFFF;
	s2 =	simm.s32 @!p0 $0x1C02  }
0xca: {  	[timem:s3], [sflag:s2] =	dma.local @!p0 [hbm:s0], s1  }
0xcb: {  	s0 =	simm.s32 @!p0 $0x2  }
0xcc: {  	_ =	swait.ge @!p0 [sflag:s0], s1  }
0xcd: {  	s1 =	ssub.s32 @!p0 $0x0, s1;
	[sflag:s0] =	ssyncset.done @!p0 $0x0  }
0xce: {  	[sflag:s0] =	ssyncadd.s32 @!p0 s1  }
0xcf: {  	[bflag:$0x3] =	sbarrier.arrive $0xFFFF  }
0xd0: {  	_ =	shalt  }

</sc_bundles>
